<compile_context>
chip_gen: v7x
topology: tpu7x:2x2x1
jax: 0.10.2.dev20260603
libtpu: 0.0.44.dev20260713+nightly
codegen_flags: <defaults>
</compile_context>

<pallas_src>
import functools

import jax
import jax.numpy as jnp
from jax import lax
from jax.experimental import pallas as pl
from jax.experimental.pallas import tpu as pltpu
from jax.experimental.pallas import tpu_sc as plsc

_B, _N, _G, _K = 16, 8192, 256, 32
_BIG = 1 << 30


_CH = 2048
_NCH = _N // _CH


def _tc_dist_body(x_ref, c_ref, dist_ref):
    cmat = c_ref[0]
    xs = x_ref[0]
    d0 = cmat[:, 0:1] - xs[0:1, :]
    d1 = cmat[:, 1:2] - xs[1:2, :]
    d2 = cmat[:, 2:3] - xs[2:3, :]
    dist_ref[0] = (d0 * d0 + d1 * d1) + d2 * d2


_DIST_KW = dict(
    grid=(_B, _NCH),
    in_specs=[
        pl.BlockSpec((1, 8, _CH), lambda b, c: (b, 0, c)),
        pl.BlockSpec((1, _G, 8), lambda b, c: (b, 0, 0)),
    ],
    out_specs=pl.BlockSpec((1, _G, _CH), lambda b, c: (b, 0, c)),
    out_shape=jax.ShapeDtypeStruct((_B, _G, _N), jnp.float32),
)


_NW = 32
_RR = _B * _G
_RPW = _RR // _NW
_VPB = 4
_BLK = 16 * _VPB
_NBLK = _N // _BLK
_D = 16
_TW = 128


def _sc_topk_body(dist_hbm, tab_hbm, cen_hbm, out_hbm, idx_hbm,
                  dbuf, dbuf2, bmbuf, bval, bidx, cents, gbuf, grows,
                  sem, sem2, gsem):
    w = lax.axis_index("s") * 2 + lax.axis_index("c")
    base_row = w * _RPW
    pltpu.sync_copy(cen_hbm.at[pl.ds(base_row, _RPW)], cents)
    lane = lax.iota(jnp.int32, 16)
    inf = jnp.float32(jnp.inf)

    def scan_row(rr, dv):
        gbase = (rr // _G) * _N
        for t in range(3):
            bval[pl.ds(16 * t, 16)] = jnp.full((16,), inf, jnp.float32)
            bidx[pl.ds(16 * t, 16)] = jnp.full((16,), _BIG, jnp.int32)

        def seed_body(j, ms):
            me, mo = ms

            def bmin(blk):
                vs = [dv[pl.ds(blk * _BLK + 16 * i, 16)]
                      for i in range(_VPB)]
                bm = vs[0]
                for v in vs[1:]:
                    bm = jnp.minimum(bm, v)
                return bm

            bme = bmin(2 * j)
            bmo = bmin(2 * j + 1)
            bmbuf[pl.ds(2 * j * 16, 16)] = bme
            bmbuf[pl.ds((2 * j + 1) * 16, 16)] = bmo
            return (jnp.minimum(me, bme), jnp.minimum(mo, bmo))

        inf16 = jnp.full((16,), inf, jnp.float32)
        me0, mo0 = lax.fori_loop(0, _NBLK // 2, seed_body, (inf16, inf16))
        thr0 = jnp.max(jnp.maximum(me0, mo0))

        def blk_body(blk, thr_c):
            bms = jnp.min(bmbuf[pl.ds(blk * 16, 16)])

            def hit(tc):
                thr2, thri2 = tc
                for i in range(_VPB):
                    v = dv[pl.ds(blk * _BLK + 16 * i, 16)]
                    vbase = gbase + blk * _BLK + 16 * i
                    ivec = vbase + lane
                    cm = (v < thr2) | ((v == thr2) & (ivec < thri2))
                    cnt = jnp.sum(cm.astype(jnp.int32))

                    def wcond(st):
                        return st[1] > 0

                    def wbody(st):
                        cm2, c_, t_, ti_ = st
                        pos = jnp.min(jnp.where(cm2, lane, 16))
                        sv = jnp.max(jnp.where(lane == pos, v, -inf))
                        si = vbase + pos
                        b0 = bval[pl.ds(0, 16)]
                        b1 = bval[pl.ds(16, 16)]
                        i0 = bidx[pl.ds(0, 16)]
                        i1 = bidx[pl.ds(16, 16)]
                        lt0 = (b0 < sv) | ((b0 == sv) & (i0 < si))
                        lt1 = (b1 < sv) | ((b1 == sv) & (i1 < si))
                        p = (jnp.sum(lt0.astype(jnp.int32)) +
                             jnp.sum(lt1.astype(jnp.int32)))
                        sh0 = lane + (lane >= p).astype(jnp.int32)
                        sh1 = 16 + lane + ((16 + lane) >= p).astype(
                            jnp.int32)
                        plsc.store_scatter(bval, [sh0], b0)
                        plsc.store_scatter(bval, [sh1], b1)
                        plsc.store_scatter(bidx, [sh0], i0)
                        plsc.store_scatter(bidx, [sh1], i1)
                        m0 = lane == 0
                        pvec = jnp.broadcast_to(p, (16,))
                        plsc.store_scatter(
                            bval, [pvec], jnp.broadcast_to(sv, (16,)),
                            mask=m0)
                        plsc.store_scatter(
                            bidx, [pvec], jnp.broadcast_to(si, (16,)),
                            mask=m0)
                        tnew = jnp.where(p <= 30, b1[14], sv)
                        tinew = jnp.where(p <= 30, i1[14], si)
                        tv = jnp.minimum(tnew, thr0)
                        ti = jnp.where(tnew <= thr0, tinew, jnp.int32(_BIG))
                        return (cm2 & (lane != pos), c_ - 1, tv, ti)

                    thr2, thri2 = lax.while_loop(wcond, wbody,
                                                 (cm, cnt, thr2, thri2))[2:]
                return (thr2, thri2)

            return lax.cond(bms <= thr_c[0], hit, lambda tc: tc, thr_c)

        lax.fori_loop(0, _NBLK, blk_body, (thr0, jnp.int32(_BIG)))

        pltpu.sync_copy(bidx.at[pl.ds(0, _K)], idx_hbm.at[rr])
        pltpu.async_copy(tab_hbm.at[bidx.at[pl.ds(0, _K)]], gbuf, gsem).wait()
        cvec = cents[rr - base_row]
        for i in range(_K):
            grows[i] = gbuf[i, pl.ds(0, _D)] - cvec
        pltpu.sync_copy(grows, out_hbm.at[pl.ds(rr * _K, _K)])

    pltpu.sync_copy(dist_hbm.at[base_row], dbuf)

    def pair_body(q, carry0):
        r0 = base_row + 2 * q
        h1 = pltpu.async_copy(dist_hbm.at[r0 + 1], dbuf2, sem2)
        scan_row(r0, dbuf)
        h1.wait()
        nxt = jnp.minimum(r0 + 2, _RR - 1)
        h2 = pltpu.async_copy(dist_hbm.at[nxt], dbuf, sem)
        scan_row(r0 + 1, dbuf2)
        h2.wait()
        return carry0

    lax.fori_loop(0, _RPW // 2, pair_body, 0)


_sc_topk = pl.kernel(
    _sc_topk_body,
    out_type=[
        jax.ShapeDtypeStruct((_RR * _K, _D), jnp.float32),
        jax.ShapeDtypeStruct((_RR, _K), jnp.int32),
    ],
    mesh=plsc.VectorSubcoreMesh(core_axis_name="c", subcore_axis_name="s"),
    compiler_params=pltpu.CompilerParams(use_tc_tiling_on_sc=False,
                                         needs_layout_passes=False),
    scratch_types=[
        pltpu.VMEM((_N,), jnp.float32),
        pltpu.VMEM((_N,), jnp.float32),
        pltpu.VMEM((_NBLK * 16,), jnp.float32),
        pltpu.VMEM((48,), jnp.float32),
        pltpu.VMEM((48,), jnp.int32),
        pltpu.VMEM((_RPW, _D), jnp.float32),
        pltpu.VMEM((_K, _TW), jnp.float32),
        pltpu.VMEM((_K, _D), jnp.float32),
        pltpu.SemaphoreType.DMA,
        pltpu.SemaphoreType.DMA,
        pltpu.SemaphoreType.DMA,
    ],
)



@jax.jit
def _run(xyz, center):
    xp = jnp.pad(xyz, ((0, 0), (0, 0), (0, 5))).transpose(0, 2, 1)
    cp = jnp.pad(center, ((0, 0), (0, 0), (0, 5)))
    dist = pl.pallas_call(_tc_dist_body, **_DIST_KW)(xp, cp)

    tab = jnp.pad(xyz.reshape(_B * _N, 3), ((0, 0), (0, _TW - 3)))
    cen = jnp.pad(center.reshape(_RR, 3), ((0, 0), (0, _D - 3)))
    out, idx = _sc_topk(dist.reshape(_RR, _N), tab, cen)
    neighborhood = out[:, :3].reshape(_B, _G, _K, 3)
    return neighborhood, idx.reshape(-1)


def kernel(xyz, center):
    neighborhood, idx_flat = _run(xyz, center)
    return (neighborhood, center, idx_flat)

# --- scband reference (transcript-rebuilt; emitter-appended) ---
"""Pipeline reference for scband-group-46119358824790 (READ-ONLY COPY).

The authoritative reference and input builder live on the scoring server;
editing this copy changes nothing except your own understanding.
"""

import jax, jax.numpy as jnp
import numpy as np

NUM_GROUP = 256
GROUP_SIZE = 32


def setup_inputs(seed: int = 0) -> dict:
    key = jax.random.key(seed)
    k1, k2 = jax.random.split(key)
    xyz = jax.random.normal(k1, (16, 8192, 3), dtype=jnp.float32)
    center = jax.random.normal(k2, (16, NUM_GROUP, 3), dtype=jnp.float32)
    return {"xyz": xyz, "center": center}


def _knn_point(k, xyz, new_xyz):
    # squared euclidean distance: (B, G, N)
    diff = new_xyz[:, :, None, :] - xyz[:, None, :, :]
    sqrdists = jnp.sum(diff * diff, axis=-1)
    # k smallest distances -> top_k of negated distances
    _, idx = jax.lax.top_k(-sqrdists, k)
    return idx  # (B, G, k) int32


def reference(xyz, center):
    batch_size, num_points, _ = xyz.shape
    idx = _knn_point(GROUP_SIZE, xyz, center)  # (B, G, k)
    assert idx.shape[1] == NUM_GROUP
    assert idx.shape[2] == GROUP_SIZE
    idx_base = jnp.arange(batch_size, dtype=idx.dtype).reshape(-1, 1, 1) * num_points
    idx_flat = (idx + idx_base).reshape(-1)
    neighborhood = jnp.take(xyz.reshape(batch_size * num_points, -1), idx_flat, axis=0)
    neighborhood = neighborhood.reshape(batch_size, NUM_GROUP, GROUP_SIZE, 3)
    neighborhood = neighborhood - center[:, :, None, :]
    return (neighborhood, center, idx_flat)

if __name__ == "__main__":
    import jax
    _d = setup_inputs()
    print(jax.jit(kernel)(*tuple(_d.values())))

</pallas_src>

<mosaic_0001>
#map = affine_map<(d0, d1) -> (0, 0)>
module attributes {stable_mosaic.version = 14 : i64} {
  func.func @_sc_topk_body(%arg0: i32, %arg1: i32, %arg2: memref<4096x8192xf32, #tpu.memory_space<hbm>>, %arg3: memref<131072x128xf32, #tpu.memory_space<hbm>>, %arg4: memref<4096x16xf32, #tpu.memory_space<hbm>>, %arg5: memref<131072x16xf32, #tpu.memory_space<hbm>>, %arg6: memref<4096x32xi32, #tpu.memory_space<hbm>>, %arg7: memref<8192xf32, #tpu.memory_space<vmem>>, %arg8: memref<8192xf32, #tpu.memory_space<vmem>>, %arg9: memref<2048xf32, #tpu.memory_space<vmem>>, %arg10: memref<48xf32, #tpu.memory_space<vmem>>, %arg11: memref<48xi32, #tpu.memory_space<vmem>>, %arg12: memref<128x16xf32, #tpu.memory_space<vmem>>, %arg13: memref<32x128xf32, #tpu.memory_space<vmem>>, %arg14: memref<32x16xf32, #tpu.memory_space<vmem>>, %arg15: memref<!tpu.dma_semaphore, #tpu.memory_space<semaphore_mem>>, %arg16: memref<!tpu.dma_semaphore, #tpu.memory_space<semaphore_mem>>, %arg17: memref<!tpu.dma_semaphore, #tpu.memory_space<semaphore_mem>>) attributes {dimension_semantics = [#tpu.dimension_semantics<core_parallel>, #tpu.dimension_semantics<subcore_parallel>], iteration_bounds = array<i64: 2, 16>, scalar_prefetch = 0 : i64, scratch_operands = 11 : i64, tpu.core_type = #tpu.core_type<sc_vector_subcore>, window_params = [{transform_indices = #map}, {transform_indices = #map}, {transform_indices = #map}, {transform_indices = #map}, {transform_indices = #map}]} {
    %mul3A = arith.constant 2 : i32
    %mul3A_0 = arith.muli %arg1, %mul3A : i32
    %add3A = arith.addi %mul3A_0, %arg0 : i32
    %mul3A_1 = arith.constant 128 : i32
    %mul3A_2 = arith.muli %add3A, %mul3A_1 : i32
    "tpu.region"() ({
      %run_scoped3A = tpu.sem_alloc : memref<!tpu.dma_semaphore, #tpu.memory_space<semaphore_mem>>
      %dma_start3A = arith.constant 0 : i32
      %dma_start3A_9 = tpu.memref_slice %arg4[%mul3A_2, %dma_start3A] : memref<4096x16xf32, #tpu.memory_space<hbm>> -> memref<128x16xf32, #tpu.memory_space<hbm>>
      %dma_start3A_10 = arith.constant 0 : i32
      %dma_start3A_11 = tpu.memref_slice %arg4[%mul3A_2, %dma_start3A_10] : memref<4096x16xf32, #tpu.memory_space<hbm>> -> memref<128x16xf32, #tpu.memory_space<hbm>>
      tpu.enqueue_dma source(%dma_start3A_11 : memref<128x16xf32, #tpu.memory_space<hbm>>) target(%arg12 : memref<128x16xf32, #tpu.memory_space<vmem>>) target_semaphore(%run_scoped3A : memref<!tpu.dma_semaphore, #tpu.memory_space<semaphore_mem>>)
      %dma_wait3A = arith.constant 0 : i32
      %dma_wait3A_12 = tpu.memref_slice %arg4[%mul3A_2, %dma_wait3A] : memref<4096x16xf32, #tpu.memory_space<hbm>> -> memref<128x16xf32, #tpu.memory_space<hbm>>
      %dma_wait3A_13 = arith.constant 0 : i32
      %dma_wait3A_14 = tpu.memref_slice %arg4[%mul3A_2, %dma_wait3A_13] : memref<4096x16xf32, #tpu.memory_space<hbm>> -> memref<128x16xf32, #tpu.memory_space<hbm>>
      tpu.wait_dma2 semaphore(%run_scoped3A : memref<!tpu.dma_semaphore, #tpu.memory_space<semaphore_mem>>) src(%dma_wait3A_14 : memref<128x16xf32, #tpu.memory_space<hbm>>) dst(%arg12 : memref<128x16xf32, #tpu.memory_space<vmem>>)
      tpu.yield
    }) : () -> ()
    %iota3A = tpu.iota {dimensions = array<i32: 0>} : vector<16xi32>
    "tpu.region"() ({
      %run_scoped3A = tpu.sem_alloc : memref<!tpu.dma_semaphore, #tpu.memory_space<semaphore_mem>>
      %dma_start3A = arith.constant 0 : i32
      %dma_start3A_9 = tpu.memref_slice %arg2[%mul3A_2, %dma_start3A] : memref<4096x8192xf32, #tpu.memory_space<hbm>> -> memref<1x8192xf32, #tpu.memory_space<hbm>>
      %dma_start3A_10 = tpu.memref_squeeze %dma_start3A_9 : memref<1x8192xf32, #tpu.memory_space<hbm>> -> memref<8192xf32, #tpu.memory_space<hbm>>
      %dma_start3A_11 = arith.constant 0 : i32
      %dma_start3A_12 = tpu.memref_slice %arg2[%mul3A_2, %dma_start3A_11] : memref<4096x8192xf32, #tpu.memory_space<hbm>> -> memref<1x8192xf32, #tpu.memory_space<hbm>>
      %dma_start3A_13 = tpu.memref_squeeze %dma_start3A_12 : memref<1x8192xf32, #tpu.memory_space<hbm>> -> memref<8192xf32, #tpu.memory_space<hbm>>
      tpu.enqueue_dma source(%dma_start3A_13 : memref<8192xf32, #tpu.memory_space<hbm>>) target(%arg7 : memref<8192xf32, #tpu.memory_space<vmem>>) target_semaphore(%run_scoped3A : memref<!tpu.dma_semaphore, #tpu.memory_space<semaphore_mem>>)
      %dma_wait3A = arith.constant 0 : i32
      %dma_wait3A_14 = tpu.memref_slice %arg2[%mul3A_2, %dma_wait3A] : memref<4096x8192xf32, #tpu.memory_space<hbm>> -> memref<1x8192xf32, #tpu.memory_space<hbm>>
      %dma_wait3A_15 = tpu.memref_squeeze %dma_wait3A_14 : memref<1x8192xf32, #tpu.memory_space<hbm>> -> memref<8192xf32, #tpu.memory_space<hbm>>
      %dma_wait3A_16 = arith.constant 0 : i32
      %dma_wait3A_17 = tpu.memref_slice %arg2[%mul3A_2, %dma_wait3A_16] : memref<4096x8192xf32, #tpu.memory_space<hbm>> -> memref<1x8192xf32, #tpu.memory_space<hbm>>
      %dma_wait3A_18 = tpu.memref_squeeze %dma_wait3A_17 : memref<1x8192xf32, #tpu.memory_space<hbm>> -> memref<8192xf32, #tpu.memory_space<hbm>>
      tpu.wait_dma2 semaphore(%run_scoped3A : memref<!tpu.dma_semaphore, #tpu.memory_space<semaphore_mem>>) src(%dma_wait3A_18 : memref<8192xf32, #tpu.memory_space<hbm>>) dst(%arg7 : memref<8192xf32, #tpu.memory_space<vmem>>)
      tpu.yield
    }) : () -> ()
    %scan3A = arith.constant 0 : i32
    %scan3A_3 = arith.constant 0x7F800000 : f32
    %scan3A_4 = arith.constant 0 : i32
    %scan3A_5 = arith.constant 64 : i32
    %scan3A_6 = arith.addi %scan3A_4, %scan3A_5 : i32
    %scan3A_7 = arith.constant 1 : i32
    scf.for %scan3A_9 = %scan3A_4 to %scan3A_6 step %scan3A_7  : i32 {
      %mul3A_10 = arith.constant 2 : i32
      %mul3A_11 = arith.muli %mul3A_10, %scan3A_9 : i32
      %add3A_12 = arith.addi %mul3A_2, %mul3A_11 : i32
      %add3A_13 = arith.constant 1 : i32
      %add3A_14 = arith.addi %add3A_12, %add3A_13 : i32
      %dma_start3A = arith.constant 0 : i32
      %dma_start3A_15 = tpu.memref_slice %arg2[%add3A_14, %dma_start3A] : memref<4096x8192xf32, #tpu.memory_space<hbm>> -> memref<1x8192xf32, #tpu.memory_space<hbm>>
      %dma_start3A_16 = tpu.memref_squeeze %dma_start3A_15 : memref<1x8192xf32, #tpu.memory_space<hbm>> -> memref<8192xf32, #tpu.memory_space<hbm>>
      %dma_start3A_17 = arith.constant 0 : i32
      %dma_start3A_18 = tpu.memref_slice %arg2[%add3A_14, %dma_start3A_17] : memref<4096x8192xf32, #tpu.memory_space<hbm>> -> memref<1x8192xf32, #tpu.memory_space<hbm>>
      %dma_start3A_19 = tpu.memref_squeeze %dma_start3A_18 : memref<1x8192xf32, #tpu.memory_space<hbm>> -> memref<8192xf32, #tpu.memory_space<hbm>>
      tpu.enqueue_dma source(%dma_start3A_19 : memref<8192xf32, #tpu.memory_space<hbm>>) target(%arg8 : memref<8192xf32, #tpu.memory_space<vmem>>) target_semaphore(%arg16 : memref<!tpu.dma_semaphore, #tpu.memory_space<semaphore_mem>>)
      %jit3A = arith.constant 256 : i32
      %div3A = arith.divsi %add3A_12, %jit3A : i32
      %sign3A = arith.constant 0 : i32
      %sign3A_20 = arith.cmpi sgt, %add3A_12, %sign3A : i32
      %sign3A_21 = arith.extui %sign3A_20 : i1 to i32
      %sign3A_22 = arith.constant 0 : i32
      %sign3A_23 = arith.cmpi slt, %add3A_12, %sign3A_22 : i32
      %sign3A_24 = arith.extui %sign3A_23 : i1 to i32
      %sign3A_25 = arith.subi %sign3A_21, %sign3A_24 : i32
      %sign3A_26 = arith.constant 0 : i32
      %sign3A_27 = arith.cmpi sgt, %jit3A, %sign3A_26 : i32
      %sign3A_28 = arith.extui %sign3A_27 : i1 to i32
      %sign3A_29 = arith.constant 0 : i32
      %sign3A_30 = arith.cmpi slt, %jit3A, %sign3A_29 : i32
      %sign3A_31 = arith.extui %sign3A_30 : i1 to i32
      %sign3A_32 = arith.subi %sign3A_28, %sign3A_31 : i32
      %ne3A = arith.cmpi ne, %sign3A_25, %sign3A_32 : i32
      %rem3A = arith.remsi %add3A_12, %jit3A : i32
      %ne3A_33 = arith.constant 0 : i32
      %ne3A_34 = arith.cmpi ne, %rem3A, %ne3A_33 : i32
      %and3A = arith.andi %ne3A, %ne3A_34 : i1
      %sub3A = arith.constant 1 : i32
      %sub3A_35 = arith.subi %div3A, %sub3A : i32
      %select_n3A = arith.select %and3A, %sub3A_35, %div3A : i32
      %mul3A_36 = arith.constant 8192 : i32
      %mul3A_37 = arith.muli %select_n3A, %mul3A_36 : i32
      %broadcast_in_dim3A = vector.broadcast %scan3A_3 : f32 to vector<16xf32>
      %swap3A = arith.constant 0 : index
      %swap3A_38 = tpu.vector_load %arg10[%swap3A] {strides = array<i32>} : memref<48xf32, #tpu.memory_space<vmem>>, vector<16xf32>,
      tpu.vector_store %arg10[%swap3A], %broadcast_in_dim3A {strides = array<i32>} : memref<48xf32, #tpu.memory_space<vmem>>, vector<16xf32>,
      %broadcast_in_dim3A_39 = arith.constant 1073741824 : i32
      %broadcast_in_dim3A_40 = vector.broadcast %broadcast_in_dim3A_39 : i32 to vector<16xi32>
      %swap3A_41 = arith.constant 0 : index
      %swap3A_42 = tpu.vector_load %arg11[%swap3A_41] {strides = array<i32>} : memref<48xi32, #tpu.memory_space<vmem>>, vector<16xi32>,
      tpu.vector_store %arg11[%swap3A_41], %broadcast_in_dim3A_40 {strides = array<i32>} : memref<48xi32, #tpu.memory_space<vmem>>, vector<16xi32>,
      %broadcast_in_dim3A_43 = vector.broadcast %scan3A_3 : f32 to vector<16xf32>
      %swap3A_44 = arith.constant 16 : index
      %swap3A_45 = tpu.vector_load %arg10[%swap3A_44] {strides = array<i32>} : memref<48xf32, #tpu.memory_space<vmem>>, vector<16xf32>,
      tpu.vector_store %arg10[%swap3A_44], %broadcast_in_dim3A_43 {strides = array<i32>} : memref<48xf32, #tpu.memory_space<vmem>>, vector<16xf32>,
      %broadcast_in_dim3A_46 = arith.constant 1073741824 : i32
      %broadcast_in_dim3A_47 = vector.broadcast %broadcast_in_dim3A_46 : i32 to vector<16xi32>
      %swap3A_48 = arith.constant 16 : index
      %swap3A_49 = tpu.vector_load %arg11[%swap3A_48] {strides = array<i32>} : memref<48xi32, #tpu.memory_space<vmem>>, vector<16xi32>,
      tpu.vector_store %arg11[%swap3A_48], %broadcast_in_dim3A_47 {strides = array<i32>} : memref<48xi32, #tpu.memory_space<vmem>>, vector<16xi32>,
      %broadcast_in_dim3A_50 = vector.broadcast %scan3A_3 : f32 to vector<16xf32>
      %swap3A_51 = arith.constant 32 : index
      %swap3A_52 = tpu.vector_load %arg10[%swap3A_51] {strides = array<i32>} : memref<48xf32, #tpu.memory_space<vmem>>, vector<16xf32>,
      tpu.vector_store %arg10[%swap3A_51], %broadcast_in_dim3A_50 {strides = array<i32>} : memref<48xf32, #tpu.memory_space<vmem>>, vector<16xf32>,
      %broadcast_in_dim3A_53 = arith.constant 1073741824 : i32
      %broadcast_in_dim3A_54 = vector.broadcast %broadcast_in_dim3A_53 : i32 to vector<16xi32>
      %swap3A_55 = arith.constant 32 : index
      %swap3A_56 = tpu.vector_load %arg11[%swap3A_55] {strides = array<i32>} : memref<48xi32, #tpu.memory_space<vmem>>, vector<16xi32>,
      tpu.vector_store %arg11[%swap3A_55], %broadcast_in_dim3A_54 {strides = array<i32>} : memref<48xi32, #tpu.memory_space<vmem>>, vector<16xi32>,
      %broadcast_in_dim3A_57 = vector.broadcast %scan3A_3 : f32 to vector<16xf32>
      %scan3A_58 = arith.constant 0 : i32
      %scan3A_59 = arith.constant 64 : i32
      %scan3A_60 = arith.addi %scan3A_58, %scan3A_59 : i32
      %scan3A_61 = arith.constant 1 : i32
      %scan3A_62:2 = scf.for %scan3A_769 = %scan3A_58 to %scan3A_60 step %scan3A_61 iter_args(%scan3A_770 = %broadcast_in_dim3A_57, %scan3A_771 = %broadcast_in_dim3A_57) -> (vector<16xf32>, vector<16xf32>)  : i32 {
        %mul3A_772 = arith.constant 2 : i32
        %mul3A_773 = arith.muli %mul3A_772, %scan3A_769 : i32
        %mul3A_774 = arith.constant 64 : i32
        %mul3A_775 = arith.muli %mul3A_773, %mul3A_774 : i32
        %add3A_776 = arith.constant 0 : i32
        %add3A_777 = arith.addi %mul3A_775, %add3A_776 : i32
        %get3A_778 = arith.index_cast %add3A_777 : i32 to index
        %get3A_779 = tpu.vector_load %arg7[%get3A_778] {strides = array<i32>} : memref<8192xf32, #tpu.memory_space<vmem>>, vector<16xf32>,
        %mul3A_780 = arith.constant 64 : i32
        %mul3A_781 = arith.muli %mul3A_773, %mul3A_780 : i32
        %add3A_782 = arith.constant 16 : i32
        %add3A_783 = arith.addi %mul3A_781, %add3A_782 : i32
        %get3A_784 = arith.index_cast %add3A_783 : i32 to index
        %get3A_785 = tpu.vector_load %arg7[%get3A_784] {strides = array<i32>} : memref<8192xf32, #tpu.memory_space<vmem>>, vector<16xf32>,
        %mul3A_786 = arith.constant 64 : i32
        %mul3A_787 = arith.muli %mul3A_773, %mul3A_786 : i32
        %add3A_788 = arith.constant 32 : i32
        %add3A_789 = arith.addi %mul3A_787, %add3A_788 : i32
        %get3A_790 = arith.index_cast %add3A_789 : i32 to index
        %get3A_791 = tpu.vector_load %arg7[%get3A_790] {strides = array<i32>} : memref<8192xf32, #tpu.memory_space<vmem>>, vector<16xf32>,
        %mul3A_792 = arith.constant 64 : i32
        %mul3A_793 = arith.muli %mul3A_773, %mul3A_792 : i32
        %add3A_794 = arith.constant 48 : i32
        %add3A_795 = arith.addi %mul3A_793, %add3A_794 : i32
        %get3A_796 = arith.index_cast %add3A_795 : i32 to index
        %get3A_797 = tpu.vector_load %arg7[%get3A_796] {strides = array<i32>} : memref<8192xf32, #tpu.memory_space<vmem>>, vector<16xf32>,
        %min3A_798 = arith.minimumf %get3A_779, %get3A_785 : vector<16xf32>
        %min3A_799 = arith.minimumf %min3A_798, %get3A_791 : vector<16xf32>
        %min3A_800 = arith.minimumf %min3A_799, %get3A_797 : vector<16xf32>
        %mul3A_801 = arith.constant 2 : i32
        %mul3A_802 = arith.muli %mul3A_801, %scan3A_769 : i32
        %add3A_803 = arith.constant 1 : i32
        %add3A_804 = arith.addi %mul3A_802, %add3A_803 : i32
        %mul3A_805 = arith.constant 64 : i32
        %mul3A_806 = arith.muli %add3A_804, %mul3A_805 : i32
        %add3A_807 = arith.constant 0 : i32
        %add3A_808 = arith.addi %mul3A_806, %add3A_807 : i32
        %get3A_809 = arith.index_cast %add3A_808 : i32 to index
        %get3A_810 = tpu.vector_load %arg7[%get3A_809] {strides = array<i32>} : memref<8192xf32, #tpu.memory_space<vmem>>, vector<16xf32>,
        %mul3A_811 = arith.constant 64 : i32
        %mul3A_812 = arith.muli %add3A_804, %mul3A_811 : i32
        %add3A_813 = arith.constant 16 : i32
        %add3A_814 = arith.addi %mul3A_812, %add3A_813 : i32
        %get3A_815 = arith.index_cast %add3A_814 : i32 to index
        %get3A_816 = tpu.vector_load %arg7[%get3A_815] {strides = array<i32>} : memref<8192xf32, #tpu.memory_space<vmem>>, vector<16xf32>,
        %mul3A_817 = arith.constant 64 : i32
        %mul3A_818 = arith.muli %add3A_804, %mul3A_817 : i32
        %add3A_819 = arith.constant 32 : i32
        %add3A_820 = arith.addi %mul3A_818, %add3A_819 : i32
        %get3A_821 = arith.index_cast %add3A_820 : i32 to index
        %get3A_822 = tpu.vector_load %arg7[%get3A_821] {strides = array<i32>} : memref<8192xf32, #tpu.memory_space<vmem>>, vector<16xf32>,
        %mul3A_823 = arith.constant 64 : i32
        %mul3A_824 = arith.muli %add3A_804, %mul3A_823 : i32
        %add3A_825 = arith.constant 48 : i32
        %add3A_826 = arith.addi %mul3A_824, %add3A_825 : i32
        %get3A_827 = arith.index_cast %add3A_826 : i32 to index
        %get3A_828 = tpu.vector_load %arg7[%get3A_827] {strides = array<i32>} : memref<8192xf32, #tpu.memory_space<vmem>>, vector<16xf32>,
        %min3A_829 = arith.minimumf %get3A_810, %get3A_816 : vector<16xf32>
        %min3A_830 = arith.minimumf %min3A_829, %get3A_822 : vector<16xf32>
        %min3A_831 = arith.minimumf %min3A_830, %get3A_828 : vector<16xf32>
        %mul3A_832 = arith.constant 2 : i32
        %mul3A_833 = arith.muli %mul3A_832, %scan3A_769 : i32
        %mul3A_834 = arith.constant 16 : i32
        %mul3A_835 = arith.muli %mul3A_833, %mul3A_834 : i32
        %swap3A_836 = arith.index_cast %mul3A_835 : i32 to index
        %swap3A_837 = tpu.vector_load %arg9[%swap3A_836] {strides = array<i32>} : memref<2048xf32, #tpu.memory_space<vmem>>, vector<16xf32>,
        tpu.vector_store %arg9[%swap3A_836], %min3A_800 {strides = array<i32>} : memref<2048xf32, #tpu.memory_space<vmem>>, vector<16xf32>,
        %mul3A_838 = arith.constant 2 : i32
        %mul3A_839 = arith.muli %mul3A_838, %scan3A_769 : i32
        %add3A_840 = arith.constant 1 : i32
        %add3A_841 = arith.addi %mul3A_839, %add3A_840 : i32
        %mul3A_842 = arith.constant 16 : i32
        %mul3A_843 = arith.muli %add3A_841, %mul3A_842 : i32
        %swap3A_844 = arith.index_cast %mul3A_843 : i32 to index
        %swap3A_845 = tpu.vector_load %arg9[%swap3A_844] {strides = array<i32>} : memref<2048xf32, #tpu.memory_space<vmem>>, vector<16xf32>,
        tpu.vector_store %arg9[%swap3A_844], %min3A_831 {strides = array<i32>} : memref<2048xf32, #tpu.memory_space<vmem>>, vector<16xf32>,
        %min3A_846 = arith.minimumf %scan3A_770, %min3A_800 : vector<16xf32>
        %min3A_847 = arith.minimumf %scan3A_771, %min3A_831 : vector<16xf32>
        scf.yield %min3A_846, %min3A_847 : vector<16xf32>, vector<16xf32>
      }
      %scan3A_63 = arith.constant 64 : i32
      %max3A = arith.maximumf %scan3A_62#0, %scan3A_62#1 : vector<16xf32>
      %reduce_max3A = arith.constant true
      %reduce_max3A_64 = vector.broadcast %reduce_max3A : i1 to vector<16xi1>
      %reduce_max3A_65 = tpu.scan <max>, %max3A masked %reduce_max3A_64 : vector<16xf32>, vector<16xi1> -> vector<16xf32>
      %reduce_max3A_66 = vector.extract %reduce_max3A_65[15] : f32 from vector<16xf32>
      %scan3A_67 = arith.constant 1073741824 : i32
      %scan3A_68 = arith.constant 0 : i32
      %scan3A_69 = arith.constant 128 : i32
      %scan3A_70 = arith.addi %scan3A_68, %scan3A_69 : i32
      %scan3A_71 = arith.constant 1 : i32
      %scan3A_72:2 = scf.for %scan3A_769 = %scan3A_68 to %scan3A_70 step %scan3A_71 iter_args(%scan3A_770 = %reduce_max3A_66, %scan3A_771 = %scan3A_67) -> (f32, i32)  : i32 {
        %mul3A_772 = arith.constant 16 : i32
        %mul3A_773 = arith.muli %scan3A_769, %mul3A_772 : i32
        %get3A_774 = arith.index_cast %mul3A_773 : i32 to index
        %get3A_775 = tpu.vector_load %arg9[%get3A_774] {strides = array<i32>} : memref<2048xf32, #tpu.memory_space<vmem>>, vector<16xf32>,
        %reduce_min3A = arith.constant true
        %reduce_min3A_776 = vector.broadcast %reduce_min3A : i1 to vector<16xi1>
        %reduce_min3A_777 = tpu.scan <min>, %get3A_775 masked %reduce_min3A_776 : vector<16xf32>, vector<16xi1> -> vector<16xf32>
        %reduce_min3A_778 = vector.extract %reduce_min3A_777[15] : f32 from vector<16xf32>
        %le3A = arith.cmpf ole, %reduce_min3A_778, %scan3A_770 : f32
        %convert_element_type3A = arith.extui %le3A : i1 to i32
        %cond3A = arith.constant 0 : i32
        %cond3A_779 = arith.cmpi ne, %convert_element_type3A, %cond3A : i32
        %cond3A_780:2 = scf.if %cond3A_779 -> (f32, i32) {
          %mul3A_781 = arith.constant 64 : i32
          %mul3A_782 = arith.muli %scan3A_769, %mul3A_781 : i32
          %add3A_783 = arith.constant 0 : i32
          %add3A_784 = arith.addi %mul3A_782, %add3A_783 : i32
          %get3A_785 = arith.index_cast %add3A_784 : i32 to index
          %get3A_786 = tpu.vector_load %arg7[%get3A_785] {strides = array<i32>} : memref<8192xf32, #tpu.memory_space<vmem>>, vector<16xf32>,
          %mul3A_787 = arith.constant 64 : i32
          %mul3A_788 = arith.muli %scan3A_769, %mul3A_787 : i32
          %add3A_789 = arith.addi %mul3A_37, %mul3A_788 : i32
          %add3A_790 = arith.constant 0 : i32
          %add3A_791 = arith.addi %add3A_789, %add3A_790 : i32
          %add3A_792 = vector.broadcast %add3A_791 : i32 to vector<16xi32>
          %add3A_793 = arith.addi %add3A_792, %iota3A : vector<16xi32>
          %lt3A = vector.broadcast %scan3A_770 : f32 to vector<16xf32>
          %lt3A_794 = arith.cmpf olt, %get3A_786, %lt3A : vector<16xf32>
          %eq3A = vector.broadcast %scan3A_770 : f32 to vector<16xf32>
          %eq3A_795 = arith.cmpf oeq, %get3A_786, %eq3A : vector<16xf32>
          %lt3A_796 = vector.broadcast %scan3A_771 : i32 to vector<16xi32>
          %lt3A_797 = arith.cmpi slt, %add3A_793, %lt3A_796 : vector<16xi32>
          %and3A_798 = arith.andi %eq3A_795, %lt3A_797 : vector<16xi1>
          %or3A = arith.ori %lt3A_794, %and3A_798 : vector<16xi1>
          %convert_element_type3A_799 = arith.extui %or3A : vector<16xi1> to vector<16xi32>
          %reduce_sum3A = arith.constant true
          %reduce_sum3A_800 = vector.broadcast %reduce_sum3A : i1 to vector<16xi1>
          %reduce_sum3A_801 = tpu.scan <sum>, %convert_element_type3A_799 masked %reduce_sum3A_800 : vector<16xi32>, vector<16xi1> -> vector<16xi32>
          %reduce_sum3A_802 = vector.extract %reduce_sum3A_801[15] : i32 from vector<16xi32>
          %while3A:4 = scf.while (%while3A_884 = %or3A, %while3A_885 = %reduce_sum3A_802, %while3A_886 = %scan3A_770, %while3A_887 = %scan3A_771) : (vector<16xi1>, i32, f32, i32) -> (vector<16xi1>, i32, f32, i32) {
            %gt3A = arith.constant 0 : i32
            %gt3A_888 = arith.cmpi sgt, %while3A_885, %gt3A : i32
            scf.condition(%gt3A_888) %while3A_884, %while3A_885, %while3A_886, %while3A_887 : vector<16xi1>, i32, f32, i32
          } do {
          ^bb0(%while3A_884: vector<16xi1>, %while3A_885: i32, %while3A_886: f32, %while3A_887: i32):
            %jit3A_888 = arith.constant 16 : i32
            %broadcast_in_dim3A_889 = vector.broadcast %jit3A_888 : i32 to vector<16xi32>
            %select_n3A_890 = arith.select %while3A_884, %iota3A, %broadcast_in_dim3A_889 : vector<16xi1>, vector<16xi32>
            %reduce_min3A_891 = arith.constant true
            %reduce_min3A_892 = vector.broadcast %reduce_min3A_891 : i1 to vector<16xi1>
            %reduce_min3A_893 = arith.constant -2147483648 : i32
            %reduce_min3A_894 = vector.broadcast %reduce_min3A_893 : i32 to vector<16xi32>
            %reduce_min3A_895 = arith.xori %select_n3A_890, %reduce_min3A_894 : vector<16xi32>
            %reduce_min3A_896 = tpu.scan <min>, %reduce_min3A_895 masked %reduce_min3A_892 : vector<16xi32>, vector<16xi1> -> vector<16xi32>
            %reduce_min3A_897 = arith.xori %reduce_min3A_896, %reduce_min3A_894 : vector<16xi32>
            %reduce_min3A_898 = vector.extract %reduce_min3A_897[15] : i32 from vector<16xi32>
            %eq3A_899 = vector.broadcast %reduce_min3A_898 : i32 to vector<16xi32>
            %eq3A_900 = arith.cmpi eq, %iota3A, %eq3A_899 : vector<16xi32>
            %neg3A = arith.constant 0.000000e+00 : f32
            %neg3A_901 = arith.subf %neg3A, %scan3A_3 : f32
            %broadcast_in_dim3A_902 = vector.broadcast %neg3A_901 : f32 to vector<16xf32>
            %select_n3A_903 = arith.select %eq3A_900, %get3A_786, %broadcast_in_dim3A_902 : vector<16xi1>, vector<16xf32>
            %reduce_max3A_904 = arith.constant true
            %reduce_max3A_905 = vector.broadcast %reduce_max3A_904 : i1 to vector<16xi1>
            %reduce_max3A_906 = tpu.scan <max>, %select_n3A_903 masked %reduce_max3A_905 : vector<16xf32>, vector<16xi1> -> vector<16xf32>
            %reduce_max3A_907 = vector.extract %reduce_max3A_906[15] : f32 from vector<16xf32>
            %add3A_908 = arith.addi %add3A_791, %reduce_min3A_898 : i32
            %get3A_909 = arith.constant 0 : index
            %get3A_910 = tpu.vector_load %arg10[%get3A_909] {strides = array<i32>} : memref<48xf32, #tpu.memory_space<vmem>>, vector<16xf32>,
            %get3A_911 = arith.constant 16 : index
            %get3A_912 = tpu.vector_load %arg10[%get3A_911] {strides = array<i32>} : memref<48xf32, #tpu.memory_space<vmem>>, vector<16xf32>,
            %get3A_913 = arith.constant 0 : index
            %get3A_914 = tpu.vector_load %arg11[%get3A_913] {strides = array<i32>} : memref<48xi32, #tpu.memory_space<vmem>>, vector<16xi32>,
            %get3A_915 = arith.constant 16 : index
            %get3A_916 = tpu.vector_load %arg11[%get3A_915] {strides = array<i32>} : memref<48xi32, #tpu.memory_space<vmem>>, vector<16xi32>,
            %lt3A_917 = vector.broadcast %reduce_max3A_907 : f32 to vector<16xf32>
            %lt3A_918 = arith.cmpf olt, %get3A_910, %lt3A_917 : vector<16xf32>
            %eq3A_919 = vector.broadcast %reduce_max3A_907 : f32 to vector<16xf32>
            %eq3A_920 = arith.cmpf oeq, %get3A_910, %eq3A_919 : vector<16xf32>
            %lt3A_921 = vector.broadcast %add3A_908 : i32 to vector<16xi32>
            %lt3A_922 = arith.cmpi slt, %get3A_914, %lt3A_921 : vector<16xi32>
            %and3A_923 = arith.andi %eq3A_920, %lt3A_922 : vector<16xi1>
            %or3A_924 = arith.ori %lt3A_918, %and3A_923 : vector<16xi1>
            %lt3A_925 = vector.broadcast %reduce_max3A_907 : f32 to vector<16xf32>
            %lt3A_926 = arith.cmpf olt, %get3A_912, %lt3A_925 : vector<16xf32>
            %eq3A_927 = vector.broadcast %reduce_max3A_907 : f32 to vector<16xf32>
            %eq3A_928 = arith.cmpf oeq, %get3A_912, %eq3A_927 : vector<16xf32>
            %lt3A_929 = vector.broadcast %add3A_908 : i32 to vector<16xi32>
            %lt3A_930 = arith.cmpi slt, %get3A_916, %lt3A_929 : vector<16xi32>
            %and3A_931 = arith.andi %eq3A_928, %lt3A_930 : vector<16xi1>
            %or3A_932 = arith.ori %lt3A_926, %and3A_931 : vector<16xi1>
            %convert_element_type3A_933 = arith.extui %or3A_924 : vector<16xi1> to vector<16xi32>
            %reduce_sum3A_934 = arith.constant true
            %reduce_sum3A_935 = vector.broadcast %reduce_sum3A_934 : i1 to vector<16xi1>
            %reduce_sum3A_936 = tpu.scan <sum>, %convert_element_type3A_933 masked %reduce_sum3A_935 : vector<16xi32>, vector<16xi1> -> vector<16xi32>
            %reduce_sum3A_937 = vector.extract %reduce_sum3A_936[15] : i32 from vector<16xi32>
            %convert_element_type3A_938 = arith.extui %or3A_932 : vector<16xi1> to vector<16xi32>
            %reduce_sum3A_939 = arith.constant true
            %reduce_sum3A_940 = vector.broadcast %reduce_sum3A_939 : i1 to vector<16xi1>
            %reduce_sum3A_941 = tpu.scan <sum>, %convert_element_type3A_938 masked %reduce_sum3A_940 : vector<16xi32>, vector<16xi1> -> vector<16xi32>
            %reduce_sum3A_942 = vector.extract %reduce_sum3A_941[15] : i32 from vector<16xi32>
            %add3A_943 = arith.addi %reduce_sum3A_937, %reduce_sum3A_942 : i32
            %ge3A = vector.broadcast %add3A_943 : i32 to vector<16xi32>
            %ge3A_944 = arith.cmpi sge, %iota3A, %ge3A : vector<16xi32>
            %convert_element_type3A_945 = arith.extui %ge3A_944 : vector<16xi1> to vector<16xi32>
            %add3A_946 = arith.addi %iota3A, %convert_element_type3A_945 : vector<16xi32>
            %add3A_947 = arith.constant 16 : i32
            %add3A_948 = vector.broadcast %add3A_947 : i32 to vector<16xi32>
            %add3A_949 = arith.addi %add3A_948, %iota3A : vector<16xi32>
            %add3A_950 = arith.constant 16 : i32
            %add3A_951 = vector.broadcast %add3A_950 : i32 to vector<16xi32>
            %add3A_952 = arith.addi %add3A_951, %iota3A : vector<16xi32>
            %ge3A_953 = vector.broadcast %add3A_943 : i32 to vector<16xi32>
            %ge3A_954 = arith.cmpi sge, %add3A_952, %ge3A_953 : vector<16xi32>
            %convert_element_type3A_955 = arith.extui %ge3A_954 : vector<16xi1> to vector<16xi32>
            %add3A_956 = arith.addi %add3A_949, %convert_element_type3A_955 : vector<16xi32>
            tpu.vector_store_idx %arg10[%add3A_946], %get3A_910 : memref<48xf32, #tpu.memory_space<vmem>>[vector<16xi32>], vector<16xf32>,
            tpu.vector_store_idx %arg10[%add3A_956], %get3A_912 : memref<48xf32, #tpu.memory_space<vmem>>[vector<16xi32>], vector<16xf32>,
            tpu.vector_store_idx %arg11[%add3A_946], %get3A_914 : memref<48xi32, #tpu.memory_space<vmem>>[vector<16xi32>], vector<16xi32>,
            tpu.vector_store_idx %arg11[%add3A_956], %get3A_916 : memref<48xi32, #tpu.memory_space<vmem>>[vector<16xi32>], vector<16xi32>,
            %eq3A_957 = arith.constant 0 : i32
            %eq3A_958 = vector.broadcast %eq3A_957 : i32 to vector<16xi32>
            %eq3A_959 = arith.cmpi eq, %iota3A, %eq3A_958 : vector<16xi32>
            %broadcast_in_dim3A_960 = vector.broadcast %add3A_943 : i32 to vector<16xi32>
            %broadcast_in_dim3A_961 = vector.broadcast %reduce_max3A_907 : f32 to vector<16xf32>
            tpu.vector_store_idx %arg10[%broadcast_in_dim3A_960], %broadcast_in_dim3A_961 masked %eq3A_959 : memref<48xf32, #tpu.memory_space<vmem>>[vector<16xi32>], vector<16xf32>, vector<16xi1>
            %broadcast_in_dim3A_962 = vector.broadcast %add3A_908 : i32 to vector<16xi32>
            tpu.vector_store_idx %arg11[%broadcast_in_dim3A_960], %broadcast_in_dim3A_962 masked %eq3A_959 : memref<48xi32, #tpu.memory_space<vmem>>[vector<16xi32>], vector<16xi32>, vector<16xi1>
            %le3A_963 = arith.constant 30 : i32
            %le3A_964 = arith.cmpi sle, %add3A_943, %le3A_963 : i32
            %slice3A = vector.extract_strided_slice %get3A_912 {offsets = [14], sizes = [1], strides = [1]} : vector<16xf32> to vector<1xf32>
            %squeeze3A = vector.extract %slice3A[0] : f32 from vector<1xf32>
            %select_n3A_965 = arith.select %le3A_964, %squeeze3A, %reduce_max3A_907 : f32
            %le3A_966 = arith.constant 30 : i32
            %le3A_967 = arith.cmpi sle, %add3A_943, %le3A_966 : i32
            %slice3A_968 = vector.extract_strided_slice %get3A_916 {offsets = [14], sizes = [1], strides = [1]} : vector<16xi32> to vector<1xi32>
            %squeeze3A_969 = vector.extract %slice3A_968[0] : i32 from vector<1xi32>
            %select_n3A_970 = arith.select %le3A_967, %squeeze3A_969, %add3A_908 : i32
            %min3A_971 = arith.minimumf %select_n3A_965, %reduce_max3A_66 : f32
            %le3A_972 = arith.cmpf ole, %select_n3A_965, %reduce_max3A_66 : f32
            %jit3A_973 = arith.constant 1073741824 : i32
            %select_n3A_974 = arith.select %le3A_972, %select_n3A_970, %jit3A_973 : i32
            %ne3A_975 = vector.broadcast %reduce_min3A_898 : i32 to vector<16xi32>
            %ne3A_976 = arith.cmpi ne, %iota3A, %ne3A_975 : vector<16xi32>
            %and3A_977 = arith.andi %while3A_884, %ne3A_976 : vector<16xi1>
            %sub3A_978 = arith.constant 1 : i32
            %sub3A_979 = arith.subi %while3A_885, %sub3A_978 : i32
            scf.yield %and3A_977, %sub3A_979, %min3A_971, %select_n3A_974 : vector<16xi1>, i32, f32, i32
          }
          %mul3A_803 = arith.constant 64 : i32
          %mul3A_804 = arith.muli %scan3A_769, %mul3A_803 : i32
          %add3A_805 = arith.constant 16 : i32
          %add3A_806 = arith.addi %mul3A_804, %add3A_805 : i32
          %get3A_807 = arith.index_cast %add3A_806 : i32 to index
          %get3A_808 = tpu.vector_load %arg7[%get3A_807] {strides = array<i32>} : memref<8192xf32, #tpu.memory_space<vmem>>, vector<16xf32>,
          %mul3A_809 = arith.constant 64 : i32
          %mul3A_810 = arith.muli %scan3A_769, %mul3A_809 : i32
          %add3A_811 = arith.addi %mul3A_37, %mul3A_810 : i32
          %add3A_812 = arith.constant 16 : i32
          %add3A_813 = arith.addi %add3A_811, %add3A_812 : i32
          %add3A_814 = vector.broadcast %add3A_813 : i32 to vector<16xi32>
          %add3A_815 = arith.addi %add3A_814, %iota3A : vector<16xi32>
          %lt3A_816 = vector.broadcast %while3A#2 : f32 to vector<16xf32>
          %lt3A_817 = arith.cmpf olt, %get3A_808, %lt3A_816 : vector<16xf32>
          %eq3A_818 = vector.broadcast %while3A#2 : f32 to vector<16xf32>
          %eq3A_819 = arith.cmpf oeq, %get3A_808, %eq3A_818 : vector<16xf32>
          %lt3A_820 = vector.broadcast %while3A#3 : i32 to vector<16xi32>
          %lt3A_821 = arith.cmpi slt, %add3A_815, %lt3A_820 : vector<16xi32>
          %and3A_822 = arith.andi %eq3A_819, %lt3A_821 : vector<16xi1>
          %or3A_823 = arith.ori %lt3A_817, %and3A_822 : vector<16xi1>
          %convert_element_type3A_824 = arith.extui %or3A_823 : vector<16xi1> to vector<16xi32>
          %reduce_sum3A_825 = arith.constant true
          %reduce_sum3A_826 = vector.broadcast %reduce_sum3A_825 : i1 to vector<16xi1>
          %reduce_sum3A_827 = tpu.scan <sum>, %convert_element_type3A_824 masked %reduce_sum3A_826 : vector<16xi32>, vector<16xi1> -> vector<16xi32>
          %reduce_sum3A_828 = vector.extract %reduce_sum3A_827[15] : i32 from vector<16xi32>
          %while3A_829:4 = scf.while (%while3A_884 = %or3A_823, %while3A_885 = %reduce_sum3A_828, %while3A_886 = %while3A#2, %while3A_887 = %while3A#3) : (vector<16xi1>, i32, f32, i32) -> (vector<16xi1>, i32, f32, i32) {
            %gt3A = arith.constant 0 : i32
            %gt3A_888 = arith.cmpi sgt, %while3A_885, %gt3A : i32
            scf.condition(%gt3A_888) %while3A_884, %while3A_885, %while3A_886, %while3A_887 : vector<16xi1>, i32, f32, i32
          } do {
          ^bb0(%while3A_884: vector<16xi1>, %while3A_885: i32, %while3A_886: f32, %while3A_887: i32):
            %jit3A_888 = arith.constant 16 : i32
            %broadcast_in_dim3A_889 = vector.broadcast %jit3A_888 : i32 to vector<16xi32>
            %select_n3A_890 = arith.select %while3A_884, %iota3A, %broadcast_in_dim3A_889 : vector<16xi1>, vector<16xi32>
            %reduce_min3A_891 = arith.constant true
            %reduce_min3A_892 = vector.broadcast %reduce_min3A_891 : i1 to vector<16xi1>
            %reduce_min3A_893 = arith.constant -2147483648 : i32
            %reduce_min3A_894 = vector.broadcast %reduce_min3A_893 : i32 to vector<16xi32>
            %reduce_min3A_895 = arith.xori %select_n3A_890, %reduce_min3A_894 : vector<16xi32>
            %reduce_min3A_896 = tpu.scan <min>, %reduce_min3A_895 masked %reduce_min3A_892 : vector<16xi32>, vector<16xi1> -> vector<16xi32>
            %reduce_min3A_897 = arith.xori %reduce_min3A_896, %reduce_min3A_894 : vector<16xi32>
            %reduce_min3A_898 = vector.extract %reduce_min3A_897[15] : i32 from vector<16xi32>
            %eq3A_899 = vector.broadcast %reduce_min3A_898 : i32 to vector<16xi32>
            %eq3A_900 = arith.cmpi eq, %iota3A, %eq3A_899 : vector<16xi32>
            %neg3A = arith.constant 0.000000e+00 : f32
            %neg3A_901 = arith.subf %neg3A, %scan3A_3 : f32
            %broadcast_in_dim3A_902 = vector.broadcast %neg3A_901 : f32 to vector<16xf32>
            %select_n3A_903 = arith.select %eq3A_900, %get3A_808, %broadcast_in_dim3A_902 : vector<16xi1>, vector<16xf32>
            %reduce_max3A_904 = arith.constant true
            %reduce_max3A_905 = vector.broadcast %reduce_max3A_904 : i1 to vector<16xi1>
            %reduce_max3A_906 = tpu.scan <max>, %select_n3A_903 masked %reduce_max3A_905 : vector<16xf32>, vector<16xi1> -> vector<16xf32>
            %reduce_max3A_907 = vector.extract %reduce_max3A_906[15] : f32 from vector<16xf32>
            %add3A_908 = arith.addi %add3A_813, %reduce_min3A_898 : i32
            %get3A_909 = arith.constant 0 : index
            %get3A_910 = tpu.vector_load %arg10[%get3A_909] {strides = array<i32>} : memref<48xf32, #tpu.memory_space<vmem>>, vector<16xf32>,
            %get3A_911 = arith.constant 16 : index
            %get3A_912 = tpu.vector_load %arg10[%get3A_911] {strides = array<i32>} : memref<48xf32, #tpu.memory_space<vmem>>, vector<16xf32>,
            %get3A_913 = arith.constant 0 : index
            %get3A_914 = tpu.vector_load %arg11[%get3A_913] {strides = array<i32>} : memref<48xi32, #tpu.memory_space<vmem>>, vector<16xi32>,
            %get3A_915 = arith.constant 16 : index
            %get3A_916 = tpu.vector_load %arg11[%get3A_915] {strides = array<i32>} : memref<48xi32, #tpu.memory_space<vmem>>, vector<16xi32>,
            %lt3A_917 = vector.broadcast %reduce_max3A_907 : f32 to vector<16xf32>
            %lt3A_918 = arith.cmpf olt, %get3A_910, %lt3A_917 : vector<16xf32>
            %eq3A_919 = vector.broadcast %reduce_max3A_907 : f32 to vector<16xf32>
            %eq3A_920 = arith.cmpf oeq, %get3A_910, %eq3A_919 : vector<16xf32>
            %lt3A_921 = vector.broadcast %add3A_908 : i32 to vector<16xi32>
            %lt3A_922 = arith.cmpi slt, %get3A_914, %lt3A_921 : vector<16xi32>
            %and3A_923 = arith.andi %eq3A_920, %lt3A_922 : vector<16xi1>
            %or3A_924 = arith.ori %lt3A_918, %and3A_923 : vector<16xi1>
            %lt3A_925 = vector.broadcast %reduce_max3A_907 : f32 to vector<16xf32>
            %lt3A_926 = arith.cmpf olt, %get3A_912, %lt3A_925 : vector<16xf32>
            %eq3A_927 = vector.broadcast %reduce_max3A_907 : f32 to vector<16xf32>
            %eq3A_928 = arith.cmpf oeq, %get3A_912, %eq3A_927 : vector<16xf32>
            %lt3A_929 = vector.broadcast %add3A_908 : i32 to vector<16xi32>
            %lt3A_930 = arith.cmpi slt, %get3A_916, %lt3A_929 : vector<16xi32>
            %and3A_931 = arith.andi %eq3A_928, %lt3A_930 : vector<16xi1>
            %or3A_932 = arith.ori %lt3A_926, %and3A_931 : vector<16xi1>
            %convert_element_type3A_933 = arith.extui %or3A_924 : vector<16xi1> to vector<16xi32>
            %reduce_sum3A_934 = arith.constant true
            %reduce_sum3A_935 = vector.broadcast %reduce_sum3A_934 : i1 to vector<16xi1>
            %reduce_sum3A_936 = tpu.scan <sum>, %convert_element_type3A_933 masked %reduce_sum3A_935 : vector<16xi32>, vector<16xi1> -> vector<16xi32>
            %reduce_sum3A_937 = vector.extract %reduce_sum3A_936[15] : i32 from vector<16xi32>
            %convert_element_type3A_938 = arith.extui %or3A_932 : vector<16xi1> to vector<16xi32>
            %reduce_sum3A_939 = arith.constant true
            %reduce_sum3A_940 = vector.broadcast %reduce_sum3A_939 : i1 to vector<16xi1>
            %reduce_sum3A_941 = tpu.scan <sum>, %convert_element_type3A_938 masked %reduce_sum3A_940 : vector<16xi32>, vector<16xi1> -> vector<16xi32>
            %reduce_sum3A_942 = vector.extract %reduce_sum3A_941[15] : i32 from vector<16xi32>
            %add3A_943 = arith.addi %reduce_sum3A_937, %reduce_sum3A_942 : i32
            %ge3A = vector.broadcast %add3A_943 : i32 to vector<16xi32>
            %ge3A_944 = arith.cmpi sge, %iota3A, %ge3A : vector<16xi32>
            %convert_element_type3A_945 = arith.extui %ge3A_944 : vector<16xi1> to vector<16xi32>
            %add3A_946 = arith.addi %iota3A, %convert_element_type3A_945 : vector<16xi32>
            %add3A_947 = arith.constant 16 : i32
            %add3A_948 = vector.broadcast %add3A_947 : i32 to vector<16xi32>
            %add3A_949 = arith.addi %add3A_948, %iota3A : vector<16xi32>
            %add3A_950 = arith.constant 16 : i32
            %add3A_951 = vector.broadcast %add3A_950 : i32 to vector<16xi32>
            %add3A_952 = arith.addi %add3A_951, %iota3A : vector<16xi32>
            %ge3A_953 = vector.broadcast %add3A_943 : i32 to vector<16xi32>
            %ge3A_954 = arith.cmpi sge, %add3A_952, %ge3A_953 : vector<16xi32>
            %convert_element_type3A_955 = arith.extui %ge3A_954 : vector<16xi1> to vector<16xi32>
            %add3A_956 = arith.addi %add3A_949, %convert_element_type3A_955 : vector<16xi32>
            tpu.vector_store_idx %arg10[%add3A_946], %get3A_910 : memref<48xf32, #tpu.memory_space<vmem>>[vector<16xi32>], vector<16xf32>,
            tpu.vector_store_idx %arg10[%add3A_956], %get3A_912 : memref<48xf32, #tpu.memory_space<vmem>>[vector<16xi32>], vector<16xf32>,
            tpu.vector_store_idx %arg11[%add3A_946], %get3A_914 : memref<48xi32, #tpu.memory_space<vmem>>[vector<16xi32>], vector<16xi32>,
            tpu.vector_store_idx %arg11[%add3A_956], %get3A_916 : memref<48xi32, #tpu.memory_space<vmem>>[vector<16xi32>], vector<16xi32>,
            %eq3A_957 = arith.constant 0 : i32
            %eq3A_958 = vector.broadcast %eq3A_957 : i32 to vector<16xi32>
            %eq3A_959 = arith.cmpi eq, %iota3A, %eq3A_958 : vector<16xi32>
            %broadcast_in_dim3A_960 = vector.broadcast %add3A_943 : i32 to vector<16xi32>
            %broadcast_in_dim3A_961 = vector.broadcast %reduce_max3A_907 : f32 to vector<16xf32>
            tpu.vector_store_idx %arg10[%broadcast_in_dim3A_960], %broadcast_in_dim3A_961 masked %eq3A_959 : memref<48xf32, #tpu.memory_space<vmem>>[vector<16xi32>], vector<16xf32>, vector<16xi1>
            %broadcast_in_dim3A_962 = vector.broadcast %add3A_908 : i32 to vector<16xi32>
            tpu.vector_store_idx %arg11[%broadcast_in_dim3A_960], %broadcast_in_dim3A_962 masked %eq3A_959 : memref<48xi32, #tpu.memory_space<vmem>>[vector<16xi32>], vector<16xi32>, vector<16xi1>
            %le3A_963 = arith.constant 30 : i32
            %le3A_964 = arith.cmpi sle, %add3A_943, %le3A_963 : i32
            %slice3A = vector.extract_strided_slice %get3A_912 {offsets = [14], sizes = [1], strides = [1]} : vector<16xf32> to vector<1xf32>
            %squeeze3A = vector.extract %slice3A[0] : f32 from vector<1xf32>
            %select_n3A_965 = arith.select %le3A_964, %squeeze3A, %reduce_max3A_907 : f32
            %le3A_966 = arith.constant 30 : i32
            %le3A_967 = arith.cmpi sle, %add3A_943, %le3A_966 : i32
            %slice3A_968 = vector.extract_strided_slice %get3A_916 {offsets = [14], sizes = [1], strides = [1]} : vector<16xi32> to vector<1xi32>
            %squeeze3A_969 = vector.extract %slice3A_968[0] : i32 from vector<1xi32>
            %select_n3A_970 = arith.select %le3A_967, %squeeze3A_969, %add3A_908 : i32
            %min3A_971 = arith.minimumf %select_n3A_965, %reduce_max3A_66 : f32
            %le3A_972 = arith.cmpf ole, %select_n3A_965, %reduce_max3A_66 : f32
            %jit3A_973 = arith.constant 1073741824 : i32
            %select_n3A_974 = arith.select %le3A_972, %select_n3A_970, %jit3A_973 : i32
            %ne3A_975 = vector.broadcast %reduce_min3A_898 : i32 to vector<16xi32>
            %ne3A_976 = arith.cmpi ne, %iota3A, %ne3A_975 : vector<16xi32>
            %and3A_977 = arith.andi %while3A_884, %ne3A_976 : vector<16xi1>
            %sub3A_978 = arith.constant 1 : i32
            %sub3A_979 = arith.subi %while3A_885, %sub3A_978 : i32
            scf.yield %and3A_977, %sub3A_979, %min3A_971, %select_n3A_974 : vector<16xi1>, i32, f32, i32
          }
          %mul3A_830 = arith.constant 64 : i32
          %mul3A_831 = arith.muli %scan3A_769, %mul3A_830 : i32
          %add3A_832 = arith.constant 32 : i32
          %add3A_833 = arith.addi %mul3A_831, %add3A_832 : i32
          %get3A_834 = arith.index_cast %add3A_833 : i32 to index
          %get3A_835 = tpu.vector_load %arg7[%get3A_834] {strides = array<i32>} : memref<8192xf32, #tpu.memory_space<vmem>>, vector<16xf32>,
          %mul3A_836 = arith.constant 64 : i32
          %mul3A_837 = arith.muli %scan3A_769, %mul3A_836 : i32
          %add3A_838 = arith.addi %mul3A_37, %mul3A_837 : i32
          %add3A_839 = arith.constant 32 : i32
          %add3A_840 = arith.addi %add3A_838, %add3A_839 : i32
          %add3A_841 = vector.broadcast %add3A_840 : i32 to vector<16xi32>
          %add3A_842 = arith.addi %add3A_841, %iota3A : vector<16xi32>
          %lt3A_843 = vector.broadcast %while3A_829#2 : f32 to vector<16xf32>
          %lt3A_844 = arith.cmpf olt, %get3A_835, %lt3A_843 : vector<16xf32>
          %eq3A_845 = vector.broadcast %while3A_829#2 : f32 to vector<16xf32>
          %eq3A_846 = arith.cmpf oeq, %get3A_835, %eq3A_845 : vector<16xf32>
          %lt3A_847 = vector.broadcast %while3A_829#3 : i32 to vector<16xi32>
          %lt3A_848 = arith.cmpi slt, %add3A_842, %lt3A_847 : vector<16xi32>
          %and3A_849 = arith.andi %eq3A_846, %lt3A_848 : vector<16xi1>
          %or3A_850 = arith.ori %lt3A_844, %and3A_849 : vector<16xi1>
          %convert_element_type3A_851 = arith.extui %or3A_850 : vector<16xi1> to vector<16xi32>
          %reduce_sum3A_852 = arith.constant true
          %reduce_sum3A_853 = vector.broadcast %reduce_sum3A_852 : i1 to vector<16xi1>
          %reduce_sum3A_854 = tpu.scan <sum>, %convert_element_type3A_851 masked %reduce_sum3A_853 : vector<16xi32>, vector<16xi1> -> vector<16xi32>
          %reduce_sum3A_855 = vector.extract %reduce_sum3A_854[15] : i32 from vector<16xi32>
          %while3A_856:4 = scf.while (%while3A_884 = %or3A_850, %while3A_885 = %reduce_sum3A_855, %while3A_886 = %while3A_829#2, %while3A_887 = %while3A_829#3) : (vector<16xi1>, i32, f32, i32) -> (vector<16xi1>, i32, f32, i32) {
            %gt3A = arith.constant 0 : i32
            %gt3A_888 = arith.cmpi sgt, %while3A_885, %gt3A : i32
            scf.condition(%gt3A_888) %while3A_884, %while3A_885, %while3A_886, %while3A_887 : vector<16xi1>, i32, f32, i32
          } do {
          ^bb0(%while3A_884: vector<16xi1>, %while3A_885: i32, %while3A_886: f32, %while3A_887: i32):
            %jit3A_888 = arith.constant 16 : i32
            %broadcast_in_dim3A_889 = vector.broadcast %jit3A_888 : i32 to vector<16xi32>
            %select_n3A_890 = arith.select %while3A_884, %iota3A, %broadcast_in_dim3A_889 : vector<16xi1>, vector<16xi32>
            %reduce_min3A_891 = arith.constant true
            %reduce_min3A_892 = vector.broadcast %reduce_min3A_891 : i1 to vector<16xi1>
            %reduce_min3A_893 = arith.constant -2147483648 : i32
            %reduce_min3A_894 = vector.broadcast %reduce_min3A_893 : i32 to vector<16xi32>
            %reduce_min3A_895 = arith.xori %select_n3A_890, %reduce_min3A_894 : vector<16xi32>
            %reduce_min3A_896 = tpu.scan <min>, %reduce_min3A_895 masked %reduce_min3A_892 : vector<16xi32>, vector<16xi1> -> vector<16xi32>
            %reduce_min3A_897 = arith.xori %reduce_min3A_896, %reduce_min3A_894 : vector<16xi32>
            %reduce_min3A_898 = vector.extract %reduce_min3A_897[15] : i32 from vector<16xi32>
            %eq3A_899 = vector.broadcast %reduce_min3A_898 : i32 to vector<16xi32>
            %eq3A_900 = arith.cmpi eq, %iota3A, %eq3A_899 : vector<16xi32>
            %neg3A = arith.constant 0.000000e+00 : f32
            %neg3A_901 = arith.subf %neg3A, %scan3A_3 : f32
            %broadcast_in_dim3A_902 = vector.broadcast %neg3A_901 : f32 to vector<16xf32>
            %select_n3A_903 = arith.select %eq3A_900, %get3A_835, %broadcast_in_dim3A_902 : vector<16xi1>, vector<16xf32>
            %reduce_max3A_904 = arith.constant true
            %reduce_max3A_905 = vector.broadcast %reduce_max3A_904 : i1 to vector<16xi1>
            %reduce_max3A_906 = tpu.scan <max>, %select_n3A_903 masked %reduce_max3A_905 : vector<16xf32>, vector<16xi1> -> vector<16xf32>
            %reduce_max3A_907 = vector.extract %reduce_max3A_906[15] : f32 from vector<16xf32>
            %add3A_908 = arith.addi %add3A_840, %reduce_min3A_898 : i32
            %get3A_909 = arith.constant 0 : index
            %get3A_910 = tpu.vector_load %arg10[%get3A_909] {strides = array<i32>} : memref<48xf32, #tpu.memory_space<vmem>>, vector<16xf32>,
            %get3A_911 = arith.constant 16 : index
            %get3A_912 = tpu.vector_load %arg10[%get3A_911] {strides = array<i32>} : memref<48xf32, #tpu.memory_space<vmem>>, vector<16xf32>,
            %get3A_913 = arith.constant 0 : index
            %get3A_914 = tpu.vector_load %arg11[%get3A_913] {strides = array<i32>} : memref<48xi32, #tpu.memory_space<vmem>>, vector<16xi32>,
            %get3A_915 = arith.constant 16 : index
            %get3A_916 = tpu.vector_load %arg11[%get3A_915] {strides = array<i32>} : memref<48xi32, #tpu.memory_space<vmem>>, vector<16xi32>,
            %lt3A_917 = vector.broadcast %reduce_max3A_907 : f32 to vector<16xf32>
            %lt3A_918 = arith.cmpf olt, %get3A_910, %lt3A_917 : vector<16xf32>
            %eq3A_919 = vector.broadcast %reduce_max3A_907 : f32 to vector<16xf32>
            %eq3A_920 = arith.cmpf oeq, %get3A_910, %eq3A_919 : vector<16xf32>
            %lt3A_921 = vector.broadcast %add3A_908 : i32 to vector<16xi32>
            %lt3A_922 = arith.cmpi slt, %get3A_914, %lt3A_921 : vector<16xi32>
            %and3A_923 = arith.andi %eq3A_920, %lt3A_922 : vector<16xi1>
            %or3A_924 = arith.ori %lt3A_918, %and3A_923 : vector<16xi1>
            %lt3A_925 = vector.broadcast %reduce_max3A_907 : f32 to vector<16xf32>
            %lt3A_926 = arith.cmpf olt, %get3A_912, %lt3A_925 : vector<16xf32>
            %eq3A_927 = vector.broadcast %reduce_max3A_907 : f32 to vector<16xf32>
            %eq3A_928 = arith.cmpf oeq, %get3A_912, %eq3A_927 : vector<16xf32>
            %lt3A_929 = vector.broadcast %add3A_908 : i32 to vector<16xi32>
            %lt3A_930 = arith.cmpi slt, %get3A_916, %lt3A_929 : vector<16xi32>
            %and3A_931 = arith.andi %eq3A_928, %lt3A_930 : vector<16xi1>
            %or3A_932 = arith.ori %lt3A_926, %and3A_931 : vector<16xi1>
            %convert_element_type3A_933 = arith.extui %or3A_924 : vector<16xi1> to vector<16xi32>
            %reduce_sum3A_934 = arith.constant true
            %reduce_sum3A_935 = vector.broadcast %reduce_sum3A_934 : i1 to vector<16xi1>
            %reduce_sum3A_936 = tpu.scan <sum>, %convert_element_type3A_933 masked %reduce_sum3A_935 : vector<16xi32>, vector<16xi1> -> vector<16xi32>
            %reduce_sum3A_937 = vector.extract %reduce_sum3A_936[15] : i32 from vector<16xi32>
            %convert_element_type3A_938 = arith.extui %or3A_932 : vector<16xi1> to vector<16xi32>
            %reduce_sum3A_939 = arith.constant true
            %reduce_sum3A_940 = vector.broadcast %reduce_sum3A_939 : i1 to vector<16xi1>
            %reduce_sum3A_941 = tpu.scan <sum>, %convert_element_type3A_938 masked %reduce_sum3A_940 : vector<16xi32>, vector<16xi1> -> vector<16xi32>
            %reduce_sum3A_942 = vector.extract %reduce_sum3A_941[15] : i32 from vector<16xi32>
            %add3A_943 = arith.addi %reduce_sum3A_937, %reduce_sum3A_942 : i32
            %ge3A = vector.broadcast %add3A_943 : i32 to vector<16xi32>
            %ge3A_944 = arith.cmpi sge, %iota3A, %ge3A : vector<16xi32>
            %convert_element_type3A_945 = arith.extui %ge3A_944 : vector<16xi1> to vector<16xi32>
            %add3A_946 = arith.addi %iota3A, %convert_element_type3A_945 : vector<16xi32>
            %add3A_947 = arith.constant 16 : i32
            %add3A_948 = vector.broadcast %add3A_947 : i32 to vector<16xi32>
            %add3A_949 = arith.addi %add3A_948, %iota3A : vector<16xi32>
            %add3A_950 = arith.constant 16 : i32
            %add3A_951 = vector.broadcast %add3A_950 : i32 to vector<16xi32>
            %add3A_952 = arith.addi %add3A_951, %iota3A : vector<16xi32>
            %ge3A_953 = vector.broadcast %add3A_943 : i32 to vector<16xi32>
            %ge3A_954 = arith.cmpi sge, %add3A_952, %ge3A_953 : vector<16xi32>
            %convert_element_type3A_955 = arith.extui %ge3A_954 : vector<16xi1> to vector<16xi32>
            %add3A_956 = arith.addi %add3A_949, %convert_element_type3A_955 : vector<16xi32>
            tpu.vector_store_idx %arg10[%add3A_946], %get3A_910 : memref<48xf32, #tpu.memory_space<vmem>>[vector<16xi32>], vector<16xf32>,
            tpu.vector_store_idx %arg10[%add3A_956], %get3A_912 : memref<48xf32, #tpu.memory_space<vmem>>[vector<16xi32>], vector<16xf32>,
            tpu.vector_store_idx %arg11[%add3A_946], %get3A_914 : memref<48xi32, #tpu.memory_space<vmem>>[vector<16xi32>], vector<16xi32>,
            tpu.vector_store_idx %arg11[%add3A_956], %get3A_916 : memref<48xi32, #tpu.memory_space<vmem>>[vector<16xi32>], vector<16xi32>,
            %eq3A_957 = arith.constant 0 : i32
            %eq3A_958 = vector.broadcast %eq3A_957 : i32 to vector<16xi32>
            %eq3A_959 = arith.cmpi eq, %iota3A, %eq3A_958 : vector<16xi32>
            %broadcast_in_dim3A_960 = vector.broadcast %add3A_943 : i32 to vector<16xi32>
            %broadcast_in_dim3A_961 = vector.broadcast %reduce_max3A_907 : f32 to vector<16xf32>
            tpu.vector_store_idx %arg10[%broadcast_in_dim3A_960], %broadcast_in_dim3A_961 masked %eq3A_959 : memref<48xf32, #tpu.memory_space<vmem>>[vector<16xi32>], vector<16xf32>, vector<16xi1>
            %broadcast_in_dim3A_962 = vector.broadcast %add3A_908 : i32 to vector<16xi32>
            tpu.vector_store_idx %arg11[%broadcast_in_dim3A_960], %broadcast_in_dim3A_962 masked %eq3A_959 : memref<48xi32, #tpu.memory_space<vmem>>[vector<16xi32>], vector<16xi32>, vector<16xi1>
            %le3A_963 = arith.constant 30 : i32
            %le3A_964 = arith.cmpi sle, %add3A_943, %le3A_963 : i32
            %slice3A = vector.extract_strided_slice %get3A_912 {offsets = [14], sizes = [1], strides = [1]} : vector<16xf32> to vector<1xf32>
            %squeeze3A = vector.extract %slice3A[0] : f32 from vector<1xf32>
            %select_n3A_965 = arith.select %le3A_964, %squeeze3A, %reduce_max3A_907 : f32
            %le3A_966 = arith.constant 30 : i32
            %le3A_967 = arith.cmpi sle, %add3A_943, %le3A_966 : i32
            %slice3A_968 = vector.extract_strided_slice %get3A_916 {offsets = [14], sizes = [1], strides = [1]} : vector<16xi32> to vector<1xi32>
            %squeeze3A_969 = vector.extract %slice3A_968[0] : i32 from vector<1xi32>
            %select_n3A_970 = arith.select %le3A_967, %squeeze3A_969, %add3A_908 : i32
            %min3A_971 = arith.minimumf %select_n3A_965, %reduce_max3A_66 : f32
            %le3A_972 = arith.cmpf ole, %select_n3A_965, %reduce_max3A_66 : f32
            %jit3A_973 = arith.constant 1073741824 : i32
            %select_n3A_974 = arith.select %le3A_972, %select_n3A_970, %jit3A_973 : i32
            %ne3A_975 = vector.broadcast %reduce_min3A_898 : i32 to vector<16xi32>
            %ne3A_976 = arith.cmpi ne, %iota3A, %ne3A_975 : vector<16xi32>
            %and3A_977 = arith.andi %while3A_884, %ne3A_976 : vector<16xi1>
            %sub3A_978 = arith.constant 1 : i32
            %sub3A_979 = arith.subi %while3A_885, %sub3A_978 : i32
            scf.yield %and3A_977, %sub3A_979, %min3A_971, %select_n3A_974 : vector<16xi1>, i32, f32, i32
          }
          %mul3A_857 = arith.constant 64 : i32
          %mul3A_858 = arith.muli %scan3A_769, %mul3A_857 : i32
          %add3A_859 = arith.constant 48 : i32
          %add3A_860 = arith.addi %mul3A_858, %add3A_859 : i32
          %get3A_861 = arith.index_cast %add3A_860 : i32 to index
          %get3A_862 = tpu.vector_load %arg7[%get3A_861] {strides = array<i32>} : memref<8192xf32, #tpu.memory_space<vmem>>, vector<16xf32>,
          %mul3A_863 = arith.constant 64 : i32
          %mul3A_864 = arith.muli %scan3A_769, %mul3A_863 : i32
          %add3A_865 = arith.addi %mul3A_37, %mul3A_864 : i32
          %add3A_866 = arith.constant 48 : i32
          %add3A_867 = arith.addi %add3A_865, %add3A_866 : i32
          %add3A_868 = vector.broadcast %add3A_867 : i32 to vector<16xi32>
          %add3A_869 = arith.addi %add3A_868, %iota3A : vector<16xi32>
          %lt3A_870 = vector.broadcast %while3A_856#2 : f32 to vector<16xf32>
          %lt3A_871 = arith.cmpf olt, %get3A_862, %lt3A_870 : vector<16xf32>
          %eq3A_872 = vector.broadcast %while3A_856#2 : f32 to vector<16xf32>
          %eq3A_873 = arith.cmpf oeq, %get3A_862, %eq3A_872 : vector<16xf32>
          %lt3A_874 = vector.broadcast %while3A_856#3 : i32 to vector<16xi32>
          %lt3A_875 = arith.cmpi slt, %add3A_869, %lt3A_874 : vector<16xi32>
          %and3A_876 = arith.andi %eq3A_873, %lt3A_875 : vector<16xi1>
          %or3A_877 = arith.ori %lt3A_871, %and3A_876 : vector<16xi1>
          %convert_element_type3A_878 = arith.extui %or3A_877 : vector<16xi1> to vector<16xi32>
          %reduce_sum3A_879 = arith.constant true
          %reduce_sum3A_880 = vector.broadcast %reduce_sum3A_879 : i1 to vector<16xi1>
          %reduce_sum3A_881 = tpu.scan <sum>, %convert_element_type3A_878 masked %reduce_sum3A_880 : vector<16xi32>, vector<16xi1> -> vector<16xi32>
          %reduce_sum3A_882 = vector.extract %reduce_sum3A_881[15] : i32 from vector<16xi32>
          %while3A_883:4 = scf.while (%while3A_884 = %or3A_877, %while3A_885 = %reduce_sum3A_882, %while3A_886 = %while3A_856#2, %while3A_887 = %while3A_856#3) : (vector<16xi1>, i32, f32, i32) -> (vector<16xi1>, i32, f32, i32) {
            %gt3A = arith.constant 0 : i32
            %gt3A_888 = arith.cmpi sgt, %while3A_885, %gt3A : i32
            scf.condition(%gt3A_888) %while3A_884, %while3A_885, %while3A_886, %while3A_887 : vector<16xi1>, i32, f32, i32
          } do {
          ^bb0(%while3A_884: vector<16xi1>, %while3A_885: i32, %while3A_886: f32, %while3A_887: i32):
            %jit3A_888 = arith.constant 16 : i32
            %broadcast_in_dim3A_889 = vector.broadcast %jit3A_888 : i32 to vector<16xi32>
            %select_n3A_890 = arith.select %while3A_884, %iota3A, %broadcast_in_dim3A_889 : vector<16xi1>, vector<16xi32>
            %reduce_min3A_891 = arith.constant true
            %reduce_min3A_892 = vector.broadcast %reduce_min3A_891 : i1 to vector<16xi1>
            %reduce_min3A_893 = arith.constant -2147483648 : i32
            %reduce_min3A_894 = vector.broadcast %reduce_min3A_893 : i32 to vector<16xi32>
            %reduce_min3A_895 = arith.xori %select_n3A_890, %reduce_min3A_894 : vector<16xi32>
            %reduce_min3A_896 = tpu.scan <min>, %reduce_min3A_895 masked %reduce_min3A_892 : vector<16xi32>, vector<16xi1> -> vector<16xi32>
            %reduce_min3A_897 = arith.xori %reduce_min3A_896, %reduce_min3A_894 : vector<16xi32>
            %reduce_min3A_898 = vector.extract %reduce_min3A_897[15] : i32 from vector<16xi32>
            %eq3A_899 = vector.broadcast %reduce_min3A_898 : i32 to vector<16xi32>
            %eq3A_900 = arith.cmpi eq, %iota3A, %eq3A_899 : vector<16xi32>
            %neg3A = arith.constant 0.000000e+00 : f32
            %neg3A_901 = arith.subf %neg3A, %scan3A_3 : f32
            %broadcast_in_dim3A_902 = vector.broadcast %neg3A_901 : f32 to vector<16xf32>
            %select_n3A_903 = arith.select %eq3A_900, %get3A_862, %broadcast_in_dim3A_902 : vector<16xi1>, vector<16xf32>
            %reduce_max3A_904 = arith.constant true
            %reduce_max3A_905 = vector.broadcast %reduce_max3A_904 : i1 to vector<16xi1>
            %reduce_max3A_906 = tpu.scan <max>, %select_n3A_903 masked %reduce_max3A_905 : vector<16xf32>, vector<16xi1> -> vector<16xf32>
            %reduce_max3A_907 = vector.extract %reduce_max3A_906[15] : f32 from vector<16xf32>
            %add3A_908 = arith.addi %add3A_867, %reduce_min3A_898 : i32
            %get3A_909 = arith.constant 0 : index
            %get3A_910 = tpu.vector_load %arg10[%get3A_909] {strides = array<i32>} : memref<48xf32, #tpu.memory_space<vmem>>, vector<16xf32>,
            %get3A_911 = arith.constant 16 : index
            %get3A_912 = tpu.vector_load %arg10[%get3A_911] {strides = array<i32>} : memref<48xf32, #tpu.memory_space<vmem>>, vector<16xf32>,
            %get3A_913 = arith.constant 0 : index
            %get3A_914 = tpu.vector_load %arg11[%get3A_913] {strides = array<i32>} : memref<48xi32, #tpu.memory_space<vmem>>, vector<16xi32>,
            %get3A_915 = arith.constant 16 : index
            %get3A_916 = tpu.vector_load %arg11[%get3A_915] {strides = array<i32>} : memref<48xi32, #tpu.memory_space<vmem>>, vector<16xi32>,
            %lt3A_917 = vector.broadcast %reduce_max3A_907 : f32 to vector<16xf32>
            %lt3A_918 = arith.cmpf olt, %get3A_910, %lt3A_917 : vector<16xf32>
            %eq3A_919 = vector.broadcast %reduce_max3A_907 : f32 to vector<16xf32>
            %eq3A_920 = arith.cmpf oeq, %get3A_910, %eq3A_919 : vector<16xf32>
            %lt3A_921 = vector.broadcast %add3A_908 : i32 to vector<16xi32>
            %lt3A_922 = arith.cmpi slt, %get3A_914, %lt3A_921 : vector<16xi32>
            %and3A_923 = arith.andi %eq3A_920, %lt3A_922 : vector<16xi1>
            %or3A_924 = arith.ori %lt3A_918, %and3A_923 : vector<16xi1>
            %lt3A_925 = vector.broadcast %reduce_max3A_907 : f32 to vector<16xf32>
            %lt3A_926 = arith.cmpf olt, %get3A_912, %lt3A_925 : vector<16xf32>
            %eq3A_927 = vector.broadcast %reduce_max3A_907 : f32 to vector<16xf32>
            %eq3A_928 = arith.cmpf oeq, %get3A_912, %eq3A_927 : vector<16xf32>
            %lt3A_929 = vector.broadcast %add3A_908 : i32 to vector<16xi32>
            %lt3A_930 = arith.cmpi slt, %get3A_916, %lt3A_929 : vector<16xi32>
            %and3A_931 = arith.andi %eq3A_928, %lt3A_930 : vector<16xi1>
            %or3A_932 = arith.ori %lt3A_926, %and3A_931 : vector<16xi1>
            %convert_element_type3A_933 = arith.extui %or3A_924 : vector<16xi1> to vector<16xi32>
            %reduce_sum3A_934 = arith.constant true
            %reduce_sum3A_935 = vector.broadcast %reduce_sum3A_934 : i1 to vector<16xi1>
            %reduce_sum3A_936 = tpu.scan <sum>, %convert_element_type3A_933 masked %reduce_sum3A_935 : vector<16xi32>, vector<16xi1> -> vector<16xi32>
            %reduce_sum3A_937 = vector.extract %reduce_sum3A_936[15] : i32 from vector<16xi32>
            %convert_element_type3A_938 = arith.extui %or3A_932 : vector<16xi1> to vector<16xi32>
            %reduce_sum3A_939 = arith.constant true
            %reduce_sum3A_940 = vector.broadcast %reduce_sum3A_939 : i1 to vector<16xi1>
            %reduce_sum3A_941 = tpu.scan <sum>, %convert_element_type3A_938 masked %reduce_sum3A_940 : vector<16xi32>, vector<16xi1> -> vector<16xi32>
            %reduce_sum3A_942 = vector.extract %reduce_sum3A_941[15] : i32 from vector<16xi32>
            %add3A_943 = arith.addi %reduce_sum3A_937, %reduce_sum3A_942 : i32
            %ge3A = vector.broadcast %add3A_943 : i32 to vector<16xi32>
            %ge3A_944 = arith.cmpi sge, %iota3A, %ge3A : vector<16xi32>
            %convert_element_type3A_945 = arith.extui %ge3A_944 : vector<16xi1> to vector<16xi32>
            %add3A_946 = arith.addi %iota3A, %convert_element_type3A_945 : vector<16xi32>
            %add3A_947 = arith.constant 16 : i32
            %add3A_948 = vector.broadcast %add3A_947 : i32 to vector<16xi32>
            %add3A_949 = arith.addi %add3A_948, %iota3A : vector<16xi32>
            %add3A_950 = arith.constant 16 : i32
            %add3A_951 = vector.broadcast %add3A_950 : i32 to vector<16xi32>
            %add3A_952 = arith.addi %add3A_951, %iota3A : vector<16xi32>
            %ge3A_953 = vector.broadcast %add3A_943 : i32 to vector<16xi32>
            %ge3A_954 = arith.cmpi sge, %add3A_952, %ge3A_953 : vector<16xi32>
            %convert_element_type3A_955 = arith.extui %ge3A_954 : vector<16xi1> to vector<16xi32>
            %add3A_956 = arith.addi %add3A_949, %convert_element_type3A_955 : vector<16xi32>
            tpu.vector_store_idx %arg10[%add3A_946], %get3A_910 : memref<48xf32, #tpu.memory_space<vmem>>[vector<16xi32>], vector<16xf32>,
            tpu.vector_store_idx %arg10[%add3A_956], %get3A_912 : memref<48xf32, #tpu.memory_space<vmem>>[vector<16xi32>], vector<16xf32>,
            tpu.vector_store_idx %arg11[%add3A_946], %get3A_914 : memref<48xi32, #tpu.memory_space<vmem>>[vector<16xi32>], vector<16xi32>,
            tpu.vector_store_idx %arg11[%add3A_956], %get3A_916 : memref<48xi32, #tpu.memory_space<vmem>>[vector<16xi32>], vector<16xi32>,
            %eq3A_957 = arith.constant 0 : i32
            %eq3A_958 = vector.broadcast %eq3A_957 : i32 to vector<16xi32>
            %eq3A_959 = arith.cmpi eq, %iota3A, %eq3A_958 : vector<16xi32>
            %broadcast_in_dim3A_960 = vector.broadcast %add3A_943 : i32 to vector<16xi32>
            %broadcast_in_dim3A_961 = vector.broadcast %reduce_max3A_907 : f32 to vector<16xf32>
            tpu.vector_store_idx %arg10[%broadcast_in_dim3A_960], %broadcast_in_dim3A_961 masked %eq3A_959 : memref<48xf32, #tpu.memory_space<vmem>>[vector<16xi32>], vector<16xf32>, vector<16xi1>
            %broadcast_in_dim3A_962 = vector.broadcast %add3A_908 : i32 to vector<16xi32>
            tpu.vector_store_idx %arg11[%broadcast_in_dim3A_960], %broadcast_in_dim3A_962 masked %eq3A_959 : memref<48xi32, #tpu.memory_space<vmem>>[vector<16xi32>], vector<16xi32>, vector<16xi1>
            %le3A_963 = arith.constant 30 : i32
            %le3A_964 = arith.cmpi sle, %add3A_943, %le3A_963 : i32
            %slice3A = vector.extract_strided_slice %get3A_912 {offsets = [14], sizes = [1], strides = [1]} : vector<16xf32> to vector<1xf32>
            %squeeze3A = vector.extract %slice3A[0] : f32 from vector<1xf32>
            %select_n3A_965 = arith.select %le3A_964, %squeeze3A, %reduce_max3A_907 : f32
            %le3A_966 = arith.constant 30 : i32
            %le3A_967 = arith.cmpi sle, %add3A_943, %le3A_966 : i32
            %slice3A_968 = vector.extract_strided_slice %get3A_916 {offsets = [14], sizes = [1], strides = [1]} : vector<16xi32> to vector<1xi32>
            %squeeze3A_969 = vector.extract %slice3A_968[0] : i32 from vector<1xi32>
            %select_n3A_970 = arith.select %le3A_967, %squeeze3A_969, %add3A_908 : i32
            %min3A_971 = arith.minimumf %select_n3A_965, %reduce_max3A_66 : f32
            %le3A_972 = arith.cmpf ole, %select_n3A_965, %reduce_max3A_66 : f32
            %jit3A_973 = arith.constant 1073741824 : i32
            %select_n3A_974 = arith.select %le3A_972, %select_n3A_970, %jit3A_973 : i32
            %ne3A_975 = vector.broadcast %reduce_min3A_898 : i32 to vector<16xi32>
            %ne3A_976 = arith.cmpi ne, %iota3A, %ne3A_975 : vector<16xi32>
            %and3A_977 = arith.andi %while3A_884, %ne3A_976 : vector<16xi1>
            %sub3A_978 = arith.constant 1 : i32
            %sub3A_979 = arith.subi %while3A_885, %sub3A_978 : i32
            scf.yield %and3A_977, %sub3A_979, %min3A_971, %select_n3A_974 : vector<16xi1>, i32, f32, i32
          }
          scf.yield %while3A_883#2, %while3A_883#3 : f32, i32
        } else {
          scf.yield %scan3A_770, %scan3A_771 : f32, i32
        }
        scf.yield %cond3A_780#0, %cond3A_780#1 : f32, i32
      }
      %scan3A_73 = arith.constant 128 : i32
      "tpu.region"() ({
        %run_scoped3A = tpu.sem_alloc : memref<!tpu.dma_semaphore, #tpu.memory_space<semaphore_mem>>
        %dma_start3A_769 = arith.constant 0 : i32
        %dma_start3A_770 = tpu.memref_slice %arg11[%dma_start3A_769] : memref<48xi32, #tpu.memory_space<vmem>> -> memref<32xi32, #tpu.memory_space<vmem>>
        %dma_start3A_771 = arith.constant 0 : i32
        %dma_start3A_772 = tpu.memref_slice %arg6[%add3A_12, %dma_start3A_771] : memref<4096x32xi32, #tpu.memory_space<hbm>> -> memref<1x32xi32, #tpu.memory_space<hbm>>
        %dma_start3A_773 = tpu.memref_squeeze %dma_start3A_772 : memref<1x32xi32, #tpu.memory_space<hbm>> -> memref<32xi32, #tpu.memory_space<hbm>>
        %dma_start3A_774 = arith.constant 0 : i32
        %dma_start3A_775 = tpu.memref_slice %arg6[%add3A_12, %dma_start3A_774] : memref<4096x32xi32, #tpu.memory_space<hbm>> -> memref<1x32xi32, #tpu.memory_space<hbm>>
        %dma_start3A_776 = tpu.memref_squeeze %dma_start3A_775 : memref<1x32xi32, #tpu.memory_space<hbm>> -> memref<32xi32, #tpu.memory_space<hbm>>
        %dma_start3A_777 = arith.constant 0 : i32
        %dma_start3A_778 = tpu.memref_slice %arg11[%dma_start3A_777] : memref<48xi32, #tpu.memory_space<vmem>> -> memref<32xi32, #tpu.memory_space<vmem>>
        tpu.enqueue_dma source(%dma_start3A_778 : memref<32xi32, #tpu.memory_space<vmem>>) target(%dma_start3A_776 : memref<32xi32, #tpu.memory_space<hbm>>) target_semaphore(%run_scoped3A : memref<!tpu.dma_semaphore, #tpu.memory_space<semaphore_mem>>)
        %dma_wait3A_779 = arith.constant 0 : i32
        %dma_wait3A_780 = tpu.memref_slice %arg11[%dma_wait3A_779] : memref<48xi32, #tpu.memory_space<vmem>> -> memref<32xi32, #tpu.memory_space<vmem>>
        %dma_wait3A_781 = arith.constant 0 : i32
        %dma_wait3A_782 = tpu.memref_slice %arg6[%add3A_12, %dma_wait3A_781] : memref<4096x32xi32, #tpu.memory_space<hbm>> -> memref<1x32xi32, #tpu.memory_space<hbm>>
        %dma_wait3A_783 = tpu.memref_squeeze %dma_wait3A_782 : memref<1x32xi32, #tpu.memory_space<hbm>> -> memref<32xi32, #tpu.memory_space<hbm>>
        %dma_wait3A_784 = arith.constant 0 : i32
        %dma_wait3A_785 = tpu.memref_slice %arg6[%add3A_12, %dma_wait3A_784] : memref<4096x32xi32, #tpu.memory_space<hbm>> -> memref<1x32xi32, #tpu.memory_space<hbm>>
        %dma_wait3A_786 = tpu.memref_squeeze %dma_wait3A_785 : memref<1x32xi32, #tpu.memory_space<hbm>> -> memref<32xi32, #tpu.memory_space<hbm>>
        %dma_wait3A_787 = arith.constant 0 : i32
        %dma_wait3A_788 = tpu.memref_slice %arg11[%dma_wait3A_787] : memref<48xi32, #tpu.memory_space<vmem>> -> memref<32xi32, #tpu.memory_space<vmem>>
        tpu.wait_dma2 semaphore(%run_scoped3A : memref<!tpu.dma_semaphore, #tpu.memory_space<semaphore_mem>>) src(%dma_wait3A_788 : memref<32xi32, #tpu.memory_space<vmem>>) dst(%dma_wait3A_786 : memref<32xi32, #tpu.memory_space<hbm>>)
        tpu.yield
      }) : () -> ()
      %dma_start3A_74 = arith.constant 0 : i32
      %dma_start3A_75 = tpu.memref_slice %arg11[%dma_start3A_74] : memref<48xi32, #tpu.memory_space<vmem>> -> memref<32xi32, #tpu.memory_space<vmem>>
      %dma_start3A_76 = arith.constant 0 : i32
      %dma_start3A_77 = arith.constant 0 : i32
      %dma_start3A_78 = tpu.memref_slice %arg3[%dma_start3A_76, %dma_start3A_77] : memref<131072x128xf32, #tpu.memory_space<hbm>> -> memref<131072x128xf32, #tpu.memory_space<hbm>>
      tpu.enqueue_indirect_dma source(%dma_start3A_78 : memref<131072x128xf32, #tpu.memory_space<hbm>>) target(%arg13 : memref<32x128xf32, #tpu.memory_space<vmem>>) offsets(%dma_start3A_75 : memref<32xi32, #tpu.memory_space<vmem>>) semaphore(%arg17 : memref<!tpu.dma_semaphore, #tpu.memory_space<semaphore_mem>>)
      %dma_wait3A = arith.constant 0 : i32
      %dma_wait3A_79 = tpu.memref_slice %arg11[%dma_wait3A] : memref<48xi32, #tpu.memory_space<vmem>> -> memref<32xi32, #tpu.memory_space<vmem>>
      %dma_wait3A_80 = arith.constant 0 : i32
      %dma_wait3A_81 = arith.constant 0 : i32
      %dma_wait3A_82 = tpu.memref_slice %arg3[%dma_wait3A_80, %dma_wait3A_81] : memref<131072x128xf32, #tpu.memory_space<hbm>> -> memref<131072x128xf32, #tpu.memory_space<hbm>>
      tpu.wait_indirect_dma semaphore(%arg17 : memref<!tpu.dma_semaphore, #tpu.memory_space<semaphore_mem>>) src(%dma_wait3A_82 : memref<131072x128xf32, #tpu.memory_space<hbm>>) dst(%arg13 : memref<32x128xf32, #tpu.memory_space<vmem>>)
      %sub3A_83 = arith.subi %add3A_12, %mul3A_2 : i32
      %get3A = arith.index_cast %sub3A_83 : i32 to index
      %get3A_84 = arith.constant 0 : index
      %get3A_85 = tpu.vector_load %arg12[%get3A, %get3A_84] {strides = array<i32>} : memref<128x16xf32, #tpu.memory_space<vmem>>, vector<16xf32>,
      %get3A_86 = arith.constant 0 : i32
      %get3A_87 = arith.index_cast %get3A_86 : i32 to index
      %get3A_88 = arith.constant 0 : index
      %get3A_89 = tpu.vector_load %arg13[%get3A_87, %get3A_88] {strides = array<i32>} : memref<32x128xf32, #tpu.memory_space<vmem>>, vector<16xf32>,
      %sub3A_90 = arith.subf %get3A_89, %get3A_85 : vector<16xf32>
      %swap3A_91 = arith.constant 0 : i32
      %swap3A_92 = arith.index_cast %swap3A_91 : i32 to index
      %swap3A_93 = arith.constant 0 : index
      %swap3A_94 = tpu.vector_load %arg14[%swap3A_92, %swap3A_93] {strides = array<i32>} : memref<32x16xf32, #tpu.memory_space<vmem>>, vector<16xf32>,
      tpu.vector_store %arg14[%swap3A_92, %swap3A_93], %sub3A_90 {strides = array<i32>} : memref<32x16xf32, #tpu.memory_space<vmem>>, vector<16xf32>,
      %get3A_95 = arith.constant 1 : i32
      %get3A_96 = arith.index_cast %get3A_95 : i32 to index
      %get3A_97 = arith.constant 0 : index
      %get3A_98 = tpu.vector_load %arg13[%get3A_96, %get3A_97] {strides = array<i32>} : memref<32x128xf32, #tpu.memory_space<vmem>>, vector<16xf32>,
      %sub3A_99 = arith.subf %get3A_98, %get3A_85 : vector<16xf32>
      %swap3A_100 = arith.constant 1 : i32
      %swap3A_101 = arith.index_cast %swap3A_100 : i32 to index
      %swap3A_102 = arith.constant 0 : index
      %swap3A_103 = tpu.vector_load %arg14[%swap3A_101, %swap3A_102] {strides = array<i32>} : memref<32x16xf32, #tpu.memory_space<vmem>>, vector<16xf32>,
      tpu.vector_store %arg14[%swap3A_101, %swap3A_102], %sub3A_99 {strides = array<i32>} : memref<32x16xf32, #tpu.memory_space<vmem>>, vector<16xf32>,
      %get3A_104 = arith.constant 2 : i32
      %get3A_105 = arith.index_cast %get3A_104 : i32 to index
      %get3A_106 = arith.constant 0 : index
      %get3A_107 = tpu.vector_load %arg13[%get3A_105, %get3A_106] {strides = array<i32>} : memref<32x128xf32, #tpu.memory_space<vmem>>, vector<16xf32>,
      %sub3A_108 = arith.subf %get3A_107, %get3A_85 : vector<16xf32>
      %swap3A_109 = arith.constant 2 : i32
      %swap3A_110 = arith.index_cast %swap3A_109 : i32 to index
      %swap3A_111 = arith.constant 0 : index
      %swap3A_112 = tpu.vector_load %arg14[%swap3A_110, %swap3A_111] {strides = array<i32>} : memref<32x16xf32, #tpu.memory_space<vmem>>, vector<16xf32>,
      tpu.vector_store %arg14[%swap3A_110, %swap3A_111], %sub3A_108 {strides = array<i32>} : memref<32x16xf32, #tpu.memory_space<vmem>>, vector<16xf32>,
      %get3A_113 = arith.constant 3 : i32
      %get3A_114 = arith.index_cast %get3A_113 : i32 to index
      %get3A_115 = arith.constant 0 : index
      %get3A_116 = tpu.vector_load %arg13[%get3A_114, %get3A_115] {strides = array<i32>} : memref<32x128xf32, #tpu.memory_space<vmem>>, vector<16xf32>,
      %sub3A_117 = arith.subf %get3A_116, %get3A_85 : vector<16xf32>
      %swap3A_118 = arith.constant 3 : i32
      %swap3A_119 = arith.index_cast %swap3A_118 : i32 to index
      %swap3A_120 = arith.constant 0 : index
      %swap3A_121 = tpu.vector_load %arg14[%swap3A_119, %swap3A_120] {strides = array<i32>} : memref<32x16xf32, #tpu.memory_space<vmem>>, vector<16xf32>,
      tpu.vector_store %arg14[%swap3A_119, %swap3A_120], %sub3A_117 {strides = array<i32>} : memref<32x16xf32, #tpu.memory_space<vmem>>, vector<16xf32>,
      %get3A_122 = arith.constant 4 : i32
      %get3A_123 = arith.index_cast %get3A_122 : i32 to index
      %get3A_124 = arith.constant 0 : index
      %get3A_125 = tpu.vector_load %arg13[%get3A_123, %get3A_124] {strides = array<i32>} : memref<32x128xf32, #tpu.memory_space<vmem>>, vector<16xf32>,
      %sub3A_126 = arith.subf %get3A_125, %get3A_85 : vector<16xf32>
      %swap3A_127 = arith.constant 4 : i32
      %swap3A_128 = arith.index_cast %swap3A_127 : i32 to index
      %swap3A_129 = arith.constant 0 : index
      %swap3A_130 = tpu.vector_load %arg14[%swap3A_128, %swap3A_129] {strides = array<i32>} : memref<32x16xf32, #tpu.memory_space<vmem>>, vector<16xf32>,
      tpu.vector_store %arg14[%swap3A_128, %swap3A_129], %sub3A_126 {strides = array<i32>} : memref<32x16xf32, #tpu.memory_space<vmem>>, vector<16xf32>,
      %get3A_131 = arith.constant 5 : i32
      %get3A_132 = arith.index_cast %get3A_131 : i32 to index
      %get3A_133 = arith.constant 0 : index
      %get3A_134 = tpu.vector_load %arg13[%get3A_132, %get3A_133] {strides = array<i32>} : memref<32x128xf32, #tpu.memory_space<vmem>>, vector<16xf32>,
      %sub3A_135 = arith.subf %get3A_134, %get3A_85 : vector<16xf32>
      %swap3A_136 = arith.constant 5 : i32
      %swap3A_137 = arith.index_cast %swap3A_136 : i32 to index
      %swap3A_138 = arith.constant 0 : index
      %swap3A_139 = tpu.vector_load %arg14[%swap3A_137, %swap3A_138] {strides = array<i32>} : memref<32x16xf32, #tpu.memory_space<vmem>>, vector<16xf32>,
      tpu.vector_store %arg14[%swap3A_137, %swap3A_138], %sub3A_135 {strides = array<i32>} : memref<32x16xf32, #tpu.memory_space<vmem>>, vector<16xf32>,
      %get3A_140 = arith.constant 6 : i32
      %get3A_141 = arith.index_cast %get3A_140 : i32 to index
      %get3A_142 = arith.constant 0 : index
      %get3A_143 = tpu.vector_load %arg13[%get3A_141, %get3A_142] {strides = array<i32>} : memref<32x128xf32, #tpu.memory_space<vmem>>, vector<16xf32>,
      %sub3A_144 = arith.subf %get3A_143, %get3A_85 : vector<16xf32>
      %swap3A_145 = arith.constant 6 : i32
      %swap3A_146 = arith.index_cast %swap3A_145 : i32 to index
      %swap3A_147 = arith.constant 0 : index
      %swap3A_148 = tpu.vector_load %arg14[%swap3A_146, %swap3A_147] {strides = array<i32>} : memref<32x16xf32, #tpu.memory_space<vmem>>, vector<16xf32>,
      tpu.vector_store %arg14[%swap3A_146, %swap3A_147], %sub3A_144 {strides = array<i32>} : memref<32x16xf32, #tpu.memory_space<vmem>>, vector<16xf32>,
      %get3A_149 = arith.constant 7 : i32
      %get3A_150 = arith.index_cast %get3A_149 : i32 to index
      %get3A_151 = arith.constant 0 : index
      %get3A_152 = tpu.vector_load %arg13[%get3A_150, %get3A_151] {strides = array<i32>} : memref<32x128xf32, #tpu.memory_space<vmem>>, vector<16xf32>,
      %sub3A_153 = arith.subf %get3A_152, %get3A_85 : vector<16xf32>
      %swap3A_154 = arith.constant 7 : i32
      %swap3A_155 = arith.index_cast %swap3A_154 : i32 to index
      %swap3A_156 = arith.constant 0 : index
      %swap3A_157 = tpu.vector_load %arg14[%swap3A_155, %swap3A_156] {strides = array<i32>} : memref<32x16xf32, #tpu.memory_space<vmem>>, vector<16xf32>,
      tpu.vector_store %arg14[%swap3A_155, %swap3A_156], %sub3A_153 {strides = array<i32>} : memref<32x16xf32, #tpu.memory_space<vmem>>, vector<16xf32>,
      %get3A_158 = arith.constant 8 : i32
      %get3A_159 = arith.index_cast %get3A_158 : i32 to index
      %get3A_160 = arith.constant 0 : index
      %get3A_161 = tpu.vector_load %arg13[%get3A_159, %get3A_160] {strides = array<i32>} : memref<32x128xf32, #tpu.memory_space<vmem>>, vector<16xf32>,
      %sub3A_162 = arith.subf %get3A_161, %get3A_85 : vector<16xf32>
      %swap3A_163 = arith.constant 8 : i32
      %swap3A_164 = arith.index_cast %swap3A_163 : i32 to index
      %swap3A_165 = arith.constant 0 : index
      %swap3A_166 = tpu.vector_load %arg14[%swap3A_164, %swap3A_165] {strides = array<i32>} : memref<32x16xf32, #tpu.memory_space<vmem>>, vector<16xf32>,
      tpu.vector_store %arg14[%swap3A_164, %swap3A_165], %sub3A_162 {strides = array<i32>} : memref<32x16xf32, #tpu.memory_space<vmem>>, vector<16xf32>,
      %get3A_167 = arith.constant 9 : i32
      %get3A_168 = arith.index_cast %get3A_167 : i32 to index
      %get3A_169 = arith.constant 0 : index
      %get3A_170 = tpu.vector_load %arg13[%get3A_168, %get3A_169] {strides = array<i32>} : memref<32x128xf32, #tpu.memory_space<vmem>>, vector<16xf32>,
      %sub3A_171 = arith.subf %get3A_170, %get3A_85 : vector<16xf32>
      %swap3A_172 = arith.constant 9 : i32
      %swap3A_173 = arith.index_cast %swap3A_172 : i32 to index
      %swap3A_174 = arith.constant 0 : index
      %swap3A_175 = tpu.vector_load %arg14[%swap3A_173, %swap3A_174] {strides = array<i32>} : memref<32x16xf32, #tpu.memory_space<vmem>>, vector<16xf32>,
      tpu.vector_store %arg14[%swap3A_173, %swap3A_174], %sub3A_171 {strides = array<i32>} : memref<32x16xf32, #tpu.memory_space<vmem>>, vector<16xf32>,
      %get3A_176 = arith.constant 10 : i32
      %get3A_177 = arith.index_cast %get3A_176 : i32 to index
      %get3A_178 = arith.constant 0 : index
      %get3A_179 = tpu.vector_load %arg13[%get3A_177, %get3A_178] {strides = array<i32>} : memref<32x128xf32, #tpu.memory_space<vmem>>, vector<16xf32>,
      %sub3A_180 = arith.subf %get3A_179, %get3A_85 : vector<16xf32>
      %swap3A_181 = arith.constant 10 : i32
      %swap3A_182 = arith.index_cast %swap3A_181 : i32 to index
      %swap3A_183 = arith.constant 0 : index
      %swap3A_184 = tpu.vector_load %arg14[%swap3A_182, %swap3A_183] {strides = array<i32>} : memref<32x16xf32, #tpu.memory_space<vmem>>, vector<16xf32>,
      tpu.vector_store %arg14[%swap3A_182, %swap3A_183], %sub3A_180 {strides = array<i32>} : memref<32x16xf32, #tpu.memory_space<vmem>>, vector<16xf32>,
      %get3A_185 = arith.constant 11 : i32
      %get3A_186 = arith.index_cast %get3A_185 : i32 to index
      %get3A_187 = arith.constant 0 : index
      %get3A_188 = tpu.vector_load %arg13[%get3A_186, %get3A_187] {strides = array<i32>} : memref<32x128xf32, #tpu.memory_space<vmem>>, vector<16xf32>,
      %sub3A_189 = arith.subf %get3A_188, %get3A_85 : vector<16xf32>
      %swap3A_190 = arith.constant 11 : i32
      %swap3A_191 = arith.index_cast %swap3A_190 : i32 to index
      %swap3A_192 = arith.constant 0 : index
      %swap3A_193 = tpu.vector_load %arg14[%swap3A_191, %swap3A_192] {strides = array<i32>} : memref<32x16xf32, #tpu.memory_space<vmem>>, vector<16xf32>,
      tpu.vector_store %arg14[%swap3A_191, %swap3A_192], %sub3A_189 {strides = array<i32>} : memref<32x16xf32, #tpu.memory_space<vmem>>, vector<16xf32>,
      %get3A_194 = arith.constant 12 : i32
      %get3A_195 = arith.index_cast %get3A_194 : i32 to index
      %get3A_196 = arith.constant 0 : index
      %get3A_197 = tpu.vector_load %arg13[%get3A_195, %get3A_196] {strides = array<i32>} : memref<32x128xf32, #tpu.memory_space<vmem>>, vector<16xf32>,
      %sub3A_198 = arith.subf %get3A_197, %get3A_85 : vector<16xf32>
      %swap3A_199 = arith.constant 12 : i32
      %swap3A_200 = arith.index_cast %swap3A_199 : i32 to index
      %swap3A_201 = arith.constant 0 : index
      %swap3A_202 = tpu.vector_load %arg14[%swap3A_200, %swap3A_201] {strides = array<i32>} : memref<32x16xf32, #tpu.memory_space<vmem>>, vector<16xf32>,
      tpu.vector_store %arg14[%swap3A_200, %swap3A_201], %sub3A_198 {strides = array<i32>} : memref<32x16xf32, #tpu.memory_space<vmem>>, vector<16xf32>,
      %get3A_203 = arith.constant 13 : i32
      %get3A_204 = arith.index_cast %get3A_203 : i32 to index
      %get3A_205 = arith.constant 0 : index
      %get3A_206 = tpu.vector_load %arg13[%get3A_204, %get3A_205] {strides = array<i32>} : memref<32x128xf32, #tpu.memory_space<vmem>>, vector<16xf32>,
      %sub3A_207 = arith.subf %get3A_206, %get3A_85 : vector<16xf32>
      %swap3A_208 = arith.constant 13 : i32
      %swap3A_209 = arith.index_cast %swap3A_208 : i32 to index
      %swap3A_210 = arith.constant 0 : index
      %swap3A_211 = tpu.vector_load %arg14[%swap3A_209, %swap3A_210] {strides = array<i32>} : memref<32x16xf32, #tpu.memory_space<vmem>>, vector<16xf32>,
      tpu.vector_store %arg14[%swap3A_209, %swap3A_210], %sub3A_207 {strides = array<i32>} : memref<32x16xf32, #tpu.memory_space<vmem>>, vector<16xf32>,
      %get3A_212 = arith.constant 14 : i32
      %get3A_213 = arith.index_cast %get3A_212 : i32 to index
      %get3A_214 = arith.constant 0 : index
      %get3A_215 = tpu.vector_load %arg13[%get3A_213, %get3A_214] {strides = array<i32>} : memref<32x128xf32, #tpu.memory_space<vmem>>, vector<16xf32>,
      %sub3A_216 = arith.subf %get3A_215, %get3A_85 : vector<16xf32>
      %swap3A_217 = arith.constant 14 : i32
      %swap3A_218 = arith.index_cast %swap3A_217 : i32 to index
      %swap3A_219 = arith.constant 0 : index
      %swap3A_220 = tpu.vector_load %arg14[%swap3A_218, %swap3A_219] {strides = array<i32>} : memref<32x16xf32, #tpu.memory_space<vmem>>, vector<16xf32>,
      tpu.vector_store %arg14[%swap3A_218, %swap3A_219], %sub3A_216 {strides = array<i32>} : memref<32x16xf32, #tpu.memory_space<vmem>>, vector<16xf32>,
      %get3A_221 = arith.constant 15 : i32
      %get3A_222 = arith.index_cast %get3A_221 : i32 to index
      %get3A_223 = arith.constant 0 : index
      %get3A_224 = tpu.vector_load %arg13[%get3A_222, %get3A_223] {strides = array<i32>} : memref<32x128xf32, #tpu.memory_space<vmem>>, vector<16xf32>,
      %sub3A_225 = arith.subf %get3A_224, %get3A_85 : vector<16xf32>
      %swap3A_226 = arith.constant 15 : i32
      %swap3A_227 = arith.index_cast %swap3A_226 : i32 to index
      %swap3A_228 = arith.constant 0 : index
      %swap3A_229 = tpu.vector_load %arg14[%swap3A_227, %swap3A_228] {strides = array<i32>} : memref<32x16xf32, #tpu.memory_space<vmem>>, vector<16xf32>,
      tpu.vector_store %arg14[%swap3A_227, %swap3A_228], %sub3A_225 {strides = array<i32>} : memref<32x16xf32, #tpu.memory_space<vmem>>, vector<16xf32>,
      %get3A_230 = arith.constant 16 : i32
      %get3A_231 = arith.index_cast %get3A_230 : i32 to index
      %get3A_232 = arith.constant 0 : index
      %get3A_233 = tpu.vector_load %arg13[%get3A_231, %get3A_232] {strides = array<i32>} : memref<32x128xf32, #tpu.memory_space<vmem>>, vector<16xf32>,
      %sub3A_234 = arith.subf %get3A_233, %get3A_85 : vector<16xf32>
      %swap3A_235 = arith.constant 16 : i32
      %swap3A_236 = arith.index_cast %swap3A_235 : i32 to index
      %swap3A_237 = arith.constant 0 : index
      %swap3A_238 = tpu.vector_load %arg14[%swap3A_236, %swap3A_237] {strides = array<i32>} : memref<32x16xf32, #tpu.memory_space<vmem>>, vector<16xf32>,
      tpu.vector_store %arg14[%swap3A_236, %swap3A_237], %sub3A_234 {strides = array<i32>} : memref<32x16xf32, #tpu.memory_space<vmem>>, vector<16xf32>,
      %get3A_239 = arith.constant 17 : i32
      %get3A_240 = arith.index_cast %get3A_239 : i32 to index
      %get3A_241 = arith.constant 0 : index
      %get3A_242 = tpu.vector_load %arg13[%get3A_240, %get3A_241] {strides = array<i32>} : memref<32x128xf32, #tpu.memory_space<vmem>>, vector<16xf32>,
      %sub3A_243 = arith.subf %get3A_242, %get3A_85 : vector<16xf32>
      %swap3A_244 = arith.constant 17 : i32
      %swap3A_245 = arith.index_cast %swap3A_244 : i32 to index
      %swap3A_246 = arith.constant 0 : index
      %swap3A_247 = tpu.vector_load %arg14[%swap3A_245, %swap3A_246] {strides = array<i32>} : memref<32x16xf32, #tpu.memory_space<vmem>>, vector<16xf32>,
      tpu.vector_store %arg14[%swap3A_245, %swap3A_246], %sub3A_243 {strides = array<i32>} : memref<32x16xf32, #tpu.memory_space<vmem>>, vector<16xf32>,
      %get3A_248 = arith.constant 18 : i32
      %get3A_249 = arith.index_cast %get3A_248 : i32 to index
      %get3A_250 = arith.constant 0 : index
      %get3A_251 = tpu.vector_load %arg13[%get3A_249, %get3A_250] {strides = array<i32>} : memref<32x128xf32, #tpu.memory_space<vmem>>, vector<16xf32>,
      %sub3A_252 = arith.subf %get3A_251, %get3A_85 : vector<16xf32>
      %swap3A_253 = arith.constant 18 : i32
      %swap3A_254 = arith.index_cast %swap3A_253 : i32 to index
      %swap3A_255 = arith.constant 0 : index
      %swap3A_256 = tpu.vector_load %arg14[%swap3A_254, %swap3A_255] {strides = array<i32>} : memref<32x16xf32, #tpu.memory_space<vmem>>, vector<16xf32>,
      tpu.vector_store %arg14[%swap3A_254, %swap3A_255], %sub3A_252 {strides = array<i32>} : memref<32x16xf32, #tpu.memory_space<vmem>>, vector<16xf32>,
      %get3A_257 = arith.constant 19 : i32
      %get3A_258 = arith.index_cast %get3A_257 : i32 to index
      %get3A_259 = arith.constant 0 : index
      %get3A_260 = tpu.vector_load %arg13[%get3A_258, %get3A_259] {strides = array<i32>} : memref<32x128xf32, #tpu.memory_space<vmem>>, vector<16xf32>,
      %sub3A_261 = arith.subf %get3A_260, %get3A_85 : vector<16xf32>
      %swap3A_262 = arith.constant 19 : i32
      %swap3A_263 = arith.index_cast %swap3A_262 : i32 to index
      %swap3A_264 = arith.constant 0 : index
      %swap3A_265 = tpu.vector_load %arg14[%swap3A_263, %swap3A_264] {strides = array<i32>} : memref<32x16xf32, #tpu.memory_space<vmem>>, vector<16xf32>,
      tpu.vector_store %arg14[%swap3A_263, %swap3A_264], %sub3A_261 {strides = array<i32>} : memref<32x16xf32, #tpu.memory_space<vmem>>, vector<16xf32>,
      %get3A_266 = arith.constant 20 : i32
      %get3A_267 = arith.index_cast %get3A_266 : i32 to index
      %get3A_268 = arith.constant 0 : index
      %get3A_269 = tpu.vector_load %arg13[%get3A_267, %get3A_268] {strides = array<i32>} : memref<32x128xf32, #tpu.memory_space<vmem>>, vector<16xf32>,
      %sub3A_270 = arith.subf %get3A_269, %get3A_85 : vector<16xf32>
      %swap3A_271 = arith.constant 20 : i32
      %swap3A_272 = arith.index_cast %swap3A_271 : i32 to index
      %swap3A_273 = arith.constant 0 : index
      %swap3A_274 = tpu.vector_load %arg14[%swap3A_272, %swap3A_273] {strides = array<i32>} : memref<32x16xf32, #tpu.memory_space<vmem>>, vector<16xf32>,
      tpu.vector_store %arg14[%swap3A_272, %swap3A_273], %sub3A_270 {strides = array<i32>} : memref<32x16xf32, #tpu.memory_space<vmem>>, vector<16xf32>,
      %get3A_275 = arith.constant 21 : i32
      %get3A_276 = arith.index_cast %get3A_275 : i32 to index
      %get3A_277 = arith.constant 0 : index
      %get3A_278 = tpu.vector_load %arg13[%get3A_276, %get3A_277] {strides = array<i32>} : memref<32x128xf32, #tpu.memory_space<vmem>>, vector<16xf32>,
      %sub3A_279 = arith.subf %get3A_278, %get3A_85 : vector<16xf32>
      %swap3A_280 = arith.constant 21 : i32
      %swap3A_281 = arith.index_cast %swap3A_280 : i32 to index
      %swap3A_282 = arith.constant 0 : index
      %swap3A_283 = tpu.vector_load %arg14[%swap3A_281, %swap3A_282] {strides = array<i32>} : memref<32x16xf32, #tpu.memory_space<vmem>>, vector<16xf32>,
      tpu.vector_store %arg14[%swap3A_281, %swap3A_282], %sub3A_279 {strides = array<i32>} : memref<32x16xf32, #tpu.memory_space<vmem>>, vector<16xf32>,
      %get3A_284 = arith.constant 22 : i32
      %get3A_285 = arith.index_cast %get3A_284 : i32 to index
      %get3A_286 = arith.constant 0 : index
      %get3A_287 = tpu.vector_load %arg13[%get3A_285, %get3A_286] {strides = array<i32>} : memref<32x128xf32, #tpu.memory_space<vmem>>, vector<16xf32>,
      %sub3A_288 = arith.subf %get3A_287, %get3A_85 : vector<16xf32>
      %swap3A_289 = arith.constant 22 : i32
      %swap3A_290 = arith.index_cast %swap3A_289 : i32 to index
      %swap3A_291 = arith.constant 0 : index
      %swap3A_292 = tpu.vector_load %arg14[%swap3A_290, %swap3A_291] {strides = array<i32>} : memref<32x16xf32, #tpu.memory_space<vmem>>, vector<16xf32>,
      tpu.vector_store %arg14[%swap3A_290, %swap3A_291], %sub3A_288 {strides = array<i32>} : memref<32x16xf32, #tpu.memory_space<vmem>>, vector<16xf32>,
      %get3A_293 = arith.constant 23 : i32
      %get3A_294 = arith.index_cast %get3A_293 : i32 to index
      %get3A_295 = arith.constant 0 : index
      %get3A_296 = tpu.vector_load %arg13[%get3A_294, %get3A_295] {strides = array<i32>} : memref<32x128xf32, #tpu.memory_space<vmem>>, vector<16xf32>,
      %sub3A_297 = arith.subf %get3A_296, %get3A_85 : vector<16xf32>
      %swap3A_298 = arith.constant 23 : i32
      %swap3A_299 = arith.index_cast %swap3A_298 : i32 to index
      %swap3A_300 = arith.constant 0 : index
      %swap3A_301 = tpu.vector_load %arg14[%swap3A_299, %swap3A_300] {strides = array<i32>} : memref<32x16xf32, #tpu.memory_space<vmem>>, vector<16xf32>,
      tpu.vector_store %arg14[%swap3A_299, %swap3A_300], %sub3A_297 {strides = array<i32>} : memref<32x16xf32, #tpu.memory_space<vmem>>, vector<16xf32>,
      %get3A_302 = arith.constant 24 : i32
      %get3A_303 = arith.index_cast %get3A_302 : i32 to index
      %get3A_304 = arith.constant 0 : index
      %get3A_305 = tpu.vector_load %arg13[%get3A_303, %get3A_304] {strides = array<i32>} : memref<32x128xf32, #tpu.memory_space<vmem>>, vector<16xf32>,
      %sub3A_306 = arith.subf %get3A_305, %get3A_85 : vector<16xf32>
      %swap3A_307 = arith.constant 24 : i32
      %swap3A_308 = arith.index_cast %swap3A_307 : i32 to index
      %swap3A_309 = arith.constant 0 : index
      %swap3A_310 = tpu.vector_load %arg14[%swap3A_308, %swap3A_309] {strides = array<i32>} : memref<32x16xf32, #tpu.memory_space<vmem>>, vector<16xf32>,
      tpu.vector_store %arg14[%swap3A_308, %swap3A_309], %sub3A_306 {strides = array<i32>} : memref<32x16xf32, #tpu.memory_space<vmem>>, vector<16xf32>,
      %get3A_311 = arith.constant 25 : i32
      %get3A_312 = arith.index_cast %get3A_311 : i32 to index
      %get3A_313 = arith.constant 0 : index
      %get3A_314 = tpu.vector_load %arg13[%get3A_312, %get3A_313] {strides = array<i32>} : memref<32x128xf32, #tpu.memory_space<vmem>>, vector<16xf32>,
      %sub3A_315 = arith.subf %get3A_314, %get3A_85 : vector<16xf32>
      %swap3A_316 = arith.constant 25 : i32
      %swap3A_317 = arith.index_cast %swap3A_316 : i32 to index
      %swap3A_318 = arith.constant 0 : index
      %swap3A_319 = tpu.vector_load %arg14[%swap3A_317, %swap3A_318] {strides = array<i32>} : memref<32x16xf32, #tpu.memory_space<vmem>>, vector<16xf32>,
      tpu.vector_store %arg14[%swap3A_317, %swap3A_318], %sub3A_315 {strides = array<i32>} : memref<32x16xf32, #tpu.memory_space<vmem>>, vector<16xf32>,
      %get3A_320 = arith.constant 26 : i32
      %get3A_321 = arith.index_cast %get3A_320 : i32 to index
      %get3A_322 = arith.constant 0 : index
      %get3A_323 = tpu.vector_load %arg13[%get3A_321, %get3A_322] {strides = array<i32>} : memref<32x128xf32, #tpu.memory_space<vmem>>, vector<16xf32>,
      %sub3A_324 = arith.subf %get3A_323, %get3A_85 : vector<16xf32>
      %swap3A_325 = arith.constant 26 : i32
      %swap3A_326 = arith.index_cast %swap3A_325 : i32 to index
      %swap3A_327 = arith.constant 0 : index
      %swap3A_328 = tpu.vector_load %arg14[%swap3A_326, %swap3A_327] {strides = array<i32>} : memref<32x16xf32, #tpu.memory_space<vmem>>, vector<16xf32>,
      tpu.vector_store %arg14[%swap3A_326, %swap3A_327], %sub3A_324 {strides = array<i32>} : memref<32x16xf32, #tpu.memory_space<vmem>>, vector<16xf32>,
      %get3A_329 = arith.constant 27 : i32
      %get3A_330 = arith.index_cast %get3A_329 : i32 to index
      %get3A_331 = arith.constant 0 : index
      %get3A_332 = tpu.vector_load %arg13[%get3A_330, %get3A_331] {strides = array<i32>} : memref<32x128xf32, #tpu.memory_space<vmem>>, vector<16xf32>,
      %sub3A_333 = arith.subf %get3A_332, %get3A_85 : vector<16xf32>
      %swap3A_334 = arith.constant 27 : i32
      %swap3A_335 = arith.index_cast %swap3A_334 : i32 to index
      %swap3A_336 = arith.constant 0 : index
      %swap3A_337 = tpu.vector_load %arg14[%swap3A_335, %swap3A_336] {strides = array<i32>} : memref<32x16xf32, #tpu.memory_space<vmem>>, vector<16xf32>,
      tpu.vector_store %arg14[%swap3A_335, %swap3A_336], %sub3A_333 {strides = array<i32>} : memref<32x16xf32, #tpu.memory_space<vmem>>, vector<16xf32>,
      %get3A_338 = arith.constant 28 : i32
      %get3A_339 = arith.index_cast %get3A_338 : i32 to index
      %get3A_340 = arith.constant 0 : index
      %get3A_341 = tpu.vector_load %arg13[%get3A_339, %get3A_340] {strides = array<i32>} : memref<32x128xf32, #tpu.memory_space<vmem>>, vector<16xf32>,
      %sub3A_342 = arith.subf %get3A_341, %get3A_85 : vector<16xf32>
      %swap3A_343 = arith.constant 28 : i32
      %swap3A_344 = arith.index_cast %swap3A_343 : i32 to index
      %swap3A_345 = arith.constant 0 : index
      %swap3A_346 = tpu.vector_load %arg14[%swap3A_344, %swap3A_345] {strides = array<i32>} : memref<32x16xf32, #tpu.memory_space<vmem>>, vector<16xf32>,
      tpu.vector_store %arg14[%swap3A_344, %swap3A_345], %sub3A_342 {strides = array<i32>} : memref<32x16xf32, #tpu.memory_space<vmem>>, vector<16xf32>,
      %get3A_347 = arith.constant 29 : i32
      %get3A_348 = arith.index_cast %get3A_347 : i32 to index
      %get3A_349 = arith.constant 0 : index
      %get3A_350 = tpu.vector_load %arg13[%get3A_348, %get3A_349] {strides = array<i32>} : memref<32x128xf32, #tpu.memory_space<vmem>>, vector<16xf32>,
      %sub3A_351 = arith.subf %get3A_350, %get3A_85 : vector<16xf32>
      %swap3A_352 = arith.constant 29 : i32
      %swap3A_353 = arith.index_cast %swap3A_352 : i32 to index
      %swap3A_354 = arith.constant 0 : index
      %swap3A_355 = tpu.vector_load %arg14[%swap3A_353, %swap3A_354] {strides = array<i32>} : memref<32x16xf32, #tpu.memory_space<vmem>>, vector<16xf32>,
      tpu.vector_store %arg14[%swap3A_353, %swap3A_354], %sub3A_351 {strides = array<i32>} : memref<32x16xf32, #tpu.memory_space<vmem>>, vector<16xf32>,
      %get3A_356 = arith.constant 30 : i32
      %get3A_357 = arith.index_cast %get3A_356 : i32 to index
      %get3A_358 = arith.constant 0 : index
      %get3A_359 = tpu.vector_load %arg13[%get3A_357, %get3A_358] {strides = array<i32>} : memref<32x128xf32, #tpu.memory_space<vmem>>, vector<16xf32>,
      %sub3A_360 = arith.subf %get3A_359, %get3A_85 : vector<16xf32>
      %swap3A_361 = arith.constant 30 : i32
      %swap3A_362 = arith.index_cast %swap3A_361 : i32 to index
      %swap3A_363 = arith.constant 0 : index
      %swap3A_364 = tpu.vector_load %arg14[%swap3A_362, %swap3A_363] {strides = array<i32>} : memref<32x16xf32, #tpu.memory_space<vmem>>, vector<16xf32>,
      tpu.vector_store %arg14[%swap3A_362, %swap3A_363], %sub3A_360 {strides = array<i32>} : memref<32x16xf32, #tpu.memory_space<vmem>>, vector<16xf32>,
      %get3A_365 = arith.constant 31 : i32
      %get3A_366 = arith.index_cast %get3A_365 : i32 to index
      %get3A_367 = arith.constant 0 : index
      %get3A_368 = tpu.vector_load %arg13[%get3A_366, %get3A_367] {strides = array<i32>} : memref<32x128xf32, #tpu.memory_space<vmem>>, vector<16xf32>,
      %sub3A_369 = arith.subf %get3A_368, %get3A_85 : vector<16xf32>
      %swap3A_370 = arith.constant 31 : i32
      %swap3A_371 = arith.index_cast %swap3A_370 : i32 to index
      %swap3A_372 = arith.constant 0 : index
      %swap3A_373 = tpu.vector_load %arg14[%swap3A_371, %swap3A_372] {strides = array<i32>} : memref<32x16xf32, #tpu.memory_space<vmem>>, vector<16xf32>,
      tpu.vector_store %arg14[%swap3A_371, %swap3A_372], %sub3A_369 {strides = array<i32>} : memref<32x16xf32, #tpu.memory_space<vmem>>, vector<16xf32>,
      %mul3A_374 = arith.constant 32 : i32
      %mul3A_375 = arith.muli %add3A_12, %mul3A_374 : i32
      "tpu.region"() ({
        %run_scoped3A = tpu.sem_alloc : memref<!tpu.dma_semaphore, #tpu.memory_space<semaphore_mem>>
        %dma_start3A_769 = arith.constant 0 : i32
        %dma_start3A_770 = tpu.memref_slice %arg5[%mul3A_375, %dma_start3A_769] : memref<131072x16xf32, #tpu.memory_space<hbm>> -> memref<32x16xf32, #tpu.memory_space<hbm>>
        %dma_start3A_771 = arith.constant 0 : i32
        %dma_start3A_772 = tpu.memref_slice %arg5[%mul3A_375, %dma_start3A_771] : memref<131072x16xf32, #tpu.memory_space<hbm>> -> memref<32x16xf32, #tpu.memory_space<hbm>>
        tpu.enqueue_dma source(%arg14 : memref<32x16xf32, #tpu.memory_space<vmem>>) target(%dma_start3A_772 : memref<32x16xf32, #tpu.memory_space<hbm>>) target_semaphore(%run_scoped3A : memref<!tpu.dma_semaphore, #tpu.memory_space<semaphore_mem>>)
        %dma_wait3A_773 = arith.constant 0 : i32
        %dma_wait3A_774 = tpu.memref_slice %arg5[%mul3A_375, %dma_wait3A_773] : memref<131072x16xf32, #tpu.memory_space<hbm>> -> memref<32x16xf32, #tpu.memory_space<hbm>>
        %dma_wait3A_775 = arith.constant 0 : i32
        %dma_wait3A_776 = tpu.memref_slice %arg5[%mul3A_375, %dma_wait3A_775] : memref<131072x16xf32, #tpu.memory_space<hbm>> -> memref<32x16xf32, #tpu.memory_space<hbm>>
        tpu.wait_dma2 semaphore(%run_scoped3A : memref<!tpu.dma_semaphore, #tpu.memory_space<semaphore_mem>>) src(%arg14 : memref<32x16xf32, #tpu.memory_space<vmem>>) dst(%dma_wait3A_776 : memref<32x16xf32, #tpu.memory_space<hbm>>)
        tpu.yield
      }) : () -> ()
      %dma_wait3A_376 = arith.constant 0 : i32
      %dma_wait3A_377 = tpu.memref_slice %arg2[%add3A_14, %dma_wait3A_376] : memref<4096x8192xf32, #tpu.memory_space<hbm>> -> memref<1x8192xf32, #tpu.memory_space<hbm>>
      %dma_wait3A_378 = tpu.memref_squeeze %dma_wait3A_377 : memref<1x8192xf32, #tpu.memory_space<hbm>> -> memref<8192xf32, #tpu.memory_space<hbm>>
      %dma_wait3A_379 = arith.constant 0 : i32
      %dma_wait3A_380 = tpu.memref_slice %arg2[%add3A_14, %dma_wait3A_379] : memref<4096x8192xf32, #tpu.memory_space<hbm>> -> memref<1x8192xf32, #tpu.memory_space<hbm>>
      %dma_wait3A_381 = tpu.memref_squeeze %dma_wait3A_380 : memref<1x8192xf32, #tpu.memory_space<hbm>> -> memref<8192xf32, #tpu.memory_space<hbm>>
      tpu.wait_dma2 semaphore(%arg16 : memref<!tpu.dma_semaphore, #tpu.memory_space<semaphore_mem>>) src(%dma_wait3A_381 : memref<8192xf32, #tpu.memory_space<hbm>>) dst(%arg8 : memref<8192xf32, #tpu.memory_space<vmem>>)
      %add3A_382 = arith.constant 2 : i32
      %add3A_383 = arith.addi %add3A_12, %add3A_382 : i32
      %min3A = arith.constant 4095 : i32
      %min3A_384 = arith.minsi %add3A_383, %min3A : i32
      %dma_start3A_385 = arith.constant 0 : i32
      %dma_start3A_386 = tpu.memref_slice %arg2[%min3A_384, %dma_start3A_385] : memref<4096x8192xf32, #tpu.memory_space<hbm>> -> memref<1x8192xf32, #tpu.memory_space<hbm>>
      %dma_start3A_387 = tpu.memref_squeeze %dma_start3A_386 : memref<1x8192xf32, #tpu.memory_space<hbm>> -> memref<8192xf32, #tpu.memory_space<hbm>>
      %dma_start3A_388 = arith.constant 0 : i32
      %dma_start3A_389 = tpu.memref_slice %arg2[%min3A_384, %dma_start3A_388] : memref<4096x8192xf32, #tpu.memory_space<hbm>> -> memref<1x8192xf32, #tpu.memory_space<hbm>>
      %dma_start3A_390 = tpu.memref_squeeze %dma_start3A_389 : memref<1x8192xf32, #tpu.memory_space<hbm>> -> memref<8192xf32, #tpu.memory_space<hbm>>
      tpu.enqueue_dma source(%dma_start3A_390 : memref<8192xf32, #tpu.memory_space<hbm>>) target(%arg7 : memref<8192xf32, #tpu.memory_space<vmem>>) target_semaphore(%arg15 : memref<!tpu.dma_semaphore, #tpu.memory_space<semaphore_mem>>)
      %add3A_391 = arith.constant 1 : i32
      %add3A_392 = arith.addi %add3A_12, %add3A_391 : i32
      %jit3A_393 = arith.constant 256 : i32
      %div3A_394 = arith.divsi %add3A_392, %jit3A_393 : i32
      %sign3A_395 = arith.constant 0 : i32
      %sign3A_396 = arith.cmpi sgt, %add3A_392, %sign3A_395 : i32
      %sign3A_397 = arith.extui %sign3A_396 : i1 to i32
      %sign3A_398 = arith.constant 0 : i32
      %sign3A_399 = arith.cmpi slt, %add3A_392, %sign3A_398 : i32
      %sign3A_400 = arith.extui %sign3A_399 : i1 to i32
      %sign3A_401 = arith.subi %sign3A_397, %sign3A_400 : i32
      %sign3A_402 = arith.constant 0 : i32
      %sign3A_403 = arith.cmpi sgt, %jit3A_393, %sign3A_402 : i32
      %sign3A_404 = arith.extui %sign3A_403 : i1 to i32
      %sign3A_405 = arith.constant 0 : i32
      %sign3A_406 = arith.cmpi slt, %jit3A_393, %sign3A_405 : i32
      %sign3A_407 = arith.extui %sign3A_406 : i1 to i32
      %sign3A_408 = arith.subi %sign3A_404, %sign3A_407 : i32
      %ne3A_409 = arith.cmpi ne, %sign3A_401, %sign3A_408 : i32
      %rem3A_410 = arith.remsi %add3A_392, %jit3A_393 : i32
      %ne3A_411 = arith.constant 0 : i32
      %ne3A_412 = arith.cmpi ne, %rem3A_410, %ne3A_411 : i32
      %and3A_413 = arith.andi %ne3A_409, %ne3A_412 : i1
      %sub3A_414 = arith.constant 1 : i32
      %sub3A_415 = arith.subi %div3A_394, %sub3A_414 : i32
      %select_n3A_416 = arith.select %and3A_413, %sub3A_415, %div3A_394 : i32
      %mul3A_417 = arith.constant 8192 : i32
      %mul3A_418 = arith.muli %select_n3A_416, %mul3A_417 : i32
      %broadcast_in_dim3A_419 = vector.broadcast %scan3A_3 : f32 to vector<16xf32>
      %swap3A_420 = arith.constant 0 : index
      %swap3A_421 = tpu.vector_load %arg10[%swap3A_420] {strides = array<i32>} : memref<48xf32, #tpu.memory_space<vmem>>, vector<16xf32>,
      tpu.vector_store %arg10[%swap3A_420], %broadcast_in_dim3A_419 {strides = array<i32>} : memref<48xf32, #tpu.memory_space<vmem>>, vector<16xf32>,
      %broadcast_in_dim3A_422 = arith.constant 1073741824 : i32
      %broadcast_in_dim3A_423 = vector.broadcast %broadcast_in_dim3A_422 : i32 to vector<16xi32>
      %swap3A_424 = arith.constant 0 : index
      %swap3A_425 = tpu.vector_load %arg11[%swap3A_424] {strides = array<i32>} : memref<48xi32, #tpu.memory_space<vmem>>, vector<16xi32>,
      tpu.vector_store %arg11[%swap3A_424], %broadcast_in_dim3A_423 {strides = array<i32>} : memref<48xi32, #tpu.memory_space<vmem>>, vector<16xi32>,
      %broadcast_in_dim3A_426 = vector.broadcast %scan3A_3 : f32 to vector<16xf32>
      %swap3A_427 = arith.constant 16 : index
      %swap3A_428 = tpu.vector_load %arg10[%swap3A_427] {strides = array<i32>} : memref<48xf32, #tpu.memory_space<vmem>>, vector<16xf32>,
      tpu.vector_store %arg10[%swap3A_427], %broadcast_in_dim3A_426 {strides = array<i32>} : memref<48xf32, #tpu.memory_space<vmem>>, vector<16xf32>,
      %broadcast_in_dim3A_429 = arith.constant 1073741824 : i32
      %broadcast_in_dim3A_430 = vector.broadcast %broadcast_in_dim3A_429 : i32 to vector<16xi32>
      %swap3A_431 = arith.constant 16 : index
      %swap3A_432 = tpu.vector_load %arg11[%swap3A_431] {strides = array<i32>} : memref<48xi32, #tpu.memory_space<vmem>>, vector<16xi32>,
      tpu.vector_store %arg11[%swap3A_431], %broadcast_in_dim3A_430 {strides = array<i32>} : memref<48xi32, #tpu.memory_space<vmem>>, vector<16xi32>,
      %broadcast_in_dim3A_433 = vector.broadcast %scan3A_3 : f32 to vector<16xf32>
      %swap3A_434 = arith.constant 32 : index
      %swap3A_435 = tpu.vector_load %arg10[%swap3A_434] {strides = array<i32>} : memref<48xf32, #tpu.memory_space<vmem>>, vector<16xf32>,
      tpu.vector_store %arg10[%swap3A_434], %broadcast_in_dim3A_433 {strides = array<i32>} : memref<48xf32, #tpu.memory_space<vmem>>, vector<16xf32>,
      %broadcast_in_dim3A_436 = arith.constant 1073741824 : i32
      %broadcast_in_dim3A_437 = vector.broadcast %broadcast_in_dim3A_436 : i32 to vector<16xi32>
      %swap3A_438 = arith.constant 32 : index
      %swap3A_439 = tpu.vector_load %arg11[%swap3A_438] {strides = array<i32>} : memref<48xi32, #tpu.memory_space<vmem>>, vector<16xi32>,
      tpu.vector_store %arg11[%swap3A_438], %broadcast_in_dim3A_437 {strides = array<i32>} : memref<48xi32, #tpu.memory_space<vmem>>, vector<16xi32>,
      %broadcast_in_dim3A_440 = vector.broadcast %scan3A_3 : f32 to vector<16xf32>
      %scan3A_441 = arith.constant 0 : i32
      %scan3A_442 = arith.constant 64 : i32
      %scan3A_443 = arith.addi %scan3A_441, %scan3A_442 : i32
      %scan3A_444 = arith.constant 1 : i32
      %scan3A_445:2 = scf.for %scan3A_769 = %scan3A_441 to %scan3A_443 step %scan3A_444 iter_args(%scan3A_770 = %broadcast_in_dim3A_440, %scan3A_771 = %broadcast_in_dim3A_440) -> (vector<16xf32>, vector<16xf32>)  : i32 {
        %mul3A_772 = arith.constant 2 : i32
        %mul3A_773 = arith.muli %mul3A_772, %scan3A_769 : i32
        %mul3A_774 = arith.constant 64 : i32
        %mul3A_775 = arith.muli %mul3A_773, %mul3A_774 : i32
        %add3A_776 = arith.constant 0 : i32
        %add3A_777 = arith.addi %mul3A_775, %add3A_776 : i32
        %get3A_778 = arith.index_cast %add3A_777 : i32 to index
        %get3A_779 = tpu.vector_load %arg8[%get3A_778] {strides = array<i32>} : memref<8192xf32, #tpu.memory_space<vmem>>, vector<16xf32>,
        %mul3A_780 = arith.constant 64 : i32
        %mul3A_781 = arith.muli %mul3A_773, %mul3A_780 : i32
        %add3A_782 = arith.constant 16 : i32
        %add3A_783 = arith.addi %mul3A_781, %add3A_782 : i32
        %get3A_784 = arith.index_cast %add3A_783 : i32 to index
        %get3A_785 = tpu.vector_load %arg8[%get3A_784] {strides = array<i32>} : memref<8192xf32, #tpu.memory_space<vmem>>, vector<16xf32>,
        %mul3A_786 = arith.constant 64 : i32
        %mul3A_787 = arith.muli %mul3A_773, %mul3A_786 : i32
        %add3A_788 = arith.constant 32 : i32
        %add3A_789 = arith.addi %mul3A_787, %add3A_788 : i32
        %get3A_790 = arith.index_cast %add3A_789 : i32 to index
        %get3A_791 = tpu.vector_load %arg8[%get3A_790] {strides = array<i32>} : memref<8192xf32, #tpu.memory_space<vmem>>, vector<16xf32>,
        %mul3A_792 = arith.constant 64 : i32
        %mul3A_793 = arith.muli %mul3A_773, %mul3A_792 : i32
        %add3A_794 = arith.constant 48 : i32
        %add3A_795 = arith.addi %mul3A_793, %add3A_794 : i32
        %get3A_796 = arith.index_cast %add3A_795 : i32 to index
        %get3A_797 = tpu.vector_load %arg8[%get3A_796] {strides = array<i32>} : memref<8192xf32, #tpu.memory_space<vmem>>, vector<16xf32>,
        %min3A_798 = arith.minimumf %get3A_779, %get3A_785 : vector<16xf32>
        %min3A_799 = arith.minimumf %min3A_798, %get3A_791 : vector<16xf32>
        %min3A_800 = arith.minimumf %min3A_799, %get3A_797 : vector<16xf32>
        %mul3A_801 = arith.constant 2 : i32
        %mul3A_802 = arith.muli %mul3A_801, %scan3A_769 : i32
        %add3A_803 = arith.constant 1 : i32
        %add3A_804 = arith.addi %mul3A_802, %add3A_803 : i32
        %mul3A_805 = arith.constant 64 : i32
        %mul3A_806 = arith.muli %add3A_804, %mul3A_805 : i32
        %add3A_807 = arith.constant 0 : i32
        %add3A_808 = arith.addi %mul3A_806, %add3A_807 : i32
        %get3A_809 = arith.index_cast %add3A_808 : i32 to index
        %get3A_810 = tpu.vector_load %arg8[%get3A_809] {strides = array<i32>} : memref<8192xf32, #tpu.memory_space<vmem>>, vector<16xf32>,
        %mul3A_811 = arith.constant 64 : i32
        %mul3A_812 = arith.muli %add3A_804, %mul3A_811 : i32
        %add3A_813 = arith.constant 16 : i32
        %add3A_814 = arith.addi %mul3A_812, %add3A_813 : i32
        %get3A_815 = arith.index_cast %add3A_814 : i32 to index
        %get3A_816 = tpu.vector_load %arg8[%get3A_815] {strides = array<i32>} : memref<8192xf32, #tpu.memory_space<vmem>>, vector<16xf32>,
        %mul3A_817 = arith.constant 64 : i32
        %mul3A_818 = arith.muli %add3A_804, %mul3A_817 : i32
        %add3A_819 = arith.constant 32 : i32
        %add3A_820 = arith.addi %mul3A_818, %add3A_819 : i32
        %get3A_821 = arith.index_cast %add3A_820 : i32 to index
        %get3A_822 = tpu.vector_load %arg8[%get3A_821] {strides = array<i32>} : memref<8192xf32, #tpu.memory_space<vmem>>, vector<16xf32>,
        %mul3A_823 = arith.constant 64 : i32
        %mul3A_824 = arith.muli %add3A_804, %mul3A_823 : i32
        %add3A_825 = arith.constant 48 : i32
        %add3A_826 = arith.addi %mul3A_824, %add3A_825 : i32
        %get3A_827 = arith.index_cast %add3A_826 : i32 to index
        %get3A_828 = tpu.vector_load %arg8[%get3A_827] {strides = array<i32>} : memref<8192xf32, #tpu.memory_space<vmem>>, vector<16xf32>,
        %min3A_829 = arith.minimumf %get3A_810, %get3A_816 : vector<16xf32>
        %min3A_830 = arith.minimumf %min3A_829, %get3A_822 : vector<16xf32>
        %min3A_831 = arith.minimumf %min3A_830, %get3A_828 : vector<16xf32>
        %mul3A_832 = arith.constant 2 : i32
        %mul3A_833 = arith.muli %mul3A_832, %scan3A_769 : i32
        %mul3A_834 = arith.constant 16 : i32
        %mul3A_835 = arith.muli %mul3A_833, %mul3A_834 : i32
        %swap3A_836 = arith.index_cast %mul3A_835 : i32 to index
        %swap3A_837 = tpu.vector_load %arg9[%swap3A_836] {strides = array<i32>} : memref<2048xf32, #tpu.memory_space<vmem>>, vector<16xf32>,
        tpu.vector_store %arg9[%swap3A_836], %min3A_800 {strides = array<i32>} : memref<2048xf32, #tpu.memory_space<vmem>>, vector<16xf32>,
        %mul3A_838 = arith.constant 2 : i32
        %mul3A_839 = arith.muli %mul3A_838, %scan3A_769 : i32
        %add3A_840 = arith.constant 1 : i32
        %add3A_841 = arith.addi %mul3A_839, %add3A_840 : i32
        %mul3A_842 = arith.constant 16 : i32
        %mul3A_843 = arith.muli %add3A_841, %mul3A_842 : i32
        %swap3A_844 = arith.index_cast %mul3A_843 : i32 to index
        %swap3A_845 = tpu.vector_load %arg9[%swap3A_844] {strides = array<i32>} : memref<2048xf32, #tpu.memory_space<vmem>>, vector<16xf32>,
        tpu.vector_store %arg9[%swap3A_844], %min3A_831 {strides = array<i32>} : memref<2048xf32, #tpu.memory_space<vmem>>, vector<16xf32>,
        %min3A_846 = arith.minimumf %scan3A_770, %min3A_800 : vector<16xf32>
        %min3A_847 = arith.minimumf %scan3A_771, %min3A_831 : vector<16xf32>
        scf.yield %min3A_846, %min3A_847 : vector<16xf32>, vector<16xf32>
      }
      %scan3A_446 = arith.constant 64 : i32
      %max3A_447 = arith.maximumf %scan3A_445#0, %scan3A_445#1 : vector<16xf32>
      %reduce_max3A_448 = arith.constant true
      %reduce_max3A_449 = vector.broadcast %reduce_max3A_448 : i1 to vector<16xi1>
      %reduce_max3A_450 = tpu.scan <max>, %max3A_447 masked %reduce_max3A_449 : vector<16xf32>, vector<16xi1> -> vector<16xf32>
      %reduce_max3A_451 = vector.extract %reduce_max3A_450[15] : f32 from vector<16xf32>
      %scan3A_452 = arith.constant 1073741824 : i32
      %scan3A_453 = arith.constant 0 : i32
      %scan3A_454 = arith.constant 128 : i32
      %scan3A_455 = arith.addi %scan3A_453, %scan3A_454 : i32
      %scan3A_456 = arith.constant 1 : i32
      %scan3A_457:2 = scf.for %scan3A_769 = %scan3A_453 to %scan3A_455 step %scan3A_456 iter_args(%scan3A_770 = %reduce_max3A_451, %scan3A_771 = %scan3A_452) -> (f32, i32)  : i32 {
        %mul3A_772 = arith.constant 16 : i32
        %mul3A_773 = arith.muli %scan3A_769, %mul3A_772 : i32
        %get3A_774 = arith.index_cast %mul3A_773 : i32 to index
        %get3A_775 = tpu.vector_load %arg9[%get3A_774] {strides = array<i32>} : memref<2048xf32, #tpu.memory_space<vmem>>, vector<16xf32>,
        %reduce_min3A = arith.constant true
        %reduce_min3A_776 = vector.broadcast %reduce_min3A : i1 to vector<16xi1>
        %reduce_min3A_777 = tpu.scan <min>, %get3A_775 masked %reduce_min3A_776 : vector<16xf32>, vector<16xi1> -> vector<16xf32>
        %reduce_min3A_778 = vector.extract %reduce_min3A_777[15] : f32 from vector<16xf32>
        %le3A = arith.cmpf ole, %reduce_min3A_778, %scan3A_770 : f32
        %convert_element_type3A = arith.extui %le3A : i1 to i32
        %cond3A = arith.constant 0 : i32
        %cond3A_779 = arith.cmpi ne, %convert_element_type3A, %cond3A : i32
        %cond3A_780:2 = scf.if %cond3A_779 -> (f32, i32) {
          %mul3A_781 = arith.constant 64 : i32
          %mul3A_782 = arith.muli %scan3A_769, %mul3A_781 : i32
          %add3A_783 = arith.constant 0 : i32
          %add3A_784 = arith.addi %mul3A_782, %add3A_783 : i32
          %get3A_785 = arith.index_cast %add3A_784 : i32 to index
          %get3A_786 = tpu.vector_load %arg8[%get3A_785] {strides = array<i32>} : memref<8192xf32, #tpu.memory_space<vmem>>, vector<16xf32>,
          %mul3A_787 = arith.constant 64 : i32
          %mul3A_788 = arith.muli %scan3A_769, %mul3A_787 : i32
          %add3A_789 = arith.addi %mul3A_418, %mul3A_788 : i32
          %add3A_790 = arith.constant 0 : i32
          %add3A_791 = arith.addi %add3A_789, %add3A_790 : i32
          %add3A_792 = vector.broadcast %add3A_791 : i32 to vector<16xi32>
          %add3A_793 = arith.addi %add3A_792, %iota3A : vector<16xi32>
          %lt3A = vector.broadcast %scan3A_770 : f32 to vector<16xf32>
          %lt3A_794 = arith.cmpf olt, %get3A_786, %lt3A : vector<16xf32>
          %eq3A = vector.broadcast %scan3A_770 : f32 to vector<16xf32>
          %eq3A_795 = arith.cmpf oeq, %get3A_786, %eq3A : vector<16xf32>
          %lt3A_796 = vector.broadcast %scan3A_771 : i32 to vector<16xi32>
          %lt3A_797 = arith.cmpi slt, %add3A_793, %lt3A_796 : vector<16xi32>
          %and3A_798 = arith.andi %eq3A_795, %lt3A_797 : vector<16xi1>
          %or3A = arith.ori %lt3A_794, %and3A_798 : vector<16xi1>
          %convert_element_type3A_799 = arith.extui %or3A : vector<16xi1> to vector<16xi32>
          %reduce_sum3A = arith.constant true
          %reduce_sum3A_800 = vector.broadcast %reduce_sum3A : i1 to vector<16xi1>
          %reduce_sum3A_801 = tpu.scan <sum>, %convert_element_type3A_799 masked %reduce_sum3A_800 : vector<16xi32>, vector<16xi1> -> vector<16xi32>
          %reduce_sum3A_802 = vector.extract %reduce_sum3A_801[15] : i32 from vector<16xi32>
          %while3A:4 = scf.while (%while3A_884 = %or3A, %while3A_885 = %reduce_sum3A_802, %while3A_886 = %scan3A_770, %while3A_887 = %scan3A_771) : (vector<16xi1>, i32, f32, i32) -> (vector<16xi1>, i32, f32, i32) {
            %gt3A = arith.constant 0 : i32
            %gt3A_888 = arith.cmpi sgt, %while3A_885, %gt3A : i32
            scf.condition(%gt3A_888) %while3A_884, %while3A_885, %while3A_886, %while3A_887 : vector<16xi1>, i32, f32, i32
          } do {
          ^bb0(%while3A_884: vector<16xi1>, %while3A_885: i32, %while3A_886: f32, %while3A_887: i32):
            %jit3A_888 = arith.constant 16 : i32
            %broadcast_in_dim3A_889 = vector.broadcast %jit3A_888 : i32 to vector<16xi32>
            %select_n3A_890 = arith.select %while3A_884, %iota3A, %broadcast_in_dim3A_889 : vector<16xi1>, vector<16xi32>
            %reduce_min3A_891 = arith.constant true
            %reduce_min3A_892 = vector.broadcast %reduce_min3A_891 : i1 to vector<16xi1>
            %reduce_min3A_893 = arith.constant -2147483648 : i32
            %reduce_min3A_894 = vector.broadcast %reduce_min3A_893 : i32 to vector<16xi32>
            %reduce_min3A_895 = arith.xori %select_n3A_890, %reduce_min3A_894 : vector<16xi32>
            %reduce_min3A_896 = tpu.scan <min>, %reduce_min3A_895 masked %reduce_min3A_892 : vector<16xi32>, vector<16xi1> -> vector<16xi32>
            %reduce_min3A_897 = arith.xori %reduce_min3A_896, %reduce_min3A_894 : vector<16xi32>
            %reduce_min3A_898 = vector.extract %reduce_min3A_897[15] : i32 from vector<16xi32>
            %eq3A_899 = vector.broadcast %reduce_min3A_898 : i32 to vector<16xi32>
            %eq3A_900 = arith.cmpi eq, %iota3A, %eq3A_899 : vector<16xi32>
            %neg3A = arith.constant 0.000000e+00 : f32
            %neg3A_901 = arith.subf %neg3A, %scan3A_3 : f32
            %broadcast_in_dim3A_902 = vector.broadcast %neg3A_901 : f32 to vector<16xf32>
            %select_n3A_903 = arith.select %eq3A_900, %get3A_786, %broadcast_in_dim3A_902 : vector<16xi1>, vector<16xf32>
            %reduce_max3A_904 = arith.constant true
            %reduce_max3A_905 = vector.broadcast %reduce_max3A_904 : i1 to vector<16xi1>
            %reduce_max3A_906 = tpu.scan <max>, %select_n3A_903 masked %reduce_max3A_905 : vector<16xf32>, vector<16xi1> -> vector<16xf32>
            %reduce_max3A_907 = vector.extract %reduce_max3A_906[15] : f32 from vector<16xf32>
            %add3A_908 = arith.addi %add3A_791, %reduce_min3A_898 : i32
            %get3A_909 = arith.constant 0 : index
            %get3A_910 = tpu.vector_load %arg10[%get3A_909] {strides = array<i32>} : memref<48xf32, #tpu.memory_space<vmem>>, vector<16xf32>,
            %get3A_911 = arith.constant 16 : index
            %get3A_912 = tpu.vector_load %arg10[%get3A_911] {strides = array<i32>} : memref<48xf32, #tpu.memory_space<vmem>>, vector<16xf32>,
            %get3A_913 = arith.constant 0 : index
            %get3A_914 = tpu.vector_load %arg11[%get3A_913] {strides = array<i32>} : memref<48xi32, #tpu.memory_space<vmem>>, vector<16xi32>,
            %get3A_915 = arith.constant 16 : index
            %get3A_916 = tpu.vector_load %arg11[%get3A_915] {strides = array<i32>} : memref<48xi32, #tpu.memory_space<vmem>>, vector<16xi32>,
            %lt3A_917 = vector.broadcast %reduce_max3A_907 : f32 to vector<16xf32>
            %lt3A_918 = arith.cmpf olt, %get3A_910, %lt3A_917 : vector<16xf32>
            %eq3A_919 = vector.broadcast %reduce_max3A_907 : f32 to vector<16xf32>
            %eq3A_920 = arith.cmpf oeq, %get3A_910, %eq3A_919 : vector<16xf32>
            %lt3A_921 = vector.broadcast %add3A_908 : i32 to vector<16xi32>
            %lt3A_922 = arith.cmpi slt, %get3A_914, %lt3A_921 : vector<16xi32>
            %and3A_923 = arith.andi %eq3A_920, %lt3A_922 : vector<16xi1>
            %or3A_924 = arith.ori %lt3A_918, %and3A_923 : vector<16xi1>
            %lt3A_925 = vector.broadcast %reduce_max3A_907 : f32 to vector<16xf32>
            %lt3A_926 = arith.cmpf olt, %get3A_912, %lt3A_925 : vector<16xf32>
            %eq3A_927 = vector.broadcast %reduce_max3A_907 : f32 to vector<16xf32>
            %eq3A_928 = arith.cmpf oeq, %get3A_912, %eq3A_927 : vector<16xf32>
            %lt3A_929 = vector.broadcast %add3A_908 : i32 to vector<16xi32>
            %lt3A_930 = arith.cmpi slt, %get3A_916, %lt3A_929 : vector<16xi32>
            %and3A_931 = arith.andi %eq3A_928, %lt3A_930 : vector<16xi1>
            %or3A_932 = arith.ori %lt3A_926, %and3A_931 : vector<16xi1>
            %convert_element_type3A_933 = arith.extui %or3A_924 : vector<16xi1> to vector<16xi32>
            %reduce_sum3A_934 = arith.constant true
            %reduce_sum3A_935 = vector.broadcast %reduce_sum3A_934 : i1 to vector<16xi1>
            %reduce_sum3A_936 = tpu.scan <sum>, %convert_element_type3A_933 masked %reduce_sum3A_935 : vector<16xi32>, vector<16xi1> -> vector<16xi32>
            %reduce_sum3A_937 = vector.extract %reduce_sum3A_936[15] : i32 from vector<16xi32>
            %convert_element_type3A_938 = arith.extui %or3A_932 : vector<16xi1> to vector<16xi32>
            %reduce_sum3A_939 = arith.constant true
            %reduce_sum3A_940 = vector.broadcast %reduce_sum3A_939 : i1 to vector<16xi1>
            %reduce_sum3A_941 = tpu.scan <sum>, %convert_element_type3A_938 masked %reduce_sum3A_940 : vector<16xi32>, vector<16xi1> -> vector<16xi32>
            %reduce_sum3A_942 = vector.extract %reduce_sum3A_941[15] : i32 from vector<16xi32>
            %add3A_943 = arith.addi %reduce_sum3A_937, %reduce_sum3A_942 : i32
            %ge3A = vector.broadcast %add3A_943 : i32 to vector<16xi32>
            %ge3A_944 = arith.cmpi sge, %iota3A, %ge3A : vector<16xi32>
            %convert_element_type3A_945 = arith.extui %ge3A_944 : vector<16xi1> to vector<16xi32>
            %add3A_946 = arith.addi %iota3A, %convert_element_type3A_945 : vector<16xi32>
            %add3A_947 = arith.constant 16 : i32
            %add3A_948 = vector.broadcast %add3A_947 : i32 to vector<16xi32>
            %add3A_949 = arith.addi %add3A_948, %iota3A : vector<16xi32>
            %add3A_950 = arith.constant 16 : i32
            %add3A_951 = vector.broadcast %add3A_950 : i32 to vector<16xi32>
            %add3A_952 = arith.addi %add3A_951, %iota3A : vector<16xi32>
            %ge3A_953 = vector.broadcast %add3A_943 : i32 to vector<16xi32>
            %ge3A_954 = arith.cmpi sge, %add3A_952, %ge3A_953 : vector<16xi32>
            %convert_element_type3A_955 = arith.extui %ge3A_954 : vector<16xi1> to vector<16xi32>
            %add3A_956 = arith.addi %add3A_949, %convert_element_type3A_955 : vector<16xi32>
            tpu.vector_store_idx %arg10[%add3A_946], %get3A_910 : memref<48xf32, #tpu.memory_space<vmem>>[vector<16xi32>], vector<16xf32>,
            tpu.vector_store_idx %arg10[%add3A_956], %get3A_912 : memref<48xf32, #tpu.memory_space<vmem>>[vector<16xi32>], vector<16xf32>,
            tpu.vector_store_idx %arg11[%add3A_946], %get3A_914 : memref<48xi32, #tpu.memory_space<vmem>>[vector<16xi32>], vector<16xi32>,
            tpu.vector_store_idx %arg11[%add3A_956], %get3A_916 : memref<48xi32, #tpu.memory_space<vmem>>[vector<16xi32>], vector<16xi32>,
            %eq3A_957 = arith.constant 0 : i32
            %eq3A_958 = vector.broadcast %eq3A_957 : i32 to vector<16xi32>
            %eq3A_959 = arith.cmpi eq, %iota3A, %eq3A_958 : vector<16xi32>
            %broadcast_in_dim3A_960 = vector.broadcast %add3A_943 : i32 to vector<16xi32>
            %broadcast_in_dim3A_961 = vector.broadcast %reduce_max3A_907 : f32 to vector<16xf32>
            tpu.vector_store_idx %arg10[%broadcast_in_dim3A_960], %broadcast_in_dim3A_961 masked %eq3A_959 : memref<48xf32, #tpu.memory_space<vmem>>[vector<16xi32>], vector<16xf32>, vector<16xi1>
            %broadcast_in_dim3A_962 = vector.broadcast %add3A_908 : i32 to vector<16xi32>
            tpu.vector_store_idx %arg11[%broadcast_in_dim3A_960], %broadcast_in_dim3A_962 masked %eq3A_959 : memref<48xi32, #tpu.memory_space<vmem>>[vector<16xi32>], vector<16xi32>, vector<16xi1>
            %le3A_963 = arith.constant 30 : i32
            %le3A_964 = arith.cmpi sle, %add3A_943, %le3A_963 : i32
            %slice3A = vector.extract_strided_slice %get3A_912 {offsets = [14], sizes = [1], strides = [1]} : vector<16xf32> to vector<1xf32>
            %squeeze3A = vector.extract %slice3A[0] : f32 from vector<1xf32>
            %select_n3A_965 = arith.select %le3A_964, %squeeze3A, %reduce_max3A_907 : f32
            %le3A_966 = arith.constant 30 : i32
            %le3A_967 = arith.cmpi sle, %add3A_943, %le3A_966 : i32
            %slice3A_968 = vector.extract_strided_slice %get3A_916 {offsets = [14], sizes = [1], strides = [1]} : vector<16xi32> to vector<1xi32>
            %squeeze3A_969 = vector.extract %slice3A_968[0] : i32 from vector<1xi32>
            %select_n3A_970 = arith.select %le3A_967, %squeeze3A_969, %add3A_908 : i32
            %min3A_971 = arith.minimumf %select_n3A_965, %reduce_max3A_451 : f32
            %le3A_972 = arith.cmpf ole, %select_n3A_965, %reduce_max3A_451 : f32
            %jit3A_973 = arith.constant 1073741824 : i32
            %select_n3A_974 = arith.select %le3A_972, %select_n3A_970, %jit3A_973 : i32
            %ne3A_975 = vector.broadcast %reduce_min3A_898 : i32 to vector<16xi32>
            %ne3A_976 = arith.cmpi ne, %iota3A, %ne3A_975 : vector<16xi32>
            %and3A_977 = arith.andi %while3A_884, %ne3A_976 : vector<16xi1>
            %sub3A_978 = arith.constant 1 : i32
            %sub3A_979 = arith.subi %while3A_885, %sub3A_978 : i32
            scf.yield %and3A_977, %sub3A_979, %min3A_971, %select_n3A_974 : vector<16xi1>, i32, f32, i32
          }
          %mul3A_803 = arith.constant 64 : i32
          %mul3A_804 = arith.muli %scan3A_769, %mul3A_803 : i32
          %add3A_805 = arith.constant 16 : i32
          %add3A_806 = arith.addi %mul3A_804, %add3A_805 : i32
          %get3A_807 = arith.index_cast %add3A_806 : i32 to index
          %get3A_808 = tpu.vector_load %arg8[%get3A_807] {strides = array<i32>} : memref<8192xf32, #tpu.memory_space<vmem>>, vector<16xf32>,
          %mul3A_809 = arith.constant 64 : i32
          %mul3A_810 = arith.muli %scan3A_769, %mul3A_809 : i32
          %add3A_811 = arith.addi %mul3A_418, %mul3A_810 : i32
          %add3A_812 = arith.constant 16 : i32
          %add3A_813 = arith.addi %add3A_811, %add3A_812 : i32
          %add3A_814 = vector.broadcast %add3A_813 : i32 to vector<16xi32>
          %add3A_815 = arith.addi %add3A_814, %iota3A : vector<16xi32>
          %lt3A_816 = vector.broadcast %while3A#2 : f32 to vector<16xf32>
          %lt3A_817 = arith.cmpf olt, %get3A_808, %lt3A_816 : vector<16xf32>
          %eq3A_818 = vector.broadcast %while3A#2 : f32 to vector<16xf32>
          %eq3A_819 = arith.cmpf oeq, %get3A_808, %eq3A_818 : vector<16xf32>
          %lt3A_820 = vector.broadcast %while3A#3 : i32 to vector<16xi32>
          %lt3A_821 = arith.cmpi slt, %add3A_815, %lt3A_820 : vector<16xi32>
          %and3A_822 = arith.andi %eq3A_819, %lt3A_821 : vector<16xi1>
          %or3A_823 = arith.ori %lt3A_817, %and3A_822 : vector<16xi1>
          %convert_element_type3A_824 = arith.extui %or3A_823 : vector<16xi1> to vector<16xi32>
          %reduce_sum3A_825 = arith.constant true
          %reduce_sum3A_826 = vector.broadcast %reduce_sum3A_825 : i1 to vector<16xi1>
          %reduce_sum3A_827 = tpu.scan <sum>, %convert_element_type3A_824 masked %reduce_sum3A_826 : vector<16xi32>, vector<16xi1> -> vector<16xi32>
          %reduce_sum3A_828 = vector.extract %reduce_sum3A_827[15] : i32 from vector<16xi32>
          %while3A_829:4 = scf.while (%while3A_884 = %or3A_823, %while3A_885 = %reduce_sum3A_828, %while3A_886 = %while3A#2, %while3A_887 = %while3A#3) : (vector<16xi1>, i32, f32, i32) -> (vector<16xi1>, i32, f32, i32) {
            %gt3A = arith.constant 0 : i32
            %gt3A_888 = arith.cmpi sgt, %while3A_885, %gt3A : i32
            scf.condition(%gt3A_888) %while3A_884, %while3A_885, %while3A_886, %while3A_887 : vector<16xi1>, i32, f32, i32
          } do {
          ^bb0(%while3A_884: vector<16xi1>, %while3A_885: i32, %while3A_886: f32, %while3A_887: i32):
            %jit3A_888 = arith.constant 16 : i32
            %broadcast_in_dim3A_889 = vector.broadcast %jit3A_888 : i32 to vector<16xi32>
            %select_n3A_890 = arith.select %while3A_884, %iota3A, %broadcast_in_dim3A_889 : vector<16xi1>, vector<16xi32>
            %reduce_min3A_891 = arith.constant true
            %reduce_min3A_892 = vector.broadcast %reduce_min3A_891 : i1 to vector<16xi1>
            %reduce_min3A_893 = arith.constant -2147483648 : i32
            %reduce_min3A_894 = vector.broadcast %reduce_min3A_893 : i32 to vector<16xi32>
            %reduce_min3A_895 = arith.xori %select_n3A_890, %reduce_min3A_894 : vector<16xi32>
            %reduce_min3A_896 = tpu.scan <min>, %reduce_min3A_895 masked %reduce_min3A_892 : vector<16xi32>, vector<16xi1> -> vector<16xi32>
            %reduce_min3A_897 = arith.xori %reduce_min3A_896, %reduce_min3A_894 : vector<16xi32>
            %reduce_min3A_898 = vector.extract %reduce_min3A_897[15] : i32 from vector<16xi32>
            %eq3A_899 = vector.broadcast %reduce_min3A_898 : i32 to vector<16xi32>
            %eq3A_900 = arith.cmpi eq, %iota3A, %eq3A_899 : vector<16xi32>
            %neg3A = arith.constant 0.000000e+00 : f32
            %neg3A_901 = arith.subf %neg3A, %scan3A_3 : f32
            %broadcast_in_dim3A_902 = vector.broadcast %neg3A_901 : f32 to vector<16xf32>
            %select_n3A_903 = arith.select %eq3A_900, %get3A_808, %broadcast_in_dim3A_902 : vector<16xi1>, vector<16xf32>
            %reduce_max3A_904 = arith.constant true
            %reduce_max3A_905 = vector.broadcast %reduce_max3A_904 : i1 to vector<16xi1>
            %reduce_max3A_906 = tpu.scan <max>, %select_n3A_903 masked %reduce_max3A_905 : vector<16xf32>, vector<16xi1> -> vector<16xf32>
            %reduce_max3A_907 = vector.extract %reduce_max3A_906[15] : f32 from vector<16xf32>
            %add3A_908 = arith.addi %add3A_813, %reduce_min3A_898 : i32
            %get3A_909 = arith.constant 0 : index
            %get3A_910 = tpu.vector_load %arg10[%get3A_909] {strides = array<i32>} : memref<48xf32, #tpu.memory_space<vmem>>, vector<16xf32>,
            %get3A_911 = arith.constant 16 : index
            %get3A_912 = tpu.vector_load %arg10[%get3A_911] {strides = array<i32>} : memref<48xf32, #tpu.memory_space<vmem>>, vector<16xf32>,
            %get3A_913 = arith.constant 0 : index
            %get3A_914 = tpu.vector_load %arg11[%get3A_913] {strides = array<i32>} : memref<48xi32, #tpu.memory_space<vmem>>, vector<16xi32>,
            %get3A_915 = arith.constant 16 : index
            %get3A_916 = tpu.vector_load %arg11[%get3A_915] {strides = array<i32>} : memref<48xi32, #tpu.memory_space<vmem>>, vector<16xi32>,
            %lt3A_917 = vector.broadcast %reduce_max3A_907 : f32 to vector<16xf32>
            %lt3A_918 = arith.cmpf olt, %get3A_910, %lt3A_917 : vector<16xf32>
            %eq3A_919 = vector.broadcast %reduce_max3A_907 : f32 to vector<16xf32>
            %eq3A_920 = arith.cmpf oeq, %get3A_910, %eq3A_919 : vector<16xf32>
            %lt3A_921 = vector.broadcast %add3A_908 : i32 to vector<16xi32>
            %lt3A_922 = arith.cmpi slt, %get3A_914, %lt3A_921 : vector<16xi32>
            %and3A_923 = arith.andi %eq3A_920, %lt3A_922 : vector<16xi1>
            %or3A_924 = arith.ori %lt3A_918, %and3A_923 : vector<16xi1>
            %lt3A_925 = vector.broadcast %reduce_max3A_907 : f32 to vector<16xf32>
            %lt3A_926 = arith.cmpf olt, %get3A_912, %lt3A_925 : vector<16xf32>
            %eq3A_927 = vector.broadcast %reduce_max3A_907 : f32 to vector<16xf32>
            %eq3A_928 = arith.cmpf oeq, %get3A_912, %eq3A_927 : vector<16xf32>
            %lt3A_929 = vector.broadcast %add3A_908 : i32 to vector<16xi32>
            %lt3A_930 = arith.cmpi slt, %get3A_916, %lt3A_929 : vector<16xi32>
            %and3A_931 = arith.andi %eq3A_928, %lt3A_930 : vector<16xi1>
            %or3A_932 = arith.ori %lt3A_926, %and3A_931 : vector<16xi1>
            %convert_element_type3A_933 = arith.extui %or3A_924 : vector<16xi1> to vector<16xi32>
            %reduce_sum3A_934 = arith.constant true
            %reduce_sum3A_935 = vector.broadcast %reduce_sum3A_934 : i1 to vector<16xi1>
            %reduce_sum3A_936 = tpu.scan <sum>, %convert_element_type3A_933 masked %reduce_sum3A_935 : vector<16xi32>, vector<16xi1> -> vector<16xi32>
            %reduce_sum3A_937 = vector.extract %reduce_sum3A_936[15] : i32 from vector<16xi32>
            %convert_element_type3A_938 = arith.extui %or3A_932 : vector<16xi1> to vector<16xi32>
            %reduce_sum3A_939 = arith.constant true
            %reduce_sum3A_940 = vector.broadcast %reduce_sum3A_939 : i1 to vector<16xi1>
            %reduce_sum3A_941 = tpu.scan <sum>, %convert_element_type3A_938 masked %reduce_sum3A_940 : vector<16xi32>, vector<16xi1> -> vector<16xi32>
            %reduce_sum3A_942 = vector.extract %reduce_sum3A_941[15] : i32 from vector<16xi32>
            %add3A_943 = arith.addi %reduce_sum3A_937, %reduce_sum3A_942 : i32
            %ge3A = vector.broadcast %add3A_943 : i32 to vector<16xi32>
            %ge3A_944 = arith.cmpi sge, %iota3A, %ge3A : vector<16xi32>
            %convert_element_type3A_945 = arith.extui %ge3A_944 : vector<16xi1> to vector<16xi32>
            %add3A_946 = arith.addi %iota3A, %convert_element_type3A_945 : vector<16xi32>
            %add3A_947 = arith.constant 16 : i32
            %add3A_948 = vector.broadcast %add3A_947 : i32 to vector<16xi32>
            %add3A_949 = arith.addi %add3A_948, %iota3A : vector<16xi32>
            %add3A_950 = arith.constant 16 : i32
            %add3A_951 = vector.broadcast %add3A_950 : i32 to vector<16xi32>
            %add3A_952 = arith.addi %add3A_951, %iota3A : vector<16xi32>
            %ge3A_953 = vector.broadcast %add3A_943 : i32 to vector<16xi32>
            %ge3A_954 = arith.cmpi sge, %add3A_952, %ge3A_953 : vector<16xi32>
            %convert_element_type3A_955 = arith.extui %ge3A_954 : vector<16xi1> to vector<16xi32>
            %add3A_956 = arith.addi %add3A_949, %convert_element_type3A_955 : vector<16xi32>
            tpu.vector_store_idx %arg10[%add3A_946], %get3A_910 : memref<48xf32, #tpu.memory_space<vmem>>[vector<16xi32>], vector<16xf32>,
            tpu.vector_store_idx %arg10[%add3A_956], %get3A_912 : memref<48xf32, #tpu.memory_space<vmem>>[vector<16xi32>], vector<16xf32>,
            tpu.vector_store_idx %arg11[%add3A_946], %get3A_914 : memref<48xi32, #tpu.memory_space<vmem>>[vector<16xi32>], vector<16xi32>,
            tpu.vector_store_idx %arg11[%add3A_956], %get3A_916 : memref<48xi32, #tpu.memory_space<vmem>>[vector<16xi32>], vector<16xi32>,
            %eq3A_957 = arith.constant 0 : i32
            %eq3A_958 = vector.broadcast %eq3A_957 : i32 to vector<16xi32>
            %eq3A_959 = arith.cmpi eq, %iota3A, %eq3A_958 : vector<16xi32>
            %broadcast_in_dim3A_960 = vector.broadcast %add3A_943 : i32 to vector<16xi32>
            %broadcast_in_dim3A_961 = vector.broadcast %reduce_max3A_907 : f32 to vector<16xf32>
            tpu.vector_store_idx %arg10[%broadcast_in_dim3A_960], %broadcast_in_dim3A_961 masked %eq3A_959 : memref<48xf32, #tpu.memory_space<vmem>>[vector<16xi32>], vector<16xf32>, vector<16xi1>
            %broadcast_in_dim3A_962 = vector.broadcast %add3A_908 : i32 to vector<16xi32>
            tpu.vector_store_idx %arg11[%broadcast_in_dim3A_960], %broadcast_in_dim3A_962 masked %eq3A_959 : memref<48xi32, #tpu.memory_space<vmem>>[vector<16xi32>], vector<16xi32>, vector<16xi1>
            %le3A_963 = arith.constant 30 : i32
            %le3A_964 = arith.cmpi sle, %add3A_943, %le3A_963 : i32
            %slice3A = vector.extract_strided_slice %get3A_912 {offsets = [14], sizes = [1], strides = [1]} : vector<16xf32> to vector<1xf32>
            %squeeze3A = vector.extract %slice3A[0] : f32 from vector<1xf32>
            %select_n3A_965 = arith.select %le3A_964, %squeeze3A, %reduce_max3A_907 : f32
            %le3A_966 = arith.constant 30 : i32
            %le3A_967 = arith.cmpi sle, %add3A_943, %le3A_966 : i32
            %slice3A_968 = vector.extract_strided_slice %get3A_916 {offsets = [14], sizes = [1], strides = [1]} : vector<16xi32> to vector<1xi32>
            %squeeze3A_969 = vector.extract %slice3A_968[0] : i32 from vector<1xi32>
            %select_n3A_970 = arith.select %le3A_967, %squeeze3A_969, %add3A_908 : i32
            %min3A_971 = arith.minimumf %select_n3A_965, %reduce_max3A_451 : f32
            %le3A_972 = arith.cmpf ole, %select_n3A_965, %reduce_max3A_451 : f32
            %jit3A_973 = arith.constant 1073741824 : i32
            %select_n3A_974 = arith.select %le3A_972, %select_n3A_970, %jit3A_973 : i32
            %ne3A_975 = vector.broadcast %reduce_min3A_898 : i32 to vector<16xi32>
            %ne3A_976 = arith.cmpi ne, %iota3A, %ne3A_975 : vector<16xi32>
            %and3A_977 = arith.andi %while3A_884, %ne3A_976 : vector<16xi1>
            %sub3A_978 = arith.constant 1 : i32
            %sub3A_979 = arith.subi %while3A_885, %sub3A_978 : i32
            scf.yield %and3A_977, %sub3A_979, %min3A_971, %select_n3A_974 : vector<16xi1>, i32, f32, i32
          }
          %mul3A_830 = arith.constant 64 : i32
          %mul3A_831 = arith.muli %scan3A_769, %mul3A_830 : i32
          %add3A_832 = arith.constant 32 : i32
          %add3A_833 = arith.addi %mul3A_831, %add3A_832 : i32
          %get3A_834 = arith.index_cast %add3A_833 : i32 to index
          %get3A_835 = tpu.vector_load %arg8[%get3A_834] {strides = array<i32>} : memref<8192xf32, #tpu.memory_space<vmem>>, vector<16xf32>,
          %mul3A_836 = arith.constant 64 : i32
          %mul3A_837 = arith.muli %scan3A_769, %mul3A_836 : i32
          %add3A_838 = arith.addi %mul3A_418, %mul3A_837 : i32
          %add3A_839 = arith.constant 32 : i32
          %add3A_840 = arith.addi %add3A_838, %add3A_839 : i32
          %add3A_841 = vector.broadcast %add3A_840 : i32 to vector<16xi32>
          %add3A_842 = arith.addi %add3A_841, %iota3A : vector<16xi32>
          %lt3A_843 = vector.broadcast %while3A_829#2 : f32 to vector<16xf32>
          %lt3A_844 = arith.cmpf olt, %get3A_835, %lt3A_843 : vector<16xf32>
          %eq3A_845 = vector.broadcast %while3A_829#2 : f32 to vector<16xf32>
          %eq3A_846 = arith.cmpf oeq, %get3A_835, %eq3A_845 : vector<16xf32>
          %lt3A_847 = vector.broadcast %while3A_829#3 : i32 to vector<16xi32>
          %lt3A_848 = arith.cmpi slt, %add3A_842, %lt3A_847 : vector<16xi32>
          %and3A_849 = arith.andi %eq3A_846, %lt3A_848 : vector<16xi1>
          %or3A_850 = arith.ori %lt3A_844, %and3A_849 : vector<16xi1>
          %convert_element_type3A_851 = arith.extui %or3A_850 : vector<16xi1> to vector<16xi32>
          %reduce_sum3A_852 = arith.constant true
          %reduce_sum3A_853 = vector.broadcast %reduce_sum3A_852 : i1 to vector<16xi1>
          %reduce_sum3A_854 = tpu.scan <sum>, %convert_element_type3A_851 masked %reduce_sum3A_853 : vector<16xi32>, vector<16xi1> -> vector<16xi32>
          %reduce_sum3A_855 = vector.extract %reduce_sum3A_854[15] : i32 from vector<16xi32>
          %while3A_856:4 = scf.while (%while3A_884 = %or3A_850, %while3A_885 = %reduce_sum3A_855, %while3A_886 = %while3A_829#2, %while3A_887 = %while3A_829#3) : (vector<16xi1>, i32, f32, i32) -> (vector<16xi1>, i32, f32, i32) {
            %gt3A = arith.constant 0 : i32
            %gt3A_888 = arith.cmpi sgt, %while3A_885, %gt3A : i32
            scf.condition(%gt3A_888) %while3A_884, %while3A_885, %while3A_886, %while3A_887 : vector<16xi1>, i32, f32, i32
          } do {
          ^bb0(%while3A_884: vector<16xi1>, %while3A_885: i32, %while3A_886: f32, %while3A_887: i32):
            %jit3A_888 = arith.constant 16 : i32
            %broadcast_in_dim3A_889 = vector.broadcast %jit3A_888 : i32 to vector<16xi32>
            %select_n3A_890 = arith.select %while3A_884, %iota3A, %broadcast_in_dim3A_889 : vector<16xi1>, vector<16xi32>
            %reduce_min3A_891 = arith.constant true
            %reduce_min3A_892 = vector.broadcast %reduce_min3A_891 : i1 to vector<16xi1>
            %reduce_min3A_893 = arith.constant -2147483648 : i32
            %reduce_min3A_894 = vector.broadcast %reduce_min3A_893 : i32 to vector<16xi32>
            %reduce_min3A_895 = arith.xori %select_n3A_890, %reduce_min3A_894 : vector<16xi32>
            %reduce_min3A_896 = tpu.scan <min>, %reduce_min3A_895 masked %reduce_min3A_892 : vector<16xi32>, vector<16xi1> -> vector<16xi32>
            %reduce_min3A_897 = arith.xori %reduce_min3A_896, %reduce_min3A_894 : vector<16xi32>
            %reduce_min3A_898 = vector.extract %reduce_min3A_897[15] : i32 from vector<16xi32>
            %eq3A_899 = vector.broadcast %reduce_min3A_898 : i32 to vector<16xi32>
            %eq3A_900 = arith.cmpi eq, %iota3A, %eq3A_899 : vector<16xi32>
            %neg3A = arith.constant 0.000000e+00 : f32
            %neg3A_901 = arith.subf %neg3A, %scan3A_3 : f32
            %broadcast_in_dim3A_902 = vector.broadcast %neg3A_901 : f32 to vector<16xf32>
            %select_n3A_903 = arith.select %eq3A_900, %get3A_835, %broadcast_in_dim3A_902 : vector<16xi1>, vector<16xf32>
            %reduce_max3A_904 = arith.constant true
            %reduce_max3A_905 = vector.broadcast %reduce_max3A_904 : i1 to vector<16xi1>
            %reduce_max3A_906 = tpu.scan <max>, %select_n3A_903 masked %reduce_max3A_905 : vector<16xf32>, vector<16xi1> -> vector<16xf32>
            %reduce_max3A_907 = vector.extract %reduce_max3A_906[15] : f32 from vector<16xf32>
            %add3A_908 = arith.addi %add3A_840, %reduce_min3A_898 : i32
            %get3A_909 = arith.constant 0 : index
            %get3A_910 = tpu.vector_load %arg10[%get3A_909] {strides = array<i32>} : memref<48xf32, #tpu.memory_space<vmem>>, vector<16xf32>,
            %get3A_911 = arith.constant 16 : index
            %get3A_912 = tpu.vector_load %arg10[%get3A_911] {strides = array<i32>} : memref<48xf32, #tpu.memory_space<vmem>>, vector<16xf32>,
            %get3A_913 = arith.constant 0 : index
            %get3A_914 = tpu.vector_load %arg11[%get3A_913] {strides = array<i32>} : memref<48xi32, #tpu.memory_space<vmem>>, vector<16xi32>,
            %get3A_915 = arith.constant 16 : index
            %get3A_916 = tpu.vector_load %arg11[%get3A_915] {strides = array<i32>} : memref<48xi32, #tpu.memory_space<vmem>>, vector<16xi32>,
            %lt3A_917 = vector.broadcast %reduce_max3A_907 : f32 to vector<16xf32>
            %lt3A_918 = arith.cmpf olt, %get3A_910, %lt3A_917 : vector<16xf32>
            %eq3A_919 = vector.broadcast %reduce_max3A_907 : f32 to vector<16xf32>
            %eq3A_920 = arith.cmpf oeq, %get3A_910, %eq3A_919 : vector<16xf32>
            %lt3A_921 = vector.broadcast %add3A_908 : i32 to vector<16xi32>
            %lt3A_922 = arith.cmpi slt, %get3A_914, %lt3A_921 : vector<16xi32>
            %and3A_923 = arith.andi %eq3A_920, %lt3A_922 : vector<16xi1>
            %or3A_924 = arith.ori %lt3A_918, %and3A_923 : vector<16xi1>
            %lt3A_925 = vector.broadcast %reduce_max3A_907 : f32 to vector<16xf32>
            %lt3A_926 = arith.cmpf olt, %get3A_912, %lt3A_925 : vector<16xf32>
            %eq3A_927 = vector.broadcast %reduce_max3A_907 : f32 to vector<16xf32>
            %eq3A_928 = arith.cmpf oeq, %get3A_912, %eq3A_927 : vector<16xf32>
            %lt3A_929 = vector.broadcast %add3A_908 : i32 to vector<16xi32>
            %lt3A_930 = arith.cmpi slt, %get3A_916, %lt3A_929 : vector<16xi32>
            %and3A_931 = arith.andi %eq3A_928, %lt3A_930 : vector<16xi1>
            %or3A_932 = arith.ori %lt3A_926, %and3A_931 : vector<16xi1>
            %convert_element_type3A_933 = arith.extui %or3A_924 : vector<16xi1> to vector<16xi32>
            %reduce_sum3A_934 = arith.constant true
            %reduce_sum3A_935 = vector.broadcast %reduce_sum3A_934 : i1 to vector<16xi1>
            %reduce_sum3A_936 = tpu.scan <sum>, %convert_element_type3A_933 masked %reduce_sum3A_935 : vector<16xi32>, vector<16xi1> -> vector<16xi32>
            %reduce_sum3A_937 = vector.extract %reduce_sum3A_936[15] : i32 from vector<16xi32>
            %convert_element_type3A_938 = arith.extui %or3A_932 : vector<16xi1> to vector<16xi32>
            %reduce_sum3A_939 = arith.constant true
            %reduce_sum3A_940 = vector.broadcast %reduce_sum3A_939 : i1 to vector<16xi1>
            %reduce_sum3A_941 = tpu.scan <sum>, %convert_element_type3A_938 masked %reduce_sum3A_940 : vector<16xi32>, vector<16xi1> -> vector<16xi32>
            %reduce_sum3A_942 = vector.extract %reduce_sum3A_941[15] : i32 from vector<16xi32>
            %add3A_943 = arith.addi %reduce_sum3A_937, %reduce_sum3A_942 : i32
            %ge3A = vector.broadcast %add3A_943 : i32 to vector<16xi32>
            %ge3A_944 = arith.cmpi sge, %iota3A, %ge3A : vector<16xi32>
            %convert_element_type3A_945 = arith.extui %ge3A_944 : vector<16xi1> to vector<16xi32>
            %add3A_946 = arith.addi %iota3A, %convert_element_type3A_945 : vector<16xi32>
            %add3A_947 = arith.constant 16 : i32
            %add3A_948 = vector.broadcast %add3A_947 : i32 to vector<16xi32>
            %add3A_949 = arith.addi %add3A_948, %iota3A : vector<16xi32>
            %add3A_950 = arith.constant 16 : i32
            %add3A_951 = vector.broadcast %add3A_950 : i32 to vector<16xi32>
            %add3A_952 = arith.addi %add3A_951, %iota3A : vector<16xi32>
            %ge3A_953 = vector.broadcast %add3A_943 : i32 to vector<16xi32>
            %ge3A_954 = arith.cmpi sge, %add3A_952, %ge3A_953 : vector<16xi32>
            %convert_element_type3A_955 = arith.extui %ge3A_954 : vector<16xi1> to vector<16xi32>
            %add3A_956 = arith.addi %add3A_949, %convert_element_type3A_955 : vector<16xi32>
            tpu.vector_store_idx %arg10[%add3A_946], %get3A_910 : memref<48xf32, #tpu.memory_space<vmem>>[vector<16xi32>], vector<16xf32>,
            tpu.vector_store_idx %arg10[%add3A_956], %get3A_912 : memref<48xf32, #tpu.memory_space<vmem>>[vector<16xi32>], vector<16xf32>,
            tpu.vector_store_idx %arg11[%add3A_946], %get3A_914 : memref<48xi32, #tpu.memory_space<vmem>>[vector<16xi32>], vector<16xi32>,
            tpu.vector_store_idx %arg11[%add3A_956], %get3A_916 : memref<48xi32, #tpu.memory_space<vmem>>[vector<16xi32>], vector<16xi32>,
            %eq3A_957 = arith.constant 0 : i32
            %eq3A_958 = vector.broadcast %eq3A_957 : i32 to vector<16xi32>
            %eq3A_959 = arith.cmpi eq, %iota3A, %eq3A_958 : vector<16xi32>
            %broadcast_in_dim3A_960 = vector.broadcast %add3A_943 : i32 to vector<16xi32>
            %broadcast_in_dim3A_961 = vector.broadcast %reduce_max3A_907 : f32 to vector<16xf32>
            tpu.vector_store_idx %arg10[%broadcast_in_dim3A_960], %broadcast_in_dim3A_961 masked %eq3A_959 : memref<48xf32, #tpu.memory_space<vmem>>[vector<16xi32>], vector<16xf32>, vector<16xi1>
            %broadcast_in_dim3A_962 = vector.broadcast %add3A_908 : i32 to vector<16xi32>
            tpu.vector_store_idx %arg11[%broadcast_in_dim3A_960], %broadcast_in_dim3A_962 masked %eq3A_959 : memref<48xi32, #tpu.memory_space<vmem>>[vector<16xi32>], vector<16xi32>, vector<16xi1>
            %le3A_963 = arith.constant 30 : i32
            %le3A_964 = arith.cmpi sle, %add3A_943, %le3A_963 : i32
            %slice3A = vector.extract_strided_slice %get3A_912 {offsets = [14], sizes = [1], strides = [1]} : vector<16xf32> to vector<1xf32>
            %squeeze3A = vector.extract %slice3A[0] : f32 from vector<1xf32>
            %select_n3A_965 = arith.select %le3A_964, %squeeze3A, %reduce_max3A_907 : f32
            %le3A_966 = arith.constant 30 : i32
            %le3A_967 = arith.cmpi sle, %add3A_943, %le3A_966 : i32
            %slice3A_968 = vector.extract_strided_slice %get3A_916 {offsets = [14], sizes = [1], strides = [1]} : vector<16xi32> to vector<1xi32>
            %squeeze3A_969 = vector.extract %slice3A_968[0] : i32 from vector<1xi32>
            %select_n3A_970 = arith.select %le3A_967, %squeeze3A_969, %add3A_908 : i32
            %min3A_971 = arith.minimumf %select_n3A_965, %reduce_max3A_451 : f32
            %le3A_972 = arith.cmpf ole, %select_n3A_965, %reduce_max3A_451 : f32
            %jit3A_973 = arith.constant 1073741824 : i32
            %select_n3A_974 = arith.select %le3A_972, %select_n3A_970, %jit3A_973 : i32
            %ne3A_975 = vector.broadcast %reduce_min3A_898 : i32 to vector<16xi32>
            %ne3A_976 = arith.cmpi ne, %iota3A, %ne3A_975 : vector<16xi32>
            %and3A_977 = arith.andi %while3A_884, %ne3A_976 : vector<16xi1>
            %sub3A_978 = arith.constant 1 : i32
            %sub3A_979 = arith.subi %while3A_885, %sub3A_978 : i32
            scf.yield %and3A_977, %sub3A_979, %min3A_971, %select_n3A_974 : vector<16xi1>, i32, f32, i32
          }
          %mul3A_857 = arith.constant 64 : i32
          %mul3A_858 = arith.muli %scan3A_769, %mul3A_857 : i32
          %add3A_859 = arith.constant 48 : i32
          %add3A_860 = arith.addi %mul3A_858, %add3A_859 : i32
          %get3A_861 = arith.index_cast %add3A_860 : i32 to index
          %get3A_862 = tpu.vector_load %arg8[%get3A_861] {strides = array<i32>} : memref<8192xf32, #tpu.memory_space<vmem>>, vector<16xf32>,
          %mul3A_863 = arith.constant 64 : i32
          %mul3A_864 = arith.muli %scan3A_769, %mul3A_863 : i32
          %add3A_865 = arith.addi %mul3A_418, %mul3A_864 : i32
          %add3A_866 = arith.constant 48 : i32
          %add3A_867 = arith.addi %add3A_865, %add3A_866 : i32
          %add3A_868 = vector.broadcast %add3A_867 : i32 to vector<16xi32>
          %add3A_869 = arith.addi %add3A_868, %iota3A : vector<16xi32>
          %lt3A_870 = vector.broadcast %while3A_856#2 : f32 to vector<16xf32>
          %lt3A_871 = arith.cmpf olt, %get3A_862, %lt3A_870 : vector<16xf32>
          %eq3A_872 = vector.broadcast %while3A_856#2 : f32 to vector<16xf32>
          %eq3A_873 = arith.cmpf oeq, %get3A_862, %eq3A_872 : vector<16xf32>
          %lt3A_874 = vector.broadcast %while3A_856#3 : i32 to vector<16xi32>
          %lt3A_875 = arith.cmpi slt, %add3A_869, %lt3A_874 : vector<16xi32>
          %and3A_876 = arith.andi %eq3A_873, %lt3A_875 : vector<16xi1>
          %or3A_877 = arith.ori %lt3A_871, %and3A_876 : vector<16xi1>
          %convert_element_type3A_878 = arith.extui %or3A_877 : vector<16xi1> to vector<16xi32>
          %reduce_sum3A_879 = arith.constant true
          %reduce_sum3A_880 = vector.broadcast %reduce_sum3A_879 : i1 to vector<16xi1>
          %reduce_sum3A_881 = tpu.scan <sum>, %convert_element_type3A_878 masked %reduce_sum3A_880 : vector<16xi32>, vector<16xi1> -> vector<16xi32>
          %reduce_sum3A_882 = vector.extract %reduce_sum3A_881[15] : i32 from vector<16xi32>
          %while3A_883:4 = scf.while (%while3A_884 = %or3A_877, %while3A_885 = %reduce_sum3A_882, %while3A_886 = %while3A_856#2, %while3A_887 = %while3A_856#3) : (vector<16xi1>, i32, f32, i32) -> (vector<16xi1>, i32, f32, i32) {
            %gt3A = arith.constant 0 : i32
            %gt3A_888 = arith.cmpi sgt, %while3A_885, %gt3A : i32
            scf.condition(%gt3A_888) %while3A_884, %while3A_885, %while3A_886, %while3A_887 : vector<16xi1>, i32, f32, i32
          } do {
          ^bb0(%while3A_884: vector<16xi1>, %while3A_885: i32, %while3A_886: f32, %while3A_887: i32):
            %jit3A_888 = arith.constant 16 : i32
            %broadcast_in_dim3A_889 = vector.broadcast %jit3A_888 : i32 to vector<16xi32>
            %select_n3A_890 = arith.select %while3A_884, %iota3A, %broadcast_in_dim3A_889 : vector<16xi1>, vector<16xi32>
            %reduce_min3A_891 = arith.constant true
            %reduce_min3A_892 = vector.broadcast %reduce_min3A_891 : i1 to vector<16xi1>
            %reduce_min3A_893 = arith.constant -2147483648 : i32
            %reduce_min3A_894 = vector.broadcast %reduce_min3A_893 : i32 to vector<16xi32>
            %reduce_min3A_895 = arith.xori %select_n3A_890, %reduce_min3A_894 : vector<16xi32>
            %reduce_min3A_896 = tpu.scan <min>, %reduce_min3A_895 masked %reduce_min3A_892 : vector<16xi32>, vector<16xi1> -> vector<16xi32>
            %reduce_min3A_897 = arith.xori %reduce_min3A_896, %reduce_min3A_894 : vector<16xi32>
            %reduce_min3A_898 = vector.extract %reduce_min3A_897[15] : i32 from vector<16xi32>
            %eq3A_899 = vector.broadcast %reduce_min3A_898 : i32 to vector<16xi32>
            %eq3A_900 = arith.cmpi eq, %iota3A, %eq3A_899 : vector<16xi32>
            %neg3A = arith.constant 0.000000e+00 : f32
            %neg3A_901 = arith.subf %neg3A, %scan3A_3 : f32
            %broadcast_in_dim3A_902 = vector.broadcast %neg3A_901 : f32 to vector<16xf32>
            %select_n3A_903 = arith.select %eq3A_900, %get3A_862, %broadcast_in_dim3A_902 : vector<16xi1>, vector<16xf32>
            %reduce_max3A_904 = arith.constant true
            %reduce_max3A_905 = vector.broadcast %reduce_max3A_904 : i1 to vector<16xi1>
            %reduce_max3A_906 = tpu.scan <max>, %select_n3A_903 masked %reduce_max3A_905 : vector<16xf32>, vector<16xi1> -> vector<16xf32>
            %reduce_max3A_907 = vector.extract %reduce_max3A_906[15] : f32 from vector<16xf32>
            %add3A_908 = arith.addi %add3A_867, %reduce_min3A_898 : i32
            %get3A_909 = arith.constant 0 : index
            %get3A_910 = tpu.vector_load %arg10[%get3A_909] {strides = array<i32>} : memref<48xf32, #tpu.memory_space<vmem>>, vector<16xf32>,
            %get3A_911 = arith.constant 16 : index
            %get3A_912 = tpu.vector_load %arg10[%get3A_911] {strides = array<i32>} : memref<48xf32, #tpu.memory_space<vmem>>, vector<16xf32>,
            %get3A_913 = arith.constant 0 : index
            %get3A_914 = tpu.vector_load %arg11[%get3A_913] {strides = array<i32>} : memref<48xi32, #tpu.memory_space<vmem>>, vector<16xi32>,
            %get3A_915 = arith.constant 16 : index
            %get3A_916 = tpu.vector_load %arg11[%get3A_915] {strides = array<i32>} : memref<48xi32, #tpu.memory_space<vmem>>, vector<16xi32>,
            %lt3A_917 = vector.broadcast %reduce_max3A_907 : f32 to vector<16xf32>
            %lt3A_918 = arith.cmpf olt, %get3A_910, %lt3A_917 : vector<16xf32>
            %eq3A_919 = vector.broadcast %reduce_max3A_907 : f32 to vector<16xf32>
            %eq3A_920 = arith.cmpf oeq, %get3A_910, %eq3A_919 : vector<16xf32>
            %lt3A_921 = vector.broadcast %add3A_908 : i32 to vector<16xi32>
            %lt3A_922 = arith.cmpi slt, %get3A_914, %lt3A_921 : vector<16xi32>
            %and3A_923 = arith.andi %eq3A_920, %lt3A_922 : vector<16xi1>
            %or3A_924 = arith.ori %lt3A_918, %and3A_923 : vector<16xi1>
            %lt3A_925 = vector.broadcast %reduce_max3A_907 : f32 to vector<16xf32>
            %lt3A_926 = arith.cmpf olt, %get3A_912, %lt3A_925 : vector<16xf32>
            %eq3A_927 = vector.broadcast %reduce_max3A_907 : f32 to vector<16xf32>
            %eq3A_928 = arith.cmpf oeq, %get3A_912, %eq3A_927 : vector<16xf32>
            %lt3A_929 = vector.broadcast %add3A_908 : i32 to vector<16xi32>
            %lt3A_930 = arith.cmpi slt, %get3A_916, %lt3A_929 : vector<16xi32>
            %and3A_931 = arith.andi %eq3A_928, %lt3A_930 : vector<16xi1>
            %or3A_932 = arith.ori %lt3A_926, %and3A_931 : vector<16xi1>
            %convert_element_type3A_933 = arith.extui %or3A_924 : vector<16xi1> to vector<16xi32>
            %reduce_sum3A_934 = arith.constant true
            %reduce_sum3A_935 = vector.broadcast %reduce_sum3A_934 : i1 to vector<16xi1>
            %reduce_sum3A_936 = tpu.scan <sum>, %convert_element_type3A_933 masked %reduce_sum3A_935 : vector<16xi32>, vector<16xi1> -> vector<16xi32>
            %reduce_sum3A_937 = vector.extract %reduce_sum3A_936[15] : i32 from vector<16xi32>
            %convert_element_type3A_938 = arith.extui %or3A_932 : vector<16xi1> to vector<16xi32>
            %reduce_sum3A_939 = arith.constant true
            %reduce_sum3A_940 = vector.broadcast %reduce_sum3A_939 : i1 to vector<16xi1>
            %reduce_sum3A_941 = tpu.scan <sum>, %convert_element_type3A_938 masked %reduce_sum3A_940 : vector<16xi32>, vector<16xi1> -> vector<16xi32>
            %reduce_sum3A_942 = vector.extract %reduce_sum3A_941[15] : i32 from vector<16xi32>
            %add3A_943 = arith.addi %reduce_sum3A_937, %reduce_sum3A_942 : i32
            %ge3A = vector.broadcast %add3A_943 : i32 to vector<16xi32>
            %ge3A_944 = arith.cmpi sge, %iota3A, %ge3A : vector<16xi32>
            %convert_element_type3A_945 = arith.extui %ge3A_944 : vector<16xi1> to vector<16xi32>
            %add3A_946 = arith.addi %iota3A, %convert_element_type3A_945 : vector<16xi32>
            %add3A_947 = arith.constant 16 : i32
            %add3A_948 = vector.broadcast %add3A_947 : i32 to vector<16xi32>
            %add3A_949 = arith.addi %add3A_948, %iota3A : vector<16xi32>
            %add3A_950 = arith.constant 16 : i32
            %add3A_951 = vector.broadcast %add3A_950 : i32 to vector<16xi32>
            %add3A_952 = arith.addi %add3A_951, %iota3A : vector<16xi32>
            %ge3A_953 = vector.broadcast %add3A_943 : i32 to vector<16xi32>
            %ge3A_954 = arith.cmpi sge, %add3A_952, %ge3A_953 : vector<16xi32>
            %convert_element_type3A_955 = arith.extui %ge3A_954 : vector<16xi1> to vector<16xi32>
            %add3A_956 = arith.addi %add3A_949, %convert_element_type3A_955 : vector<16xi32>
            tpu.vector_store_idx %arg10[%add3A_946], %get3A_910 : memref<48xf32, #tpu.memory_space<vmem>>[vector<16xi32>], vector<16xf32>,
            tpu.vector_store_idx %arg10[%add3A_956], %get3A_912 : memref<48xf32, #tpu.memory_space<vmem>>[vector<16xi32>], vector<16xf32>,
            tpu.vector_store_idx %arg11[%add3A_946], %get3A_914 : memref<48xi32, #tpu.memory_space<vmem>>[vector<16xi32>], vector<16xi32>,
            tpu.vector_store_idx %arg11[%add3A_956], %get3A_916 : memref<48xi32, #tpu.memory_space<vmem>>[vector<16xi32>], vector<16xi32>,
            %eq3A_957 = arith.constant 0 : i32
            %eq3A_958 = vector.broadcast %eq3A_957 : i32 to vector<16xi32>
            %eq3A_959 = arith.cmpi eq, %iota3A, %eq3A_958 : vector<16xi32>
            %broadcast_in_dim3A_960 = vector.broadcast %add3A_943 : i32 to vector<16xi32>
            %broadcast_in_dim3A_961 = vector.broadcast %reduce_max3A_907 : f32 to vector<16xf32>
            tpu.vector_store_idx %arg10[%broadcast_in_dim3A_960], %broadcast_in_dim3A_961 masked %eq3A_959 : memref<48xf32, #tpu.memory_space<vmem>>[vector<16xi32>], vector<16xf32>, vector<16xi1>
            %broadcast_in_dim3A_962 = vector.broadcast %add3A_908 : i32 to vector<16xi32>
            tpu.vector_store_idx %arg11[%broadcast_in_dim3A_960], %broadcast_in_dim3A_962 masked %eq3A_959 : memref<48xi32, #tpu.memory_space<vmem>>[vector<16xi32>], vector<16xi32>, vector<16xi1>
            %le3A_963 = arith.constant 30 : i32
            %le3A_964 = arith.cmpi sle, %add3A_943, %le3A_963 : i32
            %slice3A = vector.extract_strided_slice %get3A_912 {offsets = [14], sizes = [1], strides = [1]} : vector<16xf32> to vector<1xf32>
            %squeeze3A = vector.extract %slice3A[0] : f32 from vector<1xf32>
            %select_n3A_965 = arith.select %le3A_964, %squeeze3A, %reduce_max3A_907 : f32
            %le3A_966 = arith.constant 30 : i32
            %le3A_967 = arith.cmpi sle, %add3A_943, %le3A_966 : i32
            %slice3A_968 = vector.extract_strided_slice %get3A_916 {offsets = [14], sizes = [1], strides = [1]} : vector<16xi32> to vector<1xi32>
            %squeeze3A_969 = vector.extract %slice3A_968[0] : i32 from vector<1xi32>
            %select_n3A_970 = arith.select %le3A_967, %squeeze3A_969, %add3A_908 : i32
            %min3A_971 = arith.minimumf %select_n3A_965, %reduce_max3A_451 : f32
            %le3A_972 = arith.cmpf ole, %select_n3A_965, %reduce_max3A_451 : f32
            %jit3A_973 = arith.constant 1073741824 : i32
            %select_n3A_974 = arith.select %le3A_972, %select_n3A_970, %jit3A_973 : i32
            %ne3A_975 = vector.broadcast %reduce_min3A_898 : i32 to vector<16xi32>
            %ne3A_976 = arith.cmpi ne, %iota3A, %ne3A_975 : vector<16xi32>
            %and3A_977 = arith.andi %while3A_884, %ne3A_976 : vector<16xi1>
            %sub3A_978 = arith.constant 1 : i32
            %sub3A_979 = arith.subi %while3A_885, %sub3A_978 : i32
            scf.yield %and3A_977, %sub3A_979, %min3A_971, %select_n3A_974 : vector<16xi1>, i32, f32, i32
          }
          scf.yield %while3A_883#2, %while3A_883#3 : f32, i32
        } else {
          scf.yield %scan3A_770, %scan3A_771 : f32, i32
        }
        scf.yield %cond3A_780#0, %cond3A_780#1 : f32, i32
      }
      %scan3A_458 = arith.constant 128 : i32
      "tpu.region"() ({
        %run_scoped3A = tpu.sem_alloc : memref<!tpu.dma_semaphore, #tpu.memory_space<semaphore_mem>>
        %dma_start3A_769 = arith.constant 0 : i32
        %dma_start3A_770 = tpu.memref_slice %arg11[%dma_start3A_769] : memref<48xi32, #tpu.memory_space<vmem>> -> memref<32xi32, #tpu.memory_space<vmem>>
        %dma_start3A_771 = arith.constant 0 : i32
        %dma_start3A_772 = tpu.memref_slice %arg6[%add3A_392, %dma_start3A_771] : memref<4096x32xi32, #tpu.memory_space<hbm>> -> memref<1x32xi32, #tpu.memory_space<hbm>>
        %dma_start3A_773 = tpu.memref_squeeze %dma_start3A_772 : memref<1x32xi32, #tpu.memory_space<hbm>> -> memref<32xi32, #tpu.memory_space<hbm>>
        %dma_start3A_774 = arith.constant 0 : i32
        %dma_start3A_775 = tpu.memref_slice %arg6[%add3A_392, %dma_start3A_774] : memref<4096x32xi32, #tpu.memory_space<hbm>> -> memref<1x32xi32, #tpu.memory_space<hbm>>
        %dma_start3A_776 = tpu.memref_squeeze %dma_start3A_775 : memref<1x32xi32, #tpu.memory_space<hbm>> -> memref<32xi32, #tpu.memory_space<hbm>>
        %dma_start3A_777 = arith.constant 0 : i32
        %dma_start3A_778 = tpu.memref_slice %arg11[%dma_start3A_777] : memref<48xi32, #tpu.memory_space<vmem>> -> memref<32xi32, #tpu.memory_space<vmem>>
        tpu.enqueue_dma source(%dma_start3A_778 : memref<32xi32, #tpu.memory_space<vmem>>) target(%dma_start3A_776 : memref<32xi32, #tpu.memory_space<hbm>>) target_semaphore(%run_scoped3A : memref<!tpu.dma_semaphore, #tpu.memory_space<semaphore_mem>>)
        %dma_wait3A_779 = arith.constant 0 : i32
        %dma_wait3A_780 = tpu.memref_slice %arg11[%dma_wait3A_779] : memref<48xi32, #tpu.memory_space<vmem>> -> memref<32xi32, #tpu.memory_space<vmem>>
        %dma_wait3A_781 = arith.constant 0 : i32
        %dma_wait3A_782 = tpu.memref_slice %arg6[%add3A_392, %dma_wait3A_781] : memref<4096x32xi32, #tpu.memory_space<hbm>> -> memref<1x32xi32, #tpu.memory_space<hbm>>
        %dma_wait3A_783 = tpu.memref_squeeze %dma_wait3A_782 : memref<1x32xi32, #tpu.memory_space<hbm>> -> memref<32xi32, #tpu.memory_space<hbm>>
        %dma_wait3A_784 = arith.constant 0 : i32
        %dma_wait3A_785 = tpu.memref_slice %arg6[%add3A_392, %dma_wait3A_784] : memref<4096x32xi32, #tpu.memory_space<hbm>> -> memref<1x32xi32, #tpu.memory_space<hbm>>
        %dma_wait3A_786 = tpu.memref_squeeze %dma_wait3A_785 : memref<1x32xi32, #tpu.memory_space<hbm>> -> memref<32xi32, #tpu.memory_space<hbm>>
        %dma_wait3A_787 = arith.constant 0 : i32
        %dma_wait3A_788 = tpu.memref_slice %arg11[%dma_wait3A_787] : memref<48xi32, #tpu.memory_space<vmem>> -> memref<32xi32, #tpu.memory_space<vmem>>
        tpu.wait_dma2 semaphore(%run_scoped3A : memref<!tpu.dma_semaphore, #tpu.memory_space<semaphore_mem>>) src(%dma_wait3A_788 : memref<32xi32, #tpu.memory_space<vmem>>) dst(%dma_wait3A_786 : memref<32xi32, #tpu.memory_space<hbm>>)
        tpu.yield
      }) : () -> ()
      %dma_start3A_459 = arith.constant 0 : i32
      %dma_start3A_460 = tpu.memref_slice %arg11[%dma_start3A_459] : memref<48xi32, #tpu.memory_space<vmem>> -> memref<32xi32, #tpu.memory_space<vmem>>
      %dma_start3A_461 = arith.constant 0 : i32
      %dma_start3A_462 = arith.constant 0 : i32
      %dma_start3A_463 = tpu.memref_slice %arg3[%dma_start3A_461, %dma_start3A_462] : memref<131072x128xf32, #tpu.memory_space<hbm>> -> memref<131072x128xf32, #tpu.memory_space<hbm>>
      tpu.enqueue_indirect_dma source(%dma_start3A_463 : memref<131072x128xf32, #tpu.memory_space<hbm>>) target(%arg13 : memref<32x128xf32, #tpu.memory_space<vmem>>) offsets(%dma_start3A_460 : memref<32xi32, #tpu.memory_space<vmem>>) semaphore(%arg17 : memref<!tpu.dma_semaphore, #tpu.memory_space<semaphore_mem>>)
      %dma_wait3A_464 = arith.constant 0 : i32
      %dma_wait3A_465 = tpu.memref_slice %arg11[%dma_wait3A_464] : memref<48xi32, #tpu.memory_space<vmem>> -> memref<32xi32, #tpu.memory_space<vmem>>
      %dma_wait3A_466 = arith.constant 0 : i32
      %dma_wait3A_467 = arith.constant 0 : i32
      %dma_wait3A_468 = tpu.memref_slice %arg3[%dma_wait3A_466, %dma_wait3A_467] : memref<131072x128xf32, #tpu.memory_space<hbm>> -> memref<131072x128xf32, #tpu.memory_space<hbm>>
      tpu.wait_indirect_dma semaphore(%arg17 : memref<!tpu.dma_semaphore, #tpu.memory_space<semaphore_mem>>) src(%dma_wait3A_468 : memref<131072x128xf32, #tpu.memory_space<hbm>>) dst(%arg13 : memref<32x128xf32, #tpu.memory_space<vmem>>)
      %sub3A_469 = arith.subi %add3A_392, %mul3A_2 : i32
      %get3A_470 = arith.index_cast %sub3A_469 : i32 to index
      %get3A_471 = arith.constant 0 : index
      %get3A_472 = tpu.vector_load %arg12[%get3A_470, %get3A_471] {strides = array<i32>} : memref<128x16xf32, #tpu.memory_space<vmem>>, vector<16xf32>,
      %get3A_473 = arith.constant 0 : i32
      %get3A_474 = arith.index_cast %get3A_473 : i32 to index
      %get3A_475 = arith.constant 0 : index
      %get3A_476 = tpu.vector_load %arg13[%get3A_474, %get3A_475] {strides = array<i32>} : memref<32x128xf32, #tpu.memory_space<vmem>>, vector<16xf32>,
      %sub3A_477 = arith.subf %get3A_476, %get3A_472 : vector<16xf32>
      %swap3A_478 = arith.constant 0 : i32
      %swap3A_479 = arith.index_cast %swap3A_478 : i32 to index
      %swap3A_480 = arith.constant 0 : index
      %swap3A_481 = tpu.vector_load %arg14[%swap3A_479, %swap3A_480] {strides = array<i32>} : memref<32x16xf32, #tpu.memory_space<vmem>>, vector<16xf32>,
      tpu.vector_store %arg14[%swap3A_479, %swap3A_480], %sub3A_477 {strides = array<i32>} : memref<32x16xf32, #tpu.memory_space<vmem>>, vector<16xf32>,
      %get3A_482 = arith.constant 1 : i32
      %get3A_483 = arith.index_cast %get3A_482 : i32 to index
      %get3A_484 = arith.constant 0 : index
      %get3A_485 = tpu.vector_load %arg13[%get3A_483, %get3A_484] {strides = array<i32>} : memref<32x128xf32, #tpu.memory_space<vmem>>, vector<16xf32>,
      %sub3A_486 = arith.subf %get3A_485, %get3A_472 : vector<16xf32>
      %swap3A_487 = arith.constant 1 : i32
      %swap3A_488 = arith.index_cast %swap3A_487 : i32 to index
      %swap3A_489 = arith.constant 0 : index
      %swap3A_490 = tpu.vector_load %arg14[%swap3A_488, %swap3A_489] {strides = array<i32>} : memref<32x16xf32, #tpu.memory_space<vmem>>, vector<16xf32>,
      tpu.vector_store %arg14[%swap3A_488, %swap3A_489], %sub3A_486 {strides = array<i32>} : memref<32x16xf32, #tpu.memory_space<vmem>>, vector<16xf32>,
      %get3A_491 = arith.constant 2 : i32
      %get3A_492 = arith.index_cast %get3A_491 : i32 to index
      %get3A_493 = arith.constant 0 : index
      %get3A_494 = tpu.vector_load %arg13[%get3A_492, %get3A_493] {strides = array<i32>} : memref<32x128xf32, #tpu.memory_space<vmem>>, vector<16xf32>,
      %sub3A_495 = arith.subf %get3A_494, %get3A_472 : vector<16xf32>
      %swap3A_496 = arith.constant 2 : i32
      %swap3A_497 = arith.index_cast %swap3A_496 : i32 to index
      %swap3A_498 = arith.constant 0 : index
      %swap3A_499 = tpu.vector_load %arg14[%swap3A_497, %swap3A_498] {strides = array<i32>} : memref<32x16xf32, #tpu.memory_space<vmem>>, vector<16xf32>,
      tpu.vector_store %arg14[%swap3A_497, %swap3A_498], %sub3A_495 {strides = array<i32>} : memref<32x16xf32, #tpu.memory_space<vmem>>, vector<16xf32>,
      %get3A_500 = arith.constant 3 : i32
      %get3A_501 = arith.index_cast %get3A_500 : i32 to index
      %get3A_502 = arith.constant 0 : index
      %get3A_503 = tpu.vector_load %arg13[%get3A_501, %get3A_502] {strides = array<i32>} : memref<32x128xf32, #tpu.memory_space<vmem>>, vector<16xf32>,
      %sub3A_504 = arith.subf %get3A_503, %get3A_472 : vector<16xf32>
      %swap3A_505 = arith.constant 3 : i32
      %swap3A_506 = arith.index_cast %swap3A_505 : i32 to index
      %swap3A_507 = arith.constant 0 : index
      %swap3A_508 = tpu.vector_load %arg14[%swap3A_506, %swap3A_507] {strides = array<i32>} : memref<32x16xf32, #tpu.memory_space<vmem>>, vector<16xf32>,
      tpu.vector_store %arg14[%swap3A_506, %swap3A_507], %sub3A_504 {strides = array<i32>} : memref<32x16xf32, #tpu.memory_space<vmem>>, vector<16xf32>,
      %get3A_509 = arith.constant 4 : i32
      %get3A_510 = arith.index_cast %get3A_509 : i32 to index
      %get3A_511 = arith.constant 0 : index
      %get3A_512 = tpu.vector_load %arg13[%get3A_510, %get3A_511] {strides = array<i32>} : memref<32x128xf32, #tpu.memory_space<vmem>>, vector<16xf32>,
      %sub3A_513 = arith.subf %get3A_512, %get3A_472 : vector<16xf32>
      %swap3A_514 = arith.constant 4 : i32
      %swap3A_515 = arith.index_cast %swap3A_514 : i32 to index
      %swap3A_516 = arith.constant 0 : index
      %swap3A_517 = tpu.vector_load %arg14[%swap3A_515, %swap3A_516] {strides = array<i32>} : memref<32x16xf32, #tpu.memory_space<vmem>>, vector<16xf32>,
      tpu.vector_store %arg14[%swap3A_515, %swap3A_516], %sub3A_513 {strides = array<i32>} : memref<32x16xf32, #tpu.memory_space<vmem>>, vector<16xf32>,
      %get3A_518 = arith.constant 5 : i32
      %get3A_519 = arith.index_cast %get3A_518 : i32 to index
      %get3A_520 = arith.constant 0 : index
      %get3A_521 = tpu.vector_load %arg13[%get3A_519, %get3A_520] {strides = array<i32>} : memref<32x128xf32, #tpu.memory_space<vmem>>, vector<16xf32>,
      %sub3A_522 = arith.subf %get3A_521, %get3A_472 : vector<16xf32>
      %swap3A_523 = arith.constant 5 : i32
      %swap3A_524 = arith.index_cast %swap3A_523 : i32 to index
      %swap3A_525 = arith.constant 0 : index
      %swap3A_526 = tpu.vector_load %arg14[%swap3A_524, %swap3A_525] {strides = array<i32>} : memref<32x16xf32, #tpu.memory_space<vmem>>, vector<16xf32>,
      tpu.vector_store %arg14[%swap3A_524, %swap3A_525], %sub3A_522 {strides = array<i32>} : memref<32x16xf32, #tpu.memory_space<vmem>>, vector<16xf32>,
      %get3A_527 = arith.constant 6 : i32
      %get3A_528 = arith.index_cast %get3A_527 : i32 to index
      %get3A_529 = arith.constant 0 : index
      %get3A_530 = tpu.vector_load %arg13[%get3A_528, %get3A_529] {strides = array<i32>} : memref<32x128xf32, #tpu.memory_space<vmem>>, vector<16xf32>,
      %sub3A_531 = arith.subf %get3A_530, %get3A_472 : vector<16xf32>
      %swap3A_532 = arith.constant 6 : i32
      %swap3A_533 = arith.index_cast %swap3A_532 : i32 to index
      %swap3A_534 = arith.constant 0 : index
      %swap3A_535 = tpu.vector_load %arg14[%swap3A_533, %swap3A_534] {strides = array<i32>} : memref<32x16xf32, #tpu.memory_space<vmem>>, vector<16xf32>,
      tpu.vector_store %arg14[%swap3A_533, %swap3A_534], %sub3A_531 {strides = array<i32>} : memref<32x16xf32, #tpu.memory_space<vmem>>, vector<16xf32>,
      %get3A_536 = arith.constant 7 : i32
      %get3A_537 = arith.index_cast %get3A_536 : i32 to index
      %get3A_538 = arith.constant 0 : index
      %get3A_539 = tpu.vector_load %arg13[%get3A_537, %get3A_538] {strides = array<i32>} : memref<32x128xf32, #tpu.memory_space<vmem>>, vector<16xf32>,
      %sub3A_540 = arith.subf %get3A_539, %get3A_472 : vector<16xf32>
      %swap3A_541 = arith.constant 7 : i32
      %swap3A_542 = arith.index_cast %swap3A_541 : i32 to index
      %swap3A_543 = arith.constant 0 : index
      %swap3A_544 = tpu.vector_load %arg14[%swap3A_542, %swap3A_543] {strides = array<i32>} : memref<32x16xf32, #tpu.memory_space<vmem>>, vector<16xf32>,
      tpu.vector_store %arg14[%swap3A_542, %swap3A_543], %sub3A_540 {strides = array<i32>} : memref<32x16xf32, #tpu.memory_space<vmem>>, vector<16xf32>,
      %get3A_545 = arith.constant 8 : i32
      %get3A_546 = arith.index_cast %get3A_545 : i32 to index
      %get3A_547 = arith.constant 0 : index
      %get3A_548 = tpu.vector_load %arg13[%get3A_546, %get3A_547] {strides = array<i32>} : memref<32x128xf32, #tpu.memory_space<vmem>>, vector<16xf32>,
      %sub3A_549 = arith.subf %get3A_548, %get3A_472 : vector<16xf32>
      %swap3A_550 = arith.constant 8 : i32
      %swap3A_551 = arith.index_cast %swap3A_550 : i32 to index
      %swap3A_552 = arith.constant 0 : index
      %swap3A_553 = tpu.vector_load %arg14[%swap3A_551, %swap3A_552] {strides = array<i32>} : memref<32x16xf32, #tpu.memory_space<vmem>>, vector<16xf32>,
      tpu.vector_store %arg14[%swap3A_551, %swap3A_552], %sub3A_549 {strides = array<i32>} : memref<32x16xf32, #tpu.memory_space<vmem>>, vector<16xf32>,
      %get3A_554 = arith.constant 9 : i32
      %get3A_555 = arith.index_cast %get3A_554 : i32 to index
      %get3A_556 = arith.constant 0 : index
      %get3A_557 = tpu.vector_load %arg13[%get3A_555, %get3A_556] {strides = array<i32>} : memref<32x128xf32, #tpu.memory_space<vmem>>, vector<16xf32>,
      %sub3A_558 = arith.subf %get3A_557, %get3A_472 : vector<16xf32>
      %swap3A_559 = arith.constant 9 : i32
      %swap3A_560 = arith.index_cast %swap3A_559 : i32 to index
      %swap3A_561 = arith.constant 0 : index
      %swap3A_562 = tpu.vector_load %arg14[%swap3A_560, %swap3A_561] {strides = array<i32>} : memref<32x16xf32, #tpu.memory_space<vmem>>, vector<16xf32>,
      tpu.vector_store %arg14[%swap3A_560, %swap3A_561], %sub3A_558 {strides = array<i32>} : memref<32x16xf32, #tpu.memory_space<vmem>>, vector<16xf32>,
      %get3A_563 = arith.constant 10 : i32
      %get3A_564 = arith.index_cast %get3A_563 : i32 to index
      %get3A_565 = arith.constant 0 : index
      %get3A_566 = tpu.vector_load %arg13[%get3A_564, %get3A_565] {strides = array<i32>} : memref<32x128xf32, #tpu.memory_space<vmem>>, vector<16xf32>,
      %sub3A_567 = arith.subf %get3A_566, %get3A_472 : vector<16xf32>
      %swap3A_568 = arith.constant 10 : i32
      %swap3A_569 = arith.index_cast %swap3A_568 : i32 to index
      %swap3A_570 = arith.constant 0 : index
      %swap3A_571 = tpu.vector_load %arg14[%swap3A_569, %swap3A_570] {strides = array<i32>} : memref<32x16xf32, #tpu.memory_space<vmem>>, vector<16xf32>,
      tpu.vector_store %arg14[%swap3A_569, %swap3A_570], %sub3A_567 {strides = array<i32>} : memref<32x16xf32, #tpu.memory_space<vmem>>, vector<16xf32>,
      %get3A_572 = arith.constant 11 : i32
      %get3A_573 = arith.index_cast %get3A_572 : i32 to index
      %get3A_574 = arith.constant 0 : index
      %get3A_575 = tpu.vector_load %arg13[%get3A_573, %get3A_574] {strides = array<i32>} : memref<32x128xf32, #tpu.memory_space<vmem>>, vector<16xf32>,
      %sub3A_576 = arith.subf %get3A_575, %get3A_472 : vector<16xf32>
      %swap3A_577 = arith.constant 11 : i32
      %swap3A_578 = arith.index_cast %swap3A_577 : i32 to index
      %swap3A_579 = arith.constant 0 : index
      %swap3A_580 = tpu.vector_load %arg14[%swap3A_578, %swap3A_579] {strides = array<i32>} : memref<32x16xf32, #tpu.memory_space<vmem>>, vector<16xf32>,
      tpu.vector_store %arg14[%swap3A_578, %swap3A_579], %sub3A_576 {strides = array<i32>} : memref<32x16xf32, #tpu.memory_space<vmem>>, vector<16xf32>,
      %get3A_581 = arith.constant 12 : i32
      %get3A_582 = arith.index_cast %get3A_581 : i32 to index
      %get3A_583 = arith.constant 0 : index
      %get3A_584 = tpu.vector_load %arg13[%get3A_582, %get3A_583] {strides = array<i32>} : memref<32x128xf32, #tpu.memory_space<vmem>>, vector<16xf32>,
      %sub3A_585 = arith.subf %get3A_584, %get3A_472 : vector<16xf32>
      %swap3A_586 = arith.constant 12 : i32
      %swap3A_587 = arith.index_cast %swap3A_586 : i32 to index
      %swap3A_588 = arith.constant 0 : index
      %swap3A_589 = tpu.vector_load %arg14[%swap3A_587, %swap3A_588] {strides = array<i32>} : memref<32x16xf32, #tpu.memory_space<vmem>>, vector<16xf32>,
      tpu.vector_store %arg14[%swap3A_587, %swap3A_588], %sub3A_585 {strides = array<i32>} : memref<32x16xf32, #tpu.memory_space<vmem>>, vector<16xf32>,
      %get3A_590 = arith.constant 13 : i32
      %get3A_591 = arith.index_cast %get3A_590 : i32 to index
      %get3A_592 = arith.constant 0 : index
      %get3A_593 = tpu.vector_load %arg13[%get3A_591, %get3A_592] {strides = array<i32>} : memref<32x128xf32, #tpu.memory_space<vmem>>, vector<16xf32>,
      %sub3A_594 = arith.subf %get3A_593, %get3A_472 : vector<16xf32>
      %swap3A_595 = arith.constant 13 : i32
      %swap3A_596 = arith.index_cast %swap3A_595 : i32 to index
      %swap3A_597 = arith.constant 0 : index
      %swap3A_598 = tpu.vector_load %arg14[%swap3A_596, %swap3A_597] {strides = array<i32>} : memref<32x16xf32, #tpu.memory_space<vmem>>, vector<16xf32>,
      tpu.vector_store %arg14[%swap3A_596, %swap3A_597], %sub3A_594 {strides = array<i32>} : memref<32x16xf32, #tpu.memory_space<vmem>>, vector<16xf32>,
      %get3A_599 = arith.constant 14 : i32
      %get3A_600 = arith.index_cast %get3A_599 : i32 to index
      %get3A_601 = arith.constant 0 : index
      %get3A_602 = tpu.vector_load %arg13[%get3A_600, %get3A_601] {strides = array<i32>} : memref<32x128xf32, #tpu.memory_space<vmem>>, vector<16xf32>,
      %sub3A_603 = arith.subf %get3A_602, %get3A_472 : vector<16xf32>
      %swap3A_604 = arith.constant 14 : i32
      %swap3A_605 = arith.index_cast %swap3A_604 : i32 to index
      %swap3A_606 = arith.constant 0 : index
      %swap3A_607 = tpu.vector_load %arg14[%swap3A_605, %swap3A_606] {strides = array<i32>} : memref<32x16xf32, #tpu.memory_space<vmem>>, vector<16xf32>,
      tpu.vector_store %arg14[%swap3A_605, %swap3A_606], %sub3A_603 {strides = array<i32>} : memref<32x16xf32, #tpu.memory_space<vmem>>, vector<16xf32>,
      %get3A_608 = arith.constant 15 : i32
      %get3A_609 = arith.index_cast %get3A_608 : i32 to index
      %get3A_610 = arith.constant 0 : index
      %get3A_611 = tpu.vector_load %arg13[%get3A_609, %get3A_610] {strides = array<i32>} : memref<32x128xf32, #tpu.memory_space<vmem>>, vector<16xf32>,
      %sub3A_612 = arith.subf %get3A_611, %get3A_472 : vector<16xf32>
      %swap3A_613 = arith.constant 15 : i32
      %swap3A_614 = arith.index_cast %swap3A_613 : i32 to index
      %swap3A_615 = arith.constant 0 : index
      %swap3A_616 = tpu.vector_load %arg14[%swap3A_614, %swap3A_615] {strides = array<i32>} : memref<32x16xf32, #tpu.memory_space<vmem>>, vector<16xf32>,
      tpu.vector_store %arg14[%swap3A_614, %swap3A_615], %sub3A_612 {strides = array<i32>} : memref<32x16xf32, #tpu.memory_space<vmem>>, vector<16xf32>,
      %get3A_617 = arith.constant 16 : i32
      %get3A_618 = arith.index_cast %get3A_617 : i32 to index
      %get3A_619 = arith.constant 0 : index
      %get3A_620 = tpu.vector_load %arg13[%get3A_618, %get3A_619] {strides = array<i32>} : memref<32x128xf32, #tpu.memory_space<vmem>>, vector<16xf32>,
      %sub3A_621 = arith.subf %get3A_620, %get3A_472 : vector<16xf32>
      %swap3A_622 = arith.constant 16 : i32
      %swap3A_623 = arith.index_cast %swap3A_622 : i32 to index
      %swap3A_624 = arith.constant 0 : index
      %swap3A_625 = tpu.vector_load %arg14[%swap3A_623, %swap3A_624] {strides = array<i32>} : memref<32x16xf32, #tpu.memory_space<vmem>>, vector<16xf32>,
      tpu.vector_store %arg14[%swap3A_623, %swap3A_624], %sub3A_621 {strides = array<i32>} : memref<32x16xf32, #tpu.memory_space<vmem>>, vector<16xf32>,
      %get3A_626 = arith.constant 17 : i32
      %get3A_627 = arith.index_cast %get3A_626 : i32 to index
      %get3A_628 = arith.constant 0 : index
      %get3A_629 = tpu.vector_load %arg13[%get3A_627, %get3A_628] {strides = array<i32>} : memref<32x128xf32, #tpu.memory_space<vmem>>, vector<16xf32>,
      %sub3A_630 = arith.subf %get3A_629, %get3A_472 : vector<16xf32>
      %swap3A_631 = arith.constant 17 : i32
      %swap3A_632 = arith.index_cast %swap3A_631 : i32 to index
      %swap3A_633 = arith.constant 0 : index
      %swap3A_634 = tpu.vector_load %arg14[%swap3A_632, %swap3A_633] {strides = array<i32>} : memref<32x16xf32, #tpu.memory_space<vmem>>, vector<16xf32>,
      tpu.vector_store %arg14[%swap3A_632, %swap3A_633], %sub3A_630 {strides = array<i32>} : memref<32x16xf32, #tpu.memory_space<vmem>>, vector<16xf32>,
      %get3A_635 = arith.constant 18 : i32
      %get3A_636 = arith.index_cast %get3A_635 : i32 to index
      %get3A_637 = arith.constant 0 : index
      %get3A_638 = tpu.vector_load %arg13[%get3A_636, %get3A_637] {strides = array<i32>} : memref<32x128xf32, #tpu.memory_space<vmem>>, vector<16xf32>,
      %sub3A_639 = arith.subf %get3A_638, %get3A_472 : vector<16xf32>
      %swap3A_640 = arith.constant 18 : i32
      %swap3A_641 = arith.index_cast %swap3A_640 : i32 to index
      %swap3A_642 = arith.constant 0 : index
      %swap3A_643 = tpu.vector_load %arg14[%swap3A_641, %swap3A_642] {strides = array<i32>} : memref<32x16xf32, #tpu.memory_space<vmem>>, vector<16xf32>,
      tpu.vector_store %arg14[%swap3A_641, %swap3A_642], %sub3A_639 {strides = array<i32>} : memref<32x16xf32, #tpu.memory_space<vmem>>, vector<16xf32>,
      %get3A_644 = arith.constant 19 : i32
      %get3A_645 = arith.index_cast %get3A_644 : i32 to index
      %get3A_646 = arith.constant 0 : index
      %get3A_647 = tpu.vector_load %arg13[%get3A_645, %get3A_646] {strides = array<i32>} : memref<32x128xf32, #tpu.memory_space<vmem>>, vector<16xf32>,
      %sub3A_648 = arith.subf %get3A_647, %get3A_472 : vector<16xf32>
      %swap3A_649 = arith.constant 19 : i32
      %swap3A_650 = arith.index_cast %swap3A_649 : i32 to index
      %swap3A_651 = arith.constant 0 : index
      %swap3A_652 = tpu.vector_load %arg14[%swap3A_650, %swap3A_651] {strides = array<i32>} : memref<32x16xf32, #tpu.memory_space<vmem>>, vector<16xf32>,
      tpu.vector_store %arg14[%swap3A_650, %swap3A_651], %sub3A_648 {strides = array<i32>} : memref<32x16xf32, #tpu.memory_space<vmem>>, vector<16xf32>,
      %get3A_653 = arith.constant 20 : i32
      %get3A_654 = arith.index_cast %get3A_653 : i32 to index
      %get3A_655 = arith.constant 0 : index
      %get3A_656 = tpu.vector_load %arg13[%get3A_654, %get3A_655] {strides = array<i32>} : memref<32x128xf32, #tpu.memory_space<vmem>>, vector<16xf32>,
      %sub3A_657 = arith.subf %get3A_656, %get3A_472 : vector<16xf32>
      %swap3A_658 = arith.constant 20 : i32
      %swap3A_659 = arith.index_cast %swap3A_658 : i32 to index
      %swap3A_660 = arith.constant 0 : index
      %swap3A_661 = tpu.vector_load %arg14[%swap3A_659, %swap3A_660] {strides = array<i32>} : memref<32x16xf32, #tpu.memory_space<vmem>>, vector<16xf32>,
      tpu.vector_store %arg14[%swap3A_659, %swap3A_660], %sub3A_657 {strides = array<i32>} : memref<32x16xf32, #tpu.memory_space<vmem>>, vector<16xf32>,
      %get3A_662 = arith.constant 21 : i32
      %get3A_663 = arith.index_cast %get3A_662 : i32 to index
      %get3A_664 = arith.constant 0 : index
      %get3A_665 = tpu.vector_load %arg13[%get3A_663, %get3A_664] {strides = array<i32>} : memref<32x128xf32, #tpu.memory_space<vmem>>, vector<16xf32>,
      %sub3A_666 = arith.subf %get3A_665, %get3A_472 : vector<16xf32>
      %swap3A_667 = arith.constant 21 : i32
      %swap3A_668 = arith.index_cast %swap3A_667 : i32 to index
      %swap3A_669 = arith.constant 0 : index
      %swap3A_670 = tpu.vector_load %arg14[%swap3A_668, %swap3A_669] {strides = array<i32>} : memref<32x16xf32, #tpu.memory_space<vmem>>, vector<16xf32>,
      tpu.vector_store %arg14[%swap3A_668, %swap3A_669], %sub3A_666 {strides = array<i32>} : memref<32x16xf32, #tpu.memory_space<vmem>>, vector<16xf32>,
      %get3A_671 = arith.constant 22 : i32
      %get3A_672 = arith.index_cast %get3A_671 : i32 to index
      %get3A_673 = arith.constant 0 : index
      %get3A_674 = tpu.vector_load %arg13[%get3A_672, %get3A_673] {strides = array<i32>} : memref<32x128xf32, #tpu.memory_space<vmem>>, vector<16xf32>,
      %sub3A_675 = arith.subf %get3A_674, %get3A_472 : vector<16xf32>
      %swap3A_676 = arith.constant 22 : i32
      %swap3A_677 = arith.index_cast %swap3A_676 : i32 to index
      %swap3A_678 = arith.constant 0 : index
      %swap3A_679 = tpu.vector_load %arg14[%swap3A_677, %swap3A_678] {strides = array<i32>} : memref<32x16xf32, #tpu.memory_space<vmem>>, vector<16xf32>,
      tpu.vector_store %arg14[%swap3A_677, %swap3A_678], %sub3A_675 {strides = array<i32>} : memref<32x16xf32, #tpu.memory_space<vmem>>, vector<16xf32>,
      %get3A_680 = arith.constant 23 : i32
      %get3A_681 = arith.index_cast %get3A_680 : i32 to index
      %get3A_682 = arith.constant 0 : index
      %get3A_683 = tpu.vector_load %arg13[%get3A_681, %get3A_682] {strides = array<i32>} : memref<32x128xf32, #tpu.memory_space<vmem>>, vector<16xf32>,
      %sub3A_684 = arith.subf %get3A_683, %get3A_472 : vector<16xf32>
      %swap3A_685 = arith.constant 23 : i32
      %swap3A_686 = arith.index_cast %swap3A_685 : i32 to index
      %swap3A_687 = arith.constant 0 : index
      %swap3A_688 = tpu.vector_load %arg14[%swap3A_686, %swap3A_687] {strides = array<i32>} : memref<32x16xf32, #tpu.memory_space<vmem>>, vector<16xf32>,
      tpu.vector_store %arg14[%swap3A_686, %swap3A_687], %sub3A_684 {strides = array<i32>} : memref<32x16xf32, #tpu.memory_space<vmem>>, vector<16xf32>,
      %get3A_689 = arith.constant 24 : i32
      %get3A_690 = arith.index_cast %get3A_689 : i32 to index
      %get3A_691 = arith.constant 0 : index
      %get3A_692 = tpu.vector_load %arg13[%get3A_690, %get3A_691] {strides = array<i32>} : memref<32x128xf32, #tpu.memory_space<vmem>>, vector<16xf32>,
      %sub3A_693 = arith.subf %get3A_692, %get3A_472 : vector<16xf32>
      %swap3A_694 = arith.constant 24 : i32
      %swap3A_695 = arith.index_cast %swap3A_694 : i32 to index
      %swap3A_696 = arith.constant 0 : index
      %swap3A_697 = tpu.vector_load %arg14[%swap3A_695, %swap3A_696] {strides = array<i32>} : memref<32x16xf32, #tpu.memory_space<vmem>>, vector<16xf32>,
      tpu.vector_store %arg14[%swap3A_695, %swap3A_696], %sub3A_693 {strides = array<i32>} : memref<32x16xf32, #tpu.memory_space<vmem>>, vector<16xf32>,
      %get3A_698 = arith.constant 25 : i32
      %get3A_699 = arith.index_cast %get3A_698 : i32 to index
      %get3A_700 = arith.constant 0 : index
      %get3A_701 = tpu.vector_load %arg13[%get3A_699, %get3A_700] {strides = array<i32>} : memref<32x128xf32, #tpu.memory_space<vmem>>, vector<16xf32>,
      %sub3A_702 = arith.subf %get3A_701, %get3A_472 : vector<16xf32>
      %swap3A_703 = arith.constant 25 : i32
      %swap3A_704 = arith.index_cast %swap3A_703 : i32 to index
      %swap3A_705 = arith.constant 0 : index
      %swap3A_706 = tpu.vector_load %arg14[%swap3A_704, %swap3A_705] {strides = array<i32>} : memref<32x16xf32, #tpu.memory_space<vmem>>, vector<16xf32>,
      tpu.vector_store %arg14[%swap3A_704, %swap3A_705], %sub3A_702 {strides = array<i32>} : memref<32x16xf32, #tpu.memory_space<vmem>>, vector<16xf32>,
      %get3A_707 = arith.constant 26 : i32
      %get3A_708 = arith.index_cast %get3A_707 : i32 to index
      %get3A_709 = arith.constant 0 : index
      %get3A_710 = tpu.vector_load %arg13[%get3A_708, %get3A_709] {strides = array<i32>} : memref<32x128xf32, #tpu.memory_space<vmem>>, vector<16xf32>,
      %sub3A_711 = arith.subf %get3A_710, %get3A_472 : vector<16xf32>
      %swap3A_712 = arith.constant 26 : i32
      %swap3A_713 = arith.index_cast %swap3A_712 : i32 to index
      %swap3A_714 = arith.constant 0 : index
      %swap3A_715 = tpu.vector_load %arg14[%swap3A_713, %swap3A_714] {strides = array<i32>} : memref<32x16xf32, #tpu.memory_space<vmem>>, vector<16xf32>,
      tpu.vector_store %arg14[%swap3A_713, %swap3A_714], %sub3A_711 {strides = array<i32>} : memref<32x16xf32, #tpu.memory_space<vmem>>, vector<16xf32>,
      %get3A_716 = arith.constant 27 : i32
      %get3A_717 = arith.index_cast %get3A_716 : i32 to index
      %get3A_718 = arith.constant 0 : index
      %get3A_719 = tpu.vector_load %arg13[%get3A_717, %get3A_718] {strides = array<i32>} : memref<32x128xf32, #tpu.memory_space<vmem>>, vector<16xf32>,
      %sub3A_720 = arith.subf %get3A_719, %get3A_472 : vector<16xf32>
      %swap3A_721 = arith.constant 27 : i32
      %swap3A_722 = arith.index_cast %swap3A_721 : i32 to index
      %swap3A_723 = arith.constant 0 : index
      %swap3A_724 = tpu.vector_load %arg14[%swap3A_722, %swap3A_723] {strides = array<i32>} : memref<32x16xf32, #tpu.memory_space<vmem>>, vector<16xf32>,
      tpu.vector_store %arg14[%swap3A_722, %swap3A_723], %sub3A_720 {strides = array<i32>} : memref<32x16xf32, #tpu.memory_space<vmem>>, vector<16xf32>,
      %get3A_725 = arith.constant 28 : i32
      %get3A_726 = arith.index_cast %get3A_725 : i32 to index
      %get3A_727 = arith.constant 0 : index
      %get3A_728 = tpu.vector_load %arg13[%get3A_726, %get3A_727] {strides = array<i32>} : memref<32x128xf32, #tpu.memory_space<vmem>>, vector<16xf32>,
      %sub3A_729 = arith.subf %get3A_728, %get3A_472 : vector<16xf32>
      %swap3A_730 = arith.constant 28 : i32
      %swap3A_731 = arith.index_cast %swap3A_730 : i32 to index
      %swap3A_732 = arith.constant 0 : index
      %swap3A_733 = tpu.vector_load %arg14[%swap3A_731, %swap3A_732] {strides = array<i32>} : memref<32x16xf32, #tpu.memory_space<vmem>>, vector<16xf32>,
      tpu.vector_store %arg14[%swap3A_731, %swap3A_732], %sub3A_729 {strides = array<i32>} : memref<32x16xf32, #tpu.memory_space<vmem>>, vector<16xf32>,
      %get3A_734 = arith.constant 29 : i32
      %get3A_735 = arith.index_cast %get3A_734 : i32 to index
      %get3A_736 = arith.constant 0 : index
      %get3A_737 = tpu.vector_load %arg13[%get3A_735, %get3A_736] {strides = array<i32>} : memref<32x128xf32, #tpu.memory_space<vmem>>, vector<16xf32>,
      %sub3A_738 = arith.subf %get3A_737, %get3A_472 : vector<16xf32>
      %swap3A_739 = arith.constant 29 : i32
      %swap3A_740 = arith.index_cast %swap3A_739 : i32 to index
      %swap3A_741 = arith.constant 0 : index
      %swap3A_742 = tpu.vector_load %arg14[%swap3A_740, %swap3A_741] {strides = array<i32>} : memref<32x16xf32, #tpu.memory_space<vmem>>, vector<16xf32>,
      tpu.vector_store %arg14[%swap3A_740, %swap3A_741], %sub3A_738 {strides = array<i32>} : memref<32x16xf32, #tpu.memory_space<vmem>>, vector<16xf32>,
      %get3A_743 = arith.constant 30 : i32
      %get3A_744 = arith.index_cast %get3A_743 : i32 to index
      %get3A_745 = arith.constant 0 : index
      %get3A_746 = tpu.vector_load %arg13[%get3A_744, %get3A_745] {strides = array<i32>} : memref<32x128xf32, #tpu.memory_space<vmem>>, vector<16xf32>,
      %sub3A_747 = arith.subf %get3A_746, %get3A_472 : vector<16xf32>
      %swap3A_748 = arith.constant 30 : i32
      %swap3A_749 = arith.index_cast %swap3A_748 : i32 to index
      %swap3A_750 = arith.constant 0 : index
      %swap3A_751 = tpu.vector_load %arg14[%swap3A_749, %swap3A_750] {strides = array<i32>} : memref<32x16xf32, #tpu.memory_space<vmem>>, vector<16xf32>,
      tpu.vector_store %arg14[%swap3A_749, %swap3A_750], %sub3A_747 {strides = array<i32>} : memref<32x16xf32, #tpu.memory_space<vmem>>, vector<16xf32>,
      %get3A_752 = arith.constant 31 : i32
      %get3A_753 = arith.index_cast %get3A_752 : i32 to index
      %get3A_754 = arith.constant 0 : index
      %get3A_755 = tpu.vector_load %arg13[%get3A_753, %get3A_754] {strides = array<i32>} : memref<32x128xf32, #tpu.memory_space<vmem>>, vector<16xf32>,
      %sub3A_756 = arith.subf %get3A_755, %get3A_472 : vector<16xf32>
      %swap3A_757 = arith.constant 31 : i32
      %swap3A_758 = arith.index_cast %swap3A_757 : i32 to index
      %swap3A_759 = arith.constant 0 : index
      %swap3A_760 = tpu.vector_load %arg14[%swap3A_758, %swap3A_759] {strides = array<i32>} : memref<32x16xf32, #tpu.memory_space<vmem>>, vector<16xf32>,
      tpu.vector_store %arg14[%swap3A_758, %swap3A_759], %sub3A_756 {strides = array<i32>} : memref<32x16xf32, #tpu.memory_space<vmem>>, vector<16xf32>,
      %mul3A_761 = arith.constant 32 : i32
      %mul3A_762 = arith.muli %add3A_392, %mul3A_761 : i32
      "tpu.region"() ({
        %run_scoped3A = tpu.sem_alloc : memref<!tpu.dma_semaphore, #tpu.memory_space<semaphore_mem>>
        %dma_start3A_769 = arith.constant 0 : i32
        %dma_start3A_770 = tpu.memref_slice %arg5[%mul3A_762, %dma_start3A_769] : memref<131072x16xf32, #tpu.memory_space<hbm>> -> memref<32x16xf32, #tpu.memory_space<hbm>>
        %dma_start3A_771 = arith.constant 0 : i32
        %dma_start3A_772 = tpu.memref_slice %arg5[%mul3A_762, %dma_start3A_771] : memref<131072x16xf32, #tpu.memory_space<hbm>> -> memref<32x16xf32, #tpu.memory_space<hbm>>
        tpu.enqueue_dma source(%arg14 : memref<32x16xf32, #tpu.memory_space<vmem>>) target(%dma_start3A_772 : memref<32x16xf32, #tpu.memory_space<hbm>>) target_semaphore(%run_scoped3A : memref<!tpu.dma_semaphore, #tpu.memory_space<semaphore_mem>>)
        %dma_wait3A_773 = arith.constant 0 : i32
        %dma_wait3A_774 = tpu.memref_slice %arg5[%mul3A_762, %dma_wait3A_773] : memref<131072x16xf32, #tpu.memory_space<hbm>> -> memref<32x16xf32, #tpu.memory_space<hbm>>
        %dma_wait3A_775 = arith.constant 0 : i32
        %dma_wait3A_776 = tpu.memref_slice %arg5[%mul3A_762, %dma_wait3A_775] : memref<131072x16xf32, #tpu.memory_space<hbm>> -> memref<32x16xf32, #tpu.memory_space<hbm>>
        tpu.wait_dma2 semaphore(%run_scoped3A : memref<!tpu.dma_semaphore, #tpu.memory_space<semaphore_mem>>) src(%arg14 : memref<32x16xf32, #tpu.memory_space<vmem>>) dst(%dma_wait3A_776 : memref<32x16xf32, #tpu.memory_space<hbm>>)
        tpu.yield
      }) : () -> ()
      %dma_wait3A_763 = arith.constant 0 : i32
      %dma_wait3A_764 = tpu.memref_slice %arg2[%min3A_384, %dma_wait3A_763] : memref<4096x8192xf32, #tpu.memory_space<hbm>> -> memref<1x8192xf32, #tpu.memory_space<hbm>>
      %dma_wait3A_765 = tpu.memref_squeeze %dma_wait3A_764 : memref<1x8192xf32, #tpu.memory_space<hbm>> -> memref<8192xf32, #tpu.memory_space<hbm>>
      %dma_wait3A_766 = arith.constant 0 : i32
      %dma_wait3A_767 = tpu.memref_slice %arg2[%min3A_384, %dma_wait3A_766] : memref<4096x8192xf32, #tpu.memory_space<hbm>> -> memref<1x8192xf32, #tpu.memory_space<hbm>>
      %dma_wait3A_768 = tpu.memref_squeeze %dma_wait3A_767 : memref<1x8192xf32, #tpu.memory_space<hbm>> -> memref<8192xf32, #tpu.memory_space<hbm>>
      tpu.wait_dma2 semaphore(%arg15 : memref<!tpu.dma_semaphore, #tpu.memory_space<semaphore_mem>>) src(%dma_wait3A_768 : memref<8192xf32, #tpu.memory_space<hbm>>) dst(%arg7 : memref<8192xf32, #tpu.memory_space<vmem>>)
    }
    %scan3A_8 = arith.constant 64 : i32
    return
  }
}

module attributes {stable_mosaic.version = 14 : i64} {
  func.func @_tc_dist_body(%arg0: i32, %arg1: i32, %arg2: memref<1x8x2048xf32, #tpu.memory_space<vmem>>, %arg3: memref<1x256x8xf32, #tpu.memory_space<vmem>>, %arg4: memref<1x256x2048xf32, #tpu.memory_space<vmem>>) attributes {dimension_semantics = [#tpu.dimension_semantics<arbitrary>, #tpu.dimension_semantics<arbitrary>], iteration_bounds = array<i64: 16, 4>, scalar_prefetch = 0 : i64, scratch_operands = 0 : i64, tpu.core_type = #tpu.core_type<tc>, window_params = [{transform_indices = @transform_0, window_bounds = array<i64: 1, 8, 2048>}, {transform_indices = @transform_1, window_bounds = array<i64: 1, 256, 8>}, {transform_indices = @transform_2, window_bounds = array<i64: 1, 256, 2048>}]} {
    %get3A = arith.constant 0 : index
    %get3A_0 = arith.constant 0 : index
    %get3A_1 = arith.constant 0 : index
    %get3A_2 = vector.load %arg3[%get3A, %get3A_0, %get3A_1] : memref<1x256x8xf32, #tpu.memory_space<vmem>>, vector<1x256x8xf32>
    %get3A_3 = vector.shape_cast %get3A_2 : vector<1x256x8xf32> to vector<256x8xf32>
    %get3A_4 = arith.constant 0 : index
    %get3A_5 = arith.constant 0 : index
    %get3A_6 = arith.constant 0 : index
    %get3A_7 = vector.load %arg2[%get3A_4, %get3A_5, %get3A_6] : memref<1x8x2048xf32, #tpu.memory_space<vmem>>, vector<1x8x2048xf32>
    %get3A_8 = vector.shape_cast %get3A_7 : vector<1x8x2048xf32> to vector<8x2048xf32>
    %slice3A = vector.extract_strided_slice %get3A_3 {offsets = [0, 0], sizes = [256, 1], strides = [1, 1]} : vector<256x8xf32> to vector<256x1xf32>
    %slice3A_9 = vector.extract_strided_slice %get3A_8 {offsets = [0, 0], sizes = [1, 2048], strides = [1, 1]} : vector<8x2048xf32> to vector<1x2048xf32>
    %sub3A = vector.broadcast %slice3A : vector<256x1xf32> to vector<256x2048xf32>
    %sub3A_10 = vector.broadcast %slice3A_9 : vector<1x2048xf32> to vector<256x2048xf32>
    %sub3A_11 = arith.subf %sub3A, %sub3A_10 : vector<256x2048xf32>
    %slice3A_12 = vector.extract_strided_slice %get3A_3 {offsets = [0, 1], sizes = [256, 1], strides = [1, 1]} : vector<256x8xf32> to vector<256x1xf32>
    %slice3A_13 = vector.extract_strided_slice %get3A_8 {offsets = [1, 0], sizes = [1, 2048], strides = [1, 1]} : vector<8x2048xf32> to vector<1x2048xf32>
    %sub3A_14 = vector.broadcast %slice3A_12 : vector<256x1xf32> to vector<256x2048xf32>
    %sub3A_15 = vector.broadcast %slice3A_13 : vector<1x2048xf32> to vector<256x2048xf32>
    %sub3A_16 = arith.subf %sub3A_14, %sub3A_15 : vector<256x2048xf32>
    %slice3A_17 = vector.extract_strided_slice %get3A_3 {offsets = [0, 2], sizes = [256, 1], strides = [1, 1]} : vector<256x8xf32> to vector<256x1xf32>
    %slice3A_18 = vector.extract_strided_slice %get3A_8 {offsets = [2, 0], sizes = [1, 2048], strides = [1, 1]} : vector<8x2048xf32> to vector<1x2048xf32>
    %sub3A_19 = vector.broadcast %slice3A_17 : vector<256x1xf32> to vector<256x2048xf32>
    %sub3A_20 = vector.broadcast %slice3A_18 : vector<1x2048xf32> to vector<256x2048xf32>
    %sub3A_21 = arith.subf %sub3A_19, %sub3A_20 : vector<256x2048xf32>
    %mul3A = arith.mulf %sub3A_11, %sub3A_11 : vector<256x2048xf32>
    %mul3A_22 = arith.mulf %sub3A_16, %sub3A_16 : vector<256x2048xf32>
    %add3A = arith.addf %mul3A, %mul3A_22 : vector<256x2048xf32>
    %mul3A_23 = arith.mulf %sub3A_21, %sub3A_21 : vector<256x2048xf32>
    %add3A_24 = arith.addf %add3A, %mul3A_23 : vector<256x2048xf32>
    %swap3A = arith.constant 0 : index
    %swap3A_25 = arith.constant 0 : index
    %swap3A_26 = arith.constant 0 : index
    %swap3A_27 = vector.load %arg4[%swap3A, %swap3A_25, %swap3A_26] : memref<1x256x2048xf32, #tpu.memory_space<vmem>>, vector<1x256x2048xf32>
    %swap3A_28 = vector.shape_cast %swap3A_27 : vector<1x256x2048xf32> to vector<256x2048xf32>
    %swap3A_29 = vector.shape_cast %add3A_24 : vector<256x2048xf32> to vector<1x256x2048xf32>
    tpu.vector_store %arg4[%swap3A, %swap3A_25, %swap3A_26], %swap3A_29 {strides = array<i32>} : memref<1x256x2048xf32, #tpu.memory_space<vmem>>, vector<1x256x2048xf32>,
    return
  }
  func.func @transform_0(%arg0: i32, %arg1: i32) -> (i32, i32, i32) {
    %c0_i32 = arith.constant 0 : i32
    %c0_i32_0 = arith.constant 0 : i32
    return %arg0, %c0_i32, %arg1 : i32, i32, i32
  }
  func.func @transform_1(%arg0: i32, %arg1: i32) -> (i32, i32, i32) {
    %c0_i32 = arith.constant 0 : i32
    %c0_i32_0 = arith.constant 0 : i32
    %c0_i32_1 = arith.constant 0 : i32
    return %arg0, %c0_i32, %c0_i32_0 : i32, i32, i32
  }
  func.func @transform_2(%arg0: i32, %arg1: i32) -> (i32, i32, i32) {
    %c0_i32 = arith.constant 0 : i32
    %c0_i32_0 = arith.constant 0 : i32
    return %arg0, %c0_i32, %arg1 : i32, i32, i32
  }
}

</mosaic_0001>

<sc_bundles>
// kernel: _run.4.cloned.1.call-start
scs
__scs_entry_jumppad:
0x0: {  	(pc) =	sbr.rel $0x88, $3  }
0x1: {  	(tag) =	ssettag $0x0;
	lr =	simm.s32 $0x1  }
0x2: {  	[smem:$0x3F9F] =	sst lr;
	_ =	strace $0xD0000000  }
0x3: {  	_ = 	snop  }
0x4: {  	_ = 	snop  }
0x5: {  	_ = 	snop  }
0x6: {  	_ = 	snop  }
0x7: {  	_ = 	snop  }
__scs_overlays_trampoline_lowered:
0x8: {  	[smem:$0x3FAE] =	sst s0  }
0x9: {  	[smem:$0x3FAF] =	sst s1  }
0xa: {  	[smem:$0x3FB0] =	sst s2  }
0xb: {  	[smem:$0x3FB1] =	sst s3  }
0xc: {  	[smem:$0x3FB2] =	sst s4  }
0xd: {  	[smem:$0x3FB3] =	sst s5  }
0xe: {  	[smem:$0x3FB4] =	sst s6  }
0xf: {  	[smem:$0x3FB5] =	sst s7  }
0x10: {  	[smem:$0x3FB6] =	sst s8  }
0x11: {  	[smem:$0x3FB7] =	sst s9;
	s0 =	simm.s32 @!p0 $0x0  }
0x12: {  	s1 =	sld [smem:$0x3F9D];
	s0 =	simm.s32 @p0 $0x1  }
0x13: {  	[smem:$0x3FB8] =	sst s0;
	s0 =	simm.s32 @!p1 $0x0  }
0x14: {  	s2 =	sld [smem:$0x3F9C];
	s0 =	simm.s32 @p1 $0x1  }
0x15: {  	[smem:$0x3FB9] =	sst s0;
	s0 =	simm.s32 @!p2 $0x0  }
0x16: {  	s3 =	sld [smem:$0x3FDB];
	s0 =	simm.s32 @p2 $0x1  }
0x17: {  	s4 =	simm.s32 $0x1BF5;
	[smem:$0x3FBB] =	sst s0  }
0x18: {  	s0 =	sld [smem:$0x3F9E];
	_ =	swait.ge [sflag:s4], $0x0  }
0x19: {  	s7 =	sld [smem:$0x3F9F]  }
0x1a: {  	s8 =	sadd.s32 $0xFFFFE003, lr  }
0x1b: {  	s9 =	sadd.s32 $0xFFFFFEF7, lr;
	s5 =	simm.s32 $0xFFFFFFFF;
	p2 =	slt.u32 s8, $0xFFFFF086  }
0x1c: {  	p1 =	slt.u32 s9, $0xF7A;
	s5 =	simm.s32 @!p2 $0x0  }
0x1d: {  	s5 =	simm.s32 @p1 $0x1;
	p0 =	seq.s32 s7, s2  }
0x1e: {  	s7 =	smul.u32 @!p0 $0xF7A, s2;
	p2 =	seq.s32 @!p0 s5, $0x0  }
0x1f: {  	s9 =	smul.u32 $0xF7A, s1;
	s8 =	simm.s32 @!p0 $0x1BF5;
	p2 =	por !p2, p0  }
0x20: {  	[sflag:s8] =	ssyncset.s32 @!p0 $0xFFFFF086;
	s6 =	sadd.s32 @!p0 s3, s7;
	s7 =	simm.s32 @!p0 $0x108  }
0x21: {  	s3 =	sadd.s32 s3, s9;
	s6 =	sadd.s32 @!p0 $0x88, s6;
	s7 =	simm.s32 @p2 $0x1082  }
0x22: {  	[simem:s7], [sflag:s8] =	dma.local @!p0 [hbm:s6], $0xF7A  }
0x23: {  	s9 =	sor.u32 $0xD0000000, s2;
	s6 =	simm.s32 $0x108;
	_ =	swait.ge @!p0 [sflag:s8], $0x0  }
0x24: {  	s3 =	sadd.s32 $0x88, s3;
	s6 =	simm.s32 @!p1 $0x1082;
	[sflag:s4] =	ssyncset.s32 $0xFFFFF086  }
0x25: {  	[simem:s6], [sflag:s4] =	dma.local [hbm:s3], $0xF7A  }
0x26: {  	[smem:$0x3F9F] =	sst s1;
	(tag) =	ssettag s2;
	_ =	strace s9  }
0x27: {  	s1 =	sld [smem:$0x3FAF]  }
0x28: {  	s2 =	sld [smem:$0x3FB0]  }
0x29: {  	s4 =	sld [smem:$0x3FB2]  }
0x2a: {  	p0 =	seq.s32 s5, $0x0;
	s5 =	sld [smem:$0x3FB3]  }
0x2b: {  	s6 =	sld [smem:$0x3FB4]  }
0x2c: {  	s7 =	sld [smem:$0x3FB5]  }
0x2d: {  	s3 =	simm.s32 $0x108;
	s8 =	sld [smem:$0x3FB6]  }
0x2e: {  	s3 =	simm.s32 @!p0 $0x1082;
	s9 =	sld [smem:$0x3FB7]  }
0x2f: {  	lr =	sadd.s32 s0, s3;
	s0 =	sld [smem:$0x3FAE]  }
0x30: {  	s3 =	sld [smem:$0x3FB1]  }
0x31: {  	[smem:$0x3FBA] =	sst s10  }
0x32: {  	s10 =	sld [smem:$0x3FB8];
	_ =	sdelay $0x3  }
0x33: {  	p0 =	seq.s32 s10, $0x1;
	s10 =	sld [smem:$0x3FBA];
	_ =	sdelay $0x3  }
0x34: {  	[smem:$0x3FBA] =	sst s10  }
0x35: {  	s10 =	sld [smem:$0x3FB9];
	_ =	sdelay $0x3  }
0x36: {  	p1 =	seq.s32 s10, $0x1;
	s10 =	sld [smem:$0x3FBA];
	_ =	sdelay $0x3  }
0x37: {  	[smem:$0x3FBA] =	sst s10  }
0x38: {  	s10 =	sld [smem:$0x3FBB]  }
0x39: {  	_ = 	snop;
	(pc) =	sbr.ind lr, $3  }
0x3a: {  	_ = 	snop  }
0x3b: {  	_ = 	snop  }
0x3c: {  	p2 =	seq.s32 s10, $0x1;
	s10 =	sld [smem:$0x3FBA]  }
0x3d: {  	_ =	shalt  }
0x3e: {  	_ =	shalt  }
0x3f: {  	_ =	shalt  }
0x40: {  	_ =	shalt  }
0x41: {  	_ =	shalt  }
0x42: {  	_ =	shalt  }
0x43: {  	_ =	shalt  }
0x44: {  	_ =	shalt  }
0x45: {  	_ =	shalt  }
0x46: {  	_ =	shalt  }
0x47: {  	_ =	shalt  }
0x48: {  	_ =	shalt  }
0x49: {  	_ =	shalt  }
0x4a: {  	_ =	shalt  }
0x4b: {  	_ =	shalt  }
0x4c: {  	_ =	shalt  }
0x4d: {  	_ =	shalt  }
0x4e: {  	_ =	shalt  }
0x4f: {  	_ =	shalt  }
0x50: {  	_ =	shalt  }
0x51: {  	_ =	shalt  }
0x52: {  	_ =	shalt  }
0x53: {  	_ =	shalt  }
0x54: {  	_ =	shalt  }
0x55: {  	_ =	shalt  }
0x56: {  	_ =	shalt  }
0x57: {  	_ =	shalt  }
0x58: {  	_ =	shalt  }
0x59: {  	_ =	shalt  }
0x5a: {  	_ =	shalt  }
0x5b: {  	_ =	shalt  }
0x5c: {  	_ =	shalt  }
0x5d: {  	_ =	shalt  }
0x5e: {  	_ =	shalt  }
0x5f: {  	_ =	shalt  }
0x60: {  	_ =	shalt  }
0x61: {  	_ =	shalt  }
0x62: {  	_ =	shalt  }
0x63: {  	_ =	shalt  }
0x64: {  	_ =	shalt  }
0x65: {  	_ =	shalt  }
0x66: {  	_ =	shalt  }
0x67: {  	_ =	shalt  }
0x68: {  	_ =	shalt  }
0x69: {  	_ =	shalt  }
0x6a: {  	_ =	shalt  }
0x6b: {  	_ =	shalt  }
0x6c: {  	_ =	shalt  }
0x6d: {  	_ =	shalt  }
0x6e: {  	_ =	shalt  }
0x6f: {  	_ =	shalt  }
0x70: {  	_ =	shalt  }
0x71: {  	_ =	shalt  }
0x72: {  	_ =	shalt  }
0x73: {  	_ =	shalt  }
0x74: {  	_ =	shalt  }
0x75: {  	_ =	shalt  }
0x76: {  	_ =	shalt  }
0x77: {  	_ =	shalt  }
0x78: {  	_ =	shalt  }
0x79: {  	_ =	shalt  }
0x7a: {  	_ =	shalt  }
0x7b: {  	_ =	shalt  }
0x7c: {  	_ =	shalt  }
0x7d: {  	_ =	shalt  }
0x7e: {  	_ =	shalt  }
0x7f: {  	_ =	shalt  }
0x80: {  	_ =	shalt  }
0x81: {  	_ =	shalt  }
0x82: {  	_ =	shalt  }
0x83: {  	_ =	shalt  }
0x84: {  	_ =	shalt  }
0x85: {  	_ =	shalt  }
0x86: {  	_ =	shalt  }
0x87: {  	_ =	shalt  }
.Lfunc_end0:
.L_simem_size_0:
called_computation.1_lowered:
.L_overlay_start_0:
0x88: {  	s2 =	sld [smem:$0x3FD9]  }
0x89: {  	s3 =	sld [smem:$0x3FFE];
	_ =	sdelay $0x1  }
0x8a: {  	s1 =	srdreg.scid  }
0x8b: {  	s0 =	sand.u32 $0x1, s1  }
0x8c: {  	s14 =	sshll.u32 s0, $0xA;
	s2 =	sadd.s32 s3, s2  }
0x8d: {  	s2 =	sadd.s32 s2, s14  }
0x8e: {  	[smem:$0x3FC6] =	sst s2  }
0x8f: {  	_ = 	snop  }
0x90: {  	s2 =	sld [smem:$0x3FD0];
	_ =	sdelay $0x2  }
0x91: {  	s15 =	simm.s32 $0xA;
	s4 =	simm.s32 $0x10  }
0x92: {  	[smem:s4], [sflag:s15] =	dma.local [hbm:s2], $0x1  }
0x93: {  	_ =	swait.eq [sflag:s15], $0x1  }
0x94: {  	[sflag:s15] =	ssyncset.done $0x0  }
0x95: {  	s16 =	sld [smem:$0x10];
	[sflag:s15] =	ssyncadd.s32 $0xFFFFFFFF  }
0x96: {  	s17 =	sld [smem:$0x11];
	(tm) =	ssettm $0x1  }
0x97: {  	s18 =	sld [smem:$0x3FFB];
	_ =	sdelay $0x3  }
0x98: {  	_ =	strace s18  }
0x99: {  	s4 =	sld [smem:$0x3FFC];
	_ =	sdelay $0x3  }
0x9a: {  	_ =	strace s4  }
0x9b: {  	s4 =	sld [smem:$0x3FFD];
	_ =	sdelay $0x3  }
0x9c: {  	_ =	strace s4  }
0x9d: {  	_ =	strace $0x8FFFFFFF  }
0x9e: {  	s19 =	sld [smem:$0x3FDB];
	_ =	sdelay $0x1  }
0x9f: {  	s5 =	simm.s32 $_scs_section_size  }
0xa0: {  	s6 =	simm.s32 $_size__tile_overlayer_lowered;
	s7 =	simm.s32 $_tile_overlayer_lowered  }
0xa1: {  	s22 =	simm.s32 $0x1BFF;
	s21 =	sshll.u32 s7, $0x1;
	s4 =	sadd.s32 s5, s19  }
0xa2: {  	s8 =	simm.s32 $0x0;
	s20 =	sshll.u32 s6, $0x1;
	s6 =	sadd.s32 s21, s4  }
0xa3: {  	[timem:s8], [sflag:s22] =	dma.local [hbm:s6], s20  }
0xa4: {  	_ =	swait.ge [sflag:s22], s20  }
0xa5: {  	s5 =	ssub.s32 $0x0, s20;
	[sflag:s22] =	ssyncset.done $0x0  }
0xa6: {  	[sflag:s22] =	ssyncadd.s32 s5;
	_ =	sdelay $0x1  }
0xa7: {  	s23 =	simm.s32 $0x1B8B  }
0xa8: {  	_ =	swait.ge [sflag:s23], $0x1  }
0xa9: {  	[sflag:s23] =	ssyncset.done $0x0  }
0xaa: {  	s25 =	simm.s32 $0x1B8E;
	s24 =	sld [smem:$0x3FFE];
	[sflag:s23] =	ssyncadd.s32 $0xFFFFFFFF  }
0xab: {  	s26 =	simm.s32 $execute0_lowered;
	[smem:$0x3FD2] =	sst s25  }
0xac: {  	s6 =	sshll.u32 s26, $0x1;
	_ =	strace $0x80000049;
	[dreg:$0x1] =	wrdreg $0xFFFFFFFF  }
0xad: {  	s28 =	simm.s32 $_size_execute0_lowered;
	s4 =	sadd.s32 s4, s6;
	[dreg:$0x0] =	wrdreg $0x0  }
0xae: {  	s6 =	sshll.u32 s28, $0x1;
	[dreg:$0x2] =	wrdreg s4  }
0xaf: {  	[dreg:$0x3] =	wrdreg s6  }
0xb0: {  	[dreg:$0x4] =	wrdreg $0xC0  }
0xb1: {  	_ =	task [dreg:s8], $0x5FFFF  }
0xb2: {  	[dreg:$0x1] =	wrdreg $0xFFFFFFFF  }
0xb3: {  	[dreg:$0x0] =	wrdreg $0x60  }
0xb4: {  	[dreg:$0x2] =	wrdreg s24  }
0xb5: {  	[dreg:$0x3] =	wrdreg s16  }
0xb6: {  	[dreg:$0x4] =	wrdreg s17  }
0xb7: {  	[dreg:$0x5] =	wrdreg $0x9  }
0xb8: {  	_ =	task.clear_ibuf [dreg:s8], $0x6FFFF;
	_ =	strace $0x90000049  }
0xb9: {  	s29 =	simm.s32 $0x9;
	_ =	strace $0x8000004B  }
0xba: {  	_ =	swait.ge [sflag:s29], $0x1  }
0xbb: {  	[sflag:s29] =	ssyncadd.s32 $0xFFFFFFFF  }
0xbc: {  	_ =	strace $0x9000004B  }
0xbd: {  	_ =	sfence  }
0xbe: {  	s30 =	sld [smem:$0x0];
	_ =	sdelay $0x2  }
0xbf: {  	s31 =	sshll.u32 s1, $0xD;
	s1 =	sshrl.u32 s1, $0x2  }
0xc0: {  	s3 =	sand.u32 $0x4000, s31;
	s1 =	sadd.s32 s1, s30  }
0xc1: {  	s0 =	sor.u32 s3, s0;
	s1 =	sshll.u32 s1, $0x11  }
0xc2: {  	s0 =	sor.u32 s1, s0  }
0xc3: {  	s0 =	sadd.s32 $0x8F2B, s0  }
0xc4: {  	[sflag:s0] =	ssyncadd.remote.s32 $0x1  }
0xc5: {  	_ =	sfence.sel $0xFFFF  }
0xc6: {  	[dreg:$0x0] =	wrdreg $0xFFFFFFFF;
	(pc) =	sbr.abs _section_cstart, $3  }
0xc7: {  	[dreg:$0x1] =	wrdreg $0xFFFFFFFF  }
0xc8: {  	_ =	task.clear_ibuf [dreg:s8], $0x2FFFF;
	_ =	strace $0x9FFFFFFF  }
0xc9: {  	(tm) =	ssettm $0x7FFFFFFF  }
tec
execute0_lowered:
.L_overlay_start_1:
0x0: {  	(tag) =	ssettag $0x1  }
0x1: {  	s0 =	rddreg [dreg:$0x0]  }
0x2: {  	s2 =	rddreg [dreg:$0x1]  }
0x3: {  	s1 =	rddreg [dreg:$0x2];
	s3 =	simm.s32 $0x0;
	s4 =	srdreg.scid  }
0x4: {  	s10 =	stileid.u32;
	s13 =	simm.s32 $0x4;
	s14 =	simm.s32 $0x2000  }
0x5: {  	s15 =	simm.s32 $0x4830;
	s16 =	simm.s32 $0x20;
	s17 =	simm.s32 $0x5060  }
0x6: {  	s18 =	simm.s32 $0x3;
	s19 =	simm.s32 $0x6060;
	s20 =	simm.s32 $0x2  }
0x7: {  	s21 =	simm.s32 $0x1;
	s22 =	simm.s32 $0x4800;
	s23 =	simm.s32 $0x0  }
0x8: {  	[smem:$0x7FF] =	sst s3;
	s6 =	sand.u32 $0x1, s4;
	s4 =	sadd.s32 $0x411200, s0  }
0x9: {  	s7 =	sshll.u32 s10, $0x8;
	s5 =	sadd.s32 $0xA11200, s0;
	s8 =	sshll.u32 s6, $0x7  }
.Ltmp0:
0xa: {  	s9 =	ssub.s32 $0x2, s6;
	s6 =	sor.u32 s8, s7;
	(pc) =	sbr.rel .LBB2_1-.Ltmp0, $4  }
0xb: {  	_ =	strace $0x8000004A;
	s7 =	sadd.s32 $0x811200, s0;
	s8 =	sshll.u32 s6, $0x1  }
0xc: {  	v0 =	vlaneseq.u32;
	s30 =	sshrl.u32 s9, $0x1;
	s31 =	sshll.u32 s6, $0xA;
	s2 =	sadd.s32 s2, s8  }
0xd: {  	v1 =	vimm.s32 $0x40000000;
	v2 =	vimm.s32 $0x0;
	v3 =	vor.u32 $0x80000000, v0;
	s0 =	ssub.s32 s9, s30;
	[dreg:$0x4] =	wrdreg s2;
	s2 =	sadd.s32 s4, s31  }
0xe: {  	s10 =	sshll.u32 s10, $0xD;
	v4 =	vadd.s32 $0x1, v0;
	v5 =	vadd.s32 $0x11, v0;
	v6 =	vor.u32 $0x10, v0;
	s11 =	smax.u32 s0, $0x1;
	[dreg:$0x5] =	wrdreg s2  }
.LBB2_63:
0xf: {  	s23 =	sadd.s32 $0x1, s23  }
0x10: {  	p0 =	sne.s32 s23, s11  }
.Ltmp1:
0x11: {  	_ = 	snop;
	(pc) =	sbr.rel @!p0 .LBB2_64-.Ltmp1, $1  }
0x12: {  	_ =	sdelay $0x3  }
.LBB2_1:
0x13: {  	s0 =	rddreg [dreg:$0x4];
	s2 =	simm.s32 $0x4860  }
0x14: {  	[tilespmem:s2], [sflag:$0x4] =	stream.linear.gather [hbm4b:s0+s3], $0x800, $0x38;
	[tilespmem:$0x6260] =	vst v63  }
0x15: {  	_ =	swait.ge [sflag:s13], $0x800  }
0x16: {  	[sflag:s13] =	ssyncset.done $0x0  }
.Ltmp2:
0x17: {  	s31 =	rddreg [dreg:$0x5];
	[sflag:s13] =	ssyncadd.s32 $0xFFFFF800;
	(pc) =	sbr.rel .LBB2_2-.Ltmp2, $4  }
0x18: {  	[tilespmem:s3], [sflag:$0x4] =	stream.linear.gather [hbm4b:s31+s3], $0x2000, $0x38;
	[tilespmem:$0x6260] =	vst v63  }
0x19: {  	_ =	swait.ge [sflag:s13], $0x2000  }
0x1a: {  	[sflag:s13] =	ssyncset.done $0x0  }
0x1b: {  	s24 =	simm.s32 $0x0;
	[sflag:s13] =	ssyncadd.s32 $0xFFFFE000  }
.LBB2_62:
0x1c: {  	s0 =	sshll.u32 s25, $0x2  }
0x1d: {  	s0 =	sand.u32 $0x1FFFFFFC, s0  }
0x1e: {  	s0 =	sadd.s32 s1, s0  }
0x1f: {  	[hbm4b:s0+s3] =	stream.linear.scatter [tilespmem:s15], [sflag:$0x4], $0x20, $0x38;
	[tilespmem:$0x6260] =	vst v63  }
0x20: {  	_ =	swait.ge [sflag:s13], $0x20  }
0x21: {  	[sflag:s13] =	ssyncset.done $0x0  }
0x22: {  	[sflag:s13] =	ssyncadd.s32 $0xFFFFFFE0  }
0x23: {  	[tilespmem:s17], [sflag:$0x3] =	stream.indirect.gather [hbm4b:s5+s16], $0x80, s15, s16, $0xb8;
	[tilespmem:$0x6260] =	vst v63  }
0x24: {  	s30 =	ssub.s32 s25, s6;
	_ =	swait.ge [sflag:s18], $0x1000  }
0x25: {  	s0 =	sshll.u32 s30, $0x6;
	[sflag:s18] =	ssyncset.done $0x0  }
0x26: {  	s0 =	sshra.s32 s0, $0x2;
	[sflag:s18] =	ssyncadd.s32 $0xFFFFF000  }
0x27: {  	v7 =	vld [tilespmem:s0+$0x4860]  }
0x28: {  	v8 =	vld [tilespmem:$0x5060]  }
0x29: {  	v9 =	vld [tilespmem:$0x50E0]  }
0x2a: {  	v10 =	vld [tilespmem:$0x5160]  }
0x2b: {  	v11 =	vld [tilespmem:$0x51E0]  }
0x2c: {  	v12 =	vld [tilespmem:$0x5260]  }
0x2d: {  	v13 =	vld [tilespmem:$0x52E0];
	v8 =	vsub.f32 v8, v7  }
0x2e: {  	v14 =	vld [tilespmem:$0x5360];
	v9 =	vsub.f32 v9, v7  }
0x2f: {  	v25 =	vld [tilespmem:$0x53E0];
	[tilespmem:$0x6060] =	vst v8;
	v8 =	vsub.f32 v10, v7  }
0x30: {  	v27 =	vld [tilespmem:$0x5460];
	v26 =	vsub.f32 v11, v7;
	[tilespmem:$0x6070] =	vst v9  }
0x31: {  	v28 =	vld [tilespmem:$0x54E0];
	[tilespmem:$0x6080] =	vst v8;
	v8 =	vsub.f32 v12, v7  }
0x32: {  	v30 =	vld [tilespmem:$0x5560];
	v29 =	vsub.f32 v13, v7;
	[tilespmem:$0x6090] =	vst v26  }
0x33: {  	v31 =	vld [tilespmem:$0x55E0];
	[tilespmem:$0x60A0] =	vst v8;
	v8 =	vsub.f32 v14, v7  }
0x34: {  	v33 =	vld [tilespmem:$0x5660];
	v32 =	vsub.f32 v25, v7;
	[tilespmem:$0x60B0] =	vst v29  }
0x35: {  	v34 =	vld [tilespmem:$0x56E0];
	[tilespmem:$0x60C0] =	vst v8;
	v8 =	vsub.f32 v27, v7  }
0x36: {  	v36 =	vld [tilespmem:$0x5760];
	v35 =	vsub.f32 v28, v7;
	[tilespmem:$0x60D0] =	vst v32  }
0x37: {  	v37 =	vld [tilespmem:$0x57E0];
	[tilespmem:$0x60E0] =	vst v8;
	v8 =	vsub.f32 v30, v7  }
0x38: {  	v39 =	vld [tilespmem:$0x5860];
	v38 =	vsub.f32 v31, v7;
	[tilespmem:$0x60F0] =	vst v35  }
0x39: {  	v40 =	vld [tilespmem:$0x58E0];
	[tilespmem:$0x6100] =	vst v8;
	v8 =	vsub.f32 v33, v7  }
0x3a: {  	v42 =	vld [tilespmem:$0x5960];
	v41 =	vsub.f32 v34, v7;
	[tilespmem:$0x6110] =	vst v38  }
0x3b: {  	v43 =	vld [tilespmem:$0x59E0];
	[tilespmem:$0x6120] =	vst v8;
	v8 =	vsub.f32 v36, v7  }
0x3c: {  	v45 =	vld [tilespmem:$0x5A60];
	v44 =	vsub.f32 v37, v7;
	[tilespmem:$0x6130] =	vst v41  }
0x3d: {  	v46 =	vld [tilespmem:$0x5AE0];
	[tilespmem:$0x6140] =	vst v8;
	v8 =	vsub.f32 v39, v7  }
0x3e: {  	v48 =	vld [tilespmem:$0x5B60];
	v47 =	vsub.f32 v40, v7;
	[tilespmem:$0x6150] =	vst v44  }
0x3f: {  	v49 =	vld [tilespmem:$0x5BE0];
	[tilespmem:$0x6160] =	vst v8;
	v8 =	vsub.f32 v42, v7  }
0x40: {  	v51 =	vld [tilespmem:$0x5C60];
	v50 =	vsub.f32 v43, v7;
	[tilespmem:$0x6170] =	vst v47  }
0x41: {  	v52 =	vld [tilespmem:$0x5CE0];
	[tilespmem:$0x6180] =	vst v8;
	v8 =	vsub.f32 v45, v7  }
0x42: {  	v54 =	vld [tilespmem:$0x5D60];
	v53 =	vsub.f32 v46, v7;
	[tilespmem:$0x6190] =	vst v50  }
0x43: {  	v55 =	vld [tilespmem:$0x5DE0];
	[tilespmem:$0x61A0] =	vst v8;
	v8 =	vsub.f32 v48, v7  }
0x44: {  	v57 =	vld [tilespmem:$0x5E60];
	v56 =	vsub.f32 v49, v7;
	[tilespmem:$0x61B0] =	vst v53  }
0x45: {  	v58 =	vld [tilespmem:$0x5EE0];
	[tilespmem:$0x61C0] =	vst v8;
	v8 =	vsub.f32 v51, v7  }
0x46: {  	v60 =	vld [tilespmem:$0x5F60];
	v59 =	vsub.f32 v52, v7;
	[tilespmem:$0x61D0] =	vst v56  }
0x47: {  	v61 =	vld [tilespmem:$0x5FE0];
	[tilespmem:$0x61E0] =	vst v8;
	v8 =	vsub.f32 v54, v7  }
0x48: {  	v62 =	vsub.f32 v55, v7;
	[tilespmem:$0x61F0] =	vst v59  }
0x49: {  	[tilespmem:$0x6200] =	vst v8;
	v8 =	vsub.f32 v57, v7  }
0x4a: {  	v63 =	vsub.f32 v58, v7;
	[tilespmem:$0x6210] =	vst v62  }
0x4b: {  	[tilespmem:$0x6220] =	vst v8;
	v8 =	vsub.f32 v60, v7  }
0x4c: {  	s31 =	sshll.u32 s25, $0x6;
	[tilespmem:$0x6230] =	vst v63;
	v7 =	vsub.f32 v61, v7  }
0x4d: {  	s0 =	sand.u32 $0x1FFFFFC0, s31;
	[tilespmem:$0x6240] =	vst v8  }
0x4e: {  	s24 =	sadd.s32 $0x1, s24;
	s0 =	sadd.s32 s7, s0;
	[tilespmem:$0x6250] =	vst v7  }
0x4f: {  	[hbm4b:s0+s3] =	stream.linear.scatter [tilespmem:s19], [sflag:$0x4], $0x200, $0x38;
	[tilespmem:$0x6260] =	vst v63  }
0x50: {  	p0 =	sne.s32 s24, $0x40;
	_ =	swait.ge [sflag:s13], $0x200  }
.Ltmp3:
0x51: {  	[sflag:s13] =	ssyncset.done $0x0;
	(pc) =	sbr.rel @!p0 .LBB2_63-.Ltmp3, $4  }
0x52: {  	[sflag:s13] =	ssyncadd.s32 $0xFFFFFE00  }
0x53: {  	_ =	swait.ge [sflag:s21], $0x2000  }
0x54: {  	[sflag:s21] =	ssyncset.done $0x0  }
0x55: {  	[sflag:s21] =	ssyncadd.s32 $0xFFFFE000  }
.LBB2_2:
0x56: {  	s0 =	sshll.u32 s24, $0x1  }
0x57: {  	s26 =	sadd.s32 s6, s0  }
0x58: {  	s25 =	sor.u32 $0x1, s26  }
0x59: {  	s31 =	sshll.u32 s25, $0xA  }
0x5a: {  	s0 =	sand.u32 $0x1FFFFC00, s31  }
0x5b: {  	s2 =	simm.s32 $0x0;
	s0 =	sadd.s32 s4, s0  }
0x5c: {  	v7 =	vimm.f32 $+Inf;
	[tilespmem:s14], [sflag:$0x2] =	stream.linear.gather [hbm4b:s0+s2], $0x2000, $0x38;
	[tilespmem:$0x6260] =	vst v63  }
0x5d: {  	[tilespmem:$0x4800] =	vst v7  }
0x5e: {  	[tilespmem:$0x4830] =	vst v1  }
0x5f: {  	[tilespmem:$0x4810] =	vst v7  }
0x60: {  	[tilespmem:$0x4840] =	vst v1  }
0x61: {  	[tilespmem:$0x4820] =	vst v7  }
0x62: {  	s0 =	simm.s32 $0x40;
	[tilespmem:$0x4850] =	vst v1  }
0x63: {  	v8 =	vld [tilespmem:s0+$0x0]  }
0x64: {  	v9 =	vld [tilespmem:s0+$0x10]  }
0x65: {  	v10 =	vld [tilespmem:s0+$0x20]  }
0x66: {  	v11 =	vld [tilespmem:s0+$0x30]  }
0x67: {  	v12 =	vld [tilespmem:s0+$0xFFFFFFC0]  }
0x68: {  	v13 =	vld [tilespmem:s0+$0xFFFFFFD0]  }
0x69: {  	v14 =	vld [tilespmem:s0+$0xFFFFFFE0]  }
0x6a: {  	v15 =	vld [tilespmem:s0+$0xFFFFFFF0];
	_ =	sdelay $0x1  }
0x6b: {  	v8 =	vmin.f32 v8, v9  }
0x6c: {  	v9 =	vmin.f32 v12, v13;
	v8 =	vmin.f32 v8, v10  }
0x6d: {  	s28 =	simm.s32 $0x0;
	v9 =	vmin.f32 v9, v14;
	v8 =	vmin.f32 v8, v11  }
0x6e: {  	s2 =	simm.s32 $0x80;
	v9 =	vmin.f32 v9, v15;
	[tilespmem:s28+$0x4010] =	vst v8;
	v8 =	vmin.f32 v7, v8  }
.LBB2_3:
0x6f: {  	p0 =	sne.s32 s2, $0x1F80  }
0x70: {  	[tilespmem:s28+$0x4000] =	vst v9;
	v7 =	vmin.f32 v7, v9;
	s0 =	sadd.s32 $0x80, s0;
	s8 =	smov.u32 s2;
	s2 =	sadd.s32 $0x80, s2  }
0x71: {  	v9 =	vld [tilespmem:s0+$0x0]  }
0x72: {  	v10 =	vld [tilespmem:s0+$0x10]  }
0x73: {  	v11 =	vld [tilespmem:s0+$0x20]  }
0x74: {  	v12 =	vld [tilespmem:s0+$0x30]  }
0x75: {  	v13 =	vld [tilespmem:s0+$0xFFFFFFC0]  }
0x76: {  	v14 =	vld [tilespmem:s0+$0xFFFFFFD0]  }
0x77: {  	v15 =	vld [tilespmem:s0+$0xFFFFFFE0];
	v9 =	vmin.f32 v9, v10  }
0x78: {  	v10 =	vld [tilespmem:s0+$0xFFFFFFF0];
	v9 =	vmin.f32 v9, v11  }
.Ltmp4:
0x79: {  	s28 =	sshra.s32 s8, $0x2;
	v9 =	vmin.f32 v9, v12;
	(pc) =	sbr.rel @p0 .LBB2_3-.Ltmp4, $4  }
0x7a: {  	[tilespmem:s28+$0x4010] =	vst v9;
	v8 =	vmin.f32 v8, v9  }
0x7b: {  	v9 =	vmin.f32 v13, v14  }
0x7c: {  	v9 =	vmin.f32 v9, v15  }
0x7d: {  	v9 =	vmin.f32 v9, v10  }
0x7e: {  	v7 =	vmin.f32 v7, v9  }
0x7f: {  	v7 =	vmax.f32 v7, v8  }
0x80: {  	(xrf0) =	vmax.scan.msk.f32 $0xffff, v7;
	_ =	sdelay $0x5  }
0x81: {  	v7, _, _ =	vpop (xrf0)  }
0x82: {  	(v2sf) =	vpush v7, $0xF;
	_ =	sdelay $0xb  }
.Ltmp5:
0x83: {  	_ = 	snop;
	(pc) =	sbr.rel .LBB2_5-.Ltmp5, $3  }
0x84: {  	_ =	sdelay $0x1  }
0x85: {  	s12 =	spop (v2sf)  }
0x86: {  	[tilespmem:s28+$0x4000] =	vst v9;
	s29 =	simm.s32 $0x0;
	s0 =	simm.s32 $0x40000000;
	s28 =	smov.u32 s12  }
.LBB2_27:
0x87: {  	_ = 	snop  }
.LBB2_30:
0x88: {  	_ =	sdelay $0x3  }
0x89: {  	(xrf0) =	vmax.scan.msk.f32 $0xffff, v11;
	[tilespmem:v10+s22+$0x0] =	vst.idx.msk @p0 $0x1, v8  }
0x8a: {  	[tilespmem:v10+s15+$0x0] =	vst.idx.msk @p0 $0x1, v9  }
0x8b: {  	v7 =	vld [tilespmem:$0x4800]  }
0x8c: {  	v9 =	vld [tilespmem:$0x4830]  }
0x8d: {  	v10 =	vld [tilespmem:$0x4840]  }
0x8e: {  	v8 =	vld [tilespmem:$0x4810]  }
0x8f: {  	v11, _, _ =	vpop (xrf0)  }
0x90: {  	v12 =	vbroadcast v11, $0xF  }
0x91: {  	s0 =	sadd.s32 s2, s28  }
0x92: {  	vm1 =	vlt.s32 v9, s0;
	vm12 =	vlt.s32 v10, s0;
	vm0 =	veq.f32 v7, v12  }
0x93: {  	vm2 =	veq.f32 v8, v12;
	vm3 =	vlt.f32 v7, v12;
	vm0 =	vmand vm0, vm1  }
0x94: {  	vm13 =	vlt.f32 v8, v12;
	vm1 =	vmand vm2, vm12;
	vm0 =	vmor vm3, vm0  }
0x95: {  	vm1 =	vmor vm13, vm1;
	v13 =	vsel vm0, $0x1, v2  }
0x96: {  	v14 =	vsel vm1, $0x1, v2;
	(xrf0) =	vadd.scan.msk.s32 $0xffff, v13  }
0x97: {  	(xrf0) =	vadd.scan.msk.s32 $0xffff, v14;
	_ =	sdelay $0x4  }
0x98: {  	v13, _, _ =	vpop (xrf0)  }
0x99: {  	(v2sf) =	vpush v13, $0xF;
	v60, _, _ =	vpop (xrf0)  }
0x9a: {  	(v2sf) =	vpush v60, $0xF;
	_ =	sdelay $0x8  }
0x9b: {  	(v2sf) =	vpush v11, $0xF  }
0x9c: {  	(v2sf) =	vpush v8, $0xE;
	_ =	sdelay $0x1  }
0x9d: {  	(v2sf) =	vpush v10, $0xE;
	_ =	sdelay $0x1  }
0x9e: {  	s31 =	spop (v2sf)  }
0x9f: {  	s8 =	spop (v2sf)  }
0xa0: {  	s2 =	sadd.s32 s31, s8  }
0xa1: {  	v61 =	vmov s2  }
0xa2: {  	vm14 =	vlt.s32 v61, v4  }
0xa3: {  	vm15 =	vlt.s32 v61, v5;
	v62 =	vsel vm14, v4, v0  }
0xa4: {  	v63 =	vsel vm15, v5, v6;
	_ =	sdelay $0x3  }
0xa5: {  	s8 =	spop (v2sf);
	[tilespmem:v62+s22+$0x0] =	vst.idx.msk $0xffff, v7  }
0xa6: {  	p0 =	slt.s32 s2, $0x1F;
	s2 =	spop (v2sf);
	[tilespmem:v63+s22+$0x0] =	vst.idx.msk $0xffff, v8  }
0xa7: {  	s8 =	smov.u32 @p0 s2;
	[tilespmem:v62+s15+$0x0] =	vst.idx.msk $0xffff, v9  }
0xa8: {  	s2 =	spop (v2sf);
	p1 =	sle.f32 s8, s12;
	[tilespmem:v63+s15+$0x0] =	vst.idx.msk $0xffff, v10  }
0xa9: {  	v7 =	vmov s0;
	s0 =	smov.u32 @p0 s2;
	[tilespmem:v61+s22+$0x0] =	vst.idx.msk $0x1, v12  }
0xaa: {  	s28 =	smin.f32 s8, s12;
	s0 =	simm.s32 @!p1 $0x40000000;
	[tilespmem:v61+s15+$0x0] =	vst.idx.msk $0x1, v7  }
.LBB2_31:
0xab: {  	s29 =	sadd.s32 $0x1, s29  }
0xac: {  	p0 =	sne.s32 s29, $0x80  }
.Ltmp6:
0xad: {  	_ = 	snop;
	(pc) =	sbr.rel @!p0 .LBB2_32-.Ltmp6, $1  }
0xae: {  	_ =	sdelay $0x3  }
.LBB2_5:
0xaf: {  	s30 =	sshll.u32 s29, $0x6  }
0xb0: {  	s2 =	sshrl.u32 s30, $0x2  }
0xb1: {  	v7 =	vld [tilespmem:s2+$0x4000];
	_ =	sdelay $0x4  }
0xb2: {  	(xrf0) =	vmin.scan.msk.f32 $0xffff, v7;
	_ =	sdelay $0x5  }
0xb3: {  	v7, _, _ =	vpop (xrf0)  }
0xb4: {  	(v2sf) =	vpush v7, $0xF;
	_ =	sdelay $0xe  }
0xb5: {  	s31 =	spop (v2sf)  }
0xb6: {  	p0 =	sle.f32 s31, s28  }
.Ltmp7:
0xb7: {  	_ = 	snop;
	(pc) =	sbr.rel @!p0 .LBB2_31-.Ltmp7, $1  }
0xb8: {  	_ =	sdelay $0x3  }
0xb9: {  	v7 =	vld [tilespmem:s30+$0x0];
	_ =	sdelay $0x2  }
0xba: {  	s31 =	sor.u32 s10, s30  }
0xbb: {  	v8 =	vor.u32 s31, v0  }
0xbc: {  	vm1 =	vlt.s32 v8, s0;
	vm0 =	veq.f32 v7, s28  }
0xbd: {  	vm2 =	vlt.f32 v7, s28;
	vm0 =	vmand vm1, vm0  }
0xbe: {  	vm0 =	vmor vm2, vm0  }
0xbf: {  	v8 =	vsel vm0, $0x1, v2  }
0xc0: {  	(xrf0) =	vadd.scan.msk.s32 $0xffff, v8;
	_ =	sdelay $0x5  }
0xc1: {  	v8, _, _ =	vpop (xrf0)  }
0xc2: {  	(v2sf) =	vpush v8, $0xF;
	_ =	sdelay $0xe  }
0xc3: {  	s2 =	spop (v2sf)  }
0xc4: {  	p0 =	slt.s32 s2, $0x1  }
.Ltmp8:
0xc5: {  	_ = 	snop;
	(pc) =	sbr.rel @p0 .LBB2_7-.Ltmp8, $1  }
0xc6: {  	_ =	sdelay $0x3  }
0xc7: {  	v8 =	vnsel vm0, $0x80000010, v3  }
0xc8: {  	(xrf0) =	vmin.scan.msk.u32 $0xffff, v8;
	_ =	sdelay $0x5  }
0xc9: {  	v8, _, _ =	vpop (xrf0)  }
0xca: {  	(v2sf) =	vpush v8, $0xF;
	_ =	sdelay $0xe  }
0xcb: {  	s8 =	sadd.s32 $0x1, s2;
	s0 =	spop (v2sf)  }
0xcc: {  	s2 =	sxor.u32 $0x80000000, s0;
	s0 =	sadd.s32 $0xFFFFFFFF, s8  }
0xcd: {  	p1 =	sgt.u32 s0, $0x1  }
.Ltmp9:
0xce: {  	_ = 	snop;
	(pc) =	sbr.rel @!p1 .LBB2_9-.Ltmp9, $4  }
0xcf: {  	_ = 	snop  }
0xd0: {  	v8 =	vmov s2  }
0xd1: {  	vm1 =	veq.s32 v8, v0;
	vm2 =	vne.s32 v8, v0  }
0xd2: {  	p0 =	por $0x0, $0x0;
	v11 =	vnsel vm1, $0xFF800000, v7;
	vm0 =	vmand vm0, vm2  }
0xd3: {  	(xrf0) =	vmax.scan.msk.f32 $0xffff, v11;
	_ =	sdelay $0x1  }
0xd4: {  	v9 =	vld [tilespmem:$0x4800]  }
0xd5: {  	v11 =	vld [tilespmem:$0x4810]  }
0xd6: {  	v12 =	vld [tilespmem:$0x4830]  }
0xd7: {  	v13 =	vld [tilespmem:$0x4840]  }
0xd8: {  	v8, _, _ =	vpop (xrf0)  }
0xd9: {  	v8 =	vbroadcast v8, $0xF  }
0xda: {  	s8 =	sadd.s32 s31, s2  }
0xdb: {  	vm2 =	vlt.s32 v12, s8;
	vm1 =	veq.f32 v9, v8;
	vm3 =	veq.f32 v11, v8  }
0xdc: {  	vm4 =	vlt.f32 v9, v8;
	vm1 =	vmand vm1, vm2;
	vm2 =	vlt.s32 v13, s8  }
0xdd: {  	vm15 =	vlt.f32 v11, v8;
	vm1 =	vmor vm4, vm1;
	vm2 =	vmand vm3, vm2  }
0xde: {  	vm2 =	vmor vm15, vm2;
	v10 =	vsel vm1, $0x1, v2  }
0xdf: {  	v14 =	vsel vm2, $0x1, v2;
	(xrf0) =	vadd.scan.msk.s32 $0xffff, v10  }
0xe0: {  	(xrf0) =	vadd.scan.msk.s32 $0xffff, v14;
	_ =	sdelay $0x4  }
0xe1: {  	v10, _, _ =	vpop (xrf0)  }
0xe2: {  	(v2sf) =	vpush v10, $0xF;
	v10, _, _ =	vpop (xrf0)  }
0xe3: {  	v62 =	vnsel vm0, $0x80000010, v3;
	(v2sf) =	vpush v10, $0xF  }
0xe4: {  	(xrf0) =	vmin.scan.msk.u32 $0xffff, v62;
	_ =	sdelay $0x5  }
0xe5: {  	v10, _, _ =	vpop (xrf0)  }
0xe6: {  	(v2sf) =	vpush v10, $0xF;
	_ =	sdelay $0x5  }
0xe7: {  	s9 =	spop (v2sf)  }
0xe8: {  	s28 =	spop (v2sf)  }
0xe9: {  	s2 =	sadd.s32 s9, s28  }
0xea: {  	v10 =	vmov s2  }
0xeb: {  	vm1 =	vlt.s32 v10, v4  }
0xec: {  	vm2 =	vlt.s32 v10, v5;
	v63 =	vsel vm1, v4, v0  }
0xed: {  	v15 =	vsel vm2, v5, v6  }
0xee: {  	s0 =	sadd.s32 $0xFFFFFFFF, s0  }
0xef: {  	p1 =	sgt.u32 s0, $0x1  }
.Ltmp10:
0xf0: {  	s28 =	spop (v2sf);
	(pc) =	sbr.rel @!p1 .LBB2_12-.Ltmp10, $4  }
0xf1: {  	s2 =	sxor.u32 $0x80000000, s28;
	[tilespmem:v63+s22+$0x0] =	vst.idx.msk $0xffff, v9  }
0xf2: {  	v9 =	vmov s2;
	[tilespmem:v15+s22+$0x0] =	vst.idx.msk $0xffff, v11  }
0xf3: {  	vm1 =	veq.s32 v9, v0;
	vm2 =	vne.s32 v9, v0;
	[tilespmem:v63+s15+$0x0] =	vst.idx.msk $0xffff, v12  }
0xf4: {  	p0 =	por $0x1, $0x1;
	v9 =	vmov s8;
	v11 =	vnsel vm1, $0xFF800000, v7;
	vm0 =	vmand vm0, vm2;
	[tilespmem:v15+s15+$0x0] =	vst.idx.msk $0xffff, v13  }
.LBB2_11:
0xf5: {  	s0 =	sadd.s32 $0xFFFFFFFF, s0;
	(xrf0) =	vmax.scan.msk.f32 $0xffff, v11;
	[tilespmem:v10+s22+$0x0] =	vst.idx.msk $0x1, v8  }
0xf6: {  	p1 =	sgt.u32 s0, $0x1;
	[tilespmem:v10+s15+$0x0] =	vst.idx.msk $0x1, v9  }
0xf7: {  	v11 =	vld [tilespmem:$0x4800]  }
0xf8: {  	v12 =	vld [tilespmem:$0x4810]  }
0xf9: {  	v13 =	vld [tilespmem:$0x4830]  }
0xfa: {  	v14 =	vld [tilespmem:$0x4840]  }
0xfb: {  	v8, _, _ =	vpop (xrf0)  }
0xfc: {  	v8 =	vbroadcast v8, $0xF  }
0xfd: {  	s2 =	sadd.s32 s31, s2  }
0xfe: {  	vm1 =	veq.f32 v11, v8;
	vm2 =	vlt.s32 v13, s2;
	vm3 =	veq.f32 v12, v8  }
0xff: {  	vm4 =	vlt.f32 v11, v8;
	vm1 =	vmand vm1, vm2;
	vm2 =	vlt.s32 v14, s2  }
0x100: {  	vm1 =	vmor vm4, vm1;
	vm4 =	vlt.f32 v12, v8;
	vm2 =	vmand vm3, vm2  }
0x101: {  	v9 =	vmov s2;
	vm2 =	vmor vm4, vm2;
	v10 =	vsel vm1, $0x1, v2  }
0x102: {  	v15 =	vsel vm2, $0x1, v2;
	(xrf0) =	vadd.scan.msk.s32 $0xffff, v10  }
0x103: {  	(xrf0) =	vadd.scan.msk.s32 $0xffff, v15;
	_ =	sdelay $0x4  }
0x104: {  	v10, _, _ =	vpop (xrf0)  }
0x105: {  	(v2sf) =	vpush v10, $0xF;
	v10, _, _ =	vpop (xrf0)  }
0x106: {  	v15 =	vnsel vm0, $0x80000010, v3;
	(v2sf) =	vpush v10, $0xF  }
0x107: {  	(xrf0) =	vmin.scan.msk.u32 $0xffff, v15;
	_ =	sdelay $0x5  }
0x108: {  	v10, _, _ =	vpop (xrf0)  }
0x109: {  	(v2sf) =	vpush v10, $0xF;
	_ =	sdelay $0x5  }
0x10a: {  	s2 =	spop (v2sf)  }
0x10b: {  	s8 =	spop (v2sf)  }
0x10c: {  	s2 =	sadd.s32 s2, s8  }
0x10d: {  	v10 =	vmov s2  }
0x10e: {  	vm1 =	vlt.s32 v10, v4;
	vm2 =	vlt.s32 v10, v5  }
0x10f: {  	v15 =	vsel vm1, v4, v0  }
0x110: {  	v16 =	vsel vm2, v5, v6;
	_ =	sdelay $0x2  }
.Ltmp11:
0x111: {  	s2 =	spop (v2sf);
	(pc) =	sbr.rel @p1 .LBB2_11-.Ltmp11, $4  }
0x112: {  	s2 =	sxor.u32 $0x80000000, s2;
	[tilespmem:v15+s22+$0x0] =	vst.idx.msk $0xffff, v11  }
0x113: {  	v11 =	vmov s2;
	[tilespmem:v16+s22+$0x0] =	vst.idx.msk $0xffff, v12  }
0x114: {  	vm1 =	veq.s32 v11, v0;
	vm2 =	vne.s32 v11, v0;
	[tilespmem:v15+s15+$0x0] =	vst.idx.msk $0xffff, v13  }
0x115: {  	v11 =	vnsel vm1, $0xFF800000, v7;
	vm0 =	vmand vm0, vm2;
	[tilespmem:v16+s15+$0x0] =	vst.idx.msk $0xffff, v14  }
.LBB2_12:
0x116: {  	_ =	sdelay $0x3  }
0x117: {  	(xrf0) =	vmax.scan.msk.f32 $0xffff, v11;
	[tilespmem:v10+s22+$0x0] =	vst.idx.msk @p0 $0x1, v8  }
0x118: {  	[tilespmem:v10+s15+$0x0] =	vst.idx.msk @p0 $0x1, v9  }
0x119: {  	v7 =	vld [tilespmem:$0x4800]  }
0x11a: {  	v9 =	vld [tilespmem:$0x4830]  }
0x11b: {  	v10 =	vld [tilespmem:$0x4840]  }
0x11c: {  	v8 =	vld [tilespmem:$0x4810]  }
0x11d: {  	v11, _, _ =	vpop (xrf0)  }
0x11e: {  	v12 =	vbroadcast v11, $0xF  }
0x11f: {  	s0 =	sadd.s32 s31, s2  }
0x120: {  	vm1 =	vlt.s32 v9, s0;
	vm12 =	vlt.s32 v10, s0;
	vm0 =	veq.f32 v7, v12  }
0x121: {  	vm2 =	veq.f32 v8, v12;
	vm3 =	vlt.f32 v7, v12;
	vm0 =	vmand vm0, vm1  }
0x122: {  	vm13 =	vlt.f32 v8, v12;
	vm1 =	vmand vm2, vm12;
	vm0 =	vmor vm3, vm0  }
0x123: {  	vm1 =	vmor vm13, vm1;
	v13 =	vsel vm0, $0x1, v2  }
0x124: {  	v14 =	vsel vm1, $0x1, v2;
	(xrf0) =	vadd.scan.msk.s32 $0xffff, v13  }
0x125: {  	(xrf0) =	vadd.scan.msk.s32 $0xffff, v14;
	_ =	sdelay $0x4  }
0x126: {  	v13, _, _ =	vpop (xrf0)  }
0x127: {  	(v2sf) =	vpush v13, $0xF;
	v61, _, _ =	vpop (xrf0)  }
0x128: {  	(v2sf) =	vpush v61, $0xF;
	_ =	sdelay $0x7  }
0x129: {  	(v2sf) =	vpush v11, $0xF  }
0x12a: {  	(v2sf) =	vpush v8, $0xE;
	_ =	sdelay $0x1  }
0x12b: {  	(v2sf) =	vpush v10, $0xE;
	_ =	sdelay $0x2  }
0x12c: {  	s9 =	spop (v2sf)  }
0x12d: {  	s8 =	spop (v2sf)  }
0x12e: {  	s2 =	sadd.s32 s9, s8  }
0x12f: {  	v11 =	vmov s2  }
0x130: {  	vm14 =	vlt.s32 v11, v4  }
0x131: {  	vm15 =	vlt.s32 v11, v5;
	v62 =	vsel vm14, v4, v0  }
0x132: {  	v63 =	vsel vm15, v5, v6;
	_ =	sdelay $0x2  }
0x133: {  	s8 =	spop (v2sf)  }
0x134: {  	p0 =	slt.s32 s2, $0x1F;
	s2 =	spop (v2sf);
	[tilespmem:v62+s22+$0x0] =	vst.idx.msk $0xffff, v7  }
.Ltmp12:
0x135: {  	s8 =	smov.u32 @p0 s2;
	[tilespmem:v63+s22+$0x0] =	vst.idx.msk $0xffff, v8;
	(pc) =	sbr.rel .LBB2_13-.Ltmp12, $4  }
0x136: {  	s2 =	spop (v2sf);
	p1 =	sle.f32 s8, s12;
	[tilespmem:v62+s15+$0x0] =	vst.idx.msk $0xffff, v9  }
0x137: {  	v7 =	vmov s0;
	s0 =	smov.u32 @p0 s2;
	[tilespmem:v63+s15+$0x0] =	vst.idx.msk $0xffff, v10  }
0x138: {  	s28 =	smin.f32 s8, s12;
	s0 =	simm.s32 @!p1 $0x40000000;
	[tilespmem:v11+s22+$0x0] =	vst.idx.msk $0x1, v12  }
0x139: {  	v8 =	vmov s28;
	v9 =	vmov s0;
	[tilespmem:v11+s15+$0x0] =	vst.idx.msk $0x1, v7  }
.LBB2_7:
0x13a: {  	v8 =	vmov s28;
	v9 =	vmov s0  }
.LBB2_13:
0x13b: {  	v7 =	vld [tilespmem:s30+$0x10];
	_ =	sdelay $0x2  }
0x13c: {  	s2 =	sor.u32 $0x10, s31  }
0x13d: {  	v10 =	vor.u32 s2, v0  }
0x13e: {  	vm1 =	vlt.s32 v10, v9;
	vm0 =	veq.f32 v7, v8  }
0x13f: {  	vm2 =	vlt.f32 v7, v8;
	vm0 =	vmand vm1, vm0  }
0x140: {  	vm0 =	vmor vm2, vm0  }
0x141: {  	v10 =	vsel vm0, $0x1, v2  }
0x142: {  	(xrf0) =	vadd.scan.msk.s32 $0xffff, v10;
	_ =	sdelay $0x5  }
0x143: {  	v10, _, _ =	vpop (xrf0)  }
0x144: {  	(v2sf) =	vpush v10, $0xF;
	_ =	sdelay $0xe  }
0x145: {  	s8 =	spop (v2sf)  }
0x146: {  	p0 =	slt.s32 s8, $0x1  }
.Ltmp13:
0x147: {  	_ = 	snop;
	(pc) =	sbr.rel @p0 .LBB2_19-.Ltmp13, $1  }
0x148: {  	_ =	sdelay $0x3  }
0x149: {  	v8 =	vnsel vm0, $0x80000010, v3  }
0x14a: {  	(xrf0) =	vmin.scan.msk.u32 $0xffff, v8;
	_ =	sdelay $0x5  }
0x14b: {  	v8, _, _ =	vpop (xrf0)  }
0x14c: {  	(v2sf) =	vpush v8, $0xF;
	_ =	sdelay $0xe  }
0x14d: {  	s8 =	sadd.s32 $0x1, s8;
	s0 =	spop (v2sf)  }
0x14e: {  	s28 =	sxor.u32 $0x80000000, s0;
	s0 =	sadd.s32 $0xFFFFFFFF, s8  }
0x14f: {  	p1 =	sgt.u32 s0, $0x1  }
.Ltmp14:
0x150: {  	_ = 	snop;
	(pc) =	sbr.rel @!p1 .LBB2_15-.Ltmp14, $4  }
0x151: {  	_ = 	snop  }
0x152: {  	v8 =	vmov s28  }
0x153: {  	vm1 =	veq.s32 v8, v0;
	vm2 =	vne.s32 v8, v0  }
0x154: {  	p0 =	por $0x0, $0x0;
	v11 =	vnsel vm1, $0xFF800000, v7;
	vm0 =	vmand vm0, vm2  }
0x155: {  	(xrf0) =	vmax.scan.msk.f32 $0xffff, v11;
	_ =	sdelay $0x1  }
0x156: {  	v9 =	vld [tilespmem:$0x4800]  }
0x157: {  	v11 =	vld [tilespmem:$0x4810]  }
0x158: {  	v12 =	vld [tilespmem:$0x4830]  }
0x159: {  	v13 =	vld [tilespmem:$0x4840]  }
0x15a: {  	v8, _, _ =	vpop (xrf0)  }
0x15b: {  	v8 =	vbroadcast v8, $0xF  }
0x15c: {  	s8 =	sadd.s32 s2, s28  }
0x15d: {  	vm2 =	vlt.s32 v12, s8;
	vm1 =	veq.f32 v9, v8;
	vm3 =	veq.f32 v11, v8  }
0x15e: {  	vm4 =	vlt.f32 v9, v8;
	vm1 =	vmand vm1, vm2;
	vm2 =	vlt.s32 v13, s8  }
0x15f: {  	vm15 =	vlt.f32 v11, v8;
	vm1 =	vmor vm4, vm1;
	vm2 =	vmand vm3, vm2  }
0x160: {  	vm2 =	vmor vm15, vm2;
	v10 =	vsel vm1, $0x1, v2  }
0x161: {  	v14 =	vsel vm2, $0x1, v2;
	(xrf0) =	vadd.scan.msk.s32 $0xffff, v10  }
0x162: {  	(xrf0) =	vadd.scan.msk.s32 $0xffff, v14;
	_ =	sdelay $0x4  }
0x163: {  	v10, _, _ =	vpop (xrf0)  }
0x164: {  	(v2sf) =	vpush v10, $0xF;
	v10, _, _ =	vpop (xrf0)  }
0x165: {  	v62 =	vnsel vm0, $0x80000010, v3;
	(v2sf) =	vpush v10, $0xF  }
0x166: {  	(xrf0) =	vmin.scan.msk.u32 $0xffff, v62;
	_ =	sdelay $0x5  }
0x167: {  	v10, _, _ =	vpop (xrf0)  }
0x168: {  	(v2sf) =	vpush v10, $0xF;
	_ =	sdelay $0x5  }
0x169: {  	s28 =	spop (v2sf)  }
0x16a: {  	s9 =	spop (v2sf)  }
0x16b: {  	s9 =	sadd.s32 s28, s9  }
0x16c: {  	v10 =	vmov s9  }
0x16d: {  	vm1 =	vlt.s32 v10, v4  }
0x16e: {  	vm2 =	vlt.s32 v10, v5;
	v63 =	vsel vm1, v4, v0  }
0x16f: {  	v15 =	vsel vm2, v5, v6  }
0x170: {  	s0 =	sadd.s32 $0xFFFFFFFF, s0  }
0x171: {  	p1 =	sgt.u32 s0, $0x1  }
.Ltmp15:
0x172: {  	s9 =	spop (v2sf);
	(pc) =	sbr.rel @!p1 .LBB2_18-.Ltmp15, $4  }
0x173: {  	s28 =	sxor.u32 $0x80000000, s9;
	[tilespmem:v63+s22+$0x0] =	vst.idx.msk $0xffff, v9  }
0x174: {  	v9 =	vmov s28;
	[tilespmem:v15+s22+$0x0] =	vst.idx.msk $0xffff, v11  }
0x175: {  	vm1 =	veq.s32 v9, v0;
	vm2 =	vne.s32 v9, v0;
	[tilespmem:v63+s15+$0x0] =	vst.idx.msk $0xffff, v12  }
0x176: {  	p0 =	por $0x1, $0x1;
	v9 =	vmov s8;
	v11 =	vnsel vm1, $0xFF800000, v7;
	vm0 =	vmand vm0, vm2;
	[tilespmem:v15+s15+$0x0] =	vst.idx.msk $0xffff, v13  }
.LBB2_17:
0x177: {  	s0 =	sadd.s32 $0xFFFFFFFF, s0;
	(xrf0) =	vmax.scan.msk.f32 $0xffff, v11;
	[tilespmem:v10+s22+$0x0] =	vst.idx.msk $0x1, v8  }
0x178: {  	p1 =	sgt.u32 s0, $0x1;
	[tilespmem:v10+s15+$0x0] =	vst.idx.msk $0x1, v9  }
0x179: {  	v11 =	vld [tilespmem:$0x4800]  }
0x17a: {  	v12 =	vld [tilespmem:$0x4810]  }
0x17b: {  	v13 =	vld [tilespmem:$0x4830]  }
0x17c: {  	v14 =	vld [tilespmem:$0x4840]  }
0x17d: {  	v8, _, _ =	vpop (xrf0)  }
0x17e: {  	v8 =	vbroadcast v8, $0xF  }
0x17f: {  	s8 =	sadd.s32 s2, s28  }
0x180: {  	vm1 =	veq.f32 v11, v8;
	vm2 =	vlt.s32 v13, s8;
	vm3 =	veq.f32 v12, v8  }
0x181: {  	vm4 =	vlt.f32 v11, v8;
	vm1 =	vmand vm1, vm2;
	vm2 =	vlt.s32 v14, s8  }
0x182: {  	vm1 =	vmor vm4, vm1;
	vm4 =	vlt.f32 v12, v8;
	vm2 =	vmand vm3, vm2  }
0x183: {  	v9 =	vmov s8;
	vm2 =	vmor vm4, vm2;
	v10 =	vsel vm1, $0x1, v2  }
0x184: {  	v15 =	vsel vm2, $0x1, v2;
	(xrf0) =	vadd.scan.msk.s32 $0xffff, v10  }
0x185: {  	(xrf0) =	vadd.scan.msk.s32 $0xffff, v15;
	_ =	sdelay $0x4  }
0x186: {  	v10, _, _ =	vpop (xrf0)  }
0x187: {  	(v2sf) =	vpush v10, $0xF;
	v10, _, _ =	vpop (xrf0)  }
0x188: {  	v15 =	vnsel vm0, $0x80000010, v3;
	(v2sf) =	vpush v10, $0xF  }
0x189: {  	(xrf0) =	vmin.scan.msk.u32 $0xffff, v15;
	_ =	sdelay $0x5  }
0x18a: {  	v10, _, _ =	vpop (xrf0)  }
0x18b: {  	(v2sf) =	vpush v10, $0xF;
	_ =	sdelay $0x5  }
0x18c: {  	s8 =	spop (v2sf)  }
0x18d: {  	s9 =	spop (v2sf)  }
0x18e: {  	s8 =	sadd.s32 s8, s9  }
0x18f: {  	v10 =	vmov s8  }
0x190: {  	vm1 =	vlt.s32 v10, v4;
	vm2 =	vlt.s32 v10, v5  }
0x191: {  	v15 =	vsel vm1, v4, v0  }
0x192: {  	v16 =	vsel vm2, v5, v6;
	_ =	sdelay $0x2  }
.Ltmp16:
0x193: {  	s8 =	spop (v2sf);
	(pc) =	sbr.rel @p1 .LBB2_17-.Ltmp16, $4  }
0x194: {  	s28 =	sxor.u32 $0x80000000, s8;
	[tilespmem:v15+s22+$0x0] =	vst.idx.msk $0xffff, v11  }
0x195: {  	v11 =	vmov s28;
	[tilespmem:v16+s22+$0x0] =	vst.idx.msk $0xffff, v12  }
0x196: {  	vm1 =	veq.s32 v11, v0;
	vm2 =	vne.s32 v11, v0;
	[tilespmem:v15+s15+$0x0] =	vst.idx.msk $0xffff, v13  }
0x197: {  	v11 =	vnsel vm1, $0xFF800000, v7;
	vm0 =	vmand vm0, vm2;
	[tilespmem:v16+s15+$0x0] =	vst.idx.msk $0xffff, v14  }
.LBB2_18:
0x198: {  	_ =	sdelay $0x3  }
0x199: {  	(xrf0) =	vmax.scan.msk.f32 $0xffff, v11;
	[tilespmem:v10+s22+$0x0] =	vst.idx.msk @p0 $0x1, v8  }
0x19a: {  	[tilespmem:v10+s15+$0x0] =	vst.idx.msk @p0 $0x1, v9  }
0x19b: {  	v7 =	vld [tilespmem:$0x4800]  }
0x19c: {  	v9 =	vld [tilespmem:$0x4830]  }
0x19d: {  	v10 =	vld [tilespmem:$0x4840]  }
0x19e: {  	v8 =	vld [tilespmem:$0x4810]  }
0x19f: {  	v11, _, _ =	vpop (xrf0)  }
0x1a0: {  	v12 =	vbroadcast v11, $0xF  }
0x1a1: {  	s0 =	sadd.s32 s2, s28  }
0x1a2: {  	vm1 =	vlt.s32 v9, s0;
	vm12 =	vlt.s32 v10, s0;
	vm0 =	veq.f32 v7, v12  }
0x1a3: {  	vm2 =	veq.f32 v8, v12;
	vm3 =	vlt.f32 v7, v12;
	vm0 =	vmand vm0, vm1  }
0x1a4: {  	vm13 =	vlt.f32 v8, v12;
	vm1 =	vmand vm2, vm12;
	vm0 =	vmor vm3, vm0  }
0x1a5: {  	vm1 =	vmor vm13, vm1;
	v13 =	vsel vm0, $0x1, v2  }
0x1a6: {  	v14 =	vsel vm1, $0x1, v2;
	(xrf0) =	vadd.scan.msk.s32 $0xffff, v13  }
0x1a7: {  	(xrf0) =	vadd.scan.msk.s32 $0xffff, v14;
	_ =	sdelay $0x4  }
0x1a8: {  	v13, _, _ =	vpop (xrf0)  }
0x1a9: {  	(v2sf) =	vpush v13, $0xF;
	v61, _, _ =	vpop (xrf0)  }
0x1aa: {  	(v2sf) =	vpush v61, $0xF;
	_ =	sdelay $0x7  }
0x1ab: {  	(v2sf) =	vpush v11, $0xF  }
0x1ac: {  	(v2sf) =	vpush v8, $0xE;
	_ =	sdelay $0x1  }
0x1ad: {  	(v2sf) =	vpush v10, $0xE;
	_ =	sdelay $0x2  }
0x1ae: {  	s9 =	spop (v2sf)  }
0x1af: {  	s8 =	spop (v2sf)  }
0x1b0: {  	s2 =	sadd.s32 s9, s8  }
0x1b1: {  	v11 =	vmov s2  }
0x1b2: {  	vm14 =	vlt.s32 v11, v4  }
0x1b3: {  	vm15 =	vlt.s32 v11, v5;
	v62 =	vsel vm14, v4, v0  }
0x1b4: {  	v63 =	vsel vm15, v5, v6;
	_ =	sdelay $0x2  }
0x1b5: {  	s8 =	spop (v2sf)  }
0x1b6: {  	p0 =	slt.s32 s2, $0x1F;
	s2 =	spop (v2sf);
	[tilespmem:v62+s22+$0x0] =	vst.idx.msk $0xffff, v7  }
0x1b7: {  	s8 =	smov.u32 @p0 s2;
	[tilespmem:v63+s22+$0x0] =	vst.idx.msk $0xffff, v8  }
0x1b8: {  	s2 =	spop (v2sf);
	p1 =	sle.f32 s8, s12;
	[tilespmem:v62+s15+$0x0] =	vst.idx.msk $0xffff, v9  }
0x1b9: {  	v7 =	vmov s0;
	s0 =	smov.u32 @p0 s2;
	[tilespmem:v63+s15+$0x0] =	vst.idx.msk $0xffff, v10  }
0x1ba: {  	s28 =	smin.f32 s8, s12;
	s0 =	simm.s32 @!p1 $0x40000000;
	[tilespmem:v11+s22+$0x0] =	vst.idx.msk $0x1, v12  }
0x1bb: {  	v8 =	vmov s28;
	v9 =	vmov s0;
	[tilespmem:v11+s15+$0x0] =	vst.idx.msk $0x1, v7  }
.LBB2_19:
0x1bc: {  	v7 =	vld [tilespmem:s30+$0x20];
	_ =	sdelay $0x2  }
0x1bd: {  	s2 =	sor.u32 $0x20, s31  }
0x1be: {  	v10 =	vor.u32 s2, v0  }
0x1bf: {  	vm1 =	vlt.s32 v10, v9;
	vm0 =	veq.f32 v7, v8  }
0x1c0: {  	vm2 =	vlt.f32 v7, v8;
	vm0 =	vmand vm1, vm0  }
0x1c1: {  	vm0 =	vmor vm2, vm0  }
0x1c2: {  	v10 =	vsel vm0, $0x1, v2  }
0x1c3: {  	(xrf0) =	vadd.scan.msk.s32 $0xffff, v10;
	_ =	sdelay $0x5  }
0x1c4: {  	v10, _, _ =	vpop (xrf0)  }
0x1c5: {  	(v2sf) =	vpush v10, $0xF;
	_ =	sdelay $0xe  }
0x1c6: {  	s8 =	spop (v2sf)  }
0x1c7: {  	p0 =	slt.s32 s8, $0x1  }
.Ltmp17:
0x1c8: {  	_ = 	snop;
	(pc) =	sbr.rel @p0 .LBB2_25-.Ltmp17, $1  }
0x1c9: {  	_ =	sdelay $0x3  }
0x1ca: {  	v8 =	vnsel vm0, $0x80000010, v3  }
0x1cb: {  	(xrf0) =	vmin.scan.msk.u32 $0xffff, v8;
	_ =	sdelay $0x5  }
0x1cc: {  	v8, _, _ =	vpop (xrf0)  }
0x1cd: {  	(v2sf) =	vpush v8, $0xF;
	_ =	sdelay $0xe  }
0x1ce: {  	s8 =	sadd.s32 $0x1, s8;
	s0 =	spop (v2sf)  }
0x1cf: {  	s28 =	sxor.u32 $0x80000000, s0;
	s0 =	sadd.s32 $0xFFFFFFFF, s8  }
0x1d0: {  	p1 =	sgt.u32 s0, $0x1  }
.Ltmp18:
0x1d1: {  	_ = 	snop;
	(pc) =	sbr.rel @!p1 .LBB2_21-.Ltmp18, $4  }
0x1d2: {  	_ = 	snop  }
0x1d3: {  	v8 =	vmov s28  }
0x1d4: {  	vm1 =	veq.s32 v8, v0;
	vm2 =	vne.s32 v8, v0  }
0x1d5: {  	p0 =	por $0x0, $0x0;
	v11 =	vnsel vm1, $0xFF800000, v7;
	vm0 =	vmand vm0, vm2  }
0x1d6: {  	(xrf0) =	vmax.scan.msk.f32 $0xffff, v11;
	_ =	sdelay $0x1  }
0x1d7: {  	v9 =	vld [tilespmem:$0x4800]  }
0x1d8: {  	v11 =	vld [tilespmem:$0x4810]  }
0x1d9: {  	v12 =	vld [tilespmem:$0x4830]  }
0x1da: {  	v13 =	vld [tilespmem:$0x4840]  }
0x1db: {  	v8, _, _ =	vpop (xrf0)  }
0x1dc: {  	v8 =	vbroadcast v8, $0xF  }
0x1dd: {  	s8 =	sadd.s32 s2, s28  }
0x1de: {  	vm2 =	vlt.s32 v12, s8;
	vm1 =	veq.f32 v9, v8;
	vm3 =	veq.f32 v11, v8  }
0x1df: {  	vm4 =	vlt.f32 v9, v8;
	vm1 =	vmand vm1, vm2;
	vm2 =	vlt.s32 v13, s8  }
0x1e0: {  	vm15 =	vlt.f32 v11, v8;
	vm1 =	vmor vm4, vm1;
	vm2 =	vmand vm3, vm2  }
0x1e1: {  	vm2 =	vmor vm15, vm2;
	v10 =	vsel vm1, $0x1, v2  }
0x1e2: {  	v14 =	vsel vm2, $0x1, v2;
	(xrf0) =	vadd.scan.msk.s32 $0xffff, v10  }
0x1e3: {  	(xrf0) =	vadd.scan.msk.s32 $0xffff, v14;
	_ =	sdelay $0x4  }
0x1e4: {  	v10, _, _ =	vpop (xrf0)  }
0x1e5: {  	(v2sf) =	vpush v10, $0xF;
	v10, _, _ =	vpop (xrf0)  }
0x1e6: {  	v62 =	vnsel vm0, $0x80000010, v3;
	(v2sf) =	vpush v10, $0xF  }
0x1e7: {  	(xrf0) =	vmin.scan.msk.u32 $0xffff, v62;
	_ =	sdelay $0x5  }
0x1e8: {  	v10, _, _ =	vpop (xrf0)  }
0x1e9: {  	(v2sf) =	vpush v10, $0xF;
	_ =	sdelay $0x5  }
0x1ea: {  	s9 =	spop (v2sf)  }
0x1eb: {  	s28 =	spop (v2sf)  }
0x1ec: {  	s9 =	sadd.s32 s9, s28  }
0x1ed: {  	v10 =	vmov s9  }
0x1ee: {  	vm1 =	vlt.s32 v10, v4  }
0x1ef: {  	vm2 =	vlt.s32 v10, v5;
	v63 =	vsel vm1, v4, v0  }
0x1f0: {  	v15 =	vsel vm2, v5, v6  }
0x1f1: {  	s0 =	sadd.s32 $0xFFFFFFFF, s0  }
0x1f2: {  	p1 =	sgt.u32 s0, $0x1  }
.Ltmp19:
0x1f3: {  	s9 =	spop (v2sf);
	(pc) =	sbr.rel @!p1 .LBB2_24-.Ltmp19, $4  }
0x1f4: {  	s28 =	sxor.u32 $0x80000000, s9;
	[tilespmem:v63+s22+$0x0] =	vst.idx.msk $0xffff, v9  }
0x1f5: {  	v9 =	vmov s28;
	[tilespmem:v15+s22+$0x0] =	vst.idx.msk $0xffff, v11  }
0x1f6: {  	vm1 =	veq.s32 v9, v0;
	vm2 =	vne.s32 v9, v0;
	[tilespmem:v63+s15+$0x0] =	vst.idx.msk $0xffff, v12  }
0x1f7: {  	p0 =	por $0x1, $0x1;
	v9 =	vmov s8;
	v11 =	vnsel vm1, $0xFF800000, v7;
	vm0 =	vmand vm0, vm2;
	[tilespmem:v15+s15+$0x0] =	vst.idx.msk $0xffff, v13  }
.LBB2_23:
0x1f8: {  	s0 =	sadd.s32 $0xFFFFFFFF, s0;
	(xrf0) =	vmax.scan.msk.f32 $0xffff, v11;
	[tilespmem:v10+s22+$0x0] =	vst.idx.msk $0x1, v8  }
0x1f9: {  	p1 =	sgt.u32 s0, $0x1;
	[tilespmem:v10+s15+$0x0] =	vst.idx.msk $0x1, v9  }
0x1fa: {  	v11 =	vld [tilespmem:$0x4800]  }
0x1fb: {  	v12 =	vld [tilespmem:$0x4810]  }
0x1fc: {  	v13 =	vld [tilespmem:$0x4830]  }
0x1fd: {  	v14 =	vld [tilespmem:$0x4840]  }
0x1fe: {  	v8, _, _ =	vpop (xrf0)  }
0x1ff: {  	v8 =	vbroadcast v8, $0xF  }
0x200: {  	s8 =	sadd.s32 s2, s28  }
0x201: {  	vm1 =	veq.f32 v11, v8;
	vm2 =	vlt.s32 v13, s8;
	vm3 =	veq.f32 v12, v8  }
0x202: {  	vm4 =	vlt.f32 v11, v8;
	vm1 =	vmand vm1, vm2;
	vm2 =	vlt.s32 v14, s8  }
0x203: {  	vm1 =	vmor vm4, vm1;
	vm4 =	vlt.f32 v12, v8;
	vm2 =	vmand vm3, vm2  }
0x204: {  	v9 =	vmov s8;
	vm2 =	vmor vm4, vm2;
	v10 =	vsel vm1, $0x1, v2  }
0x205: {  	v15 =	vsel vm2, $0x1, v2;
	(xrf0) =	vadd.scan.msk.s32 $0xffff, v10  }
0x206: {  	(xrf0) =	vadd.scan.msk.s32 $0xffff, v15;
	_ =	sdelay $0x4  }
0x207: {  	v10, _, _ =	vpop (xrf0)  }
0x208: {  	(v2sf) =	vpush v10, $0xF;
	v10, _, _ =	vpop (xrf0)  }
0x209: {  	v15 =	vnsel vm0, $0x80000010, v3;
	(v2sf) =	vpush v10, $0xF  }
0x20a: {  	(xrf0) =	vmin.scan.msk.u32 $0xffff, v15;
	_ =	sdelay $0x5  }
0x20b: {  	v10, _, _ =	vpop (xrf0)  }
0x20c: {  	(v2sf) =	vpush v10, $0xF;
	_ =	sdelay $0x5  }
0x20d: {  	s8 =	spop (v2sf)  }
0x20e: {  	s9 =	spop (v2sf)  }
0x20f: {  	s8 =	sadd.s32 s8, s9  }
0x210: {  	v10 =	vmov s8  }
0x211: {  	vm1 =	vlt.s32 v10, v4;
	vm2 =	vlt.s32 v10, v5  }
0x212: {  	v15 =	vsel vm1, v4, v0  }
0x213: {  	v16 =	vsel vm2, v5, v6;
	_ =	sdelay $0x2  }
.Ltmp20:
0x214: {  	s8 =	spop (v2sf);
	(pc) =	sbr.rel @p1 .LBB2_23-.Ltmp20, $4  }
0x215: {  	s28 =	sxor.u32 $0x80000000, s8;
	[tilespmem:v15+s22+$0x0] =	vst.idx.msk $0xffff, v11  }
0x216: {  	v11 =	vmov s28;
	[tilespmem:v16+s22+$0x0] =	vst.idx.msk $0xffff, v12  }
0x217: {  	vm1 =	veq.s32 v11, v0;
	vm2 =	vne.s32 v11, v0;
	[tilespmem:v15+s15+$0x0] =	vst.idx.msk $0xffff, v13  }
0x218: {  	v11 =	vnsel vm1, $0xFF800000, v7;
	vm0 =	vmand vm0, vm2;
	[tilespmem:v16+s15+$0x0] =	vst.idx.msk $0xffff, v14  }
.LBB2_24:
0x219: {  	_ =	sdelay $0x3  }
0x21a: {  	(xrf0) =	vmax.scan.msk.f32 $0xffff, v11;
	[tilespmem:v10+s22+$0x0] =	vst.idx.msk @p0 $0x1, v8  }
0x21b: {  	[tilespmem:v10+s15+$0x0] =	vst.idx.msk @p0 $0x1, v9  }
0x21c: {  	v7 =	vld [tilespmem:$0x4800]  }
0x21d: {  	v9 =	vld [tilespmem:$0x4830]  }
0x21e: {  	v10 =	vld [tilespmem:$0x4840]  }
0x21f: {  	v8 =	vld [tilespmem:$0x4810]  }
0x220: {  	v11, _, _ =	vpop (xrf0)  }
0x221: {  	v12 =	vbroadcast v11, $0xF  }
0x222: {  	s0 =	sadd.s32 s2, s28  }
0x223: {  	vm1 =	vlt.s32 v9, s0;
	vm12 =	vlt.s32 v10, s0;
	vm0 =	veq.f32 v7, v12  }
0x224: {  	vm2 =	veq.f32 v8, v12;
	vm3 =	vlt.f32 v7, v12;
	vm0 =	vmand vm0, vm1  }
0x225: {  	vm13 =	vlt.f32 v8, v12;
	vm1 =	vmand vm2, vm12;
	vm0 =	vmor vm3, vm0  }
0x226: {  	vm1 =	vmor vm13, vm1;
	v13 =	vsel vm0, $0x1, v2  }
0x227: {  	v14 =	vsel vm1, $0x1, v2;
	(xrf0) =	vadd.scan.msk.s32 $0xffff, v13  }
0x228: {  	(xrf0) =	vadd.scan.msk.s32 $0xffff, v14;
	_ =	sdelay $0x4  }
0x229: {  	v13, _, _ =	vpop (xrf0)  }
0x22a: {  	(v2sf) =	vpush v13, $0xF;
	v61, _, _ =	vpop (xrf0)  }
0x22b: {  	(v2sf) =	vpush v61, $0xF;
	_ =	sdelay $0x7  }
0x22c: {  	(v2sf) =	vpush v11, $0xF  }
0x22d: {  	(v2sf) =	vpush v8, $0xE;
	_ =	sdelay $0x1  }
0x22e: {  	(v2sf) =	vpush v10, $0xE;
	_ =	sdelay $0x2  }
0x22f: {  	s9 =	spop (v2sf)  }
0x230: {  	s8 =	spop (v2sf)  }
0x231: {  	s2 =	sadd.s32 s9, s8  }
0x232: {  	v11 =	vmov s2  }
0x233: {  	vm14 =	vlt.s32 v11, v4  }
0x234: {  	vm15 =	vlt.s32 v11, v5;
	v62 =	vsel vm14, v4, v0  }
0x235: {  	v63 =	vsel vm15, v5, v6;
	_ =	sdelay $0x2  }
0x236: {  	s8 =	spop (v2sf)  }
0x237: {  	p0 =	slt.s32 s2, $0x1F;
	s2 =	spop (v2sf);
	[tilespmem:v62+s22+$0x0] =	vst.idx.msk $0xffff, v7  }
0x238: {  	s8 =	smov.u32 @p0 s2;
	[tilespmem:v63+s22+$0x0] =	vst.idx.msk $0xffff, v8  }
0x239: {  	s2 =	spop (v2sf);
	p1 =	sle.f32 s8, s12;
	[tilespmem:v62+s15+$0x0] =	vst.idx.msk $0xffff, v9  }
0x23a: {  	v7 =	vmov s0;
	s0 =	smov.u32 @p0 s2;
	[tilespmem:v63+s15+$0x0] =	vst.idx.msk $0xffff, v10  }
0x23b: {  	s28 =	smin.f32 s8, s12;
	s0 =	simm.s32 @!p1 $0x40000000;
	[tilespmem:v11+s22+$0x0] =	vst.idx.msk $0x1, v12  }
0x23c: {  	v8 =	vmov s28;
	v9 =	vmov s0;
	[tilespmem:v11+s15+$0x0] =	vst.idx.msk $0x1, v7  }
.LBB2_25:
0x23d: {  	v7 =	vld [tilespmem:s30+$0x30];
	_ =	sdelay $0x2  }
0x23e: {  	s2 =	sor.u32 $0x30, s31  }
0x23f: {  	v10 =	vor.u32 s2, v0  }
0x240: {  	vm1 =	vlt.s32 v10, v9;
	vm0 =	veq.f32 v7, v8  }
0x241: {  	vm2 =	vlt.f32 v7, v8;
	vm0 =	vmand vm1, vm0  }
0x242: {  	vm0 =	vmor vm2, vm0  }
0x243: {  	v8 =	vsel vm0, $0x1, v2  }
0x244: {  	(xrf0) =	vadd.scan.msk.s32 $0xffff, v8;
	_ =	sdelay $0x5  }
0x245: {  	v8, _, _ =	vpop (xrf0)  }
0x246: {  	(v2sf) =	vpush v8, $0xF;
	_ =	sdelay $0xe  }
0x247: {  	s8 =	spop (v2sf)  }
0x248: {  	p0 =	slt.s32 s8, $0x1  }
.Ltmp21:
0x249: {  	_ = 	snop;
	(pc) =	sbr.rel @p0 .LBB2_31-.Ltmp21, $1  }
0x24a: {  	_ =	sdelay $0x3  }
0x24b: {  	v8 =	vnsel vm0, $0x80000010, v3  }
0x24c: {  	(xrf0) =	vmin.scan.msk.u32 $0xffff, v8;
	_ =	sdelay $0x5  }
0x24d: {  	v8, _, _ =	vpop (xrf0)  }
0x24e: {  	(v2sf) =	vpush v8, $0xF;
	_ =	sdelay $0xe  }
0x24f: {  	s8 =	sadd.s32 $0x1, s8;
	s0 =	spop (v2sf)  }
0x250: {  	s28 =	sxor.u32 $0x80000000, s0;
	s0 =	sadd.s32 $0xFFFFFFFF, s8  }
0x251: {  	p1 =	sgt.u32 s0, $0x1  }
.Ltmp22:
0x252: {  	_ = 	snop;
	(pc) =	sbr.rel @!p1 .LBB2_27-.Ltmp22, $4  }
0x253: {  	_ = 	snop  }
0x254: {  	v8 =	vmov s28  }
0x255: {  	vm1 =	veq.s32 v8, v0;
	vm2 =	vne.s32 v8, v0  }
0x256: {  	p0 =	por $0x0, $0x0;
	v11 =	vnsel vm1, $0xFF800000, v7;
	vm0 =	vmand vm0, vm2  }
0x257: {  	(xrf0) =	vmax.scan.msk.f32 $0xffff, v11;
	_ =	sdelay $0x1  }
0x258: {  	v9 =	vld [tilespmem:$0x4800]  }
0x259: {  	v11 =	vld [tilespmem:$0x4810]  }
0x25a: {  	v12 =	vld [tilespmem:$0x4830]  }
0x25b: {  	v13 =	vld [tilespmem:$0x4840]  }
0x25c: {  	v8, _, _ =	vpop (xrf0)  }
0x25d: {  	v8 =	vbroadcast v8, $0xF  }
0x25e: {  	s8 =	sadd.s32 s2, s28  }
0x25f: {  	vm2 =	vlt.s32 v12, s8;
	vm1 =	veq.f32 v9, v8;
	vm3 =	veq.f32 v11, v8  }
0x260: {  	vm4 =	vlt.f32 v9, v8;
	vm1 =	vmand vm1, vm2;
	vm2 =	vlt.s32 v13, s8  }
0x261: {  	vm15 =	vlt.f32 v11, v8;
	vm1 =	vmor vm4, vm1;
	vm2 =	vmand vm3, vm2  }
0x262: {  	vm2 =	vmor vm15, vm2;
	v10 =	vsel vm1, $0x1, v2  }
0x263: {  	v14 =	vsel vm2, $0x1, v2;
	(xrf0) =	vadd.scan.msk.s32 $0xffff, v10  }
0x264: {  	(xrf0) =	vadd.scan.msk.s32 $0xffff, v14;
	_ =	sdelay $0x4  }
0x265: {  	v10, _, _ =	vpop (xrf0)  }
0x266: {  	(v2sf) =	vpush v10, $0xF;
	v10, _, _ =	vpop (xrf0)  }
0x267: {  	v62 =	vnsel vm0, $0x80000010, v3;
	(v2sf) =	vpush v10, $0xF  }
0x268: {  	(xrf0) =	vmin.scan.msk.u32 $0xffff, v62;
	_ =	sdelay $0x5  }
0x269: {  	v10, _, _ =	vpop (xrf0)  }
0x26a: {  	(v2sf) =	vpush v10, $0xF;
	_ =	sdelay $0x5  }
0x26b: {  	s9 =	spop (v2sf)  }
0x26c: {  	s28 =	spop (v2sf)  }
0x26d: {  	s9 =	sadd.s32 s9, s28  }
0x26e: {  	v10 =	vmov s9  }
0x26f: {  	vm1 =	vlt.s32 v10, v4  }
0x270: {  	vm2 =	vlt.s32 v10, v5;
	v63 =	vsel vm1, v4, v0  }
0x271: {  	v15 =	vsel vm2, v5, v6  }
0x272: {  	s0 =	sadd.s32 $0xFFFFFFFF, s0  }
0x273: {  	p1 =	sgt.u32 s0, $0x1  }
.Ltmp23:
0x274: {  	s31 =	spop (v2sf);
	(pc) =	sbr.rel @!p1 .LBB2_30-.Ltmp23, $4  }
0x275: {  	s28 =	sxor.u32 $0x80000000, s31;
	[tilespmem:v63+s22+$0x0] =	vst.idx.msk $0xffff, v9  }
0x276: {  	v9 =	vmov s28;
	[tilespmem:v15+s22+$0x0] =	vst.idx.msk $0xffff, v11  }
0x277: {  	vm1 =	veq.s32 v9, v0;
	vm2 =	vne.s32 v9, v0;
	[tilespmem:v63+s15+$0x0] =	vst.idx.msk $0xffff, v12  }
0x278: {  	p0 =	por $0x1, $0x1;
	v9 =	vmov s8;
	v11 =	vnsel vm1, $0xFF800000, v7;
	vm0 =	vmand vm0, vm2;
	[tilespmem:v15+s15+$0x0] =	vst.idx.msk $0xffff, v13  }
.LBB2_29:
0x279: {  	s0 =	sadd.s32 $0xFFFFFFFF, s0;
	(xrf0) =	vmax.scan.msk.f32 $0xffff, v11;
	[tilespmem:v10+s22+$0x0] =	vst.idx.msk $0x1, v8  }
0x27a: {  	p1 =	sgt.u32 s0, $0x1;
	[tilespmem:v10+s15+$0x0] =	vst.idx.msk $0x1, v9  }
0x27b: {  	v11 =	vld [tilespmem:$0x4800]  }
0x27c: {  	v12 =	vld [tilespmem:$0x4810]  }
0x27d: {  	v13 =	vld [tilespmem:$0x4830]  }
0x27e: {  	v14 =	vld [tilespmem:$0x4840]  }
0x27f: {  	v8, _, _ =	vpop (xrf0)  }
0x280: {  	v8 =	vbroadcast v8, $0xF  }
0x281: {  	s8 =	sadd.s32 s2, s28  }
0x282: {  	vm1 =	veq.f32 v11, v8;
	vm2 =	vlt.s32 v13, s8;
	vm3 =	veq.f32 v12, v8  }
0x283: {  	vm4 =	vlt.f32 v11, v8;
	vm1 =	vmand vm1, vm2;
	vm2 =	vlt.s32 v14, s8  }
0x284: {  	vm1 =	vmor vm4, vm1;
	vm4 =	vlt.f32 v12, v8;
	vm2 =	vmand vm3, vm2  }
0x285: {  	v9 =	vmov s8;
	vm2 =	vmor vm4, vm2;
	v10 =	vsel vm1, $0x1, v2  }
0x286: {  	v15 =	vsel vm2, $0x1, v2;
	(xrf0) =	vadd.scan.msk.s32 $0xffff, v10  }
0x287: {  	(xrf0) =	vadd.scan.msk.s32 $0xffff, v15;
	_ =	sdelay $0x4  }
0x288: {  	v10, _, _ =	vpop (xrf0)  }
0x289: {  	(v2sf) =	vpush v10, $0xF;
	v10, _, _ =	vpop (xrf0)  }
0x28a: {  	v15 =	vnsel vm0, $0x80000010, v3;
	(v2sf) =	vpush v10, $0xF  }
0x28b: {  	(xrf0) =	vmin.scan.msk.u32 $0xffff, v15;
	_ =	sdelay $0x5  }
0x28c: {  	v10, _, _ =	vpop (xrf0)  }
0x28d: {  	(v2sf) =	vpush v10, $0xF;
	_ =	sdelay $0x5  }
0x28e: {  	s8 =	spop (v2sf)  }
0x28f: {  	s9 =	spop (v2sf)  }
0x290: {  	s8 =	sadd.s32 s8, s9  }
0x291: {  	v10 =	vmov s8  }
0x292: {  	vm1 =	vlt.s32 v10, v4;
	vm2 =	vlt.s32 v10, v5  }
0x293: {  	v15 =	vsel vm1, v4, v0  }
0x294: {  	v16 =	vsel vm2, v5, v6;
	_ =	sdelay $0x2  }
.Ltmp24:
0x295: {  	s8 =	spop (v2sf);
	(pc) =	sbr.rel @p1 .LBB2_29-.Ltmp24, $4  }
0x296: {  	s28 =	sxor.u32 $0x80000000, s8;
	[tilespmem:v15+s22+$0x0] =	vst.idx.msk $0xffff, v11  }
0x297: {  	v11 =	vmov s28;
	[tilespmem:v16+s22+$0x0] =	vst.idx.msk $0xffff, v12  }
0x298: {  	vm1 =	veq.s32 v11, v0;
	vm2 =	vne.s32 v11, v0;
	[tilespmem:v15+s15+$0x0] =	vst.idx.msk $0xffff, v13  }
0x299: {  	v11 =	vnsel vm1, $0xFF800000, v7;
	vm0 =	vmand vm0, vm2;
	[tilespmem:v16+s15+$0x0] =	vst.idx.msk $0xffff, v14  }
.Ltmp25:
0x29a: {  	_ = 	snop;
	(pc) =	sbr.rel .LBB2_30-.Ltmp25, $1  }
0x29b: {  	_ =	sdelay $0x3  }
.LBB2_9:
.Ltmp26:
0x29c: {  	(pc) =	sbr.rel .LBB2_12-.Ltmp26, $2  }
0x29d: {  	_ =	sdelay $0x2  }
0x29e: {  	_ = 	snop  }
.LBB2_15:
.Ltmp27:
0x29f: {  	(pc) =	sbr.rel .LBB2_18-.Ltmp27, $2  }
0x2a0: {  	_ =	sdelay $0x2  }
0x2a1: {  	_ = 	snop  }
.LBB2_21:
.Ltmp28:
0x2a2: {  	(pc) =	sbr.rel .LBB2_24-.Ltmp28, $2  }
0x2a3: {  	_ =	sdelay $0x2  }
0x2a4: {  	_ = 	snop  }
.LBB2_32:
0x2a5: {  	s0 =	sshll.u32 s26, $0x2  }
0x2a6: {  	s28 =	simm.s32 $0x0;
	s2 =	sadd.s32 s1, s0  }
0x2a7: {  	[hbm4b:s2+s28] =	stream.linear.scatter [tilespmem:s15], [sflag:$0x4], $0x20, $0x38;
	[tilespmem:$0x6260] =	vst v63  }
0x2a8: {  	_ =	swait.ge [sflag:s13], $0x20  }
0x2a9: {  	[sflag:s13] =	ssyncset.done $0x0  }
0x2aa: {  	[sflag:s13] =	ssyncadd.s32 $0xFFFFFFE0  }
0x2ab: {  	[tilespmem:s17], [sflag:$0x3] =	stream.indirect.gather [hbm4b:s5+s16], $0x80, s15, s16, $0xb8;
	[tilespmem:$0x6260] =	vst v63  }
0x2ac: {  	_ =	swait.ge [sflag:s18], $0x1000  }
0x2ad: {  	s29 =	sshll.u32 s24, $0x5;
	[sflag:s18] =	ssyncset.done $0x0  }
0x2ae: {  	s2 =	sand.u32 $0x3FFFFFE0, s29;
	[sflag:s18] =	ssyncadd.s32 $0xFFFFF000  }
0x2af: {  	v7 =	vld [tilespmem:s2+$0x4860]  }
0x2b0: {  	v8 =	vld [tilespmem:$0x5060]  }
0x2b1: {  	v9 =	vld [tilespmem:$0x50E0]  }
0x2b2: {  	v10 =	vld [tilespmem:$0x5160]  }
0x2b3: {  	v11 =	vld [tilespmem:$0x51E0]  }
0x2b4: {  	v12 =	vld [tilespmem:$0x5260]  }
0x2b5: {  	v13 =	vld [tilespmem:$0x52E0];
	v8 =	vsub.f32 v8, v7  }
0x2b6: {  	v14 =	vld [tilespmem:$0x5360];
	v9 =	vsub.f32 v9, v7  }
0x2b7: {  	[tilespmem:$0x6060] =	vst v8;
	v8 =	vsub.f32 v10, v7;
	v10 =	vld [tilespmem:$0x53E0]  }
0x2b8: {  	[tilespmem:$0x6070] =	vst v9;
	v9 =	vsub.f32 v11, v7;
	v11 =	vld [tilespmem:$0x5460]  }
0x2b9: {  	v46 =	vld [tilespmem:$0x54E0];
	[tilespmem:$0x6080] =	vst v8;
	v8 =	vsub.f32 v12, v7  }
0x2ba: {  	v47 =	vld [tilespmem:$0x5560];
	[tilespmem:$0x6090] =	vst v9;
	v9 =	vsub.f32 v13, v7  }
0x2bb: {  	v48 =	vld [tilespmem:$0x55E0];
	[tilespmem:$0x60A0] =	vst v8;
	v8 =	vsub.f32 v14, v7  }
0x2bc: {  	[tilespmem:$0x60B0] =	vst v9;
	v9 =	vsub.f32 v10, v7;
	v10 =	vld [tilespmem:$0x5660]  }
0x2bd: {  	[tilespmem:$0x60C0] =	vst v8;
	v8 =	vsub.f32 v11, v7;
	v11 =	vld [tilespmem:$0x56E0]  }
0x2be: {  	v49 =	vld [tilespmem:$0x5760];
	[tilespmem:$0x60D0] =	vst v9;
	v9 =	vsub.f32 v46, v7  }
0x2bf: {  	v50 =	vld [tilespmem:$0x57E0];
	[tilespmem:$0x60E0] =	vst v8;
	v8 =	vsub.f32 v47, v7  }
0x2c0: {  	v51 =	vld [tilespmem:$0x5860];
	[tilespmem:$0x60F0] =	vst v9;
	v9 =	vsub.f32 v48, v7  }
0x2c1: {  	[tilespmem:$0x6100] =	vst v8;
	v8 =	vsub.f32 v10, v7;
	v10 =	vld [tilespmem:$0x58E0]  }
0x2c2: {  	[tilespmem:$0x6110] =	vst v9;
	v9 =	vsub.f32 v11, v7;
	v11 =	vld [tilespmem:$0x5960]  }
0x2c3: {  	v52 =	vld [tilespmem:$0x59E0];
	[tilespmem:$0x6120] =	vst v8;
	v8 =	vsub.f32 v49, v7  }
0x2c4: {  	v53 =	vld [tilespmem:$0x5A60];
	[tilespmem:$0x6130] =	vst v9;
	v9 =	vsub.f32 v50, v7  }
0x2c5: {  	v54 =	vld [tilespmem:$0x5AE0];
	[tilespmem:$0x6140] =	vst v8;
	v8 =	vsub.f32 v51, v7  }
0x2c6: {  	[tilespmem:$0x6150] =	vst v9;
	v9 =	vsub.f32 v10, v7;
	v10 =	vld [tilespmem:$0x5B60]  }
0x2c7: {  	[tilespmem:$0x6160] =	vst v8;
	v8 =	vsub.f32 v11, v7;
	v11 =	vld [tilespmem:$0x5BE0]  }
0x2c8: {  	v55 =	vld [tilespmem:$0x5C60];
	[tilespmem:$0x6170] =	vst v9;
	v9 =	vsub.f32 v52, v7  }
0x2c9: {  	v56 =	vld [tilespmem:$0x5CE0];
	[tilespmem:$0x6180] =	vst v8;
	v8 =	vsub.f32 v53, v7  }
0x2ca: {  	v57 =	vld [tilespmem:$0x5D60];
	[tilespmem:$0x6190] =	vst v9;
	v9 =	vsub.f32 v54, v7  }
0x2cb: {  	[tilespmem:$0x61A0] =	vst v8;
	v8 =	vsub.f32 v10, v7;
	v10 =	vld [tilespmem:$0x5DE0]  }
0x2cc: {  	[tilespmem:$0x61B0] =	vst v9;
	v9 =	vsub.f32 v11, v7;
	v11 =	vld [tilespmem:$0x5E60]  }
0x2cd: {  	v58 =	vld [tilespmem:$0x5EE0];
	[tilespmem:$0x61C0] =	vst v8;
	v8 =	vsub.f32 v55, v7  }
0x2ce: {  	v59 =	vld [tilespmem:$0x5F60];
	[tilespmem:$0x61D0] =	vst v9;
	v9 =	vsub.f32 v56, v7  }
0x2cf: {  	v60 =	vld [tilespmem:$0x5FE0];
	[tilespmem:$0x61E0] =	vst v8;
	v8 =	vsub.f32 v57, v7  }
0x2d0: {  	[tilespmem:$0x61F0] =	vst v9;
	v9 =	vsub.f32 v10, v7  }
0x2d1: {  	[tilespmem:$0x6200] =	vst v8;
	v8 =	vsub.f32 v11, v7  }
0x2d2: {  	[tilespmem:$0x6210] =	vst v9;
	v9 =	vsub.f32 v58, v7  }
0x2d3: {  	[tilespmem:$0x6220] =	vst v8;
	v8 =	vsub.f32 v59, v7  }
0x2d4: {  	v7 =	vsub.f32 v60, v7;
	[tilespmem:$0x6230] =	vst v9  }
0x2d5: {  	s30 =	sshll.u32 s26, $0x6;
	[tilespmem:$0x6240] =	vst v8  }
0x2d6: {  	s2 =	sadd.s32 s7, s30;
	[tilespmem:$0x6250] =	vst v7  }
0x2d7: {  	[hbm4b:s2+s28] =	stream.linear.scatter [tilespmem:s19], [sflag:$0x4], $0x200, $0x38;
	[tilespmem:$0x6260] =	vst v63  }
0x2d8: {  	_ =	swait.ge [sflag:s13], $0x200  }
0x2d9: {  	[sflag:s13] =	ssyncset.done $0x0  }
0x2da: {  	s31 =	smin.u32 s26, $0xFFD;
	[sflag:s13] =	ssyncadd.s32 $0xFFFFFE00  }
0x2db: {  	s2 =	sshll.u32 s31, $0xA;
	_ =	swait.ge [sflag:s20], $0x2000  }
0x2dc: {  	s2 =	sadd.s32 s4, s2;
	[sflag:s20] =	ssyncset.done $0x0  }
0x2dd: {  	s2 =	sadd.s32 $0x800, s2;
	[sflag:s20] =	ssyncadd.s32 $0xFFFFE000  }
0x2de: {  	v7 =	vimm.f32 $+Inf;
	[tilespmem:s28], [sflag:$0x1] =	stream.linear.gather [hbm4b:s2+s28], $0x2000, $0x38;
	[tilespmem:$0x6260] =	vst v63  }
0x2df: {  	[tilespmem:$0x4800] =	vst v7  }
0x2e0: {  	[tilespmem:$0x4830] =	vst v1  }
0x2e1: {  	[tilespmem:$0x4810] =	vst v7  }
0x2e2: {  	[tilespmem:$0x4840] =	vst v1  }
0x2e3: {  	[tilespmem:$0x4820] =	vst v7  }
0x2e4: {  	s0 =	simm.s32 $0x2040;
	[tilespmem:$0x4850] =	vst v1  }
0x2e5: {  	v8 =	vld [tilespmem:s0+$0x0]  }
0x2e6: {  	v9 =	vld [tilespmem:s0+$0x10]  }
0x2e7: {  	v10 =	vld [tilespmem:s0+$0x20]  }
0x2e8: {  	v11 =	vld [tilespmem:s0+$0x30]  }
0x2e9: {  	v61 =	vld [tilespmem:s0+$0xFFFFFFC0]  }
0x2ea: {  	v62 =	vld [tilespmem:s0+$0xFFFFFFD0]  }
0x2eb: {  	v63 =	vld [tilespmem:s0+$0xFFFFFFE0]  }
0x2ec: {  	v15 =	vld [tilespmem:s0+$0xFFFFFFF0];
	_ =	sdelay $0x1  }
0x2ed: {  	v8 =	vmin.f32 v8, v9  }
0x2ee: {  	v9 =	vmin.f32 v61, v62;
	v8 =	vmin.f32 v8, v10  }
0x2ef: {  	s12 =	simm.s32 $0x0;
	v9 =	vmin.f32 v9, v63;
	v8 =	vmin.f32 v8, v11  }
0x2f0: {  	s2 =	simm.s32 $0x80;
	v9 =	vmin.f32 v9, v15;
	[tilespmem:s12+$0x4010] =	vst v8;
	v8 =	vmin.f32 v7, v8  }
.LBB2_33:
0x2f1: {  	p0 =	sne.s32 s2, $0x1F80  }
0x2f2: {  	[tilespmem:s12+$0x4000] =	vst v9;
	v7 =	vmin.f32 v7, v9;
	s0 =	sadd.s32 $0x80, s0;
	s8 =	smov.u32 s2;
	s2 =	sadd.s32 $0x80, s2  }
0x2f3: {  	v9 =	vld [tilespmem:s0+$0x0]  }
0x2f4: {  	v10 =	vld [tilespmem:s0+$0x10]  }
0x2f5: {  	v11 =	vld [tilespmem:s0+$0x20]  }
0x2f6: {  	v12 =	vld [tilespmem:s0+$0x30]  }
0x2f7: {  	v13 =	vld [tilespmem:s0+$0xFFFFFFC0]  }
0x2f8: {  	v14 =	vld [tilespmem:s0+$0xFFFFFFD0]  }
0x2f9: {  	v15 =	vld [tilespmem:s0+$0xFFFFFFE0];
	v9 =	vmin.f32 v9, v10  }
0x2fa: {  	v10 =	vld [tilespmem:s0+$0xFFFFFFF0];
	v9 =	vmin.f32 v9, v11  }
.Ltmp29:
0x2fb: {  	s12 =	sshra.s32 s8, $0x2;
	v9 =	vmin.f32 v9, v12;
	(pc) =	sbr.rel @p0 .LBB2_33-.Ltmp29, $4  }
0x2fc: {  	[tilespmem:s12+$0x4010] =	vst v9;
	v8 =	vmin.f32 v8, v9  }
0x2fd: {  	v9 =	vmin.f32 v13, v14  }
0x2fe: {  	v9 =	vmin.f32 v9, v15  }
0x2ff: {  	v9 =	vmin.f32 v9, v10  }
0x300: {  	v7 =	vmin.f32 v7, v9  }
0x301: {  	v7 =	vmax.f32 v7, v8  }
0x302: {  	(xrf0) =	vmax.scan.msk.f32 $0xffff, v7;
	_ =	sdelay $0x5  }
0x303: {  	v7, _, _ =	vpop (xrf0)  }
0x304: {  	(v2sf) =	vpush v7, $0xF;
	_ =	sdelay $0xb  }
.Ltmp30:
0x305: {  	_ = 	snop;
	(pc) =	sbr.rel .LBB2_35-.Ltmp30, $3  }
0x306: {  	_ =	sdelay $0x1  }
0x307: {  	s26 =	spop (v2sf)  }
0x308: {  	[tilespmem:s12+$0x4000] =	vst v9;
	s28 =	simm.s32 $0x0;
	s0 =	simm.s32 $0x40000000;
	s12 =	smov.u32 s26  }
.LBB2_57:
0x309: {  	_ = 	snop  }
.LBB2_60:
0x30a: {  	_ =	sdelay $0x3  }
0x30b: {  	(xrf0) =	vmax.scan.msk.f32 $0xffff, v11;
	[tilespmem:v10+s22+$0x0] =	vst.idx.msk @p0 $0x1, v8  }
0x30c: {  	[tilespmem:v10+s15+$0x0] =	vst.idx.msk @p0 $0x1, v9  }
0x30d: {  	v7 =	vld [tilespmem:$0x4800]  }
0x30e: {  	v9 =	vld [tilespmem:$0x4830]  }
0x30f: {  	v10 =	vld [tilespmem:$0x4840]  }
0x310: {  	v8 =	vld [tilespmem:$0x4810]  }
0x311: {  	v11, _, _ =	vpop (xrf0)  }
0x312: {  	v12 =	vbroadcast v11, $0xF  }
0x313: {  	s0 =	sadd.s32 s2, s12  }
0x314: {  	vm1 =	vlt.s32 v9, s0;
	vm12 =	vlt.s32 v10, s0;
	vm0 =	veq.f32 v7, v12  }
0x315: {  	vm2 =	veq.f32 v8, v12;
	vm3 =	vlt.f32 v7, v12;
	vm0 =	vmand vm0, vm1  }
0x316: {  	vm13 =	vlt.f32 v8, v12;
	vm1 =	vmand vm2, vm12;
	vm0 =	vmor vm3, vm0  }
0x317: {  	vm1 =	vmor vm13, vm1;
	v13 =	vsel vm0, $0x1, v2  }
0x318: {  	v14 =	vsel vm1, $0x1, v2;
	(xrf0) =	vadd.scan.msk.s32 $0xffff, v13  }
0x319: {  	(xrf0) =	vadd.scan.msk.s32 $0xffff, v14;
	_ =	sdelay $0x4  }
0x31a: {  	v13, _, _ =	vpop (xrf0)  }
0x31b: {  	(v2sf) =	vpush v13, $0xF;
	v60, _, _ =	vpop (xrf0)  }
0x31c: {  	(v2sf) =	vpush v60, $0xF;
	_ =	sdelay $0x8  }
0x31d: {  	(v2sf) =	vpush v11, $0xF  }
0x31e: {  	(v2sf) =	vpush v8, $0xE;
	_ =	sdelay $0x1  }
0x31f: {  	(v2sf) =	vpush v10, $0xE;
	_ =	sdelay $0x1  }
0x320: {  	s31 =	spop (v2sf)  }
0x321: {  	s8 =	spop (v2sf)  }
0x322: {  	s2 =	sadd.s32 s31, s8  }
0x323: {  	v61 =	vmov s2  }
0x324: {  	vm14 =	vlt.s32 v61, v4  }
0x325: {  	vm15 =	vlt.s32 v61, v5;
	v62 =	vsel vm14, v4, v0  }
0x326: {  	v63 =	vsel vm15, v5, v6;
	_ =	sdelay $0x3  }
0x327: {  	s8 =	spop (v2sf);
	[tilespmem:v62+s22+$0x0] =	vst.idx.msk $0xffff, v7  }
0x328: {  	p0 =	slt.s32 s2, $0x1F;
	s2 =	spop (v2sf);
	[tilespmem:v63+s22+$0x0] =	vst.idx.msk $0xffff, v8  }
0x329: {  	s8 =	smov.u32 @p0 s2;
	[tilespmem:v62+s15+$0x0] =	vst.idx.msk $0xffff, v9  }
0x32a: {  	s2 =	spop (v2sf);
	p1 =	sle.f32 s8, s26;
	[tilespmem:v63+s15+$0x0] =	vst.idx.msk $0xffff, v10  }
0x32b: {  	v7 =	vmov s0;
	s0 =	smov.u32 @p0 s2;
	[tilespmem:v61+s22+$0x0] =	vst.idx.msk $0x1, v12  }
0x32c: {  	s12 =	smin.f32 s8, s26;
	s0 =	simm.s32 @!p1 $0x40000000;
	[tilespmem:v61+s15+$0x0] =	vst.idx.msk $0x1, v7  }
.LBB2_61:
0x32d: {  	s28 =	sadd.s32 $0x1, s28  }
0x32e: {  	p0 =	sne.s32 s28, $0x80  }
.Ltmp31:
0x32f: {  	_ = 	snop;
	(pc) =	sbr.rel @!p0 .LBB2_62-.Ltmp31, $1  }
0x330: {  	_ =	sdelay $0x3  }
.LBB2_35:
0x331: {  	s29 =	sshll.u32 s28, $0x6  }
0x332: {  	s2 =	sshrl.u32 s29, $0x2  }
0x333: {  	v7 =	vld [tilespmem:s2+$0x4000];
	_ =	sdelay $0x4  }
0x334: {  	(xrf0) =	vmin.scan.msk.f32 $0xffff, v7;
	_ =	sdelay $0x5  }
0x335: {  	v7, _, _ =	vpop (xrf0)  }
0x336: {  	(v2sf) =	vpush v7, $0xF;
	_ =	sdelay $0xe  }
0x337: {  	s31 =	spop (v2sf)  }
0x338: {  	p0 =	sle.f32 s31, s12  }
.Ltmp32:
0x339: {  	_ = 	snop;
	(pc) =	sbr.rel @!p0 .LBB2_61-.Ltmp32, $1  }
0x33a: {  	_ =	sdelay $0x3  }
0x33b: {  	v7 =	vld [tilespmem:s29+$0x2000];
	_ =	sdelay $0x2  }
0x33c: {  	s30 =	sor.u32 s10, s29  }
0x33d: {  	v8 =	vor.u32 s30, v0  }
0x33e: {  	vm1 =	vlt.s32 v8, s0;
	vm0 =	veq.f32 v7, s12  }
0x33f: {  	vm2 =	vlt.f32 v7, s12;
	vm0 =	vmand vm1, vm0  }
0x340: {  	vm0 =	vmor vm2, vm0  }
0x341: {  	v8 =	vsel vm0, $0x1, v2  }
0x342: {  	(xrf0) =	vadd.scan.msk.s32 $0xffff, v8;
	_ =	sdelay $0x5  }
0x343: {  	v8, _, _ =	vpop (xrf0)  }
0x344: {  	(v2sf) =	vpush v8, $0xF;
	_ =	sdelay $0xe  }
0x345: {  	s2 =	spop (v2sf)  }
0x346: {  	p0 =	slt.s32 s2, $0x1  }
.Ltmp33:
0x347: {  	_ = 	snop;
	(pc) =	sbr.rel @p0 .LBB2_37-.Ltmp33, $1  }
0x348: {  	_ =	sdelay $0x3  }
0x349: {  	v8 =	vnsel vm0, $0x80000010, v3  }
0x34a: {  	(xrf0) =	vmin.scan.msk.u32 $0xffff, v8;
	_ =	sdelay $0x5  }
0x34b: {  	v8, _, _ =	vpop (xrf0)  }
0x34c: {  	(v2sf) =	vpush v8, $0xF;
	_ =	sdelay $0xe  }
0x34d: {  	s8 =	sadd.s32 $0x1, s2;
	s0 =	spop (v2sf)  }
0x34e: {  	s2 =	sxor.u32 $0x80000000, s0;
	s0 =	sadd.s32 $0xFFFFFFFF, s8  }
0x34f: {  	p1 =	sgt.u32 s0, $0x1  }
.Ltmp34:
0x350: {  	_ = 	snop;
	(pc) =	sbr.rel @!p1 .LBB2_39-.Ltmp34, $4  }
0x351: {  	_ = 	snop  }
0x352: {  	v8 =	vmov s2  }
0x353: {  	vm1 =	veq.s32 v8, v0;
	vm2 =	vne.s32 v8, v0  }
0x354: {  	p0 =	por $0x0, $0x0;
	v11 =	vnsel vm1, $0xFF800000, v7;
	vm0 =	vmand vm0, vm2  }
0x355: {  	(xrf0) =	vmax.scan.msk.f32 $0xffff, v11;
	_ =	sdelay $0x1  }
0x356: {  	v9 =	vld [tilespmem:$0x4800]  }
0x357: {  	v11 =	vld [tilespmem:$0x4810]  }
0x358: {  	v12 =	vld [tilespmem:$0x4830]  }
0x359: {  	v13 =	vld [tilespmem:$0x4840]  }
0x35a: {  	v8, _, _ =	vpop (xrf0)  }
0x35b: {  	v8 =	vbroadcast v8, $0xF  }
0x35c: {  	s8 =	sadd.s32 s30, s2  }
0x35d: {  	vm2 =	vlt.s32 v12, s8;
	vm1 =	veq.f32 v9, v8;
	vm3 =	veq.f32 v11, v8  }
0x35e: {  	vm4 =	vlt.f32 v9, v8;
	vm1 =	vmand vm1, vm2;
	vm2 =	vlt.s32 v13, s8  }
0x35f: {  	vm15 =	vlt.f32 v11, v8;
	vm1 =	vmor vm4, vm1;
	vm2 =	vmand vm3, vm2  }
0x360: {  	vm2 =	vmor vm15, vm2;
	v10 =	vsel vm1, $0x1, v2  }
0x361: {  	v14 =	vsel vm2, $0x1, v2;
	(xrf0) =	vadd.scan.msk.s32 $0xffff, v10  }
0x362: {  	(xrf0) =	vadd.scan.msk.s32 $0xffff, v14;
	_ =	sdelay $0x4  }
0x363: {  	v10, _, _ =	vpop (xrf0)  }
0x364: {  	(v2sf) =	vpush v10, $0xF;
	v10, _, _ =	vpop (xrf0)  }
0x365: {  	v62 =	vnsel vm0, $0x80000010, v3;
	(v2sf) =	vpush v10, $0xF  }
0x366: {  	(xrf0) =	vmin.scan.msk.u32 $0xffff, v62;
	_ =	sdelay $0x5  }
0x367: {  	v10, _, _ =	vpop (xrf0)  }
0x368: {  	(v2sf) =	vpush v10, $0xF;
	_ =	sdelay $0x5  }
0x369: {  	s12 =	spop (v2sf)  }
0x36a: {  	s9 =	spop (v2sf)  }
0x36b: {  	s2 =	sadd.s32 s12, s9  }
0x36c: {  	v10 =	vmov s2  }
0x36d: {  	vm1 =	vlt.s32 v10, v4  }
0x36e: {  	vm2 =	vlt.s32 v10, v5;
	v63 =	vsel vm1, v4, v0  }
0x36f: {  	v15 =	vsel vm2, v5, v6  }
0x370: {  	s0 =	sadd.s32 $0xFFFFFFFF, s0  }
0x371: {  	p1 =	sgt.u32 s0, $0x1  }
.Ltmp35:
0x372: {  	s31 =	spop (v2sf);
	(pc) =	sbr.rel @!p1 .LBB2_42-.Ltmp35, $4  }
0x373: {  	s2 =	sxor.u32 $0x80000000, s31;
	[tilespmem:v63+s22+$0x0] =	vst.idx.msk $0xffff, v9  }
0x374: {  	v9 =	vmov s2;
	[tilespmem:v15+s22+$0x0] =	vst.idx.msk $0xffff, v11  }
0x375: {  	vm1 =	veq.s32 v9, v0;
	vm2 =	vne.s32 v9, v0;
	[tilespmem:v63+s15+$0x0] =	vst.idx.msk $0xffff, v12  }
0x376: {  	p0 =	por $0x1, $0x1;
	v9 =	vmov s8;
	v11 =	vnsel vm1, $0xFF800000, v7;
	vm0 =	vmand vm0, vm2;
	[tilespmem:v15+s15+$0x0] =	vst.idx.msk $0xffff, v13  }
.LBB2_41:
0x377: {  	s0 =	sadd.s32 $0xFFFFFFFF, s0;
	(xrf0) =	vmax.scan.msk.f32 $0xffff, v11;
	[tilespmem:v10+s22+$0x0] =	vst.idx.msk $0x1, v8  }
0x378: {  	p1 =	sgt.u32 s0, $0x1;
	[tilespmem:v10+s15+$0x0] =	vst.idx.msk $0x1, v9  }
0x379: {  	v11 =	vld [tilespmem:$0x4800]  }
0x37a: {  	v12 =	vld [tilespmem:$0x4810]  }
0x37b: {  	v13 =	vld [tilespmem:$0x4830]  }
0x37c: {  	v14 =	vld [tilespmem:$0x4840]  }
0x37d: {  	v8, _, _ =	vpop (xrf0)  }
0x37e: {  	v8 =	vbroadcast v8, $0xF  }
0x37f: {  	s2 =	sadd.s32 s30, s2  }
0x380: {  	vm1 =	veq.f32 v11, v8;
	vm2 =	vlt.s32 v13, s2;
	vm3 =	veq.f32 v12, v8  }
0x381: {  	vm4 =	vlt.f32 v11, v8;
	vm1 =	vmand vm1, vm2;
	vm2 =	vlt.s32 v14, s2  }
0x382: {  	vm1 =	vmor vm4, vm1;
	vm4 =	vlt.f32 v12, v8;
	vm2 =	vmand vm3, vm2  }
0x383: {  	v9 =	vmov s2;
	vm2 =	vmor vm4, vm2;
	v10 =	vsel vm1, $0x1, v2  }
0x384: {  	v15 =	vsel vm2, $0x1, v2;
	(xrf0) =	vadd.scan.msk.s32 $0xffff, v10  }
0x385: {  	(xrf0) =	vadd.scan.msk.s32 $0xffff, v15;
	_ =	sdelay $0x4  }
0x386: {  	v10, _, _ =	vpop (xrf0)  }
0x387: {  	(v2sf) =	vpush v10, $0xF;
	v10, _, _ =	vpop (xrf0)  }
0x388: {  	v15 =	vnsel vm0, $0x80000010, v3;
	(v2sf) =	vpush v10, $0xF  }
0x389: {  	(xrf0) =	vmin.scan.msk.u32 $0xffff, v15;
	_ =	sdelay $0x5  }
0x38a: {  	v10, _, _ =	vpop (xrf0)  }
0x38b: {  	(v2sf) =	vpush v10, $0xF;
	_ =	sdelay $0x5  }
0x38c: {  	s2 =	spop (v2sf)  }
0x38d: {  	s8 =	spop (v2sf)  }
0x38e: {  	s2 =	sadd.s32 s2, s8  }
0x38f: {  	v10 =	vmov s2  }
0x390: {  	vm1 =	vlt.s32 v10, v4;
	vm2 =	vlt.s32 v10, v5  }
0x391: {  	v15 =	vsel vm1, v4, v0  }
0x392: {  	v16 =	vsel vm2, v5, v6;
	_ =	sdelay $0x2  }
.Ltmp36:
0x393: {  	s2 =	spop (v2sf);
	(pc) =	sbr.rel @p1 .LBB2_41-.Ltmp36, $4  }
0x394: {  	s2 =	sxor.u32 $0x80000000, s2;
	[tilespmem:v15+s22+$0x0] =	vst.idx.msk $0xffff, v11  }
0x395: {  	v11 =	vmov s2;
	[tilespmem:v16+s22+$0x0] =	vst.idx.msk $0xffff, v12  }
0x396: {  	vm1 =	veq.s32 v11, v0;
	vm2 =	vne.s32 v11, v0;
	[tilespmem:v15+s15+$0x0] =	vst.idx.msk $0xffff, v13  }
0x397: {  	v11 =	vnsel vm1, $0xFF800000, v7;
	vm0 =	vmand vm0, vm2;
	[tilespmem:v16+s15+$0x0] =	vst.idx.msk $0xffff, v14  }
.LBB2_42:
0x398: {  	_ =	sdelay $0x3  }
0x399: {  	(xrf0) =	vmax.scan.msk.f32 $0xffff, v11;
	[tilespmem:v10+s22+$0x0] =	vst.idx.msk @p0 $0x1, v8  }
0x39a: {  	[tilespmem:v10+s15+$0x0] =	vst.idx.msk @p0 $0x1, v9  }
0x39b: {  	v7 =	vld [tilespmem:$0x4800]  }
0x39c: {  	v9 =	vld [tilespmem:$0x4830]  }
0x39d: {  	v10 =	vld [tilespmem:$0x4840]  }
0x39e: {  	v8 =	vld [tilespmem:$0x4810]  }
0x39f: {  	v11, _, _ =	vpop (xrf0)  }
0x3a0: {  	v12 =	vbroadcast v11, $0xF  }
0x3a1: {  	s0 =	sadd.s32 s30, s2  }
0x3a2: {  	vm1 =	vlt.s32 v9, s0;
	vm12 =	vlt.s32 v10, s0;
	vm0 =	veq.f32 v7, v12  }
0x3a3: {  	vm2 =	veq.f32 v8, v12;
	vm3 =	vlt.f32 v7, v12;
	vm0 =	vmand vm0, vm1  }
0x3a4: {  	vm13 =	vlt.f32 v8, v12;
	vm1 =	vmand vm2, vm12;
	vm0 =	vmor vm3, vm0  }
0x3a5: {  	vm1 =	vmor vm13, vm1;
	v13 =	vsel vm0, $0x1, v2  }
0x3a6: {  	v14 =	vsel vm1, $0x1, v2;
	(xrf0) =	vadd.scan.msk.s32 $0xffff, v13  }
0x3a7: {  	(xrf0) =	vadd.scan.msk.s32 $0xffff, v14;
	_ =	sdelay $0x4  }
0x3a8: {  	v13, _, _ =	vpop (xrf0)  }
0x3a9: {  	(v2sf) =	vpush v13, $0xF;
	v61, _, _ =	vpop (xrf0)  }
0x3aa: {  	(v2sf) =	vpush v61, $0xF;
	_ =	sdelay $0x7  }
0x3ab: {  	(v2sf) =	vpush v11, $0xF  }
0x3ac: {  	(v2sf) =	vpush v8, $0xE;
	_ =	sdelay $0x1  }
0x3ad: {  	(v2sf) =	vpush v10, $0xE;
	_ =	sdelay $0x2  }
0x3ae: {  	s31 =	spop (v2sf)  }
0x3af: {  	s8 =	spop (v2sf)  }
0x3b0: {  	s2 =	sadd.s32 s31, s8  }
0x3b1: {  	v11 =	vmov s2  }
0x3b2: {  	vm14 =	vlt.s32 v11, v4  }
0x3b3: {  	vm15 =	vlt.s32 v11, v5;
	v62 =	vsel vm14, v4, v0  }
0x3b4: {  	v63 =	vsel vm15, v5, v6;
	_ =	sdelay $0x2  }
0x3b5: {  	s8 =	spop (v2sf)  }
0x3b6: {  	p0 =	slt.s32 s2, $0x1F;
	s2 =	spop (v2sf);
	[tilespmem:v62+s22+$0x0] =	vst.idx.msk $0xffff, v7  }
.Ltmp37:
0x3b7: {  	s8 =	smov.u32 @p0 s2;
	[tilespmem:v63+s22+$0x0] =	vst.idx.msk $0xffff, v8;
	(pc) =	sbr.rel .LBB2_43-.Ltmp37, $4  }
0x3b8: {  	s2 =	spop (v2sf);
	p1 =	sle.f32 s8, s26;
	[tilespmem:v62+s15+$0x0] =	vst.idx.msk $0xffff, v9  }
0x3b9: {  	v7 =	vmov s0;
	s0 =	smov.u32 @p0 s2;
	[tilespmem:v63+s15+$0x0] =	vst.idx.msk $0xffff, v10  }
0x3ba: {  	s12 =	smin.f32 s8, s26;
	s0 =	simm.s32 @!p1 $0x40000000;
	[tilespmem:v11+s22+$0x0] =	vst.idx.msk $0x1, v12  }
0x3bb: {  	v8 =	vmov s12;
	v9 =	vmov s0;
	[tilespmem:v11+s15+$0x0] =	vst.idx.msk $0x1, v7  }
.LBB2_37:
0x3bc: {  	v8 =	vmov s12;
	v9 =	vmov s0  }
.LBB2_43:
0x3bd: {  	v7 =	vld [tilespmem:s29+$0x2010];
	_ =	sdelay $0x2  }
0x3be: {  	s2 =	sor.u32 $0x10, s30  }
0x3bf: {  	v10 =	vor.u32 s2, v0  }
0x3c0: {  	vm1 =	vlt.s32 v10, v9;
	vm0 =	veq.f32 v7, v8  }
0x3c1: {  	vm2 =	vlt.f32 v7, v8;
	vm0 =	vmand vm1, vm0  }
0x3c2: {  	vm0 =	vmor vm2, vm0  }
0x3c3: {  	v10 =	vsel vm0, $0x1, v2  }
0x3c4: {  	(xrf0) =	vadd.scan.msk.s32 $0xffff, v10;
	_ =	sdelay $0x5  }
0x3c5: {  	v10, _, _ =	vpop (xrf0)  }
0x3c6: {  	(v2sf) =	vpush v10, $0xF;
	_ =	sdelay $0xe  }
0x3c7: {  	s8 =	spop (v2sf)  }
0x3c8: {  	p0 =	slt.s32 s8, $0x1  }
.Ltmp38:
0x3c9: {  	_ = 	snop;
	(pc) =	sbr.rel @p0 .LBB2_49-.Ltmp38, $1  }
0x3ca: {  	_ =	sdelay $0x3  }
0x3cb: {  	v8 =	vnsel vm0, $0x80000010, v3  }
0x3cc: {  	(xrf0) =	vmin.scan.msk.u32 $0xffff, v8;
	_ =	sdelay $0x5  }
0x3cd: {  	v8, _, _ =	vpop (xrf0)  }
0x3ce: {  	(v2sf) =	vpush v8, $0xF;
	_ =	sdelay $0xe  }
0x3cf: {  	s8 =	sadd.s32 $0x1, s8;
	s0 =	spop (v2sf)  }
0x3d0: {  	s12 =	sxor.u32 $0x80000000, s0;
	s0 =	sadd.s32 $0xFFFFFFFF, s8  }
0x3d1: {  	p1 =	sgt.u32 s0, $0x1  }
.Ltmp39:
0x3d2: {  	_ = 	snop;
	(pc) =	sbr.rel @!p1 .LBB2_45-.Ltmp39, $4  }
0x3d3: {  	_ = 	snop  }
0x3d4: {  	v8 =	vmov s12  }
0x3d5: {  	vm1 =	veq.s32 v8, v0;
	vm2 =	vne.s32 v8, v0  }
0x3d6: {  	p0 =	por $0x0, $0x0;
	v11 =	vnsel vm1, $0xFF800000, v7;
	vm0 =	vmand vm0, vm2  }
0x3d7: {  	(xrf0) =	vmax.scan.msk.f32 $0xffff, v11;
	_ =	sdelay $0x1  }
0x3d8: {  	v9 =	vld [tilespmem:$0x4800]  }
0x3d9: {  	v11 =	vld [tilespmem:$0x4810]  }
0x3da: {  	v12 =	vld [tilespmem:$0x4830]  }
0x3db: {  	v13 =	vld [tilespmem:$0x4840]  }
0x3dc: {  	v8, _, _ =	vpop (xrf0)  }
0x3dd: {  	v8 =	vbroadcast v8, $0xF  }
0x3de: {  	s8 =	sadd.s32 s2, s12  }
0x3df: {  	vm2 =	vlt.s32 v12, s8;
	vm1 =	veq.f32 v9, v8;
	vm3 =	veq.f32 v11, v8  }
0x3e0: {  	vm4 =	vlt.f32 v9, v8;
	vm1 =	vmand vm1, vm2;
	vm2 =	vlt.s32 v13, s8  }
0x3e1: {  	vm15 =	vlt.f32 v11, v8;
	vm1 =	vmor vm4, vm1;
	vm2 =	vmand vm3, vm2  }
0x3e2: {  	vm2 =	vmor vm15, vm2;
	v10 =	vsel vm1, $0x1, v2  }
0x3e3: {  	v14 =	vsel vm2, $0x1, v2;
	(xrf0) =	vadd.scan.msk.s32 $0xffff, v10  }
0x3e4: {  	(xrf0) =	vadd.scan.msk.s32 $0xffff, v14;
	_ =	sdelay $0x4  }
0x3e5: {  	v10, _, _ =	vpop (xrf0)  }
0x3e6: {  	(v2sf) =	vpush v10, $0xF;
	v10, _, _ =	vpop (xrf0)  }
0x3e7: {  	v62 =	vnsel vm0, $0x80000010, v3;
	(v2sf) =	vpush v10, $0xF  }
0x3e8: {  	(xrf0) =	vmin.scan.msk.u32 $0xffff, v62;
	_ =	sdelay $0x5  }
0x3e9: {  	v10, _, _ =	vpop (xrf0)  }
0x3ea: {  	(v2sf) =	vpush v10, $0xF;
	_ =	sdelay $0x5  }
0x3eb: {  	s9 =	spop (v2sf)  }
0x3ec: {  	s31 =	spop (v2sf)  }
0x3ed: {  	s9 =	sadd.s32 s9, s31  }
0x3ee: {  	v10 =	vmov s9  }
0x3ef: {  	vm1 =	vlt.s32 v10, v4  }
0x3f0: {  	vm2 =	vlt.s32 v10, v5;
	v63 =	vsel vm1, v4, v0  }
0x3f1: {  	v15 =	vsel vm2, v5, v6  }
0x3f2: {  	s0 =	sadd.s32 $0xFFFFFFFF, s0  }
0x3f3: {  	p1 =	sgt.u32 s0, $0x1  }
.Ltmp40:
0x3f4: {  	s31 =	spop (v2sf);
	(pc) =	sbr.rel @!p1 .LBB2_48-.Ltmp40, $4  }
0x3f5: {  	s12 =	sxor.u32 $0x80000000, s31;
	[tilespmem:v63+s22+$0x0] =	vst.idx.msk $0xffff, v9  }
0x3f6: {  	v9 =	vmov s12;
	[tilespmem:v15+s22+$0x0] =	vst.idx.msk $0xffff, v11  }
0x3f7: {  	vm1 =	veq.s32 v9, v0;
	vm2 =	vne.s32 v9, v0;
	[tilespmem:v63+s15+$0x0] =	vst.idx.msk $0xffff, v12  }
0x3f8: {  	p0 =	por $0x1, $0x1;
	v9 =	vmov s8;
	v11 =	vnsel vm1, $0xFF800000, v7;
	vm0 =	vmand vm0, vm2;
	[tilespmem:v15+s15+$0x0] =	vst.idx.msk $0xffff, v13  }
.LBB2_47:
0x3f9: {  	s0 =	sadd.s32 $0xFFFFFFFF, s0;
	(xrf0) =	vmax.scan.msk.f32 $0xffff, v11;
	[tilespmem:v10+s22+$0x0] =	vst.idx.msk $0x1, v8  }
0x3fa: {  	p1 =	sgt.u32 s0, $0x1;
	[tilespmem:v10+s15+$0x0] =	vst.idx.msk $0x1, v9  }
0x3fb: {  	v11 =	vld [tilespmem:$0x4800]  }
0x3fc: {  	v12 =	vld [tilespmem:$0x4810]  }
0x3fd: {  	v13 =	vld [tilespmem:$0x4830]  }
0x3fe: {  	v14 =	vld [tilespmem:$0x4840]  }
0x3ff: {  	v8, _, _ =	vpop (xrf0)  }
0x400: {  	v8 =	vbroadcast v8, $0xF  }
0x401: {  	s8 =	sadd.s32 s2, s12  }
0x402: {  	vm1 =	veq.f32 v11, v8;
	vm2 =	vlt.s32 v13, s8;
	vm3 =	veq.f32 v12, v8  }
0x403: {  	vm4 =	vlt.f32 v11, v8;
	vm1 =	vmand vm1, vm2;
	vm2 =	vlt.s32 v14, s8  }
0x404: {  	vm1 =	vmor vm4, vm1;
	vm4 =	vlt.f32 v12, v8;
	vm2 =	vmand vm3, vm2  }
0x405: {  	v9 =	vmov s8;
	vm2 =	vmor vm4, vm2;
	v10 =	vsel vm1, $0x1, v2  }
0x406: {  	v15 =	vsel vm2, $0x1, v2;
	(xrf0) =	vadd.scan.msk.s32 $0xffff, v10  }
0x407: {  	(xrf0) =	vadd.scan.msk.s32 $0xffff, v15;
	_ =	sdelay $0x4  }
0x408: {  	v10, _, _ =	vpop (xrf0)  }
0x409: {  	(v2sf) =	vpush v10, $0xF;
	v10, _, _ =	vpop (xrf0)  }
0x40a: {  	v15 =	vnsel vm0, $0x80000010, v3;
	(v2sf) =	vpush v10, $0xF  }
0x40b: {  	(xrf0) =	vmin.scan.msk.u32 $0xffff, v15;
	_ =	sdelay $0x5  }
0x40c: {  	v10, _, _ =	vpop (xrf0)  }
0x40d: {  	(v2sf) =	vpush v10, $0xF;
	_ =	sdelay $0x5  }
0x40e: {  	s8 =	spop (v2sf)  }
0x40f: {  	s9 =	spop (v2sf)  }
0x410: {  	s8 =	sadd.s32 s8, s9  }
0x411: {  	v10 =	vmov s8  }
0x412: {  	vm1 =	vlt.s32 v10, v4;
	vm2 =	vlt.s32 v10, v5  }
0x413: {  	v15 =	vsel vm1, v4, v0  }
0x414: {  	v16 =	vsel vm2, v5, v6;
	_ =	sdelay $0x2  }
.Ltmp41:
0x415: {  	s8 =	spop (v2sf);
	(pc) =	sbr.rel @p1 .LBB2_47-.Ltmp41, $4  }
0x416: {  	s12 =	sxor.u32 $0x80000000, s8;
	[tilespmem:v15+s22+$0x0] =	vst.idx.msk $0xffff, v11  }
0x417: {  	v11 =	vmov s12;
	[tilespmem:v16+s22+$0x0] =	vst.idx.msk $0xffff, v12  }
0x418: {  	vm1 =	veq.s32 v11, v0;
	vm2 =	vne.s32 v11, v0;
	[tilespmem:v15+s15+$0x0] =	vst.idx.msk $0xffff, v13  }
0x419: {  	v11 =	vnsel vm1, $0xFF800000, v7;
	vm0 =	vmand vm0, vm2;
	[tilespmem:v16+s15+$0x0] =	vst.idx.msk $0xffff, v14  }
.LBB2_48:
0x41a: {  	_ =	sdelay $0x3  }
0x41b: {  	(xrf0) =	vmax.scan.msk.f32 $0xffff, v11;
	[tilespmem:v10+s22+$0x0] =	vst.idx.msk @p0 $0x1, v8  }
0x41c: {  	[tilespmem:v10+s15+$0x0] =	vst.idx.msk @p0 $0x1, v9  }
0x41d: {  	v7 =	vld [tilespmem:$0x4800]  }
0x41e: {  	v9 =	vld [tilespmem:$0x4830]  }
0x41f: {  	v10 =	vld [tilespmem:$0x4840]  }
0x420: {  	v8 =	vld [tilespmem:$0x4810]  }
0x421: {  	v11, _, _ =	vpop (xrf0)  }
0x422: {  	v12 =	vbroadcast v11, $0xF  }
0x423: {  	s0 =	sadd.s32 s2, s12  }
0x424: {  	vm1 =	vlt.s32 v9, s0;
	vm12 =	vlt.s32 v10, s0;
	vm0 =	veq.f32 v7, v12  }
0x425: {  	vm2 =	veq.f32 v8, v12;
	vm3 =	vlt.f32 v7, v12;
	vm0 =	vmand vm0, vm1  }
0x426: {  	vm13 =	vlt.f32 v8, v12;
	vm1 =	vmand vm2, vm12;
	vm0 =	vmor vm3, vm0  }
0x427: {  	vm1 =	vmor vm13, vm1;
	v13 =	vsel vm0, $0x1, v2  }
0x428: {  	v14 =	vsel vm1, $0x1, v2;
	(xrf0) =	vadd.scan.msk.s32 $0xffff, v13  }
0x429: {  	(xrf0) =	vadd.scan.msk.s32 $0xffff, v14;
	_ =	sdelay $0x4  }
0x42a: {  	v13, _, _ =	vpop (xrf0)  }
0x42b: {  	(v2sf) =	vpush v13, $0xF;
	v61, _, _ =	vpop (xrf0)  }
0x42c: {  	(v2sf) =	vpush v61, $0xF;
	_ =	sdelay $0x7  }
0x42d: {  	(v2sf) =	vpush v11, $0xF  }
0x42e: {  	(v2sf) =	vpush v8, $0xE;
	_ =	sdelay $0x1  }
0x42f: {  	(v2sf) =	vpush v10, $0xE;
	_ =	sdelay $0x2  }
0x430: {  	s31 =	spop (v2sf)  }
0x431: {  	s8 =	spop (v2sf)  }
0x432: {  	s2 =	sadd.s32 s31, s8  }
0x433: {  	v11 =	vmov s2  }
0x434: {  	vm14 =	vlt.s32 v11, v4  }
0x435: {  	vm15 =	vlt.s32 v11, v5;
	v62 =	vsel vm14, v4, v0  }
0x436: {  	v63 =	vsel vm15, v5, v6;
	_ =	sdelay $0x2  }
0x437: {  	s8 =	spop (v2sf)  }
0x438: {  	p0 =	slt.s32 s2, $0x1F;
	s2 =	spop (v2sf);
	[tilespmem:v62+s22+$0x0] =	vst.idx.msk $0xffff, v7  }
0x439: {  	s8 =	smov.u32 @p0 s2;
	[tilespmem:v63+s22+$0x0] =	vst.idx.msk $0xffff, v8  }
0x43a: {  	s2 =	spop (v2sf);
	p1 =	sle.f32 s8, s26;
	[tilespmem:v62+s15+$0x0] =	vst.idx.msk $0xffff, v9  }
0x43b: {  	v7 =	vmov s0;
	s0 =	smov.u32 @p0 s2;
	[tilespmem:v63+s15+$0x0] =	vst.idx.msk $0xffff, v10  }
0x43c: {  	s12 =	smin.f32 s8, s26;
	s0 =	simm.s32 @!p1 $0x40000000;
	[tilespmem:v11+s22+$0x0] =	vst.idx.msk $0x1, v12  }
0x43d: {  	v8 =	vmov s12;
	v9 =	vmov s0;
	[tilespmem:v11+s15+$0x0] =	vst.idx.msk $0x1, v7  }
.LBB2_49:
0x43e: {  	v7 =	vld [tilespmem:s29+$0x2020];
	_ =	sdelay $0x2  }
0x43f: {  	s2 =	sor.u32 $0x20, s30  }
0x440: {  	v10 =	vor.u32 s2, v0  }
0x441: {  	vm1 =	vlt.s32 v10, v9;
	vm0 =	veq.f32 v7, v8  }
0x442: {  	vm2 =	vlt.f32 v7, v8;
	vm0 =	vmand vm1, vm0  }
0x443: {  	vm0 =	vmor vm2, vm0  }
0x444: {  	v10 =	vsel vm0, $0x1, v2  }
0x445: {  	(xrf0) =	vadd.scan.msk.s32 $0xffff, v10;
	_ =	sdelay $0x5  }
0x446: {  	v10, _, _ =	vpop (xrf0)  }
0x447: {  	(v2sf) =	vpush v10, $0xF;
	_ =	sdelay $0xe  }
0x448: {  	s8 =	spop (v2sf)  }
0x449: {  	p0 =	slt.s32 s8, $0x1  }
.Ltmp42:
0x44a: {  	_ = 	snop;
	(pc) =	sbr.rel @p0 .LBB2_55-.Ltmp42, $1  }
0x44b: {  	_ =	sdelay $0x3  }
0x44c: {  	v8 =	vnsel vm0, $0x80000010, v3  }
0x44d: {  	(xrf0) =	vmin.scan.msk.u32 $0xffff, v8;
	_ =	sdelay $0x5  }
0x44e: {  	v8, _, _ =	vpop (xrf0)  }
0x44f: {  	(v2sf) =	vpush v8, $0xF;
	_ =	sdelay $0xe  }
0x450: {  	s8 =	sadd.s32 $0x1, s8;
	s0 =	spop (v2sf)  }
0x451: {  	s12 =	sxor.u32 $0x80000000, s0;
	s0 =	sadd.s32 $0xFFFFFFFF, s8  }
0x452: {  	p1 =	sgt.u32 s0, $0x1  }
.Ltmp43:
0x453: {  	_ = 	snop;
	(pc) =	sbr.rel @!p1 .LBB2_51-.Ltmp43, $4  }
0x454: {  	_ = 	snop  }
0x455: {  	v8 =	vmov s12  }
0x456: {  	vm1 =	veq.s32 v8, v0;
	vm2 =	vne.s32 v8, v0  }
0x457: {  	p0 =	por $0x0, $0x0;
	v11 =	vnsel vm1, $0xFF800000, v7;
	vm0 =	vmand vm0, vm2  }
0x458: {  	(xrf0) =	vmax.scan.msk.f32 $0xffff, v11;
	_ =	sdelay $0x1  }
0x459: {  	v9 =	vld [tilespmem:$0x4800]  }
0x45a: {  	v11 =	vld [tilespmem:$0x4810]  }
0x45b: {  	v12 =	vld [tilespmem:$0x4830]  }
0x45c: {  	v13 =	vld [tilespmem:$0x4840]  }
0x45d: {  	v8, _, _ =	vpop (xrf0)  }
0x45e: {  	v8 =	vbroadcast v8, $0xF  }
0x45f: {  	s8 =	sadd.s32 s2, s12  }
0x460: {  	vm2 =	vlt.s32 v12, s8;
	vm1 =	veq.f32 v9, v8;
	vm3 =	veq.f32 v11, v8  }
0x461: {  	vm4 =	vlt.f32 v9, v8;
	vm1 =	vmand vm1, vm2;
	vm2 =	vlt.s32 v13, s8  }
0x462: {  	vm15 =	vlt.f32 v11, v8;
	vm1 =	vmor vm4, vm1;
	vm2 =	vmand vm3, vm2  }
0x463: {  	vm2 =	vmor vm15, vm2;
	v10 =	vsel vm1, $0x1, v2  }
0x464: {  	v14 =	vsel vm2, $0x1, v2;
	(xrf0) =	vadd.scan.msk.s32 $0xffff, v10  }
0x465: {  	(xrf0) =	vadd.scan.msk.s32 $0xffff, v14;
	_ =	sdelay $0x4  }
0x466: {  	v10, _, _ =	vpop (xrf0)  }
0x467: {  	(v2sf) =	vpush v10, $0xF;
	v10, _, _ =	vpop (xrf0)  }
0x468: {  	v62 =	vnsel vm0, $0x80000010, v3;
	(v2sf) =	vpush v10, $0xF  }
0x469: {  	(xrf0) =	vmin.scan.msk.u32 $0xffff, v62;
	_ =	sdelay $0x5  }
0x46a: {  	v10, _, _ =	vpop (xrf0)  }
0x46b: {  	(v2sf) =	vpush v10, $0xF;
	_ =	sdelay $0x5  }
0x46c: {  	s9 =	spop (v2sf)  }
0x46d: {  	s31 =	spop (v2sf)  }
0x46e: {  	s9 =	sadd.s32 s9, s31  }
0x46f: {  	v10 =	vmov s9  }
0x470: {  	vm1 =	vlt.s32 v10, v4  }
0x471: {  	vm2 =	vlt.s32 v10, v5;
	v63 =	vsel vm1, v4, v0  }
0x472: {  	v15 =	vsel vm2, v5, v6  }
0x473: {  	s0 =	sadd.s32 $0xFFFFFFFF, s0  }
0x474: {  	p1 =	sgt.u32 s0, $0x1  }
.Ltmp44:
0x475: {  	s31 =	spop (v2sf);
	(pc) =	sbr.rel @!p1 .LBB2_54-.Ltmp44, $4  }
0x476: {  	s12 =	sxor.u32 $0x80000000, s31;
	[tilespmem:v63+s22+$0x0] =	vst.idx.msk $0xffff, v9  }
0x477: {  	v9 =	vmov s12;
	[tilespmem:v15+s22+$0x0] =	vst.idx.msk $0xffff, v11  }
0x478: {  	vm1 =	veq.s32 v9, v0;
	vm2 =	vne.s32 v9, v0;
	[tilespmem:v63+s15+$0x0] =	vst.idx.msk $0xffff, v12  }
0x479: {  	p0 =	por $0x1, $0x1;
	v9 =	vmov s8;
	v11 =	vnsel vm1, $0xFF800000, v7;
	vm0 =	vmand vm0, vm2;
	[tilespmem:v15+s15+$0x0] =	vst.idx.msk $0xffff, v13  }
.LBB2_53:
0x47a: {  	s0 =	sadd.s32 $0xFFFFFFFF, s0;
	(xrf0) =	vmax.scan.msk.f32 $0xffff, v11;
	[tilespmem:v10+s22+$0x0] =	vst.idx.msk $0x1, v8  }
0x47b: {  	p1 =	sgt.u32 s0, $0x1;
	[tilespmem:v10+s15+$0x0] =	vst.idx.msk $0x1, v9  }
0x47c: {  	v11 =	vld [tilespmem:$0x4800]  }
0x47d: {  	v12 =	vld [tilespmem:$0x4810]  }
0x47e: {  	v13 =	vld [tilespmem:$0x4830]  }
0x47f: {  	v14 =	vld [tilespmem:$0x4840]  }
0x480: {  	v8, _, _ =	vpop (xrf0)  }
0x481: {  	v8 =	vbroadcast v8, $0xF  }
0x482: {  	s8 =	sadd.s32 s2, s12  }
0x483: {  	vm1 =	veq.f32 v11, v8;
	vm2 =	vlt.s32 v13, s8;
	vm3 =	veq.f32 v12, v8  }
0x484: {  	vm4 =	vlt.f32 v11, v8;
	vm1 =	vmand vm1, vm2;
	vm2 =	vlt.s32 v14, s8  }
0x485: {  	vm1 =	vmor vm4, vm1;
	vm4 =	vlt.f32 v12, v8;
	vm2 =	vmand vm3, vm2  }
0x486: {  	v9 =	vmov s8;
	vm2 =	vmor vm4, vm2;
	v10 =	vsel vm1, $0x1, v2  }
0x487: {  	v15 =	vsel vm2, $0x1, v2;
	(xrf0) =	vadd.scan.msk.s32 $0xffff, v10  }
0x488: {  	(xrf0) =	vadd.scan.msk.s32 $0xffff, v15;
	_ =	sdelay $0x4  }
0x489: {  	v10, _, _ =	vpop (xrf0)  }
0x48a: {  	(v2sf) =	vpush v10, $0xF;
	v10, _, _ =	vpop (xrf0)  }
0x48b: {  	v15 =	vnsel vm0, $0x80000010, v3;
	(v2sf) =	vpush v10, $0xF  }
0x48c: {  	(xrf0) =	vmin.scan.msk.u32 $0xffff, v15;
	_ =	sdelay $0x5  }
0x48d: {  	v10, _, _ =	vpop (xrf0)  }
0x48e: {  	(v2sf) =	vpush v10, $0xF;
	_ =	sdelay $0x5  }
0x48f: {  	s8 =	spop (v2sf)  }
0x490: {  	s9 =	spop (v2sf)  }
0x491: {  	s8 =	sadd.s32 s8, s9  }
0x492: {  	v10 =	vmov s8  }
0x493: {  	vm1 =	vlt.s32 v10, v4;
	vm2 =	vlt.s32 v10, v5  }
0x494: {  	v15 =	vsel vm1, v4, v0  }
0x495: {  	v16 =	vsel vm2, v5, v6;
	_ =	sdelay $0x2  }
.Ltmp45:
0x496: {  	s8 =	spop (v2sf);
	(pc) =	sbr.rel @p1 .LBB2_53-.Ltmp45, $4  }
0x497: {  	s12 =	sxor.u32 $0x80000000, s8;
	[tilespmem:v15+s22+$0x0] =	vst.idx.msk $0xffff, v11  }
0x498: {  	v11 =	vmov s12;
	[tilespmem:v16+s22+$0x0] =	vst.idx.msk $0xffff, v12  }
0x499: {  	vm1 =	veq.s32 v11, v0;
	vm2 =	vne.s32 v11, v0;
	[tilespmem:v15+s15+$0x0] =	vst.idx.msk $0xffff, v13  }
0x49a: {  	v11 =	vnsel vm1, $0xFF800000, v7;
	vm0 =	vmand vm0, vm2;
	[tilespmem:v16+s15+$0x0] =	vst.idx.msk $0xffff, v14  }
.LBB2_54:
0x49b: {  	_ =	sdelay $0x3  }
0x49c: {  	(xrf0) =	vmax.scan.msk.f32 $0xffff, v11;
	[tilespmem:v10+s22+$0x0] =	vst.idx.msk @p0 $0x1, v8  }
0x49d: {  	[tilespmem:v10+s15+$0x0] =	vst.idx.msk @p0 $0x1, v9  }
0x49e: {  	v7 =	vld [tilespmem:$0x4800]  }
0x49f: {  	v9 =	vld [tilespmem:$0x4830]  }
0x4a0: {  	v10 =	vld [tilespmem:$0x4840]  }
0x4a1: {  	v8 =	vld [tilespmem:$0x4810]  }
0x4a2: {  	v11, _, _ =	vpop (xrf0)  }
0x4a3: {  	v12 =	vbroadcast v11, $0xF  }
0x4a4: {  	s0 =	sadd.s32 s2, s12  }
0x4a5: {  	vm1 =	vlt.s32 v9, s0;
	vm12 =	vlt.s32 v10, s0;
	vm0 =	veq.f32 v7, v12  }
0x4a6: {  	vm2 =	veq.f32 v8, v12;
	vm3 =	vlt.f32 v7, v12;
	vm0 =	vmand vm0, vm1  }
0x4a7: {  	vm13 =	vlt.f32 v8, v12;
	vm1 =	vmand vm2, vm12;
	vm0 =	vmor vm3, vm0  }
0x4a8: {  	vm1 =	vmor vm13, vm1;
	v13 =	vsel vm0, $0x1, v2  }
0x4a9: {  	v14 =	vsel vm1, $0x1, v2;
	(xrf0) =	vadd.scan.msk.s32 $0xffff, v13  }
0x4aa: {  	(xrf0) =	vadd.scan.msk.s32 $0xffff, v14;
	_ =	sdelay $0x4  }
0x4ab: {  	v13, _, _ =	vpop (xrf0)  }
0x4ac: {  	(v2sf) =	vpush v13, $0xF;
	v61, _, _ =	vpop (xrf0)  }
0x4ad: {  	(v2sf) =	vpush v61, $0xF;
	_ =	sdelay $0x7  }
0x4ae: {  	(v2sf) =	vpush v11, $0xF  }
0x4af: {  	(v2sf) =	vpush v8, $0xE;
	_ =	sdelay $0x1  }
0x4b0: {  	(v2sf) =	vpush v10, $0xE;
	_ =	sdelay $0x2  }
0x4b1: {  	s31 =	spop (v2sf)  }
0x4b2: {  	s8 =	spop (v2sf)  }
0x4b3: {  	s2 =	sadd.s32 s31, s8  }
0x4b4: {  	v11 =	vmov s2  }
0x4b5: {  	vm14 =	vlt.s32 v11, v4  }
0x4b6: {  	vm15 =	vlt.s32 v11, v5;
	v62 =	vsel vm14, v4, v0  }
0x4b7: {  	v63 =	vsel vm15, v5, v6;
	_ =	sdelay $0x2  }
0x4b8: {  	s8 =	spop (v2sf)  }
0x4b9: {  	p0 =	slt.s32 s2, $0x1F;
	s2 =	spop (v2sf);
	[tilespmem:v62+s22+$0x0] =	vst.idx.msk $0xffff, v7  }
0x4ba: {  	s8 =	smov.u32 @p0 s2;
	[tilespmem:v63+s22+$0x0] =	vst.idx.msk $0xffff, v8  }
0x4bb: {  	s2 =	spop (v2sf);
	p1 =	sle.f32 s8, s26;
	[tilespmem:v62+s15+$0x0] =	vst.idx.msk $0xffff, v9  }
0x4bc: {  	v7 =	vmov s0;
	s0 =	smov.u32 @p0 s2;
	[tilespmem:v63+s15+$0x0] =	vst.idx.msk $0xffff, v10  }
0x4bd: {  	s12 =	smin.f32 s8, s26;
	s0 =	simm.s32 @!p1 $0x40000000;
	[tilespmem:v11+s22+$0x0] =	vst.idx.msk $0x1, v12  }
0x4be: {  	v8 =	vmov s12;
	v9 =	vmov s0;
	[tilespmem:v11+s15+$0x0] =	vst.idx.msk $0x1, v7  }
.LBB2_55:
0x4bf: {  	v7 =	vld [tilespmem:s29+$0x2030];
	_ =	sdelay $0x2  }
0x4c0: {  	s2 =	sor.u32 $0x30, s30  }
0x4c1: {  	v10 =	vor.u32 s2, v0  }
0x4c2: {  	vm1 =	vlt.s32 v10, v9;
	vm0 =	veq.f32 v7, v8  }
0x4c3: {  	vm2 =	vlt.f32 v7, v8;
	vm0 =	vmand vm1, vm0  }
0x4c4: {  	vm0 =	vmor vm2, vm0  }
0x4c5: {  	v8 =	vsel vm0, $0x1, v2  }
0x4c6: {  	(xrf0) =	vadd.scan.msk.s32 $0xffff, v8;
	_ =	sdelay $0x5  }
0x4c7: {  	v8, _, _ =	vpop (xrf0)  }
0x4c8: {  	(v2sf) =	vpush v8, $0xF;
	_ =	sdelay $0xe  }
0x4c9: {  	s8 =	spop (v2sf)  }
0x4ca: {  	p0 =	slt.s32 s8, $0x1  }
.Ltmp46:
0x4cb: {  	_ = 	snop;
	(pc) =	sbr.rel @p0 .LBB2_61-.Ltmp46, $1  }
0x4cc: {  	_ =	sdelay $0x3  }
0x4cd: {  	v8 =	vnsel vm0, $0x80000010, v3  }
0x4ce: {  	(xrf0) =	vmin.scan.msk.u32 $0xffff, v8;
	_ =	sdelay $0x5  }
0x4cf: {  	v8, _, _ =	vpop (xrf0)  }
0x4d0: {  	(v2sf) =	vpush v8, $0xF;
	_ =	sdelay $0xe  }
0x4d1: {  	s8 =	sadd.s32 $0x1, s8;
	s0 =	spop (v2sf)  }
0x4d2: {  	s12 =	sxor.u32 $0x80000000, s0;
	s0 =	sadd.s32 $0xFFFFFFFF, s8  }
0x4d3: {  	p1 =	sgt.u32 s0, $0x1  }
.Ltmp47:
0x4d4: {  	_ = 	snop;
	(pc) =	sbr.rel @!p1 .LBB2_57-.Ltmp47, $4  }
0x4d5: {  	_ = 	snop  }
0x4d6: {  	v8 =	vmov s12  }
0x4d7: {  	vm1 =	veq.s32 v8, v0;
	vm2 =	vne.s32 v8, v0  }
0x4d8: {  	p0 =	por $0x0, $0x0;
	v11 =	vnsel vm1, $0xFF800000, v7;
	vm0 =	vmand vm0, vm2  }
0x4d9: {  	(xrf0) =	vmax.scan.msk.f32 $0xffff, v11;
	_ =	sdelay $0x1  }
0x4da: {  	v9 =	vld [tilespmem:$0x4800]  }
0x4db: {  	v11 =	vld [tilespmem:$0x4810]  }
0x4dc: {  	v12 =	vld [tilespmem:$0x4830]  }
0x4dd: {  	v13 =	vld [tilespmem:$0x4840]  }
0x4de: {  	v8, _, _ =	vpop (xrf0)  }
0x4df: {  	v8 =	vbroadcast v8, $0xF  }
0x4e0: {  	s8 =	sadd.s32 s2, s12  }
0x4e1: {  	vm2 =	vlt.s32 v12, s8;
	vm1 =	veq.f32 v9, v8;
	vm3 =	veq.f32 v11, v8  }
0x4e2: {  	vm4 =	vlt.f32 v9, v8;
	vm1 =	vmand vm1, vm2;
	vm2 =	vlt.s32 v13, s8  }
0x4e3: {  	vm15 =	vlt.f32 v11, v8;
	vm1 =	vmor vm4, vm1;
	vm2 =	vmand vm3, vm2  }
0x4e4: {  	vm2 =	vmor vm15, vm2;
	v10 =	vsel vm1, $0x1, v2  }
0x4e5: {  	v14 =	vsel vm2, $0x1, v2;
	(xrf0) =	vadd.scan.msk.s32 $0xffff, v10  }
0x4e6: {  	(xrf0) =	vadd.scan.msk.s32 $0xffff, v14;
	_ =	sdelay $0x4  }
0x4e7: {  	v10, _, _ =	vpop (xrf0)  }
0x4e8: {  	(v2sf) =	vpush v10, $0xF;
	v10, _, _ =	vpop (xrf0)  }
0x4e9: {  	v62 =	vnsel vm0, $0x80000010, v3;
	(v2sf) =	vpush v10, $0xF  }
0x4ea: {  	(xrf0) =	vmin.scan.msk.u32 $0xffff, v62;
	_ =	sdelay $0x5  }
0x4eb: {  	v10, _, _ =	vpop (xrf0)  }
0x4ec: {  	(v2sf) =	vpush v10, $0xF;
	_ =	sdelay $0x5  }
0x4ed: {  	s9 =	spop (v2sf)  }
0x4ee: {  	s30 =	spop (v2sf)  }
0x4ef: {  	s9 =	sadd.s32 s9, s30  }
0x4f0: {  	v10 =	vmov s9  }
0x4f1: {  	vm1 =	vlt.s32 v10, v4  }
0x4f2: {  	vm2 =	vlt.s32 v10, v5;
	v63 =	vsel vm1, v4, v0  }
0x4f3: {  	v15 =	vsel vm2, v5, v6  }
0x4f4: {  	s0 =	sadd.s32 $0xFFFFFFFF, s0  }
0x4f5: {  	p1 =	sgt.u32 s0, $0x1  }
.Ltmp48:
0x4f6: {  	s31 =	spop (v2sf);
	(pc) =	sbr.rel @!p1 .LBB2_60-.Ltmp48, $4  }
0x4f7: {  	s12 =	sxor.u32 $0x80000000, s31;
	[tilespmem:v63+s22+$0x0] =	vst.idx.msk $0xffff, v9  }
0x4f8: {  	v9 =	vmov s12;
	[tilespmem:v15+s22+$0x0] =	vst.idx.msk $0xffff, v11  }
0x4f9: {  	vm1 =	veq.s32 v9, v0;
	vm2 =	vne.s32 v9, v0;
	[tilespmem:v63+s15+$0x0] =	vst.idx.msk $0xffff, v12  }
0x4fa: {  	p0 =	por $0x1, $0x1;
	v9 =	vmov s8;
	v11 =	vnsel vm1, $0xFF800000, v7;
	vm0 =	vmand vm0, vm2;
	[tilespmem:v15+s15+$0x0] =	vst.idx.msk $0xffff, v13  }
.LBB2_59:
0x4fb: {  	s0 =	sadd.s32 $0xFFFFFFFF, s0;
	(xrf0) =	vmax.scan.msk.f32 $0xffff, v11;
	[tilespmem:v10+s22+$0x0] =	vst.idx.msk $0x1, v8  }
0x4fc: {  	p1 =	sgt.u32 s0, $0x1;
	[tilespmem:v10+s15+$0x0] =	vst.idx.msk $0x1, v9  }
0x4fd: {  	v11 =	vld [tilespmem:$0x4800]  }
0x4fe: {  	v12 =	vld [tilespmem:$0x4810]  }
0x4ff: {  	v13 =	vld [tilespmem:$0x4830]  }
0x500: {  	v14 =	vld [tilespmem:$0x4840]  }
0x501: {  	v8, _, _ =	vpop (xrf0)  }
0x502: {  	v8 =	vbroadcast v8, $0xF  }
0x503: {  	s8 =	sadd.s32 s2, s12  }
0x504: {  	vm1 =	veq.f32 v11, v8;
	vm2 =	vlt.s32 v13, s8;
	vm3 =	veq.f32 v12, v8  }
0x505: {  	vm4 =	vlt.f32 v11, v8;
	vm1 =	vmand vm1, vm2;
	vm2 =	vlt.s32 v14, s8  }
0x506: {  	vm1 =	vmor vm4, vm1;
	vm4 =	vlt.f32 v12, v8;
	vm2 =	vmand vm3, vm2  }
0x507: {  	v9 =	vmov s8;
	vm2 =	vmor vm4, vm2;
	v10 =	vsel vm1, $0x1, v2  }
0x508: {  	v15 =	vsel vm2, $0x1, v2;
	(xrf0) =	vadd.scan.msk.s32 $0xffff, v10  }
0x509: {  	(xrf0) =	vadd.scan.msk.s32 $0xffff, v15;
	_ =	sdelay $0x4  }
0x50a: {  	v10, _, _ =	vpop (xrf0)  }
0x50b: {  	(v2sf) =	vpush v10, $0xF;
	v10, _, _ =	vpop (xrf0)  }
0x50c: {  	v15 =	vnsel vm0, $0x80000010, v3;
	(v2sf) =	vpush v10, $0xF  }
0x50d: {  	(xrf0) =	vmin.scan.msk.u32 $0xffff, v15;
	_ =	sdelay $0x5  }
0x50e: {  	v10, _, _ =	vpop (xrf0)  }
0x50f: {  	(v2sf) =	vpush v10, $0xF;
	_ =	sdelay $0x5  }
0x510: {  	s8 =	spop (v2sf)  }
0x511: {  	s9 =	spop (v2sf)  }
0x512: {  	s8 =	sadd.s32 s8, s9  }
0x513: {  	v10 =	vmov s8  }
0x514: {  	vm1 =	vlt.s32 v10, v4;
	vm2 =	vlt.s32 v10, v5  }
0x515: {  	v15 =	vsel vm1, v4, v0  }
0x516: {  	v16 =	vsel vm2, v5, v6;
	_ =	sdelay $0x2  }
.Ltmp49:
0x517: {  	s8 =	spop (v2sf);
	(pc) =	sbr.rel @p1 .LBB2_59-.Ltmp49, $4  }
0x518: {  	s12 =	sxor.u32 $0x80000000, s8;
	[tilespmem:v15+s22+$0x0] =	vst.idx.msk $0xffff, v11  }
0x519: {  	v11 =	vmov s12;
	[tilespmem:v16+s22+$0x0] =	vst.idx.msk $0xffff, v12  }
0x51a: {  	vm1 =	veq.s32 v11, v0;
	vm2 =	vne.s32 v11, v0;
	[tilespmem:v15+s15+$0x0] =	vst.idx.msk $0xffff, v13  }
0x51b: {  	v11 =	vnsel vm1, $0xFF800000, v7;
	vm0 =	vmand vm0, vm2;
	[tilespmem:v16+s15+$0x0] =	vst.idx.msk $0xffff, v14  }
.Ltmp50:
0x51c: {  	_ = 	snop;
	(pc) =	sbr.rel .LBB2_60-.Ltmp50, $1  }
0x51d: {  	_ =	sdelay $0x3  }
.LBB2_39:
.Ltmp51:
0x51e: {  	(pc) =	sbr.rel .LBB2_42-.Ltmp51, $2  }
0x51f: {  	_ =	sdelay $0x2  }
0x520: {  	_ = 	snop  }
.LBB2_45:
.Ltmp52:
0x521: {  	(pc) =	sbr.rel .LBB2_48-.Ltmp52, $2  }
0x522: {  	_ =	sdelay $0x2  }
0x523: {  	_ = 	snop  }
.LBB2_51:
.Ltmp53:
0x524: {  	(pc) =	sbr.rel .LBB2_54-.Ltmp53, $2  }
0x525: {  	_ =	sdelay $0x2  }
0x526: {  	_ = 	snop  }
.LBB2_64:
0x527: {  	_ =	sfence.sel $0x180000  }
0x528: {  	[bflag:$0x0] =	sbarrier.arrive $0xFFFF  }
0x529: {  	_ =	strace $0x9000004A  }
0x52a: {  	s0 =	stileid.u32;
	[bflag:$0x2] =	sbarrier.arrive $0xFFFF  }
0x52b: {  	p0 =	sne.s32 s0, $0x0;
	s0 =	rddreg [dreg:$0x3]  }
0x52c: {  	s0 =	sadd.s32 @!p0 $0x100000, s0  }
0x52d: {  	[sflag:s0] =	ssyncadd.tile.s32 @!p0 $0x1;
	_ =	shalt  }
.Lfunc_end2:
_tile_overlayer_lowered:
.L_overlay_start_2:
0x52e: {  	(tag) =	ssettag $0x2  }
0x52f: {  	s0 =	rddreg [dreg:$0x0];
	s2 =	stileid.u32  }
0x530: {  	s1 =	rddreg [dreg:$0x1];
	p0 =	sne.s32 s2, $0x0  }
0x531: {  	s3 =	rddreg [dreg:$0x2];
	[bflag:$0x3] =	sbarrier.arrive $0xFFFF;
	s2 =	simm.s32 @!p0 $0x1C04  }
0x532: {  	[timem:s3], [sflag:s2] =	dma.local @!p0 [hbm:s0], s1  }
0x533: {  	s0 =	simm.s32 @!p0 $0x4  }
0x534: {  	_ =	swait.ge @!p0 [sflag:s0], s1  }
0x535: {  	s1 =	ssub.s32 @!p0 $0x0, s1;
	[sflag:s0] =	ssyncset.done @!p0 $0x0  }
0x536: {  	[sflag:s0] =	ssyncadd.s32 @!p0 s1  }
0x537: {  	[bflag:$0x3] =	sbarrier.arrive $0xFFFF  }
0x538: {  	_ =	shalt  }

// kernel: sparse-core-data-format-call.cloned.1.call-start
scs
called_computation_lowered:
.L_overlay_start_0:
0x0: {  	s1 =	sld [smem:$0x3FD9]  }
0x1: {  	s2 =	sld [smem:$0x3FFE];
	_ =	sdelay $0x1  }
0x2: {  	s3 =	srdreg.scid  }
0x3: {  	s0 =	sand.u32 $0x1, s3  }
0x4: {  	s17 =	sshll.u32 s0, $0xA;
	s1 =	sadd.s32 s2, s1  }
0x5: {  	s1 =	sadd.s32 s1, s17  }
0x6: {  	[smem:$0x3FC6] =	sst s1  }
0x7: {  	_ = 	snop  }
0x8: {  	(tm) =	ssettm $0x1  }
0x9: {  	s18 =	sld [smem:$0x3FFB];
	_ =	sdelay $0x3  }
0xa: {  	_ =	strace s18  }
0xb: {  	s1 =	sld [smem:$0x3FFC];
	_ =	sdelay $0x3  }
0xc: {  	_ =	strace s1  }
0xd: {  	s1 =	sld [smem:$0x3FFD];
	_ =	sdelay $0x3  }
0xe: {  	_ =	strace s1  }
0xf: {  	_ =	strace $0x8FFFFFFF  }
0x10: {  	s19 =	sld [smem:$0x3FDB];
	_ =	sdelay $0x1  }
0x11: {  	s20 =	simm.s32 $_scs_section_size  }
0x12: {  	s4 =	simm.s32 $_size__tile_overlayer_lowered;
	s5 =	simm.s32 $_tile_overlayer_lowered  }
0x13: {  	s23 =	simm.s32 $0x1BFF;
	s22 =	sshll.u32 s5, $0x1;
	s1 =	sadd.s32 s20, s19  }
0x14: {  	s6 =	simm.s32 $0x0;
	s21 =	sshll.u32 s4, $0x1;
	s4 =	sadd.s32 s22, s1  }
0x15: {  	[timem:s6], [sflag:s23] =	dma.local [hbm:s4], s21  }
0x16: {  	_ =	swait.ge [sflag:s23], s21  }
0x17: {  	s2 =	ssub.s32 $0x0, s21;
	[sflag:s23] =	ssyncset.done $0x0  }
0x18: {  	[sflag:s23] =	ssyncadd.s32 s2;
	_ =	sdelay $0x1  }
0x19: {  	s24 =	simm.s32 $0x1B8B  }
0x1a: {  	_ =	swait.ge [sflag:s24], $0x1  }
0x1b: {  	[sflag:s24] =	ssyncset.done $0x0  }
0x1c: {  	s26 =	simm.s32 $0x1B8E;
	s25 =	sld [smem:$0x3FFE];
	[sflag:s24] =	ssyncadd.s32 $0xFFFFFFFF  }
0x1d: {  	s27 =	simm.s32 $execute0_lowered;
	[smem:$0x3FD2] =	sst s26  }
0x1e: {  	s4 =	sshll.u32 s27, $0x1;
	_ =	strace $0x80000046;
	[dreg:$0x1] =	wrdreg $0xFFFFFFFF  }
0x1f: {  	s28 =	simm.s32 $_size_execute0_lowered;
	s1 =	sadd.s32 s1, s4;
	[dreg:$0x0] =	wrdreg $0x0  }
0x20: {  	s4 =	sshll.u32 s28, $0x1;
	[dreg:$0x2] =	wrdreg s1  }
0x21: {  	[dreg:$0x3] =	wrdreg s4  }
0x22: {  	[dreg:$0x4] =	wrdreg $0xC0  }
0x23: {  	_ =	task [dreg:s6], $0x5FFFF  }
0x24: {  	[dreg:$0x1] =	wrdreg $0xFFFFFFFF  }
0x25: {  	[dreg:$0x0] =	wrdreg $0x60  }
0x26: {  	[dreg:$0x2] =	wrdreg s25  }
0x27: {  	[dreg:$0x3] =	wrdreg $0x9  }
0x28: {  	_ =	task.clear_ibuf [dreg:s6], $0x4FFFF;
	_ =	strace $0x90000046  }
0x29: {  	s29 =	simm.s32 $0x9;
	_ =	strace $0x80000048  }
0x2a: {  	_ =	swait.ge [sflag:s29], $0x1  }
0x2b: {  	[sflag:s29] =	ssyncadd.s32 $0xFFFFFFFF  }
0x2c: {  	_ =	strace $0x90000048  }
0x2d: {  	_ =	sfence  }
0x2e: {  	s30 =	sld [smem:$0x0];
	_ =	sdelay $0x2  }
0x2f: {  	s31 =	sshll.u32 s3, $0xD;
	s3 =	sshrl.u32 s3, $0x2  }
0x30: {  	s2 =	sand.u32 $0x4000, s31;
	s1 =	sadd.s32 s3, s30  }
0x31: {  	s0 =	sor.u32 s2, s0;
	s1 =	sshll.u32 s1, $0x11  }
0x32: {  	s0 =	sor.u32 s1, s0  }
0x33: {  	s0 =	sadd.s32 $0x8F2B, s0  }
0x34: {  	[sflag:s0] =	ssyncadd.remote.s32 $0x1  }
0x35: {  	_ =	sfence.sel $0xFFFF  }
0x36: {  	[dreg:$0x0] =	wrdreg $0xFFFFFFFF;
	(pc) =	sbr.abs _section_cstart, $3  }
0x37: {  	[dreg:$0x1] =	wrdreg $0xFFFFFFFF  }
0x38: {  	_ =	task.clear_ibuf [dreg:s6], $0x2FFFF;
	_ =	strace $0x9FFFFFFF  }
0x39: {  	(tm) =	ssettm $0x7FFFFFFF  }
tec
execute0_lowered:
.L_overlay_start_1:
0x0: {  	(tag) =	ssettag $0x1  }
0x1: {  	s1 =	rddreg [dreg:$0x0]  }
0x2: {  	s0 =	rddreg [dreg:$0x1]  }
0x3: {  	_ =	strace $0x80000047;
	s4 =	srdreg.scid;
	s6 =	simm.s32 $0x2  }
0x4: {  	s11 =	simm.s32 $0x0;
	p0 =	por $0x0, $0x0;
	s7 =	simm.s32 $0x2000  }
.Ltmp0:
0x5: {  	s12 =	simm.s32 $0x0;
	s9 =	simm.s32 $0x0;
	(pc) =	sbr.rel .LBB1_1-.Ltmp0, $4  }
0x6: {  	s2 =	sadd.s32 $0x11200, s1;
	s3 =	sadd.s32 $0x411200, s1;
	s5 =	sshll.u32 s4, $0x4  }
0x7: {  	s1 =	stileid.u32;
	s4 =	simm.s32 $0x1;
	s5 =	sand.u32 $0x10, s5  }
0x8: {  	s8 =	simm.s32 $0x0;
	[sflag:s4] =	ssyncpa.u1 $0x0;
	s5 =	sor.u32 s1, s5  }
0x9: {  	[sflag:s6] =	ssyncpa.u1 $0x0;
	s6 =	simm.s32 $0x800;
	s10 =	smov.u32 s5  }
.LBB1_7:
0xa: {  	s13 =	sadd.s32 $0x10, s9  }
0xb: {  	s11 =	sadd.s32 $0x20, s10;
	s15 =	smov.u32 s10;
	p2 =	sgt.s32 s13, $0x3F  }
0xc: {  	p1 =	slt.u32 s8, $0x2;
	s15 =	smov.u32 @p2 s11  }
0xd: {  	s8 =	sadd.s32 $0x1, s8;
	s13 =	simm.s32 @p2 $0x0;
	p2 =	sgt.s32 s15, $0x1FF  }
0xe: {  	s15 =	smov.u32 @p2 s5;
	p2 =	sne.s32 s8, $0x42  }
.Ltmp1:
0xf: {  	_ = 	snop;
	(pc) =	sbr.rel @!p2 .LBB1_8-.Ltmp1, $4  }
0x10: {  	s14 =	simm.s32 @!p1 $0x2  }
0x11: {  	s12 =	smov.u32 s10;
	_ =	swait.ge @!p1 [sflag:s14], $0x4000  }
0x12: {  	p0 =	por !p0, !p0;
	s11 =	smov.u32 s9;
	[sflag:s14] =	ssyncset.done @!p1 $0x0  }
0x13: {  	s9 =	smov.u32 s13;
	[sflag:s14] =	ssyncadd.s32 @!p1 $0xFFFFC000;
	s10 =	smov.u32 s15  }
.LBB1_1:
0x14: {  	p1 =	sgt.u32 s8, $0x3F  }
0x15: {  	s13 =	sxor.u32 @!p1 $0xFFFFFFFF, s8;
	s14 =	sshll.u32 @!p1 s10, $0xD  }
0x16: {  	s15 =	sshll.u32 @!p1 s9, $0x7;
	s13 =	sshll.u32 @!p1 s13, $0xE;
	s14 =	sadd.s32 @!p1 s2, s14  }
0x17: {  	s13 =	sand.u32 @!p1 $0x4000, s13;
	s14 =	sadd.s32 @!p1 s15, s14;
	s15 =	simm.s32 @!p1 $0x0  }
0x18: {  	[tilespmem:s13], [sflag:$0x1] =	stream.linear.gather @!p1 [hbm4b:s14+s15], $0x4000, $0x38;
	[tilespmem:$0x10000] =	vst v63  }
0x19: {  	p1 =	seq.s32 s8, $0x0  }
0x1a: {  	p2 =	seq.s32 @!p1 s8, $0x41  }
0x1b: {  	p1 =	por p1, p2  }
.Ltmp2:
0x1c: {  	_ = 	snop;
	(pc) =	sbr.rel @p1 .LBB1_7-.Ltmp2, $1  }
0x1d: {  	_ =	sdelay $0x3  }
0x1e: {  	s13 =	simm.s32 $0x1;
	_ =	swait.ge [sflag:s4], $0x4000;
	s16 =	sshll.u32 s8, $0xE  }
0x1f: {  	s13 =	simm.s32 @!p0 $0x0;
	[sflag:s4] =	ssyncset.done $0x0;
	s31 =	sand.u32 $0x4000, s16  }
0x20: {  	s16 =	simm.s32 $0x0;
	s14 =	sshll.u32 s13, $0xE;
	[sflag:s4] =	ssyncadd.s32 $0xFFFFC000  }
0x21: {  	s13 =	sor.u32 $0x8040, s14;
	s15 =	sor.u32 $0x40, s14;
	s14 =	sor.u32 $0x8000, s31  }
.LBB1_3:
0x22: {  	v0 =	vmov s15;
	_ =	sdelay $0x3  }
0x23: {  	s18 =	simm.s32 $0x0  }
0x24: {  	v6 =	vld.idx.msk [tilespmem:v0+s18+$0x30 ss:$0x1], $0xffff  }
0x25: {  	v7 =	vld.idx.msk [tilespmem:v0+s18+$0xFFFFFFC0 ss:$0x1], $0xffff  }
0x26: {  	v5 =	vld.idx.msk [tilespmem:v0+s18+$0xFFFFFFD0 ss:$0x1], $0xffff  }
0x27: {  	v4 =	vld.idx.msk [tilespmem:v0+s18+$0xFFFFFFE0 ss:$0x1], $0xffff  }
0x28: {  	v3 =	vld.idx.msk [tilespmem:v0+s18+$0xFFFFFFF0 ss:$0x1], $0xffff  }
0x29: {  	v1 =	vld.idx.msk [tilespmem:v0+s18+$0x0 ss:$0x1], $0xffff  }
0x2a: {  	v2 =	vld.idx.msk [tilespmem:v0+s18+$0x10 ss:$0x1], $0xffff;
	[tilespmem:s13+$0x30] =	vst v6  }
0x2b: {  	s17 =	simm.s32 $0x80;
	s19 =	simm.s32 $0x400;
	[tilespmem:s13+$0xFFFFFFC0] =	vst v7;
	v6 =	vld.idx.msk [tilespmem:v0+s18+$0x20 ss:$0x1], $0xffff;
	s18 =	smov.u32 s13  }
.LBB1_4:
0x2c: {  	p1 =	sne.s32 s19, $0xE00;
	v7 =	vld.idx.msk [tilespmem:v0+s17+$0x30 ss:$0x1], $0xffff;
	[tilespmem:s18+$0xFFFFFFD0] =	vst v5  }
0x2d: {  	v8 =	vld.idx.msk [tilespmem:v0+s17+$0xFFFFFFC0 ss:$0x1], $0xffff;
	[tilespmem:s18+$0xFFFFFFE0] =	vst v4  }
0x2e: {  	v5 =	vld.idx.msk [tilespmem:v0+s17+$0xFFFFFFD0 ss:$0x1], $0xffff;
	[tilespmem:s18+$0xFFFFFFF0] =	vst v3  }
.Ltmp3:
0x2f: {  	v4 =	vld.idx.msk [tilespmem:v0+s17+$0xFFFFFFE0 ss:$0x1], $0xffff;
	[tilespmem:s18+$0x0] =	vst v1;
	(pc) =	sbr.rel @p1 .LBB1_4-.Ltmp3, $4  }
0x30: {  	v3 =	vld.idx.msk [tilespmem:v0+s17+$0xFFFFFFF0 ss:$0x1], $0xffff;
	[tilespmem:s18+$0x10] =	vst v2  }
0x31: {  	v1 =	vld.idx.msk [tilespmem:v0+s17+$0x0 ss:$0x1], $0xffff;
	[tilespmem:s18+$0x20] =	vst v6;
	s18 =	sadd.s32 $0x800, s18  }
0x32: {  	v2 =	vld.idx.msk [tilespmem:v0+s17+$0x10 ss:$0x1], $0xffff;
	[tilespmem:s18+$0x30] =	vst v7  }
0x33: {  	[tilespmem:s18+$0xFFFFFFC0] =	vst v8;
	v6 =	vld.idx.msk [tilespmem:v0+s17+$0x20 ss:$0x1], $0xffff;
	s17 =	sshra.s32 s19, $0x2;
	s19 =	sadd.s32 $0x200, s19  }
0x34: {  	_ =	sdelay $0x2  }
0x35: {  	[tilespmem:s18+$0xFFFFFFD0] =	vst v5  }
0x36: {  	v56 =	vld.idx.msk [tilespmem:v0+s17+$0x30 ss:$0x1], $0xffff;
	[tilespmem:s18+$0xFFFFFFE0] =	vst v4  }
0x37: {  	v57 =	vld.idx.msk [tilespmem:v0+s17+$0xFFFFFFC0 ss:$0x1], $0xffff;
	[tilespmem:s18+$0xFFFFFFF0] =	vst v3  }
0x38: {  	v58 =	vld.idx.msk [tilespmem:v0+s17+$0xFFFFFFD0 ss:$0x1], $0xffff;
	[tilespmem:s18+$0x0] =	vst v1  }
0x39: {  	v59 =	vld.idx.msk [tilespmem:v0+s17+$0xFFFFFFE0 ss:$0x1], $0xffff;
	[tilespmem:s18+$0x10] =	vst v2  }
0x3a: {  	v60 =	vld.idx.msk [tilespmem:v0+s17+$0xFFFFFFF0 ss:$0x1], $0xffff;
	s31 =	sadd.s32 $0x800, s18;
	[tilespmem:s18+$0x20] =	vst v6  }
0x3b: {  	v61 =	vld.idx.msk [tilespmem:v0+s17+$0x0 ss:$0x1], $0xffff;
	[tilespmem:s31+$0x30] =	vst v56  }
0x3c: {  	v62 =	vld.idx.msk [tilespmem:v0+s17+$0x10 ss:$0x1], $0xffff;
	s16 =	sadd.s32 $0x1, s16;
	[tilespmem:s31+$0xFFFFFFC0] =	vst v57  }
0x3d: {  	v63 =	vld.idx.msk [tilespmem:v0+s17+$0x20 ss:$0x1], $0xffff;
	p1 =	sne.s32 s16, $0x10;
	[tilespmem:s31+$0xFFFFFFD0] =	vst v58  }
.Ltmp4:
0x3e: {  	[tilespmem:s31+$0xFFFFFFE0] =	vst v59;
	(pc) =	sbr.rel @p1 .LBB1_3-.Ltmp4, $4  }
0x3f: {  	[tilespmem:s31+$0xFFFFFFF0] =	vst v60  }
0x40: {  	[tilespmem:s31+$0x0] =	vst v61  }
0x41: {  	[tilespmem:s31+$0x10] =	vst v62  }
0x42: {  	s13 =	sadd.s32 $0x80, s13;
	s15 =	sadd.s32 $0x400, s15;
	[tilespmem:s31+$0x20] =	vst v63  }
.Ltmp5:
0x43: {  	(pc) =	sbr.rel .LBB1_7-.Ltmp5, $4  }
0x44: {  	s12 =	sshll.u32 s12, $0xD;
	s11 =	sshll.u32 s11, $0x4  }
0x45: {  	s11 =	sand.u32 $0x3F0, s11;
	s12 =	sadd.s32 s3, s12  }
0x46: {  	s11 =	sadd.s32 s11, s12  }
0x47: {  	[hbm4b:s11+s6] =	stream.strided.scatter [tilespmem:s14], [sflag:$0x2], $0x4000, s7, s6, $0x38;
	[tilespmem:$0x10000] =	vst v63  }
.LBB1_8:
0x48: {  	_ =	sfence.sel $0x180000  }
0x49: {  	s2 =	simm.s32 $0x1;
	[bflag:$0x0] =	sbarrier.arrive $0xFFFF  }
0x4a: {  	s31 =	simm.s32 $0x2;
	[sflag:s2] =	ssyncpa.u1 $0x1  }
0x4b: {  	[sflag:s31] =	ssyncpa.u1 $0x1  }
0x4c: {  	p0 =	sne.s32 s1, $0x0;
	_ =	strace $0x90000047  }
0x4d: {  	s0 =	sadd.s32 @!p0 $0x100000, s0;
	[bflag:$0x2] =	sbarrier.arrive $0xFFFF  }
0x4e: {  	[sflag:s0] =	ssyncadd.tile.s32 @!p0 $0x1;
	_ =	shalt  }
.Lfunc_end1:
_tile_overlayer_lowered:
.L_overlay_start_2:
0x4f: {  	(tag) =	ssettag $0x2  }
0x50: {  	s0 =	rddreg [dreg:$0x0];
	s2 =	stileid.u32  }
0x51: {  	s1 =	rddreg [dreg:$0x1];
	p0 =	sne.s32 s2, $0x0  }
0x52: {  	s3 =	rddreg [dreg:$0x2];
	[bflag:$0x3] =	sbarrier.arrive $0xFFFF;
	s2 =	simm.s32 @!p0 $0x1C01  }
0x53: {  	[timem:s3], [sflag:s2] =	dma.local @!p0 [hbm:s0], s1  }
0x54: {  	s0 =	simm.s32 @!p0 $0x1  }
0x55: {  	_ =	swait.ge @!p0 [sflag:s0], s1  }
0x56: {  	s1 =	ssub.s32 @!p0 $0x0, s1;
	[sflag:s0] =	ssyncset.done @!p0 $0x0  }
0x57: {  	[sflag:s0] =	ssyncadd.s32 @!p0 s1  }
0x58: {  	[bflag:$0x3] =	sbarrier.arrive $0xFFFF  }
0x59: {  	_ =	shalt  }

</sc_bundles>
